<compile_context>
chip_gen: v7x
topology: tpu7x:2x2x1
jax: 0.10.2.dev20260603
libtpu: 0.0.44.dev20260713+nightly
codegen_flags: <defaults>
</compile_context>

<pallas_src>
import functools

import jax
import jax.numpy as jnp
from jax import lax
from jax.experimental import pallas as pl
from jax.experimental.pallas import tpu as pltpu
from jax.experimental.pallas import tpu_sc as plsc

N_USERS = 5000
N_ITEMS = 5000
N = N_USERS + N_ITEMS
D = 256
E = 160000
NUM_LAYERS = 3

NC = 2
NS = 16
LANES = 16
HCOL = D // NC

NP_ = 10112
ROWS_PER_TILE = NP_ // NS
E_PER_TILE = E // NS
CHUNK = 80
N_CHUNKS = E_PER_TILE // CHUNK


def _spmm_body(x_hbm, src_hbm, dst_hbm, w_hbm, z_hbm, y_hbm,
               acc, rows0, rows1, src_i0, src_i1, gsrc0, gsrc1,
               dst_i0, dst_i1, w_v0, w_v1, sem0, sem1, sem_s0, sem_s1):
    c = lax.axis_index("c")
    s = lax.axis_index("s")
    rows = (rows0, rows1)
    src_i = (src_i0, src_i1)
    gsrc = (gsrc0, gsrc1)
    dst_i = (dst_i0, dst_i1)
    w_v = (w_v0, w_v1)
    sem = (sem0, sem1)

    r0 = pl.multiple_of(s * ROWS_PER_TILE, 8)
    pltpu.sync_copy(z_hbm.at[pl.ds(r0, ROWS_PER_TILE)],
                    acc.at[pl.ds(r0, ROWS_PER_TILE)])
    plsc.subcore_barrier()

    e_base = s * E_PER_TILE

    def prep(k, b):
        e0 = pl.multiple_of(e_base + k * CHUNK, 8)
        pltpu.sync_copy(src_hbm.at[pl.ds(e0, CHUNK)], src_i[b])
        pltpu.sync_copy(dst_hbm.at[pl.ds(e0, CHUNK)], dst_i[b])
        pltpu.sync_copy(w_hbm.at[pl.ds(e0, CHUNK)], w_v[b])
        for g in range(CHUNK // LANES):
            sv = src_i[b][pl.ds(g * LANES, LANES)]
            gsrc[b][pl.ds(g * LANES, LANES)] = sv + c * NP_
        return pltpu.async_copy(x_hbm.at[gsrc[b]], rows[b], sem[b])

    def scale(b):
        def scale_edge(i, carry2):
            es = [4 * i, 4 * i + 1, 4 * i + 2, 4 * i + 3]
            bws = [plsc.load_gather(w_v[b], [jnp.full((LANES,), e, jnp.int32)])
                   for e in es]
            for e, bw in zip(es, bws):
                for j in range(HCOL // LANES):
                    rows[b][e, pl.ds(j * LANES, LANES)] = (
                        rows[b][e, pl.ds(j * LANES, LANES)] * bw)
            return carry2

        lax.fori_loop(0, CHUNK // 4, scale_edge, 0)

    def wait_g(b):
        pltpu.make_async_copy(x_hbm.at[gsrc[b]], rows[b], sem[b]).wait()

    prep(0, 0)

    def pair_body(p, carry):
        k = 2 * p
        prep(k + 1, 1)
        wait_g(0)
        scale(0)
        h0 = pltpu.async_copy(rows[0], acc.at[dst_i[0]], sem_s0, add=True)
        wait_g(1)
        scale(1)
        h1 = pltpu.async_copy(rows[1], acc.at[dst_i[1]], sem_s1, add=True)
        h0.wait()
        prep(k + 2, 0)
        h1.wait()
        return carry

    lax.fori_loop(0, (N_CHUNKS - 1) // 2, pair_body, 0)
    wait_g(0)
    scale(0)
    pltpu.sync_copy(rows[0], acc.at[dst_i[0]], add=True)
    plsc.subcore_barrier()

    y0 = pl.multiple_of(c * NP_ + s * ROWS_PER_TILE, 8)
    pltpu.sync_copy(acc.at[pl.ds(r0, ROWS_PER_TILE)],
                    y_hbm.at[pl.ds(y0, ROWS_PER_TILE)])


_spmm_call = functools.partial(
    pl.kernel,
    out_type=jax.ShapeDtypeStruct((NC * NP_, HCOL), jnp.float32),
    mesh=plsc.VectorSubcoreMesh(core_axis_name="c", subcore_axis_name="s"),
    compiler_params=pltpu.CompilerParams(needs_layout_passes=False),
    scratch_types=[
        pltpu.VMEM_SHARED((NP_, HCOL), jnp.float32),
        pltpu.VMEM((CHUNK, HCOL), jnp.float32),
        pltpu.VMEM((CHUNK, HCOL), jnp.float32),
        pltpu.VMEM((CHUNK,), jnp.int32),
        pltpu.VMEM((CHUNK,), jnp.int32),
        pltpu.VMEM((CHUNK,), jnp.int32),
        pltpu.VMEM((CHUNK,), jnp.int32),
        pltpu.VMEM((CHUNK,), jnp.int32),
        pltpu.VMEM((CHUNK,), jnp.int32),
        pltpu.VMEM((CHUNK,), jnp.float32),
        pltpu.VMEM((CHUNK,), jnp.float32),
        pltpu.SemaphoreType.DMA,
        pltpu.SemaphoreType.DMA,
        pltpu.SemaphoreType.DMA,
        pltpu.SemaphoreType.DMA,
    ],
)(_spmm_body)


def _to_half(x):
    pad = NP_ - N
    return jnp.concatenate(
        [jnp.pad(x[:, :HCOL], ((0, pad), (0, 0))),
         jnp.pad(x[:, HCOL:], ((0, pad), (0, 0)))], axis=0)


def _from_half(h):
    return jnp.concatenate([h[:N], h[NP_:NP_ + N]], axis=1)


LAMBDAS = [float(l + 1) / (NUM_LAYERS + 1) for l in range(NUM_LAYERS + 1)]
BIN_BLOCK = 1000


def _binarize_body(x0, x1, x2, x3, o):
    for i, (xr, lam) in enumerate(zip((x0, x1, x2, x3), LAMBDAS)):
        v = xr[...]
        m = jnp.mean(jnp.abs(v), axis=1, keepdims=True)
        o[:, i, :] = jnp.sign(v) * (m * lam)


def _binarize4(xs):
    in_spec = pl.BlockSpec((BIN_BLOCK, D), lambda i: (i, 0))
    return pl.pallas_call(
        _binarize_body,
        grid=(N // BIN_BLOCK,),
        in_specs=[in_spec] * 4,
        out_specs=pl.BlockSpec((BIN_BLOCK, NUM_LAYERS + 1, D),
                               lambda i: (i, 0, 0)),
        out_shape=jax.ShapeDtypeStruct((N, NUM_LAYERS + 1, D), jnp.float32),
    )(*xs)


def kernel(user_embed, item_embed, edge_index, edge_weight):
    con = jnp.concatenate([user_embed, item_embed], axis=0)
    src = edge_index[0]
    dst = edge_index[1]
    zeros = jnp.zeros((NP_, HCOL), jnp.float32)
    xs = [con]
    h = _to_half(con)
    for _ in range(NUM_LAYERS):
        h = _spmm_call(h, src, dst, edge_weight, zeros)
        xs.append(_from_half(h))
    return _binarize4(xs)

# --- scband reference (transcript-rebuilt; emitter-appended) ---
"""Pipeline reference for scband-bi-gea-r-51384988729691 (READ-ONLY COPY).

The authoritative reference and input builder live on the scoring server;
editing this copy changes nothing except your own understanding.
"""

import jax, jax.numpy as jnp
import numpy as np
import math

NUM_USERS = 5000
NUM_ITEMS = 5000
N_NODES = NUM_USERS + NUM_ITEMS
DIM = 256
NUM_LAYERS = 3
N_EDGES = 160000
NORM_A = 1.0


def binarize(x):
    # Normal_Ddelta.forward: sign(x) scaled by per-row mean absolute value
    n = x.shape[1]
    m = jnp.sum(jnp.abs(x), axis=1, keepdims=True) / n
    return jnp.sign(x) * m


def spmm(edge_index, edge_weight, x):
    # torch.sparse.mm(Graph, x) with Graph in COO (row=dst convention: out[dst] += w * x[src])
    src = edge_index[0]
    dst = edge_index[1]
    msg = jnp.take(x, src, axis=0) * edge_weight[:, None]
    return jax.ops.segment_sum(msg, dst, num_segments=N_NODES)


def setup_inputs(seed: int = 0) -> dict:
    key = jax.random.key(seed)
    k1, k2, k3, k4 = jax.random.split(key, 4)
    user_embed = jax.random.normal(k1, (NUM_USERS, DIM), dtype=jnp.float32) * 0.1
    item_embed = jax.random.normal(k2, (NUM_ITEMS, DIM), dtype=jnp.float32) * 0.1
    edge_index = jax.random.randint(k3, (2, N_EDGES), 0, N_NODES, dtype=jnp.int32)
    edge_weight = jax.random.uniform(k4, (N_EDGES,), dtype=jnp.float32)
    return {"user_embed": user_embed, "item_embed": item_embed,
            "edge_index": edge_index, "edge_weight": edge_weight}


def reference(user_embed, item_embed, edge_index, edge_weight):
    # BiGeaR.aggregate_embed_std: LightGCN-style propagation with per-layer binary quantization
    lambdas = [float(l + 1) / (NUM_LAYERS + 1) for l in range(NUM_LAYERS + 1)]
    con = jnp.concatenate([user_embed, item_embed], axis=0)
    bin_list = [binarize(con) * lambdas[0]]
    for layer in range(NUM_LAYERS):
        con = spmm(edge_index, edge_weight, con)
        bin_list.append(binarize(con) * lambdas[layer + 1])
    bin_quant = jnp.stack(bin_list, axis=1)  # [N_NODES, NUM_LAYERS+1, DIM]
    return bin_quant

if __name__ == "__main__":
    import jax
    _d = setup_inputs()
    print(jax.jit(kernel)(*tuple(_d.values())))

</pallas_src>

<mosaic_0001>
#map = affine_map<(d0, d1) -> (0, 0)>
#map1 = affine_map<(d0, d1) -> (0)>
module attributes {stable_mosaic.version = 14 : i64} {
  func.func @_spmm_body(%arg0: i32, %arg1: i32, %arg2: memref<20224x128xf32, #tpu.memory_space<hbm>>, %arg3: memref<160000xi32, #tpu.memory_space<hbm>>, %arg4: memref<160000xi32, #tpu.memory_space<hbm>>, %arg5: memref<160000xf32, #tpu.memory_space<hbm>>, %arg6: memref<10112x128xf32, #tpu.memory_space<hbm>>, %arg7: memref<20224x128xf32, #tpu.memory_space<hbm>>, %arg8: memref<10112x128xf32, #tpu.memory_space<vmem_shared>>, %arg9: memref<80x128xf32, #tpu.memory_space<vmem>>, %arg10: memref<80x128xf32, #tpu.memory_space<vmem>>, %arg11: memref<80xi32, #tpu.memory_space<vmem>>, %arg12: memref<80xi32, #tpu.memory_space<vmem>>, %arg13: memref<80xi32, #tpu.memory_space<vmem>>, %arg14: memref<80xi32, #tpu.memory_space<vmem>>, %arg15: memref<80xi32, #tpu.memory_space<vmem>>, %arg16: memref<80xi32, #tpu.memory_space<vmem>>, %arg17: memref<80xf32, #tpu.memory_space<vmem>>, %arg18: memref<80xf32, #tpu.memory_space<vmem>>, %arg19: memref<!tpu.dma_semaphore, #tpu.memory_space<semaphore_mem>>, %arg20: memref<!tpu.dma_semaphore, #tpu.memory_space<semaphore_mem>>, %arg21: memref<!tpu.dma_semaphore, #tpu.memory_space<semaphore_mem>>, %arg22: memref<!tpu.dma_semaphore, #tpu.memory_space<semaphore_mem>>) attributes {dimension_semantics = [#tpu.dimension_semantics<core_parallel>, #tpu.dimension_semantics<subcore_parallel>], iteration_bounds = array<i64: 2, 16>, scalar_prefetch = 0 : i64, scratch_operands = 15 : i64, tpu.core_type = #tpu.core_type<sc_vector_subcore>, window_params = [{transform_indices = #map}, {transform_indices = #map1}, {transform_indices = #map1}, {transform_indices = #map1}, {transform_indices = #map}, {transform_indices = #map}]} {
    %mul3A = arith.constant 632 : i32
    %mul3A_0 = arith.muli %arg1, %mul3A : i32
    %multiple_of3A = tpu.assume_multiple %mul3A_0, 8 : i32
    "tpu.region"() ({
      %run_scoped3A = tpu.sem_alloc : memref<!tpu.dma_semaphore, #tpu.memory_space<semaphore_mem>>
      %dma_start3A_65 = arith.constant 0 : i32
      %dma_start3A_66 = tpu.memref_slice %arg8[%multiple_of3A, %dma_start3A_65] : memref<10112x128xf32, #tpu.memory_space<vmem_shared>> -> memref<632x128xf32, #tpu.memory_space<vmem_shared>>
      %dma_start3A_67 = arith.constant 0 : i32
      %dma_start3A_68 = tpu.memref_slice %arg6[%multiple_of3A, %dma_start3A_67] : memref<10112x128xf32, #tpu.memory_space<hbm>> -> memref<632x128xf32, #tpu.memory_space<hbm>>
      tpu.enqueue_dma source(%dma_start3A_68 : memref<632x128xf32, #tpu.memory_space<hbm>>) target(%dma_start3A_66 : memref<632x128xf32, #tpu.memory_space<vmem_shared>>) target_semaphore(%run_scoped3A : memref<!tpu.dma_semaphore, #tpu.memory_space<semaphore_mem>>)
      %dma_wait3A_69 = arith.constant 0 : i32
      %dma_wait3A_70 = tpu.memref_slice %arg8[%multiple_of3A, %dma_wait3A_69] : memref<10112x128xf32, #tpu.memory_space<vmem_shared>> -> memref<632x128xf32, #tpu.memory_space<vmem_shared>>
      %dma_wait3A_71 = arith.constant 0 : i32
      %dma_wait3A_72 = tpu.memref_slice %arg6[%multiple_of3A, %dma_wait3A_71] : memref<10112x128xf32, #tpu.memory_space<hbm>> -> memref<632x128xf32, #tpu.memory_space<hbm>>
      tpu.wait_dma2 semaphore(%run_scoped3A : memref<!tpu.dma_semaphore, #tpu.memory_space<semaphore_mem>>) src(%dma_wait3A_72 : memref<632x128xf32, #tpu.memory_space<hbm>>) dst(%dma_wait3A_70 : memref<632x128xf32, #tpu.memory_space<vmem_shared>>)
      tpu.yield
    }) : () -> ()
    %barrier3A = arith.constant 0 : index
    tpu.barrier barrier_id(%barrier3A)
    %mul3A_1 = arith.constant 10000 : i32
    %mul3A_2 = arith.muli %arg1, %mul3A_1 : i32
    %add3A = arith.constant 0 : i32
    %add3A_3 = arith.addi %mul3A_2, %add3A : i32
    %multiple_of3A_4 = tpu.assume_multiple %add3A_3, 8 : i32
    "tpu.region"() ({
      %run_scoped3A = tpu.sem_alloc : memref<!tpu.dma_semaphore, #tpu.memory_space<semaphore_mem>>
      %dma_start3A_65 = tpu.memref_slice %arg3[%multiple_of3A_4] : memref<160000xi32, #tpu.memory_space<hbm>> -> memref<80xi32, #tpu.memory_space<hbm>>
      %dma_start3A_66 = tpu.memref_slice %arg3[%multiple_of3A_4] : memref<160000xi32, #tpu.memory_space<hbm>> -> memref<80xi32, #tpu.memory_space<hbm>>
      tpu.enqueue_dma source(%dma_start3A_66 : memref<80xi32, #tpu.memory_space<hbm>>) target(%arg11 : memref<80xi32, #tpu.memory_space<vmem>>) target_semaphore(%run_scoped3A : memref<!tpu.dma_semaphore, #tpu.memory_space<semaphore_mem>>)
      %dma_wait3A_67 = tpu.memref_slice %arg3[%multiple_of3A_4] : memref<160000xi32, #tpu.memory_space<hbm>> -> memref<80xi32, #tpu.memory_space<hbm>>
      %dma_wait3A_68 = tpu.memref_slice %arg3[%multiple_of3A_4] : memref<160000xi32, #tpu.memory_space<hbm>> -> memref<80xi32, #tpu.memory_space<hbm>>
      tpu.wait_dma2 semaphore(%run_scoped3A : memref<!tpu.dma_semaphore, #tpu.memory_space<semaphore_mem>>) src(%dma_wait3A_68 : memref<80xi32, #tpu.memory_space<hbm>>) dst(%arg11 : memref<80xi32, #tpu.memory_space<vmem>>)
      tpu.yield
    }) : () -> ()
    "tpu.region"() ({
      %run_scoped3A = tpu.sem_alloc : memref<!tpu.dma_semaphore, #tpu.memory_space<semaphore_mem>>
      %dma_start3A_65 = tpu.memref_slice %arg4[%multiple_of3A_4] : memref<160000xi32, #tpu.memory_space<hbm>> -> memref<80xi32, #tpu.memory_space<hbm>>
      %dma_start3A_66 = tpu.memref_slice %arg4[%multiple_of3A_4] : memref<160000xi32, #tpu.memory_space<hbm>> -> memref<80xi32, #tpu.memory_space<hbm>>
      tpu.enqueue_dma source(%dma_start3A_66 : memref<80xi32, #tpu.memory_space<hbm>>) target(%arg15 : memref<80xi32, #tpu.memory_space<vmem>>) target_semaphore(%run_scoped3A : memref<!tpu.dma_semaphore, #tpu.memory_space<semaphore_mem>>)
      %dma_wait3A_67 = tpu.memref_slice %arg4[%multiple_of3A_4] : memref<160000xi32, #tpu.memory_space<hbm>> -> memref<80xi32, #tpu.memory_space<hbm>>
      %dma_wait3A_68 = tpu.memref_slice %arg4[%multiple_of3A_4] : memref<160000xi32, #tpu.memory_space<hbm>> -> memref<80xi32, #tpu.memory_space<hbm>>
      tpu.wait_dma2 semaphore(%run_scoped3A : memref<!tpu.dma_semaphore, #tpu.memory_space<semaphore_mem>>) src(%dma_wait3A_68 : memref<80xi32, #tpu.memory_space<hbm>>) dst(%arg15 : memref<80xi32, #tpu.memory_space<vmem>>)
      tpu.yield
    }) : () -> ()
    "tpu.region"() ({
      %run_scoped3A = tpu.sem_alloc : memref<!tpu.dma_semaphore, #tpu.memory_space<semaphore_mem>>
      %dma_start3A_65 = tpu.memref_slice %arg5[%multiple_of3A_4] : memref<160000xf32, #tpu.memory_space<hbm>> -> memref<80xf32, #tpu.memory_space<hbm>>
      %dma_start3A_66 = tpu.memref_slice %arg5[%multiple_of3A_4] : memref<160000xf32, #tpu.memory_space<hbm>> -> memref<80xf32, #tpu.memory_space<hbm>>
      tpu.enqueue_dma source(%dma_start3A_66 : memref<80xf32, #tpu.memory_space<hbm>>) target(%arg17 : memref<80xf32, #tpu.memory_space<vmem>>) target_semaphore(%run_scoped3A : memref<!tpu.dma_semaphore, #tpu.memory_space<semaphore_mem>>)
      %dma_wait3A_67 = tpu.memref_slice %arg5[%multiple_of3A_4] : memref<160000xf32, #tpu.memory_space<hbm>> -> memref<80xf32, #tpu.memory_space<hbm>>
      %dma_wait3A_68 = tpu.memref_slice %arg5[%multiple_of3A_4] : memref<160000xf32, #tpu.memory_space<hbm>> -> memref<80xf32, #tpu.memory_space<hbm>>
      tpu.wait_dma2 semaphore(%run_scoped3A : memref<!tpu.dma_semaphore, #tpu.memory_space<semaphore_mem>>) src(%dma_wait3A_68 : memref<80xf32, #tpu.memory_space<hbm>>) dst(%arg17 : memref<80xf32, #tpu.memory_space<vmem>>)
      tpu.yield
    }) : () -> ()
    %get3A = arith.constant 0 : index
    %get3A_5 = tpu.vector_load %arg11[%get3A] {strides = array<i32>} : memref<80xi32, #tpu.memory_space<vmem>>, vector<16xi32>,
    %mul3A_6 = arith.constant 10112 : i32
    %mul3A_7 = arith.muli %arg0, %mul3A_6 : i32
    %add3A_8 = vector.broadcast %mul3A_7 : i32 to vector<16xi32>
    %add3A_9 = arith.addi %get3A_5, %add3A_8 : vector<16xi32>
    %swap3A = arith.constant 0 : index
    %swap3A_10 = tpu.vector_load %arg13[%swap3A] {strides = array<i32>} : memref<80xi32, #tpu.memory_space<vmem>>, vector<16xi32>,
    tpu.vector_store %arg13[%swap3A], %add3A_9 {strides = array<i32>} : memref<80xi32, #tpu.memory_space<vmem>>, vector<16xi32>,
    %get3A_11 = arith.constant 16 : index
    %get3A_12 = tpu.vector_load %arg11[%get3A_11] {strides = array<i32>} : memref<80xi32, #tpu.memory_space<vmem>>, vector<16xi32>,
    %mul3A_13 = arith.constant 10112 : i32
    %mul3A_14 = arith.muli %arg0, %mul3A_13 : i32
    %add3A_15 = vector.broadcast %mul3A_14 : i32 to vector<16xi32>
    %add3A_16 = arith.addi %get3A_12, %add3A_15 : vector<16xi32>
    %swap3A_17 = arith.constant 16 : index
    %swap3A_18 = tpu.vector_load %arg13[%swap3A_17] {strides = array<i32>} : memref<80xi32, #tpu.memory_space<vmem>>, vector<16xi32>,
    tpu.vector_store %arg13[%swap3A_17], %add3A_16 {strides = array<i32>} : memref<80xi32, #tpu.memory_space<vmem>>, vector<16xi32>,
    %get3A_19 = arith.constant 32 : index
    %get3A_20 = tpu.vector_load %arg11[%get3A_19] {strides = array<i32>} : memref<80xi32, #tpu.memory_space<vmem>>, vector<16xi32>,
    %mul3A_21 = arith.constant 10112 : i32
    %mul3A_22 = arith.muli %arg0, %mul3A_21 : i32
    %add3A_23 = vector.broadcast %mul3A_22 : i32 to vector<16xi32>
    %add3A_24 = arith.addi %get3A_20, %add3A_23 : vector<16xi32>
    %swap3A_25 = arith.constant 32 : index
    %swap3A_26 = tpu.vector_load %arg13[%swap3A_25] {strides = array<i32>} : memref<80xi32, #tpu.memory_space<vmem>>, vector<16xi32>,
    tpu.vector_store %arg13[%swap3A_25], %add3A_24 {strides = array<i32>} : memref<80xi32, #tpu.memory_space<vmem>>, vector<16xi32>,
    %get3A_27 = arith.constant 48 : index
    %get3A_28 = tpu.vector_load %arg11[%get3A_27] {strides = array<i32>} : memref<80xi32, #tpu.memory_space<vmem>>, vector<16xi32>,
    %mul3A_29 = arith.constant 10112 : i32
    %mul3A_30 = arith.muli %arg0, %mul3A_29 : i32
    %add3A_31 = vector.broadcast %mul3A_30 : i32 to vector<16xi32>
    %add3A_32 = arith.addi %get3A_28, %add3A_31 : vector<16xi32>
    %swap3A_33 = arith.constant 48 : index
    %swap3A_34 = tpu.vector_load %arg13[%swap3A_33] {strides = array<i32>} : memref<80xi32, #tpu.memory_space<vmem>>, vector<16xi32>,
    tpu.vector_store %arg13[%swap3A_33], %add3A_32 {strides = array<i32>} : memref<80xi32, #tpu.memory_space<vmem>>, vector<16xi32>,
    %get3A_35 = arith.constant 64 : index
    %get3A_36 = tpu.vector_load %arg11[%get3A_35] {strides = array<i32>} : memref<80xi32, #tpu.memory_space<vmem>>, vector<16xi32>,
    %mul3A_37 = arith.constant 10112 : i32
    %mul3A_38 = arith.muli %arg0, %mul3A_37 : i32
    %add3A_39 = vector.broadcast %mul3A_38 : i32 to vector<16xi32>
    %add3A_40 = arith.addi %get3A_36, %add3A_39 : vector<16xi32>
    %swap3A_41 = arith.constant 64 : index
    %swap3A_42 = tpu.vector_load %arg13[%swap3A_41] {strides = array<i32>} : memref<80xi32, #tpu.memory_space<vmem>>, vector<16xi32>,
    tpu.vector_store %arg13[%swap3A_41], %add3A_40 {strides = array<i32>} : memref<80xi32, #tpu.memory_space<vmem>>, vector<16xi32>,
    %dma_start3A = arith.constant 0 : i32
    %dma_start3A_43 = arith.constant 0 : i32
    %dma_start3A_44 = tpu.memref_slice %arg2[%dma_start3A, %dma_start3A_43] : memref<20224x128xf32, #tpu.memory_space<hbm>> -> memref<20224x128xf32, #tpu.memory_space<hbm>>
    tpu.enqueue_indirect_dma source(%dma_start3A_44 : memref<20224x128xf32, #tpu.memory_space<hbm>>) target(%arg9 : memref<80x128xf32, #tpu.memory_space<vmem>>) offsets(%arg13 : memref<80xi32, #tpu.memory_space<vmem>>) semaphore(%arg19 : memref<!tpu.dma_semaphore, #tpu.memory_space<semaphore_mem>>)
    %scan3A = arith.constant 0 : i32
    %scan3A_45 = arith.constant 0 : i32
    %scan3A_46 = arith.constant 62 : i32
    %scan3A_47 = arith.addi %scan3A_45, %scan3A_46 : i32
    %scan3A_48 = arith.constant 1 : i32
    scf.for %scan3A_65 = %scan3A_45 to %scan3A_47 step %scan3A_48  : i32 {
      %mul3A_66 = arith.constant 2 : i32
      %mul3A_67 = arith.muli %mul3A_66, %scan3A_65 : i32
      %add3A_68 = arith.constant 1 : i32
      %add3A_69 = arith.addi %mul3A_67, %add3A_68 : i32
      %mul3A_70 = arith.constant 80 : i32
      %mul3A_71 = arith.muli %add3A_69, %mul3A_70 : i32
      %add3A_72 = arith.addi %mul3A_2, %mul3A_71 : i32
      %multiple_of3A_73 = tpu.assume_multiple %add3A_72, 8 : i32
      "tpu.region"() ({
        %run_scoped3A = tpu.sem_alloc : memref<!tpu.dma_semaphore, #tpu.memory_space<semaphore_mem>>
        %dma_start3A_196 = tpu.memref_slice %arg3[%multiple_of3A_73] : memref<160000xi32, #tpu.memory_space<hbm>> -> memref<80xi32, #tpu.memory_space<hbm>>
        %dma_start3A_197 = tpu.memref_slice %arg3[%multiple_of3A_73] : memref<160000xi32, #tpu.memory_space<hbm>> -> memref<80xi32, #tpu.memory_space<hbm>>
        tpu.enqueue_dma source(%dma_start3A_197 : memref<80xi32, #tpu.memory_space<hbm>>) target(%arg12 : memref<80xi32, #tpu.memory_space<vmem>>) target_semaphore(%run_scoped3A : memref<!tpu.dma_semaphore, #tpu.memory_space<semaphore_mem>>)
        %dma_wait3A_198 = tpu.memref_slice %arg3[%multiple_of3A_73] : memref<160000xi32, #tpu.memory_space<hbm>> -> memref<80xi32, #tpu.memory_space<hbm>>
        %dma_wait3A_199 = tpu.memref_slice %arg3[%multiple_of3A_73] : memref<160000xi32, #tpu.memory_space<hbm>> -> memref<80xi32, #tpu.memory_space<hbm>>
        tpu.wait_dma2 semaphore(%run_scoped3A : memref<!tpu.dma_semaphore, #tpu.memory_space<semaphore_mem>>) src(%dma_wait3A_199 : memref<80xi32, #tpu.memory_space<hbm>>) dst(%arg12 : memref<80xi32, #tpu.memory_space<vmem>>)
        tpu.yield
      }) : () -> ()
      "tpu.region"() ({
        %run_scoped3A = tpu.sem_alloc : memref<!tpu.dma_semaphore, #tpu.memory_space<semaphore_mem>>
        %dma_start3A_196 = tpu.memref_slice %arg4[%multiple_of3A_73] : memref<160000xi32, #tpu.memory_space<hbm>> -> memref<80xi32, #tpu.memory_space<hbm>>
        %dma_start3A_197 = tpu.memref_slice %arg4[%multiple_of3A_73] : memref<160000xi32, #tpu.memory_space<hbm>> -> memref<80xi32, #tpu.memory_space<hbm>>
        tpu.enqueue_dma source(%dma_start3A_197 : memref<80xi32, #tpu.memory_space<hbm>>) target(%arg16 : memref<80xi32, #tpu.memory_space<vmem>>) target_semaphore(%run_scoped3A : memref<!tpu.dma_semaphore, #tpu.memory_space<semaphore_mem>>)
        %dma_wait3A_198 = tpu.memref_slice %arg4[%multiple_of3A_73] : memref<160000xi32, #tpu.memory_space<hbm>> -> memref<80xi32, #tpu.memory_space<hbm>>
        %dma_wait3A_199 = tpu.memref_slice %arg4[%multiple_of3A_73] : memref<160000xi32, #tpu.memory_space<hbm>> -> memref<80xi32, #tpu.memory_space<hbm>>
        tpu.wait_dma2 semaphore(%run_scoped3A : memref<!tpu.dma_semaphore, #tpu.memory_space<semaphore_mem>>) src(%dma_wait3A_199 : memref<80xi32, #tpu.memory_space<hbm>>) dst(%arg16 : memref<80xi32, #tpu.memory_space<vmem>>)
        tpu.yield
      }) : () -> ()
      "tpu.region"() ({
        %run_scoped3A = tpu.sem_alloc : memref<!tpu.dma_semaphore, #tpu.memory_space<semaphore_mem>>
        %dma_start3A_196 = tpu.memref_slice %arg5[%multiple_of3A_73] : memref<160000xf32, #tpu.memory_space<hbm>> -> memref<80xf32, #tpu.memory_space<hbm>>
        %dma_start3A_197 = tpu.memref_slice %arg5[%multiple_of3A_73] : memref<160000xf32, #tpu.memory_space<hbm>> -> memref<80xf32, #tpu.memory_space<hbm>>
        tpu.enqueue_dma source(%dma_start3A_197 : memref<80xf32, #tpu.memory_space<hbm>>) target(%arg18 : memref<80xf32, #tpu.memory_space<vmem>>) target_semaphore(%run_scoped3A : memref<!tpu.dma_semaphore, #tpu.memory_space<semaphore_mem>>)
        %dma_wait3A_198 = tpu.memref_slice %arg5[%multiple_of3A_73] : memref<160000xf32, #tpu.memory_space<hbm>> -> memref<80xf32, #tpu.memory_space<hbm>>
        %dma_wait3A_199 = tpu.memref_slice %arg5[%multiple_of3A_73] : memref<160000xf32, #tpu.memory_space<hbm>> -> memref<80xf32, #tpu.memory_space<hbm>>
        tpu.wait_dma2 semaphore(%run_scoped3A : memref<!tpu.dma_semaphore, #tpu.memory_space<semaphore_mem>>) src(%dma_wait3A_199 : memref<80xf32, #tpu.memory_space<hbm>>) dst(%arg18 : memref<80xf32, #tpu.memory_space<vmem>>)
        tpu.yield
      }) : () -> ()
      %get3A_74 = arith.constant 0 : index
      %get3A_75 = tpu.vector_load %arg12[%get3A_74] {strides = array<i32>} : memref<80xi32, #tpu.memory_space<vmem>>, vector<16xi32>,
      %mul3A_76 = arith.constant 10112 : i32
      %mul3A_77 = arith.muli %arg0, %mul3A_76 : i32
      %add3A_78 = vector.broadcast %mul3A_77 : i32 to vector<16xi32>
      %add3A_79 = arith.addi %get3A_75, %add3A_78 : vector<16xi32>
      %swap3A_80 = arith.constant 0 : index
      %swap3A_81 = tpu.vector_load %arg14[%swap3A_80] {strides = array<i32>} : memref<80xi32, #tpu.memory_space<vmem>>, vector<16xi32>,
      tpu.vector_store %arg14[%swap3A_80], %add3A_79 {strides = array<i32>} : memref<80xi32, #tpu.memory_space<vmem>>, vector<16xi32>,
      %get3A_82 = arith.constant 16 : index
      %get3A_83 = tpu.vector_load %arg12[%get3A_82] {strides = array<i32>} : memref<80xi32, #tpu.memory_space<vmem>>, vector<16xi32>,
      %mul3A_84 = arith.constant 10112 : i32
      %mul3A_85 = arith.muli %arg0, %mul3A_84 : i32
      %add3A_86 = vector.broadcast %mul3A_85 : i32 to vector<16xi32>
      %add3A_87 = arith.addi %get3A_83, %add3A_86 : vector<16xi32>
      %swap3A_88 = arith.constant 16 : index
      %swap3A_89 = tpu.vector_load %arg14[%swap3A_88] {strides = array<i32>} : memref<80xi32, #tpu.memory_space<vmem>>, vector<16xi32>,
      tpu.vector_store %arg14[%swap3A_88], %add3A_87 {strides = array<i32>} : memref<80xi32, #tpu.memory_space<vmem>>, vector<16xi32>,
      %get3A_90 = arith.constant 32 : index
      %get3A_91 = tpu.vector_load %arg12[%get3A_90] {strides = array<i32>} : memref<80xi32, #tpu.memory_space<vmem>>, vector<16xi32>,
      %mul3A_92 = arith.constant 10112 : i32
      %mul3A_93 = arith.muli %arg0, %mul3A_92 : i32
      %add3A_94 = vector.broadcast %mul3A_93 : i32 to vector<16xi32>
      %add3A_95 = arith.addi %get3A_91, %add3A_94 : vector<16xi32>
      %swap3A_96 = arith.constant 32 : index
      %swap3A_97 = tpu.vector_load %arg14[%swap3A_96] {strides = array<i32>} : memref<80xi32, #tpu.memory_space<vmem>>, vector<16xi32>,
      tpu.vector_store %arg14[%swap3A_96], %add3A_95 {strides = array<i32>} : memref<80xi32, #tpu.memory_space<vmem>>, vector<16xi32>,
      %get3A_98 = arith.constant 48 : index
      %get3A_99 = tpu.vector_load %arg12[%get3A_98] {strides = array<i32>} : memref<80xi32, #tpu.memory_space<vmem>>, vector<16xi32>,
      %mul3A_100 = arith.constant 10112 : i32
      %mul3A_101 = arith.muli %arg0, %mul3A_100 : i32
      %add3A_102 = vector.broadcast %mul3A_101 : i32 to vector<16xi32>
      %add3A_103 = arith.addi %get3A_99, %add3A_102 : vector<16xi32>
      %swap3A_104 = arith.constant 48 : index
      %swap3A_105 = tpu.vector_load %arg14[%swap3A_104] {strides = array<i32>} : memref<80xi32, #tpu.memory_space<vmem>>, vector<16xi32>,
      tpu.vector_store %arg14[%swap3A_104], %add3A_103 {strides = array<i32>} : memref<80xi32, #tpu.memory_space<vmem>>, vector<16xi32>,
      %get3A_106 = arith.constant 64 : index
      %get3A_107 = tpu.vector_load %arg12[%get3A_106] {strides = array<i32>} : memref<80xi32, #tpu.memory_space<vmem>>, vector<16xi32>,
      %mul3A_108 = arith.constant 10112 : i32
      %mul3A_109 = arith.muli %arg0, %mul3A_108 : i32
      %add3A_110 = vector.broadcast %mul3A_109 : i32 to vector<16xi32>
      %add3A_111 = arith.addi %get3A_107, %add3A_110 : vector<16xi32>
      %swap3A_112 = arith.constant 64 : index
      %swap3A_113 = tpu.vector_load %arg14[%swap3A_112] {strides = array<i32>} : memref<80xi32, #tpu.memory_space<vmem>>, vector<16xi32>,
      tpu.vector_store %arg14[%swap3A_112], %add3A_111 {strides = array<i32>} : memref<80xi32, #tpu.memory_space<vmem>>, vector<16xi32>,
      %dma_start3A_114 = arith.constant 0 : i32
      %dma_start3A_115 = arith.constant 0 : i32
      %dma_start3A_116 = tpu.memref_slice %arg2[%dma_start3A_114, %dma_start3A_115] : memref<20224x128xf32, #tpu.memory_space<hbm>> -> memref<20224x128xf32, #tpu.memory_space<hbm>>
      tpu.enqueue_indirect_dma source(%dma_start3A_116 : memref<20224x128xf32, #tpu.memory_space<hbm>>) target(%arg10 : memref<80x128xf32, #tpu.memory_space<vmem>>) offsets(%arg14 : memref<80xi32, #tpu.memory_space<vmem>>) semaphore(%arg20 : memref<!tpu.dma_semaphore, #tpu.memory_space<semaphore_mem>>)
      %dma_wait3A_117 = arith.constant 0 : i32
      %dma_wait3A_118 = arith.constant 0 : i32
      %dma_wait3A_119 = tpu.memref_slice %arg2[%dma_wait3A_117, %dma_wait3A_118] : memref<20224x128xf32, #tpu.memory_space<hbm>> -> memref<20224x128xf32, #tpu.memory_space<hbm>>
      tpu.wait_indirect_dma semaphore(%arg19 : memref<!tpu.dma_semaphore, #tpu.memory_space<semaphore_mem>>) src(%dma_wait3A_119 : memref<20224x128xf32, #tpu.memory_space<hbm>>) dst(%arg9 : memref<80x128xf32, #tpu.memory_space<vmem>>)
      %scan3A_120 = arith.constant 0 : i32
      %scan3A_121 = arith.constant 0 : i32
      %scan3A_122 = arith.constant 20 : i32
      %scan3A_123 = arith.addi %scan3A_121, %scan3A_122 : i32
      %scan3A_124 = arith.constant 1 : i32
      scf.for %scan3A_196 = %scan3A_121 to %scan3A_123 step %scan3A_124  : i32 {
        %mul3A_197 = arith.constant 4 : i32
        %mul3A_198 = arith.muli %mul3A_197, %scan3A_196 : i32
        %mul3A_199 = arith.constant 4 : i32
        %mul3A_200 = arith.muli %mul3A_199, %scan3A_196 : i32
        %add3A_201 = arith.constant 1 : i32
        %add3A_202 = arith.addi %mul3A_200, %add3A_201 : i32
        %mul3A_203 = arith.constant 4 : i32
        %mul3A_204 = arith.muli %mul3A_203, %scan3A_196 : i32
        %add3A_205 = arith.constant 2 : i32
        %add3A_206 = arith.addi %mul3A_204, %add3A_205 : i32
        %mul3A_207 = arith.constant 4 : i32
        %mul3A_208 = arith.muli %mul3A_207, %scan3A_196 : i32
        %add3A_209 = arith.constant 3 : i32
        %add3A_210 = arith.addi %mul3A_208, %add3A_209 : i32
        %broadcast_in_dim3A = vector.broadcast %mul3A_198 : i32 to vector<16xi32>
        %gather3A = tpu.vector_load_idx %arg17[%broadcast_in_dim3A] : memref<80xf32, #tpu.memory_space<vmem>>[vector<16xi32>], vector<16xf32>,
        %broadcast_in_dim3A_211 = vector.broadcast %add3A_202 : i32 to vector<16xi32>
        %gather3A_212 = tpu.vector_load_idx %arg17[%broadcast_in_dim3A_211] : memref<80xf32, #tpu.memory_space<vmem>>[vector<16xi32>], vector<16xf32>,
        %broadcast_in_dim3A_213 = vector.broadcast %add3A_206 : i32 to vector<16xi32>
        %gather3A_214 = tpu.vector_load_idx %arg17[%broadcast_in_dim3A_213] : memref<80xf32, #tpu.memory_space<vmem>>[vector<16xi32>], vector<16xf32>,
        %broadcast_in_dim3A_215 = vector.broadcast %add3A_210 : i32 to vector<16xi32>
        %gather3A_216 = tpu.vector_load_idx %arg17[%broadcast_in_dim3A_215] : memref<80xf32, #tpu.memory_space<vmem>>[vector<16xi32>], vector<16xf32>,
        %get3A_217 = arith.index_cast %mul3A_198 : i32 to index
        %get3A_218 = arith.constant 0 : index
        %get3A_219 = tpu.vector_load %arg9[%get3A_217, %get3A_218] {strides = array<i32>} : memref<80x128xf32, #tpu.memory_space<vmem>>, vector<16xf32>,
        %mul3A_220 = arith.mulf %get3A_219, %gather3A : vector<16xf32>
        %swap3A_221 = arith.index_cast %mul3A_198 : i32 to index
        %swap3A_222 = arith.constant 0 : index
        %swap3A_223 = tpu.vector_load %arg9[%swap3A_221, %swap3A_222] {strides = array<i32>} : memref<80x128xf32, #tpu.memory_space<vmem>>, vector<16xf32>,
        tpu.vector_store %arg9[%swap3A_221, %swap3A_222], %mul3A_220 {strides = array<i32>} : memref<80x128xf32, #tpu.memory_space<vmem>>, vector<16xf32>,
        %get3A_224 = arith.index_cast %mul3A_198 : i32 to index
        %get3A_225 = arith.constant 16 : index
        %get3A_226 = tpu.vector_load %arg9[%get3A_224, %get3A_225] {strides = array<i32>} : memref<80x128xf32, #tpu.memory_space<vmem>>, vector<16xf32>,
        %mul3A_227 = arith.mulf %get3A_226, %gather3A : vector<16xf32>
        %swap3A_228 = arith.index_cast %mul3A_198 : i32 to index
        %swap3A_229 = arith.constant 16 : index
        %swap3A_230 = tpu.vector_load %arg9[%swap3A_228, %swap3A_229] {strides = array<i32>} : memref<80x128xf32, #tpu.memory_space<vmem>>, vector<16xf32>,
        tpu.vector_store %arg9[%swap3A_228, %swap3A_229], %mul3A_227 {strides = array<i32>} : memref<80x128xf32, #tpu.memory_space<vmem>>, vector<16xf32>,
        %get3A_231 = arith.index_cast %mul3A_198 : i32 to index
        %get3A_232 = arith.constant 32 : index
        %get3A_233 = tpu.vector_load %arg9[%get3A_231, %get3A_232] {strides = array<i32>} : memref<80x128xf32, #tpu.memory_space<vmem>>, vector<16xf32>,
        %mul3A_234 = arith.mulf %get3A_233, %gather3A : vector<16xf32>
        %swap3A_235 = arith.index_cast %mul3A_198 : i32 to index
        %swap3A_236 = arith.constant 32 : index
        %swap3A_237 = tpu.vector_load %arg9[%swap3A_235, %swap3A_236] {strides = array<i32>} : memref<80x128xf32, #tpu.memory_space<vmem>>, vector<16xf32>,
        tpu.vector_store %arg9[%swap3A_235, %swap3A_236], %mul3A_234 {strides = array<i32>} : memref<80x128xf32, #tpu.memory_space<vmem>>, vector<16xf32>,
        %get3A_238 = arith.index_cast %mul3A_198 : i32 to index
        %get3A_239 = arith.constant 48 : index
        %get3A_240 = tpu.vector_load %arg9[%get3A_238, %get3A_239] {strides = array<i32>} : memref<80x128xf32, #tpu.memory_space<vmem>>, vector<16xf32>,
        %mul3A_241 = arith.mulf %get3A_240, %gather3A : vector<16xf32>
        %swap3A_242 = arith.index_cast %mul3A_198 : i32 to index
        %swap3A_243 = arith.constant 48 : index
        %swap3A_244 = tpu.vector_load %arg9[%swap3A_242, %swap3A_243] {strides = array<i32>} : memref<80x128xf32, #tpu.memory_space<vmem>>, vector<16xf32>,
        tpu.vector_store %arg9[%swap3A_242, %swap3A_243], %mul3A_241 {strides = array<i32>} : memref<80x128xf32, #tpu.memory_space<vmem>>, vector<16xf32>,
        %get3A_245 = arith.index_cast %mul3A_198 : i32 to index
        %get3A_246 = arith.constant 64 : index
        %get3A_247 = tpu.vector_load %arg9[%get3A_245, %get3A_246] {strides = array<i32>} : memref<80x128xf32, #tpu.memory_space<vmem>>, vector<16xf32>,
        %mul3A_248 = arith.mulf %get3A_247, %gather3A : vector<16xf32>
        %swap3A_249 = arith.index_cast %mul3A_198 : i32 to index
        %swap3A_250 = arith.constant 64 : index
        %swap3A_251 = tpu.vector_load %arg9[%swap3A_249, %swap3A_250] {strides = array<i32>} : memref<80x128xf32, #tpu.memory_space<vmem>>, vector<16xf32>,
        tpu.vector_store %arg9[%swap3A_249, %swap3A_250], %mul3A_248 {strides = array<i32>} : memref<80x128xf32, #tpu.memory_space<vmem>>, vector<16xf32>,
        %get3A_252 = arith.index_cast %mul3A_198 : i32 to index
        %get3A_253 = arith.constant 80 : index
        %get3A_254 = tpu.vector_load %arg9[%get3A_252, %get3A_253] {strides = array<i32>} : memref<80x128xf32, #tpu.memory_space<vmem>>, vector<16xf32>,
        %mul3A_255 = arith.mulf %get3A_254, %gather3A : vector<16xf32>
        %swap3A_256 = arith.index_cast %mul3A_198 : i32 to index
        %swap3A_257 = arith.constant 80 : index
        %swap3A_258 = tpu.vector_load %arg9[%swap3A_256, %swap3A_257] {strides = array<i32>} : memref<80x128xf32, #tpu.memory_space<vmem>>, vector<16xf32>,
        tpu.vector_store %arg9[%swap3A_256, %swap3A_257], %mul3A_255 {strides = array<i32>} : memref<80x128xf32, #tpu.memory_space<vmem>>, vector<16xf32>,
        %get3A_259 = arith.index_cast %mul3A_198 : i32 to index
        %get3A_260 = arith.constant 96 : index
        %get3A_261 = tpu.vector_load %arg9[%get3A_259, %get3A_260] {strides = array<i32>} : memref<80x128xf32, #tpu.memory_space<vmem>>, vector<16xf32>,
        %mul3A_262 = arith.mulf %get3A_261, %gather3A : vector<16xf32>
        %swap3A_263 = arith.index_cast %mul3A_198 : i32 to index
        %swap3A_264 = arith.constant 96 : index
        %swap3A_265 = tpu.vector_load %arg9[%swap3A_263, %swap3A_264] {strides = array<i32>} : memref<80x128xf32, #tpu.memory_space<vmem>>, vector<16xf32>,
        tpu.vector_store %arg9[%swap3A_263, %swap3A_264], %mul3A_262 {strides = array<i32>} : memref<80x128xf32, #tpu.memory_space<vmem>>, vector<16xf32>,
        %get3A_266 = arith.index_cast %mul3A_198 : i32 to index
        %get3A_267 = arith.constant 112 : index
        %get3A_268 = tpu.vector_load %arg9[%get3A_266, %get3A_267] {strides = array<i32>} : memref<80x128xf32, #tpu.memory_space<vmem>>, vector<16xf32>,
        %mul3A_269 = arith.mulf %get3A_268, %gather3A : vector<16xf32>
        %swap3A_270 = arith.index_cast %mul3A_198 : i32 to index
        %swap3A_271 = arith.constant 112 : index
        %swap3A_272 = tpu.vector_load %arg9[%swap3A_270, %swap3A_271] {strides = array<i32>} : memref<80x128xf32, #tpu.memory_space<vmem>>, vector<16xf32>,
        tpu.vector_store %arg9[%swap3A_270, %swap3A_271], %mul3A_269 {strides = array<i32>} : memref<80x128xf32, #tpu.memory_space<vmem>>, vector<16xf32>,
        %get3A_273 = arith.index_cast %add3A_202 : i32 to index
        %get3A_274 = arith.constant 0 : index
        %get3A_275 = tpu.vector_load %arg9[%get3A_273, %get3A_274] {strides = array<i32>} : memref<80x128xf32, #tpu.memory_space<vmem>>, vector<16xf32>,
        %mul3A_276 = arith.mulf %get3A_275, %gather3A_212 : vector<16xf32>
        %swap3A_277 = arith.index_cast %add3A_202 : i32 to index
        %swap3A_278 = arith.constant 0 : index
        %swap3A_279 = tpu.vector_load %arg9[%swap3A_277, %swap3A_278] {strides = array<i32>} : memref<80x128xf32, #tpu.memory_space<vmem>>, vector<16xf32>,
        tpu.vector_store %arg9[%swap3A_277, %swap3A_278], %mul3A_276 {strides = array<i32>} : memref<80x128xf32, #tpu.memory_space<vmem>>, vector<16xf32>,
        %get3A_280 = arith.index_cast %add3A_202 : i32 to index
        %get3A_281 = arith.constant 16 : index
        %get3A_282 = tpu.vector_load %arg9[%get3A_280, %get3A_281] {strides = array<i32>} : memref<80x128xf32, #tpu.memory_space<vmem>>, vector<16xf32>,
        %mul3A_283 = arith.mulf %get3A_282, %gather3A_212 : vector<16xf32>
        %swap3A_284 = arith.index_cast %add3A_202 : i32 to index
        %swap3A_285 = arith.constant 16 : index
        %swap3A_286 = tpu.vector_load %arg9[%swap3A_284, %swap3A_285] {strides = array<i32>} : memref<80x128xf32, #tpu.memory_space<vmem>>, vector<16xf32>,
        tpu.vector_store %arg9[%swap3A_284, %swap3A_285], %mul3A_283 {strides = array<i32>} : memref<80x128xf32, #tpu.memory_space<vmem>>, vector<16xf32>,
        %get3A_287 = arith.index_cast %add3A_202 : i32 to index
        %get3A_288 = arith.constant 32 : index
        %get3A_289 = tpu.vector_load %arg9[%get3A_287, %get3A_288] {strides = array<i32>} : memref<80x128xf32, #tpu.memory_space<vmem>>, vector<16xf32>,
        %mul3A_290 = arith.mulf %get3A_289, %gather3A_212 : vector<16xf32>
        %swap3A_291 = arith.index_cast %add3A_202 : i32 to index
        %swap3A_292 = arith.constant 32 : index
        %swap3A_293 = tpu.vector_load %arg9[%swap3A_291, %swap3A_292] {strides = array<i32>} : memref<80x128xf32, #tpu.memory_space<vmem>>, vector<16xf32>,
        tpu.vector_store %arg9[%swap3A_291, %swap3A_292], %mul3A_290 {strides = array<i32>} : memref<80x128xf32, #tpu.memory_space<vmem>>, vector<16xf32>,
        %get3A_294 = arith.index_cast %add3A_202 : i32 to index
        %get3A_295 = arith.constant 48 : index
        %get3A_296 = tpu.vector_load %arg9[%get3A_294, %get3A_295] {strides = array<i32>} : memref<80x128xf32, #tpu.memory_space<vmem>>, vector<16xf32>,
        %mul3A_297 = arith.mulf %get3A_296, %gather3A_212 : vector<16xf32>
        %swap3A_298 = arith.index_cast %add3A_202 : i32 to index
        %swap3A_299 = arith.constant 48 : index
        %swap3A_300 = tpu.vector_load %arg9[%swap3A_298, %swap3A_299] {strides = array<i32>} : memref<80x128xf32, #tpu.memory_space<vmem>>, vector<16xf32>,
        tpu.vector_store %arg9[%swap3A_298, %swap3A_299], %mul3A_297 {strides = array<i32>} : memref<80x128xf32, #tpu.memory_space<vmem>>, vector<16xf32>,
        %get3A_301 = arith.index_cast %add3A_202 : i32 to index
        %get3A_302 = arith.constant 64 : index
        %get3A_303 = tpu.vector_load %arg9[%get3A_301, %get3A_302] {strides = array<i32>} : memref<80x128xf32, #tpu.memory_space<vmem>>, vector<16xf32>,
        %mul3A_304 = arith.mulf %get3A_303, %gather3A_212 : vector<16xf32>
        %swap3A_305 = arith.index_cast %add3A_202 : i32 to index
        %swap3A_306 = arith.constant 64 : index
        %swap3A_307 = tpu.vector_load %arg9[%swap3A_305, %swap3A_306] {strides = array<i32>} : memref<80x128xf32, #tpu.memory_space<vmem>>, vector<16xf32>,
        tpu.vector_store %arg9[%swap3A_305, %swap3A_306], %mul3A_304 {strides = array<i32>} : memref<80x128xf32, #tpu.memory_space<vmem>>, vector<16xf32>,
        %get3A_308 = arith.index_cast %add3A_202 : i32 to index
        %get3A_309 = arith.constant 80 : index
        %get3A_310 = tpu.vector_load %arg9[%get3A_308, %get3A_309] {strides = array<i32>} : memref<80x128xf32, #tpu.memory_space<vmem>>, vector<16xf32>,
        %mul3A_311 = arith.mulf %get3A_310, %gather3A_212 : vector<16xf32>
        %swap3A_312 = arith.index_cast %add3A_202 : i32 to index
        %swap3A_313 = arith.constant 80 : index
        %swap3A_314 = tpu.vector_load %arg9[%swap3A_312, %swap3A_313] {strides = array<i32>} : memref<80x128xf32, #tpu.memory_space<vmem>>, vector<16xf32>,
        tpu.vector_store %arg9[%swap3A_312, %swap3A_313], %mul3A_311 {strides = array<i32>} : memref<80x128xf32, #tpu.memory_space<vmem>>, vector<16xf32>,
        %get3A_315 = arith.index_cast %add3A_202 : i32 to index
        %get3A_316 = arith.constant 96 : index
        %get3A_317 = tpu.vector_load %arg9[%get3A_315, %get3A_316] {strides = array<i32>} : memref<80x128xf32, #tpu.memory_space<vmem>>, vector<16xf32>,
        %mul3A_318 = arith.mulf %get3A_317, %gather3A_212 : vector<16xf32>
        %swap3A_319 = arith.index_cast %add3A_202 : i32 to index
        %swap3A_320 = arith.constant 96 : index
        %swap3A_321 = tpu.vector_load %arg9[%swap3A_319, %swap3A_320] {strides = array<i32>} : memref<80x128xf32, #tpu.memory_space<vmem>>, vector<16xf32>,
        tpu.vector_store %arg9[%swap3A_319, %swap3A_320], %mul3A_318 {strides = array<i32>} : memref<80x128xf32, #tpu.memory_space<vmem>>, vector<16xf32>,
        %get3A_322 = arith.index_cast %add3A_202 : i32 to index
        %get3A_323 = arith.constant 112 : index
        %get3A_324 = tpu.vector_load %arg9[%get3A_322, %get3A_323] {strides = array<i32>} : memref<80x128xf32, #tpu.memory_space<vmem>>, vector<16xf32>,
        %mul3A_325 = arith.mulf %get3A_324, %gather3A_212 : vector<16xf32>
        %swap3A_326 = arith.index_cast %add3A_202 : i32 to index
        %swap3A_327 = arith.constant 112 : index
        %swap3A_328 = tpu.vector_load %arg9[%swap3A_326, %swap3A_327] {strides = array<i32>} : memref<80x128xf32, #tpu.memory_space<vmem>>, vector<16xf32>,
        tpu.vector_store %arg9[%swap3A_326, %swap3A_327], %mul3A_325 {strides = array<i32>} : memref<80x128xf32, #tpu.memory_space<vmem>>, vector<16xf32>,
        %get3A_329 = arith.index_cast %add3A_206 : i32 to index
        %get3A_330 = arith.constant 0 : index
        %get3A_331 = tpu.vector_load %arg9[%get3A_329, %get3A_330] {strides = array<i32>} : memref<80x128xf32, #tpu.memory_space<vmem>>, vector<16xf32>,
        %mul3A_332 = arith.mulf %get3A_331, %gather3A_214 : vector<16xf32>
        %swap3A_333 = arith.index_cast %add3A_206 : i32 to index
        %swap3A_334 = arith.constant 0 : index
        %swap3A_335 = tpu.vector_load %arg9[%swap3A_333, %swap3A_334] {strides = array<i32>} : memref<80x128xf32, #tpu.memory_space<vmem>>, vector<16xf32>,
        tpu.vector_store %arg9[%swap3A_333, %swap3A_334], %mul3A_332 {strides = array<i32>} : memref<80x128xf32, #tpu.memory_space<vmem>>, vector<16xf32>,
        %get3A_336 = arith.index_cast %add3A_206 : i32 to index
        %get3A_337 = arith.constant 16 : index
        %get3A_338 = tpu.vector_load %arg9[%get3A_336, %get3A_337] {strides = array<i32>} : memref<80x128xf32, #tpu.memory_space<vmem>>, vector<16xf32>,
        %mul3A_339 = arith.mulf %get3A_338, %gather3A_214 : vector<16xf32>
        %swap3A_340 = arith.index_cast %add3A_206 : i32 to index
        %swap3A_341 = arith.constant 16 : index
        %swap3A_342 = tpu.vector_load %arg9[%swap3A_340, %swap3A_341] {strides = array<i32>} : memref<80x128xf32, #tpu.memory_space<vmem>>, vector<16xf32>,
        tpu.vector_store %arg9[%swap3A_340, %swap3A_341], %mul3A_339 {strides = array<i32>} : memref<80x128xf32, #tpu.memory_space<vmem>>, vector<16xf32>,
        %get3A_343 = arith.index_cast %add3A_206 : i32 to index
        %get3A_344 = arith.constant 32 : index
        %get3A_345 = tpu.vector_load %arg9[%get3A_343, %get3A_344] {strides = array<i32>} : memref<80x128xf32, #tpu.memory_space<vmem>>, vector<16xf32>,
        %mul3A_346 = arith.mulf %get3A_345, %gather3A_214 : vector<16xf32>
        %swap3A_347 = arith.index_cast %add3A_206 : i32 to index
        %swap3A_348 = arith.constant 32 : index
        %swap3A_349 = tpu.vector_load %arg9[%swap3A_347, %swap3A_348] {strides = array<i32>} : memref<80x128xf32, #tpu.memory_space<vmem>>, vector<16xf32>,
        tpu.vector_store %arg9[%swap3A_347, %swap3A_348], %mul3A_346 {strides = array<i32>} : memref<80x128xf32, #tpu.memory_space<vmem>>, vector<16xf32>,
        %get3A_350 = arith.index_cast %add3A_206 : i32 to index
        %get3A_351 = arith.constant 48 : index
        %get3A_352 = tpu.vector_load %arg9[%get3A_350, %get3A_351] {strides = array<i32>} : memref<80x128xf32, #tpu.memory_space<vmem>>, vector<16xf32>,
        %mul3A_353 = arith.mulf %get3A_352, %gather3A_214 : vector<16xf32>
        %swap3A_354 = arith.index_cast %add3A_206 : i32 to index
        %swap3A_355 = arith.constant 48 : index
        %swap3A_356 = tpu.vector_load %arg9[%swap3A_354, %swap3A_355] {strides = array<i32>} : memref<80x128xf32, #tpu.memory_space<vmem>>, vector<16xf32>,
        tpu.vector_store %arg9[%swap3A_354, %swap3A_355], %mul3A_353 {strides = array<i32>} : memref<80x128xf32, #tpu.memory_space<vmem>>, vector<16xf32>,
        %get3A_357 = arith.index_cast %add3A_206 : i32 to index
        %get3A_358 = arith.constant 64 : index
        %get3A_359 = tpu.vector_load %arg9[%get3A_357, %get3A_358] {strides = array<i32>} : memref<80x128xf32, #tpu.memory_space<vmem>>, vector<16xf32>,
        %mul3A_360 = arith.mulf %get3A_359, %gather3A_214 : vector<16xf32>
        %swap3A_361 = arith.index_cast %add3A_206 : i32 to index
        %swap3A_362 = arith.constant 64 : index
        %swap3A_363 = tpu.vector_load %arg9[%swap3A_361, %swap3A_362] {strides = array<i32>} : memref<80x128xf32, #tpu.memory_space<vmem>>, vector<16xf32>,
        tpu.vector_store %arg9[%swap3A_361, %swap3A_362], %mul3A_360 {strides = array<i32>} : memref<80x128xf32, #tpu.memory_space<vmem>>, vector<16xf32>,
        %get3A_364 = arith.index_cast %add3A_206 : i32 to index
        %get3A_365 = arith.constant 80 : index
        %get3A_366 = tpu.vector_load %arg9[%get3A_364, %get3A_365] {strides = array<i32>} : memref<80x128xf32, #tpu.memory_space<vmem>>, vector<16xf32>,
        %mul3A_367 = arith.mulf %get3A_366, %gather3A_214 : vector<16xf32>
        %swap3A_368 = arith.index_cast %add3A_206 : i32 to index
        %swap3A_369 = arith.constant 80 : index
        %swap3A_370 = tpu.vector_load %arg9[%swap3A_368, %swap3A_369] {strides = array<i32>} : memref<80x128xf32, #tpu.memory_space<vmem>>, vector<16xf32>,
        tpu.vector_store %arg9[%swap3A_368, %swap3A_369], %mul3A_367 {strides = array<i32>} : memref<80x128xf32, #tpu.memory_space<vmem>>, vector<16xf32>,
        %get3A_371 = arith.index_cast %add3A_206 : i32 to index
        %get3A_372 = arith.constant 96 : index
        %get3A_373 = tpu.vector_load %arg9[%get3A_371, %get3A_372] {strides = array<i32>} : memref<80x128xf32, #tpu.memory_space<vmem>>, vector<16xf32>,
        %mul3A_374 = arith.mulf %get3A_373, %gather3A_214 : vector<16xf32>
        %swap3A_375 = arith.index_cast %add3A_206 : i32 to index
        %swap3A_376 = arith.constant 96 : index
        %swap3A_377 = tpu.vector_load %arg9[%swap3A_375, %swap3A_376] {strides = array<i32>} : memref<80x128xf32, #tpu.memory_space<vmem>>, vector<16xf32>,
        tpu.vector_store %arg9[%swap3A_375, %swap3A_376], %mul3A_374 {strides = array<i32>} : memref<80x128xf32, #tpu.memory_space<vmem>>, vector<16xf32>,
        %get3A_378 = arith.index_cast %add3A_206 : i32 to index
        %get3A_379 = arith.constant 112 : index
        %get3A_380 = tpu.vector_load %arg9[%get3A_378, %get3A_379] {strides = array<i32>} : memref<80x128xf32, #tpu.memory_space<vmem>>, vector<16xf32>,
        %mul3A_381 = arith.mulf %get3A_380, %gather3A_214 : vector<16xf32>
        %swap3A_382 = arith.index_cast %add3A_206 : i32 to index
        %swap3A_383 = arith.constant 112 : index
        %swap3A_384 = tpu.vector_load %arg9[%swap3A_382, %swap3A_383] {strides = array<i32>} : memref<80x128xf32, #tpu.memory_space<vmem>>, vector<16xf32>,
        tpu.vector_store %arg9[%swap3A_382, %swap3A_383], %mul3A_381 {strides = array<i32>} : memref<80x128xf32, #tpu.memory_space<vmem>>, vector<16xf32>,
        %get3A_385 = arith.index_cast %add3A_210 : i32 to index
        %get3A_386 = arith.constant 0 : index
        %get3A_387 = tpu.vector_load %arg9[%get3A_385, %get3A_386] {strides = array<i32>} : memref<80x128xf32, #tpu.memory_space<vmem>>, vector<16xf32>,
        %mul3A_388 = arith.mulf %get3A_387, %gather3A_216 : vector<16xf32>
        %swap3A_389 = arith.index_cast %add3A_210 : i32 to index
        %swap3A_390 = arith.constant 0 : index
        %swap3A_391 = tpu.vector_load %arg9[%swap3A_389, %swap3A_390] {strides = array<i32>} : memref<80x128xf32, #tpu.memory_space<vmem>>, vector<16xf32>,
        tpu.vector_store %arg9[%swap3A_389, %swap3A_390], %mul3A_388 {strides = array<i32>} : memref<80x128xf32, #tpu.memory_space<vmem>>, vector<16xf32>,
        %get3A_392 = arith.index_cast %add3A_210 : i32 to index
        %get3A_393 = arith.constant 16 : index
        %get3A_394 = tpu.vector_load %arg9[%get3A_392, %get3A_393] {strides = array<i32>} : memref<80x128xf32, #tpu.memory_space<vmem>>, vector<16xf32>,
        %mul3A_395 = arith.mulf %get3A_394, %gather3A_216 : vector<16xf32>
        %swap3A_396 = arith.index_cast %add3A_210 : i32 to index
        %swap3A_397 = arith.constant 16 : index
        %swap3A_398 = tpu.vector_load %arg9[%swap3A_396, %swap3A_397] {strides = array<i32>} : memref<80x128xf32, #tpu.memory_space<vmem>>, vector<16xf32>,
        tpu.vector_store %arg9[%swap3A_396, %swap3A_397], %mul3A_395 {strides = array<i32>} : memref<80x128xf32, #tpu.memory_space<vmem>>, vector<16xf32>,
        %get3A_399 = arith.index_cast %add3A_210 : i32 to index
        %get3A_400 = arith.constant 32 : index
        %get3A_401 = tpu.vector_load %arg9[%get3A_399, %get3A_400] {strides = array<i32>} : memref<80x128xf32, #tpu.memory_space<vmem>>, vector<16xf32>,
        %mul3A_402 = arith.mulf %get3A_401, %gather3A_216 : vector<16xf32>
        %swap3A_403 = arith.index_cast %add3A_210 : i32 to index
        %swap3A_404 = arith.constant 32 : index
        %swap3A_405 = tpu.vector_load %arg9[%swap3A_403, %swap3A_404] {strides = array<i32>} : memref<80x128xf32, #tpu.memory_space<vmem>>, vector<16xf32>,
        tpu.vector_store %arg9[%swap3A_403, %swap3A_404], %mul3A_402 {strides = array<i32>} : memref<80x128xf32, #tpu.memory_space<vmem>>, vector<16xf32>,
        %get3A_406 = arith.index_cast %add3A_210 : i32 to index
        %get3A_407 = arith.constant 48 : index
        %get3A_408 = tpu.vector_load %arg9[%get3A_406, %get3A_407] {strides = array<i32>} : memref<80x128xf32, #tpu.memory_space<vmem>>, vector<16xf32>,
        %mul3A_409 = arith.mulf %get3A_408, %gather3A_216 : vector<16xf32>
        %swap3A_410 = arith.index_cast %add3A_210 : i32 to index
        %swap3A_411 = arith.constant 48 : index
        %swap3A_412 = tpu.vector_load %arg9[%swap3A_410, %swap3A_411] {strides = array<i32>} : memref<80x128xf32, #tpu.memory_space<vmem>>, vector<16xf32>,
        tpu.vector_store %arg9[%swap3A_410, %swap3A_411], %mul3A_409 {strides = array<i32>} : memref<80x128xf32, #tpu.memory_space<vmem>>, vector<16xf32>,
        %get3A_413 = arith.index_cast %add3A_210 : i32 to index
        %get3A_414 = arith.constant 64 : index
        %get3A_415 = tpu.vector_load %arg9[%get3A_413, %get3A_414] {strides = array<i32>} : memref<80x128xf32, #tpu.memory_space<vmem>>, vector<16xf32>,
        %mul3A_416 = arith.mulf %get3A_415, %gather3A_216 : vector<16xf32>
        %swap3A_417 = arith.index_cast %add3A_210 : i32 to index
        %swap3A_418 = arith.constant 64 : index
        %swap3A_419 = tpu.vector_load %arg9[%swap3A_417, %swap3A_418] {strides = array<i32>} : memref<80x128xf32, #tpu.memory_space<vmem>>, vector<16xf32>,
        tpu.vector_store %arg9[%swap3A_417, %swap3A_418], %mul3A_416 {strides = array<i32>} : memref<80x128xf32, #tpu.memory_space<vmem>>, vector<16xf32>,
        %get3A_420 = arith.index_cast %add3A_210 : i32 to index
        %get3A_421 = arith.constant 80 : index
        %get3A_422 = tpu.vector_load %arg9[%get3A_420, %get3A_421] {strides = array<i32>} : memref<80x128xf32, #tpu.memory_space<vmem>>, vector<16xf32>,
        %mul3A_423 = arith.mulf %get3A_422, %gather3A_216 : vector<16xf32>
        %swap3A_424 = arith.index_cast %add3A_210 : i32 to index
        %swap3A_425 = arith.constant 80 : index
        %swap3A_426 = tpu.vector_load %arg9[%swap3A_424, %swap3A_425] {strides = array<i32>} : memref<80x128xf32, #tpu.memory_space<vmem>>, vector<16xf32>,
        tpu.vector_store %arg9[%swap3A_424, %swap3A_425], %mul3A_423 {strides = array<i32>} : memref<80x128xf32, #tpu.memory_space<vmem>>, vector<16xf32>,
        %get3A_427 = arith.index_cast %add3A_210 : i32 to index
        %get3A_428 = arith.constant 96 : index
        %get3A_429 = tpu.vector_load %arg9[%get3A_427, %get3A_428] {strides = array<i32>} : memref<80x128xf32, #tpu.memory_space<vmem>>, vector<16xf32>,
        %mul3A_430 = arith.mulf %get3A_429, %gather3A_216 : vector<16xf32>
        %swap3A_431 = arith.index_cast %add3A_210 : i32 to index
        %swap3A_432 = arith.constant 96 : index
        %swap3A_433 = tpu.vector_load %arg9[%swap3A_431, %swap3A_432] {strides = array<i32>} : memref<80x128xf32, #tpu.memory_space<vmem>>, vector<16xf32>,
        tpu.vector_store %arg9[%swap3A_431, %swap3A_432], %mul3A_430 {strides = array<i32>} : memref<80x128xf32, #tpu.memory_space<vmem>>, vector<16xf32>,
        %get3A_434 = arith.index_cast %add3A_210 : i32 to index
        %get3A_435 = arith.constant 112 : index
        %get3A_436 = tpu.vector_load %arg9[%get3A_434, %get3A_435] {strides = array<i32>} : memref<80x128xf32, #tpu.memory_space<vmem>>, vector<16xf32>,
        %mul3A_437 = arith.mulf %get3A_436, %gather3A_216 : vector<16xf32>
        %swap3A_438 = arith.index_cast %add3A_210 : i32 to index
        %swap3A_439 = arith.constant 112 : index
        %swap3A_440 = tpu.vector_load %arg9[%swap3A_438, %swap3A_439] {strides = array<i32>} : memref<80x128xf32, #tpu.memory_space<vmem>>, vector<16xf32>,
        tpu.vector_store %arg9[%swap3A_438, %swap3A_439], %mul3A_437 {strides = array<i32>} : memref<80x128xf32, #tpu.memory_space<vmem>>, vector<16xf32>,
      }
      %scan3A_125 = arith.constant 20 : i32
      %dma_start3A_126 = arith.constant 0 : i32
      %dma_start3A_127 = arith.constant 0 : i32
      %dma_start3A_128 = tpu.memref_slice %arg8[%dma_start3A_126, %dma_start3A_127] : memref<10112x128xf32, #tpu.memory_space<vmem_shared>> -> memref<10112x128xf32, #tpu.memory_space<vmem_shared>>
      tpu.enqueue_indirect_dma source(%arg9 : memref<80x128xf32, #tpu.memory_space<vmem>>) target(%dma_start3A_128 : memref<10112x128xf32, #tpu.memory_space<vmem_shared>>) offsets(%arg15 : memref<80xi32, #tpu.memory_space<vmem>>) semaphore(%arg21 : memref<!tpu.dma_semaphore, #tpu.memory_space<semaphore_mem>>) {add = true}
      %dma_wait3A_129 = arith.constant 0 : i32
      %dma_wait3A_130 = arith.constant 0 : i32
      %dma_wait3A_131 = tpu.memref_slice %arg2[%dma_wait3A_129, %dma_wait3A_130] : memref<20224x128xf32, #tpu.memory_space<hbm>> -> memref<20224x128xf32, #tpu.memory_space<hbm>>
      tpu.wait_indirect_dma semaphore(%arg20 : memref<!tpu.dma_semaphore, #tpu.memory_space<semaphore_mem>>) src(%dma_wait3A_131 : memref<20224x128xf32, #tpu.memory_space<hbm>>) dst(%arg10 : memref<80x128xf32, #tpu.memory_space<vmem>>)
      %scan3A_132 = arith.constant 0 : i32
      %scan3A_133 = arith.constant 0 : i32
      %scan3A_134 = arith.constant 20 : i32
      %scan3A_135 = arith.addi %scan3A_133, %scan3A_134 : i32
      %scan3A_136 = arith.constant 1 : i32
      scf.for %scan3A_196 = %scan3A_133 to %scan3A_135 step %scan3A_136  : i32 {
        %mul3A_197 = arith.constant 4 : i32
        %mul3A_198 = arith.muli %mul3A_197, %scan3A_196 : i32
        %mul3A_199 = arith.constant 4 : i32
        %mul3A_200 = arith.muli %mul3A_199, %scan3A_196 : i32
        %add3A_201 = arith.constant 1 : i32
        %add3A_202 = arith.addi %mul3A_200, %add3A_201 : i32
        %mul3A_203 = arith.constant 4 : i32
        %mul3A_204 = arith.muli %mul3A_203, %scan3A_196 : i32
        %add3A_205 = arith.constant 2 : i32
        %add3A_206 = arith.addi %mul3A_204, %add3A_205 : i32
        %mul3A_207 = arith.constant 4 : i32
        %mul3A_208 = arith.muli %mul3A_207, %scan3A_196 : i32
        %add3A_209 = arith.constant 3 : i32
        %add3A_210 = arith.addi %mul3A_208, %add3A_209 : i32
        %broadcast_in_dim3A = vector.broadcast %mul3A_198 : i32 to vector<16xi32>
        %gather3A = tpu.vector_load_idx %arg18[%broadcast_in_dim3A] : memref<80xf32, #tpu.memory_space<vmem>>[vector<16xi32>], vector<16xf32>,
        %broadcast_in_dim3A_211 = vector.broadcast %add3A_202 : i32 to vector<16xi32>
        %gather3A_212 = tpu.vector_load_idx %arg18[%broadcast_in_dim3A_211] : memref<80xf32, #tpu.memory_space<vmem>>[vector<16xi32>], vector<16xf32>,
        %broadcast_in_dim3A_213 = vector.broadcast %add3A_206 : i32 to vector<16xi32>
        %gather3A_214 = tpu.vector_load_idx %arg18[%broadcast_in_dim3A_213] : memref<80xf32, #tpu.memory_space<vmem>>[vector<16xi32>], vector<16xf32>,
        %broadcast_in_dim3A_215 = vector.broadcast %add3A_210 : i32 to vector<16xi32>
        %gather3A_216 = tpu.vector_load_idx %arg18[%broadcast_in_dim3A_215] : memref<80xf32, #tpu.memory_space<vmem>>[vector<16xi32>], vector<16xf32>,
        %get3A_217 = arith.index_cast %mul3A_198 : i32 to index
        %get3A_218 = arith.constant 0 : index
        %get3A_219 = tpu.vector_load %arg10[%get3A_217, %get3A_218] {strides = array<i32>} : memref<80x128xf32, #tpu.memory_space<vmem>>, vector<16xf32>,
        %mul3A_220 = arith.mulf %get3A_219, %gather3A : vector<16xf32>
        %swap3A_221 = arith.index_cast %mul3A_198 : i32 to index
        %swap3A_222 = arith.constant 0 : index
        %swap3A_223 = tpu.vector_load %arg10[%swap3A_221, %swap3A_222] {strides = array<i32>} : memref<80x128xf32, #tpu.memory_space<vmem>>, vector<16xf32>,
        tpu.vector_store %arg10[%swap3A_221, %swap3A_222], %mul3A_220 {strides = array<i32>} : memref<80x128xf32, #tpu.memory_space<vmem>>, vector<16xf32>,
        %get3A_224 = arith.index_cast %mul3A_198 : i32 to index
        %get3A_225 = arith.constant 16 : index
        %get3A_226 = tpu.vector_load %arg10[%get3A_224, %get3A_225] {strides = array<i32>} : memref<80x128xf32, #tpu.memory_space<vmem>>, vector<16xf32>,
        %mul3A_227 = arith.mulf %get3A_226, %gather3A : vector<16xf32>
        %swap3A_228 = arith.index_cast %mul3A_198 : i32 to index
        %swap3A_229 = arith.constant 16 : index
        %swap3A_230 = tpu.vector_load %arg10[%swap3A_228, %swap3A_229] {strides = array<i32>} : memref<80x128xf32, #tpu.memory_space<vmem>>, vector<16xf32>,
        tpu.vector_store %arg10[%swap3A_228, %swap3A_229], %mul3A_227 {strides = array<i32>} : memref<80x128xf32, #tpu.memory_space<vmem>>, vector<16xf32>,
        %get3A_231 = arith.index_cast %mul3A_198 : i32 to index
        %get3A_232 = arith.constant 32 : index
        %get3A_233 = tpu.vector_load %arg10[%get3A_231, %get3A_232] {strides = array<i32>} : memref<80x128xf32, #tpu.memory_space<vmem>>, vector<16xf32>,
        %mul3A_234 = arith.mulf %get3A_233, %gather3A : vector<16xf32>
        %swap3A_235 = arith.index_cast %mul3A_198 : i32 to index
        %swap3A_236 = arith.constant 32 : index
        %swap3A_237 = tpu.vector_load %arg10[%swap3A_235, %swap3A_236] {strides = array<i32>} : memref<80x128xf32, #tpu.memory_space<vmem>>, vector<16xf32>,
        tpu.vector_store %arg10[%swap3A_235, %swap3A_236], %mul3A_234 {strides = array<i32>} : memref<80x128xf32, #tpu.memory_space<vmem>>, vector<16xf32>,
        %get3A_238 = arith.index_cast %mul3A_198 : i32 to index
        %get3A_239 = arith.constant 48 : index
        %get3A_240 = tpu.vector_load %arg10[%get3A_238, %get3A_239] {strides = array<i32>} : memref<80x128xf32, #tpu.memory_space<vmem>>, vector<16xf32>,
        %mul3A_241 = arith.mulf %get3A_240, %gather3A : vector<16xf32>
        %swap3A_242 = arith.index_cast %mul3A_198 : i32 to index
        %swap3A_243 = arith.constant 48 : index
        %swap3A_244 = tpu.vector_load %arg10[%swap3A_242, %swap3A_243] {strides = array<i32>} : memref<80x128xf32, #tpu.memory_space<vmem>>, vector<16xf32>,
        tpu.vector_store %arg10[%swap3A_242, %swap3A_243], %mul3A_241 {strides = array<i32>} : memref<80x128xf32, #tpu.memory_space<vmem>>, vector<16xf32>,
        %get3A_245 = arith.index_cast %mul3A_198 : i32 to index
        %get3A_246 = arith.constant 64 : index
        %get3A_247 = tpu.vector_load %arg10[%get3A_245, %get3A_246] {strides = array<i32>} : memref<80x128xf32, #tpu.memory_space<vmem>>, vector<16xf32>,
        %mul3A_248 = arith.mulf %get3A_247, %gather3A : vector<16xf32>
        %swap3A_249 = arith.index_cast %mul3A_198 : i32 to index
        %swap3A_250 = arith.constant 64 : index
        %swap3A_251 = tpu.vector_load %arg10[%swap3A_249, %swap3A_250] {strides = array<i32>} : memref<80x128xf32, #tpu.memory_space<vmem>>, vector<16xf32>,
        tpu.vector_store %arg10[%swap3A_249, %swap3A_250], %mul3A_248 {strides = array<i32>} : memref<80x128xf32, #tpu.memory_space<vmem>>, vector<16xf32>,
        %get3A_252 = arith.index_cast %mul3A_198 : i32 to index
        %get3A_253 = arith.constant 80 : index
        %get3A_254 = tpu.vector_load %arg10[%get3A_252, %get3A_253] {strides = array<i32>} : memref<80x128xf32, #tpu.memory_space<vmem>>, vector<16xf32>,
        %mul3A_255 = arith.mulf %get3A_254, %gather3A : vector<16xf32>
        %swap3A_256 = arith.index_cast %mul3A_198 : i32 to index
        %swap3A_257 = arith.constant 80 : index
        %swap3A_258 = tpu.vector_load %arg10[%swap3A_256, %swap3A_257] {strides = array<i32>} : memref<80x128xf32, #tpu.memory_space<vmem>>, vector<16xf32>,
        tpu.vector_store %arg10[%swap3A_256, %swap3A_257], %mul3A_255 {strides = array<i32>} : memref<80x128xf32, #tpu.memory_space<vmem>>, vector<16xf32>,
        %get3A_259 = arith.index_cast %mul3A_198 : i32 to index
        %get3A_260 = arith.constant 96 : index
        %get3A_261 = tpu.vector_load %arg10[%get3A_259, %get3A_260] {strides = array<i32>} : memref<80x128xf32, #tpu.memory_space<vmem>>, vector<16xf32>,
        %mul3A_262 = arith.mulf %get3A_261, %gather3A : vector<16xf32>
        %swap3A_263 = arith.index_cast %mul3A_198 : i32 to index
        %swap3A_264 = arith.constant 96 : index
        %swap3A_265 = tpu.vector_load %arg10[%swap3A_263, %swap3A_264] {strides = array<i32>} : memref<80x128xf32, #tpu.memory_space<vmem>>, vector<16xf32>,
        tpu.vector_store %arg10[%swap3A_263, %swap3A_264], %mul3A_262 {strides = array<i32>} : memref<80x128xf32, #tpu.memory_space<vmem>>, vector<16xf32>,
        %get3A_266 = arith.index_cast %mul3A_198 : i32 to index
        %get3A_267 = arith.constant 112 : index
        %get3A_268 = tpu.vector_load %arg10[%get3A_266, %get3A_267] {strides = array<i32>} : memref<80x128xf32, #tpu.memory_space<vmem>>, vector<16xf32>,
        %mul3A_269 = arith.mulf %get3A_268, %gather3A : vector<16xf32>
        %swap3A_270 = arith.index_cast %mul3A_198 : i32 to index
        %swap3A_271 = arith.constant 112 : index
        %swap3A_272 = tpu.vector_load %arg10[%swap3A_270, %swap3A_271] {strides = array<i32>} : memref<80x128xf32, #tpu.memory_space<vmem>>, vector<16xf32>,
        tpu.vector_store %arg10[%swap3A_270, %swap3A_271], %mul3A_269 {strides = array<i32>} : memref<80x128xf32, #tpu.memory_space<vmem>>, vector<16xf32>,
        %get3A_273 = arith.index_cast %add3A_202 : i32 to index
        %get3A_274 = arith.constant 0 : index
        %get3A_275 = tpu.vector_load %arg10[%get3A_273, %get3A_274] {strides = array<i32>} : memref<80x128xf32, #tpu.memory_space<vmem>>, vector<16xf32>,
        %mul3A_276 = arith.mulf %get3A_275, %gather3A_212 : vector<16xf32>
        %swap3A_277 = arith.index_cast %add3A_202 : i32 to index
        %swap3A_278 = arith.constant 0 : index
        %swap3A_279 = tpu.vector_load %arg10[%swap3A_277, %swap3A_278] {strides = array<i32>} : memref<80x128xf32, #tpu.memory_space<vmem>>, vector<16xf32>,
        tpu.vector_store %arg10[%swap3A_277, %swap3A_278], %mul3A_276 {strides = array<i32>} : memref<80x128xf32, #tpu.memory_space<vmem>>, vector<16xf32>,
        %get3A_280 = arith.index_cast %add3A_202 : i32 to index
        %get3A_281 = arith.constant 16 : index
        %get3A_282 = tpu.vector_load %arg10[%get3A_280, %get3A_281] {strides = array<i32>} : memref<80x128xf32, #tpu.memory_space<vmem>>, vector<16xf32>,
        %mul3A_283 = arith.mulf %get3A_282, %gather3A_212 : vector<16xf32>
        %swap3A_284 = arith.index_cast %add3A_202 : i32 to index
        %swap3A_285 = arith.constant 16 : index
        %swap3A_286 = tpu.vector_load %arg10[%swap3A_284, %swap3A_285] {strides = array<i32>} : memref<80x128xf32, #tpu.memory_space<vmem>>, vector<16xf32>,
        tpu.vector_store %arg10[%swap3A_284, %swap3A_285], %mul3A_283 {strides = array<i32>} : memref<80x128xf32, #tpu.memory_space<vmem>>, vector<16xf32>,
        %get3A_287 = arith.index_cast %add3A_202 : i32 to index
        %get3A_288 = arith.constant 32 : index
        %get3A_289 = tpu.vector_load %arg10[%get3A_287, %get3A_288] {strides = array<i32>} : memref<80x128xf32, #tpu.memory_space<vmem>>, vector<16xf32>,
        %mul3A_290 = arith.mulf %get3A_289, %gather3A_212 : vector<16xf32>
        %swap3A_291 = arith.index_cast %add3A_202 : i32 to index
        %swap3A_292 = arith.constant 32 : index
        %swap3A_293 = tpu.vector_load %arg10[%swap3A_291, %swap3A_292] {strides = array<i32>} : memref<80x128xf32, #tpu.memory_space<vmem>>, vector<16xf32>,
        tpu.vector_store %arg10[%swap3A_291, %swap3A_292], %mul3A_290 {strides = array<i32>} : memref<80x128xf32, #tpu.memory_space<vmem>>, vector<16xf32>,
        %get3A_294 = arith.index_cast %add3A_202 : i32 to index
        %get3A_295 = arith.constant 48 : index
        %get3A_296 = tpu.vector_load %arg10[%get3A_294, %get3A_295] {strides = array<i32>} : memref<80x128xf32, #tpu.memory_space<vmem>>, vector<16xf32>,
        %mul3A_297 = arith.mulf %get3A_296, %gather3A_212 : vector<16xf32>
        %swap3A_298 = arith.index_cast %add3A_202 : i32 to index
        %swap3A_299 = arith.constant 48 : index
        %swap3A_300 = tpu.vector_load %arg10[%swap3A_298, %swap3A_299] {strides = array<i32>} : memref<80x128xf32, #tpu.memory_space<vmem>>, vector<16xf32>,
        tpu.vector_store %arg10[%swap3A_298, %swap3A_299], %mul3A_297 {strides = array<i32>} : memref<80x128xf32, #tpu.memory_space<vmem>>, vector<16xf32>,
        %get3A_301 = arith.index_cast %add3A_202 : i32 to index
        %get3A_302 = arith.constant 64 : index
        %get3A_303 = tpu.vector_load %arg10[%get3A_301, %get3A_302] {strides = array<i32>} : memref<80x128xf32, #tpu.memory_space<vmem>>, vector<16xf32>,
        %mul3A_304 = arith.mulf %get3A_303, %gather3A_212 : vector<16xf32>
        %swap3A_305 = arith.index_cast %add3A_202 : i32 to index
        %swap3A_306 = arith.constant 64 : index
        %swap3A_307 = tpu.vector_load %arg10[%swap3A_305, %swap3A_306] {strides = array<i32>} : memref<80x128xf32, #tpu.memory_space<vmem>>, vector<16xf32>,
        tpu.vector_store %arg10[%swap3A_305, %swap3A_306], %mul3A_304 {strides = array<i32>} : memref<80x128xf32, #tpu.memory_space<vmem>>, vector<16xf32>,
        %get3A_308 = arith.index_cast %add3A_202 : i32 to index
        %get3A_309 = arith.constant 80 : index
        %get3A_310 = tpu.vector_load %arg10[%get3A_308, %get3A_309] {strides = array<i32>} : memref<80x128xf32, #tpu.memory_space<vmem>>, vector<16xf32>,
        %mul3A_311 = arith.mulf %get3A_310, %gather3A_212 : vector<16xf32>
        %swap3A_312 = arith.index_cast %add3A_202 : i32 to index
        %swap3A_313 = arith.constant 80 : index
        %swap3A_314 = tpu.vector_load %arg10[%swap3A_312, %swap3A_313] {strides = array<i32>} : memref<80x128xf32, #tpu.memory_space<vmem>>, vector<16xf32>,
        tpu.vector_store %arg10[%swap3A_312, %swap3A_313], %mul3A_311 {strides = array<i32>} : memref<80x128xf32, #tpu.memory_space<vmem>>, vector<16xf32>,
        %get3A_315 = arith.index_cast %add3A_202 : i32 to index
        %get3A_316 = arith.constant 96 : index
        %get3A_317 = tpu.vector_load %arg10[%get3A_315, %get3A_316] {strides = array<i32>} : memref<80x128xf32, #tpu.memory_space<vmem>>, vector<16xf32>,
        %mul3A_318 = arith.mulf %get3A_317, %gather3A_212 : vector<16xf32>
        %swap3A_319 = arith.index_cast %add3A_202 : i32 to index
        %swap3A_320 = arith.constant 96 : index
        %swap3A_321 = tpu.vector_load %arg10[%swap3A_319, %swap3A_320] {strides = array<i32>} : memref<80x128xf32, #tpu.memory_space<vmem>>, vector<16xf32>,
        tpu.vector_store %arg10[%swap3A_319, %swap3A_320], %mul3A_318 {strides = array<i32>} : memref<80x128xf32, #tpu.memory_space<vmem>>, vector<16xf32>,
        %get3A_322 = arith.index_cast %add3A_202 : i32 to index
        %get3A_323 = arith.constant 112 : index
        %get3A_324 = tpu.vector_load %arg10[%get3A_322, %get3A_323] {strides = array<i32>} : memref<80x128xf32, #tpu.memory_space<vmem>>, vector<16xf32>,
        %mul3A_325 = arith.mulf %get3A_324, %gather3A_212 : vector<16xf32>
        %swap3A_326 = arith.index_cast %add3A_202 : i32 to index
        %swap3A_327 = arith.constant 112 : index
        %swap3A_328 = tpu.vector_load %arg10[%swap3A_326, %swap3A_327] {strides = array<i32>} : memref<80x128xf32, #tpu.memory_space<vmem>>, vector<16xf32>,
        tpu.vector_store %arg10[%swap3A_326, %swap3A_327], %mul3A_325 {strides = array<i32>} : memref<80x128xf32, #tpu.memory_space<vmem>>, vector<16xf32>,
        %get3A_329 = arith.index_cast %add3A_206 : i32 to index
        %get3A_330 = arith.constant 0 : index
        %get3A_331 = tpu.vector_load %arg10[%get3A_329, %get3A_330] {strides = array<i32>} : memref<80x128xf32, #tpu.memory_space<vmem>>, vector<16xf32>,
        %mul3A_332 = arith.mulf %get3A_331, %gather3A_214 : vector<16xf32>
        %swap3A_333 = arith.index_cast %add3A_206 : i32 to index
        %swap3A_334 = arith.constant 0 : index
        %swap3A_335 = tpu.vector_load %arg10[%swap3A_333, %swap3A_334] {strides = array<i32>} : memref<80x128xf32, #tpu.memory_space<vmem>>, vector<16xf32>,
        tpu.vector_store %arg10[%swap3A_333, %swap3A_334], %mul3A_332 {strides = array<i32>} : memref<80x128xf32, #tpu.memory_space<vmem>>, vector<16xf32>,
        %get3A_336 = arith.index_cast %add3A_206 : i32 to index
        %get3A_337 = arith.constant 16 : index
        %get3A_338 = tpu.vector_load %arg10[%get3A_336, %get3A_337] {strides = array<i32>} : memref<80x128xf32, #tpu.memory_space<vmem>>, vector<16xf32>,
        %mul3A_339 = arith.mulf %get3A_338, %gather3A_214 : vector<16xf32>
        %swap3A_340 = arith.index_cast %add3A_206 : i32 to index
        %swap3A_341 = arith.constant 16 : index
        %swap3A_342 = tpu.vector_load %arg10[%swap3A_340, %swap3A_341] {strides = array<i32>} : memref<80x128xf32, #tpu.memory_space<vmem>>, vector<16xf32>,
        tpu.vector_store %arg10[%swap3A_340, %swap3A_341], %mul3A_339 {strides = array<i32>} : memref<80x128xf32, #tpu.memory_space<vmem>>, vector<16xf32>,
        %get3A_343 = arith.index_cast %add3A_206 : i32 to index
        %get3A_344 = arith.constant 32 : index
        %get3A_345 = tpu.vector_load %arg10[%get3A_343, %get3A_344] {strides = array<i32>} : memref<80x128xf32, #tpu.memory_space<vmem>>, vector<16xf32>,
        %mul3A_346 = arith.mulf %get3A_345, %gather3A_214 : vector<16xf32>
        %swap3A_347 = arith.index_cast %add3A_206 : i32 to index
        %swap3A_348 = arith.constant 32 : index
        %swap3A_349 = tpu.vector_load %arg10[%swap3A_347, %swap3A_348] {strides = array<i32>} : memref<80x128xf32, #tpu.memory_space<vmem>>, vector<16xf32>,
        tpu.vector_store %arg10[%swap3A_347, %swap3A_348], %mul3A_346 {strides = array<i32>} : memref<80x128xf32, #tpu.memory_space<vmem>>, vector<16xf32>,
        %get3A_350 = arith.index_cast %add3A_206 : i32 to index
        %get3A_351 = arith.constant 48 : index
        %get3A_352 = tpu.vector_load %arg10[%get3A_350, %get3A_351] {strides = array<i32>} : memref<80x128xf32, #tpu.memory_space<vmem>>, vector<16xf32>,
        %mul3A_353 = arith.mulf %get3A_352, %gather3A_214 : vector<16xf32>
        %swap3A_354 = arith.index_cast %add3A_206 : i32 to index
        %swap3A_355 = arith.constant 48 : index
        %swap3A_356 = tpu.vector_load %arg10[%swap3A_354, %swap3A_355] {strides = array<i32>} : memref<80x128xf32, #tpu.memory_space<vmem>>, vector<16xf32>,
        tpu.vector_store %arg10[%swap3A_354, %swap3A_355], %mul3A_353 {strides = array<i32>} : memref<80x128xf32, #tpu.memory_space<vmem>>, vector<16xf32>,
        %get3A_357 = arith.index_cast %add3A_206 : i32 to index
        %get3A_358 = arith.constant 64 : index
        %get3A_359 = tpu.vector_load %arg10[%get3A_357, %get3A_358] {strides = array<i32>} : memref<80x128xf32, #tpu.memory_space<vmem>>, vector<16xf32>,
        %mul3A_360 = arith.mulf %get3A_359, %gather3A_214 : vector<16xf32>
        %swap3A_361 = arith.index_cast %add3A_206 : i32 to index
        %swap3A_362 = arith.constant 64 : index
        %swap3A_363 = tpu.vector_load %arg10[%swap3A_361, %swap3A_362] {strides = array<i32>} : memref<80x128xf32, #tpu.memory_space<vmem>>, vector<16xf32>,
        tpu.vector_store %arg10[%swap3A_361, %swap3A_362], %mul3A_360 {strides = array<i32>} : memref<80x128xf32, #tpu.memory_space<vmem>>, vector<16xf32>,
        %get3A_364 = arith.index_cast %add3A_206 : i32 to index
        %get3A_365 = arith.constant 80 : index
        %get3A_366 = tpu.vector_load %arg10[%get3A_364, %get3A_365] {strides = array<i32>} : memref<80x128xf32, #tpu.memory_space<vmem>>, vector<16xf32>,
        %mul3A_367 = arith.mulf %get3A_366, %gather3A_214 : vector<16xf32>
        %swap3A_368 = arith.index_cast %add3A_206 : i32 to index
        %swap3A_369 = arith.constant 80 : index
        %swap3A_370 = tpu.vector_load %arg10[%swap3A_368, %swap3A_369] {strides = array<i32>} : memref<80x128xf32, #tpu.memory_space<vmem>>, vector<16xf32>,
        tpu.vector_store %arg10[%swap3A_368, %swap3A_369], %mul3A_367 {strides = array<i32>} : memref<80x128xf32, #tpu.memory_space<vmem>>, vector<16xf32>,
        %get3A_371 = arith.index_cast %add3A_206 : i32 to index
        %get3A_372 = arith.constant 96 : index
        %get3A_373 = tpu.vector_load %arg10[%get3A_371, %get3A_372] {strides = array<i32>} : memref<80x128xf32, #tpu.memory_space<vmem>>, vector<16xf32>,
        %mul3A_374 = arith.mulf %get3A_373, %gather3A_214 : vector<16xf32>
        %swap3A_375 = arith.index_cast %add3A_206 : i32 to index
        %swap3A_376 = arith.constant 96 : index
        %swap3A_377 = tpu.vector_load %arg10[%swap3A_375, %swap3A_376] {strides = array<i32>} : memref<80x128xf32, #tpu.memory_space<vmem>>, vector<16xf32>,
        tpu.vector_store %arg10[%swap3A_375, %swap3A_376], %mul3A_374 {strides = array<i32>} : memref<80x128xf32, #tpu.memory_space<vmem>>, vector<16xf32>,
        %get3A_378 = arith.index_cast %add3A_206 : i32 to index
        %get3A_379 = arith.constant 112 : index
        %get3A_380 = tpu.vector_load %arg10[%get3A_378, %get3A_379] {strides = array<i32>} : memref<80x128xf32, #tpu.memory_space<vmem>>, vector<16xf32>,
        %mul3A_381 = arith.mulf %get3A_380, %gather3A_214 : vector<16xf32>
        %swap3A_382 = arith.index_cast %add3A_206 : i32 to index
        %swap3A_383 = arith.constant 112 : index
        %swap3A_384 = tpu.vector_load %arg10[%swap3A_382, %swap3A_383] {strides = array<i32>} : memref<80x128xf32, #tpu.memory_space<vmem>>, vector<16xf32>,
        tpu.vector_store %arg10[%swap3A_382, %swap3A_383], %mul3A_381 {strides = array<i32>} : memref<80x128xf32, #tpu.memory_space<vmem>>, vector<16xf32>,
        %get3A_385 = arith.index_cast %add3A_210 : i32 to index
        %get3A_386 = arith.constant 0 : index
        %get3A_387 = tpu.vector_load %arg10[%get3A_385, %get3A_386] {strides = array<i32>} : memref<80x128xf32, #tpu.memory_space<vmem>>, vector<16xf32>,
        %mul3A_388 = arith.mulf %get3A_387, %gather3A_216 : vector<16xf32>
        %swap3A_389 = arith.index_cast %add3A_210 : i32 to index
        %swap3A_390 = arith.constant 0 : index
        %swap3A_391 = tpu.vector_load %arg10[%swap3A_389, %swap3A_390] {strides = array<i32>} : memref<80x128xf32, #tpu.memory_space<vmem>>, vector<16xf32>,
        tpu.vector_store %arg10[%swap3A_389, %swap3A_390], %mul3A_388 {strides = array<i32>} : memref<80x128xf32, #tpu.memory_space<vmem>>, vector<16xf32>,
        %get3A_392 = arith.index_cast %add3A_210 : i32 to index
        %get3A_393 = arith.constant 16 : index
        %get3A_394 = tpu.vector_load %arg10[%get3A_392, %get3A_393] {strides = array<i32>} : memref<80x128xf32, #tpu.memory_space<vmem>>, vector<16xf32>,
        %mul3A_395 = arith.mulf %get3A_394, %gather3A_216 : vector<16xf32>
        %swap3A_396 = arith.index_cast %add3A_210 : i32 to index
        %swap3A_397 = arith.constant 16 : index
        %swap3A_398 = tpu.vector_load %arg10[%swap3A_396, %swap3A_397] {strides = array<i32>} : memref<80x128xf32, #tpu.memory_space<vmem>>, vector<16xf32>,
        tpu.vector_store %arg10[%swap3A_396, %swap3A_397], %mul3A_395 {strides = array<i32>} : memref<80x128xf32, #tpu.memory_space<vmem>>, vector<16xf32>,
        %get3A_399 = arith.index_cast %add3A_210 : i32 to index
        %get3A_400 = arith.constant 32 : index
        %get3A_401 = tpu.vector_load %arg10[%get3A_399, %get3A_400] {strides = array<i32>} : memref<80x128xf32, #tpu.memory_space<vmem>>, vector<16xf32>,
        %mul3A_402 = arith.mulf %get3A_401, %gather3A_216 : vector<16xf32>
        %swap3A_403 = arith.index_cast %add3A_210 : i32 to index
        %swap3A_404 = arith.constant 32 : index
        %swap3A_405 = tpu.vector_load %arg10[%swap3A_403, %swap3A_404] {strides = array<i32>} : memref<80x128xf32, #tpu.memory_space<vmem>>, vector<16xf32>,
        tpu.vector_store %arg10[%swap3A_403, %swap3A_404], %mul3A_402 {strides = array<i32>} : memref<80x128xf32, #tpu.memory_space<vmem>>, vector<16xf32>,
        %get3A_406 = arith.index_cast %add3A_210 : i32 to index
        %get3A_407 = arith.constant 48 : index
        %get3A_408 = tpu.vector_load %arg10[%get3A_406, %get3A_407] {strides = array<i32>} : memref<80x128xf32, #tpu.memory_space<vmem>>, vector<16xf32>,
        %mul3A_409 = arith.mulf %get3A_408, %gather3A_216 : vector<16xf32>
        %swap3A_410 = arith.index_cast %add3A_210 : i32 to index
        %swap3A_411 = arith.constant 48 : index
        %swap3A_412 = tpu.vector_load %arg10[%swap3A_410, %swap3A_411] {strides = array<i32>} : memref<80x128xf32, #tpu.memory_space<vmem>>, vector<16xf32>,
        tpu.vector_store %arg10[%swap3A_410, %swap3A_411], %mul3A_409 {strides = array<i32>} : memref<80x128xf32, #tpu.memory_space<vmem>>, vector<16xf32>,
        %get3A_413 = arith.index_cast %add3A_210 : i32 to index
        %get3A_414 = arith.constant 64 : index
        %get3A_415 = tpu.vector_load %arg10[%get3A_413, %get3A_414] {strides = array<i32>} : memref<80x128xf32, #tpu.memory_space<vmem>>, vector<16xf32>,
        %mul3A_416 = arith.mulf %get3A_415, %gather3A_216 : vector<16xf32>
        %swap3A_417 = arith.index_cast %add3A_210 : i32 to index
        %swap3A_418 = arith.constant 64 : index
        %swap3A_419 = tpu.vector_load %arg10[%swap3A_417, %swap3A_418] {strides = array<i32>} : memref<80x128xf32, #tpu.memory_space<vmem>>, vector<16xf32>,
        tpu.vector_store %arg10[%swap3A_417, %swap3A_418], %mul3A_416 {strides = array<i32>} : memref<80x128xf32, #tpu.memory_space<vmem>>, vector<16xf32>,
        %get3A_420 = arith.index_cast %add3A_210 : i32 to index
        %get3A_421 = arith.constant 80 : index
        %get3A_422 = tpu.vector_load %arg10[%get3A_420, %get3A_421] {strides = array<i32>} : memref<80x128xf32, #tpu.memory_space<vmem>>, vector<16xf32>,
        %mul3A_423 = arith.mulf %get3A_422, %gather3A_216 : vector<16xf32>
        %swap3A_424 = arith.index_cast %add3A_210 : i32 to index
        %swap3A_425 = arith.constant 80 : index
        %swap3A_426 = tpu.vector_load %arg10[%swap3A_424, %swap3A_425] {strides = array<i32>} : memref<80x128xf32, #tpu.memory_space<vmem>>, vector<16xf32>,
        tpu.vector_store %arg10[%swap3A_424, %swap3A_425], %mul3A_423 {strides = array<i32>} : memref<80x128xf32, #tpu.memory_space<vmem>>, vector<16xf32>,
        %get3A_427 = arith.index_cast %add3A_210 : i32 to index
        %get3A_428 = arith.constant 96 : index
        %get3A_429 = tpu.vector_load %arg10[%get3A_427, %get3A_428] {strides = array<i32>} : memref<80x128xf32, #tpu.memory_space<vmem>>, vector<16xf32>,
        %mul3A_430 = arith.mulf %get3A_429, %gather3A_216 : vector<16xf32>
        %swap3A_431 = arith.index_cast %add3A_210 : i32 to index
        %swap3A_432 = arith.constant 96 : index
        %swap3A_433 = tpu.vector_load %arg10[%swap3A_431, %swap3A_432] {strides = array<i32>} : memref<80x128xf32, #tpu.memory_space<vmem>>, vector<16xf32>,
        tpu.vector_store %arg10[%swap3A_431, %swap3A_432], %mul3A_430 {strides = array<i32>} : memref<80x128xf32, #tpu.memory_space<vmem>>, vector<16xf32>,
        %get3A_434 = arith.index_cast %add3A_210 : i32 to index
        %get3A_435 = arith.constant 112 : index
        %get3A_436 = tpu.vector_load %arg10[%get3A_434, %get3A_435] {strides = array<i32>} : memref<80x128xf32, #tpu.memory_space<vmem>>, vector<16xf32>,
        %mul3A_437 = arith.mulf %get3A_436, %gather3A_216 : vector<16xf32>
        %swap3A_438 = arith.index_cast %add3A_210 : i32 to index
        %swap3A_439 = arith.constant 112 : index
        %swap3A_440 = tpu.vector_load %arg10[%swap3A_438, %swap3A_439] {strides = array<i32>} : memref<80x128xf32, #tpu.memory_space<vmem>>, vector<16xf32>,
        tpu.vector_store %arg10[%swap3A_438, %swap3A_439], %mul3A_437 {strides = array<i32>} : memref<80x128xf32, #tpu.memory_space<vmem>>, vector<16xf32>,
      }
      %scan3A_137 = arith.constant 20 : i32
      %dma_start3A_138 = arith.constant 0 : i32
      %dma_start3A_139 = arith.constant 0 : i32
      %dma_start3A_140 = tpu.memref_slice %arg8[%dma_start3A_138, %dma_start3A_139] : memref<10112x128xf32, #tpu.memory_space<vmem_shared>> -> memref<10112x128xf32, #tpu.memory_space<vmem_shared>>
      tpu.enqueue_indirect_dma source(%arg10 : memref<80x128xf32, #tpu.memory_space<vmem>>) target(%dma_start3A_140 : memref<10112x128xf32, #tpu.memory_space<vmem_shared>>) offsets(%arg16 : memref<80xi32, #tpu.memory_space<vmem>>) semaphore(%arg22 : memref<!tpu.dma_semaphore, #tpu.memory_space<semaphore_mem>>) {add = true}
      %dma_wait3A_141 = arith.constant 0 : i32
      %dma_wait3A_142 = arith.constant 0 : i32
      %dma_wait3A_143 = tpu.memref_slice %arg8[%dma_wait3A_141, %dma_wait3A_142] : memref<10112x128xf32, #tpu.memory_space<vmem_shared>> -> memref<10112x128xf32, #tpu.memory_space<vmem_shared>>
      tpu.wait_indirect_dma semaphore(%arg21 : memref<!tpu.dma_semaphore, #tpu.memory_space<semaphore_mem>>) src(%arg9 : memref<80x128xf32, #tpu.memory_space<vmem>>) dst(%dma_wait3A_143 : memref<10112x128xf32, #tpu.memory_space<vmem_shared>>)
      %add3A_144 = arith.constant 2 : i32
      %add3A_145 = arith.addi %mul3A_67, %add3A_144 : i32
      %mul3A_146 = arith.constant 80 : i32
      %mul3A_147 = arith.muli %add3A_145, %mul3A_146 : i32
      %add3A_148 = arith.addi %mul3A_2, %mul3A_147 : i32
      %multiple_of3A_149 = tpu.assume_multiple %add3A_148, 8 : i32
      "tpu.region"() ({
        %run_scoped3A = tpu.sem_alloc : memref<!tpu.dma_semaphore, #tpu.memory_space<semaphore_mem>>
        %dma_start3A_196 = tpu.memref_slice %arg3[%multiple_of3A_149] : memref<160000xi32, #tpu.memory_space<hbm>> -> memref<80xi32, #tpu.memory_space<hbm>>
        %dma_start3A_197 = tpu.memref_slice %arg3[%multiple_of3A_149] : memref<160000xi32, #tpu.memory_space<hbm>> -> memref<80xi32, #tpu.memory_space<hbm>>
        tpu.enqueue_dma source(%dma_start3A_197 : memref<80xi32, #tpu.memory_space<hbm>>) target(%arg11 : memref<80xi32, #tpu.memory_space<vmem>>) target_semaphore(%run_scoped3A : memref<!tpu.dma_semaphore, #tpu.memory_space<semaphore_mem>>)
        %dma_wait3A_198 = tpu.memref_slice %arg3[%multiple_of3A_149] : memref<160000xi32, #tpu.memory_space<hbm>> -> memref<80xi32, #tpu.memory_space<hbm>>
        %dma_wait3A_199 = tpu.memref_slice %arg3[%multiple_of3A_149] : memref<160000xi32, #tpu.memory_space<hbm>> -> memref<80xi32, #tpu.memory_space<hbm>>
        tpu.wait_dma2 semaphore(%run_scoped3A : memref<!tpu.dma_semaphore, #tpu.memory_space<semaphore_mem>>) src(%dma_wait3A_199 : memref<80xi32, #tpu.memory_space<hbm>>) dst(%arg11 : memref<80xi32, #tpu.memory_space<vmem>>)
        tpu.yield
      }) : () -> ()
      "tpu.region"() ({
        %run_scoped3A = tpu.sem_alloc : memref<!tpu.dma_semaphore, #tpu.memory_space<semaphore_mem>>
        %dma_start3A_196 = tpu.memref_slice %arg4[%multiple_of3A_149] : memref<160000xi32, #tpu.memory_space<hbm>> -> memref<80xi32, #tpu.memory_space<hbm>>
        %dma_start3A_197 = tpu.memref_slice %arg4[%multiple_of3A_149] : memref<160000xi32, #tpu.memory_space<hbm>> -> memref<80xi32, #tpu.memory_space<hbm>>
        tpu.enqueue_dma source(%dma_start3A_197 : memref<80xi32, #tpu.memory_space<hbm>>) target(%arg15 : memref<80xi32, #tpu.memory_space<vmem>>) target_semaphore(%run_scoped3A : memref<!tpu.dma_semaphore, #tpu.memory_space<semaphore_mem>>)
        %dma_wait3A_198 = tpu.memref_slice %arg4[%multiple_of3A_149] : memref<160000xi32, #tpu.memory_space<hbm>> -> memref<80xi32, #tpu.memory_space<hbm>>
        %dma_wait3A_199 = tpu.memref_slice %arg4[%multiple_of3A_149] : memref<160000xi32, #tpu.memory_space<hbm>> -> memref<80xi32, #tpu.memory_space<hbm>>
        tpu.wait_dma2 semaphore(%run_scoped3A : memref<!tpu.dma_semaphore, #tpu.memory_space<semaphore_mem>>) src(%dma_wait3A_199 : memref<80xi32, #tpu.memory_space<hbm>>) dst(%arg15 : memref<80xi32, #tpu.memory_space<vmem>>)
        tpu.yield
      }) : () -> ()
      "tpu.region"() ({
        %run_scoped3A = tpu.sem_alloc : memref<!tpu.dma_semaphore, #tpu.memory_space<semaphore_mem>>
        %dma_start3A_196 = tpu.memref_slice %arg5[%multiple_of3A_149] : memref<160000xf32, #tpu.memory_space<hbm>> -> memref<80xf32, #tpu.memory_space<hbm>>
        %dma_start3A_197 = tpu.memref_slice %arg5[%multiple_of3A_149] : memref<160000xf32, #tpu.memory_space<hbm>> -> memref<80xf32, #tpu.memory_space<hbm>>
        tpu.enqueue_dma source(%dma_start3A_197 : memref<80xf32, #tpu.memory_space<hbm>>) target(%arg17 : memref<80xf32, #tpu.memory_space<vmem>>) target_semaphore(%run_scoped3A : memref<!tpu.dma_semaphore, #tpu.memory_space<semaphore_mem>>)
        %dma_wait3A_198 = tpu.memref_slice %arg5[%multiple_of3A_149] : memref<160000xf32, #tpu.memory_space<hbm>> -> memref<80xf32, #tpu.memory_space<hbm>>
        %dma_wait3A_199 = tpu.memref_slice %arg5[%multiple_of3A_149] : memref<160000xf32, #tpu.memory_space<hbm>> -> memref<80xf32, #tpu.memory_space<hbm>>
        tpu.wait_dma2 semaphore(%run_scoped3A : memref<!tpu.dma_semaphore, #tpu.memory_space<semaphore_mem>>) src(%dma_wait3A_199 : memref<80xf32, #tpu.memory_space<hbm>>) dst(%arg17 : memref<80xf32, #tpu.memory_space<vmem>>)
        tpu.yield
      }) : () -> ()
      %get3A_150 = arith.constant 0 : index
      %get3A_151 = tpu.vector_load %arg11[%get3A_150] {strides = array<i32>} : memref<80xi32, #tpu.memory_space<vmem>>, vector<16xi32>,
      %mul3A_152 = arith.constant 10112 : i32
      %mul3A_153 = arith.muli %arg0, %mul3A_152 : i32
      %add3A_154 = vector.broadcast %mul3A_153 : i32 to vector<16xi32>
      %add3A_155 = arith.addi %get3A_151, %add3A_154 : vector<16xi32>
      %swap3A_156 = arith.constant 0 : index
      %swap3A_157 = tpu.vector_load %arg13[%swap3A_156] {strides = array<i32>} : memref<80xi32, #tpu.memory_space<vmem>>, vector<16xi32>,
      tpu.vector_store %arg13[%swap3A_156], %add3A_155 {strides = array<i32>} : memref<80xi32, #tpu.memory_space<vmem>>, vector<16xi32>,
      %get3A_158 = arith.constant 16 : index
      %get3A_159 = tpu.vector_load %arg11[%get3A_158] {strides = array<i32>} : memref<80xi32, #tpu.memory_space<vmem>>, vector<16xi32>,
      %mul3A_160 = arith.constant 10112 : i32
      %mul3A_161 = arith.muli %arg0, %mul3A_160 : i32
      %add3A_162 = vector.broadcast %mul3A_161 : i32 to vector<16xi32>
      %add3A_163 = arith.addi %get3A_159, %add3A_162 : vector<16xi32>
      %swap3A_164 = arith.constant 16 : index
      %swap3A_165 = tpu.vector_load %arg13[%swap3A_164] {strides = array<i32>} : memref<80xi32, #tpu.memory_space<vmem>>, vector<16xi32>,
      tpu.vector_store %arg13[%swap3A_164], %add3A_163 {strides = array<i32>} : memref<80xi32, #tpu.memory_space<vmem>>, vector<16xi32>,
      %get3A_166 = arith.constant 32 : index
      %get3A_167 = tpu.vector_load %arg11[%get3A_166] {strides = array<i32>} : memref<80xi32, #tpu.memory_space<vmem>>, vector<16xi32>,
      %mul3A_168 = arith.constant 10112 : i32
      %mul3A_169 = arith.muli %arg0, %mul3A_168 : i32
      %add3A_170 = vector.broadcast %mul3A_169 : i32 to vector<16xi32>
      %add3A_171 = arith.addi %get3A_167, %add3A_170 : vector<16xi32>
      %swap3A_172 = arith.constant 32 : index
      %swap3A_173 = tpu.vector_load %arg13[%swap3A_172] {strides = array<i32>} : memref<80xi32, #tpu.memory_space<vmem>>, vector<16xi32>,
      tpu.vector_store %arg13[%swap3A_172], %add3A_171 {strides = array<i32>} : memref<80xi32, #tpu.memory_space<vmem>>, vector<16xi32>,
      %get3A_174 = arith.constant 48 : index
      %get3A_175 = tpu.vector_load %arg11[%get3A_174] {strides = array<i32>} : memref<80xi32, #tpu.memory_space<vmem>>, vector<16xi32>,
      %mul3A_176 = arith.constant 10112 : i32
      %mul3A_177 = arith.muli %arg0, %mul3A_176 : i32
      %add3A_178 = vector.broadcast %mul3A_177 : i32 to vector<16xi32>
      %add3A_179 = arith.addi %get3A_175, %add3A_178 : vector<16xi32>
      %swap3A_180 = arith.constant 48 : index
      %swap3A_181 = tpu.vector_load %arg13[%swap3A_180] {strides = array<i32>} : memref<80xi32, #tpu.memory_space<vmem>>, vector<16xi32>,
      tpu.vector_store %arg13[%swap3A_180], %add3A_179 {strides = array<i32>} : memref<80xi32, #tpu.memory_space<vmem>>, vector<16xi32>,
      %get3A_182 = arith.constant 64 : index
      %get3A_183 = tpu.vector_load %arg11[%get3A_182] {strides = array<i32>} : memref<80xi32, #tpu.memory_space<vmem>>, vector<16xi32>,
      %mul3A_184 = arith.constant 10112 : i32
      %mul3A_185 = arith.muli %arg0, %mul3A_184 : i32
      %add3A_186 = vector.broadcast %mul3A_185 : i32 to vector<16xi32>
      %add3A_187 = arith.addi %get3A_183, %add3A_186 : vector<16xi32>
      %swap3A_188 = arith.constant 64 : index
      %swap3A_189 = tpu.vector_load %arg13[%swap3A_188] {strides = array<i32>} : memref<80xi32, #tpu.memory_space<vmem>>, vector<16xi32>,
      tpu.vector_store %arg13[%swap3A_188], %add3A_187 {strides = array<i32>} : memref<80xi32, #tpu.memory_space<vmem>>, vector<16xi32>,
      %dma_start3A_190 = arith.constant 0 : i32
      %dma_start3A_191 = arith.constant 0 : i32
      %dma_start3A_192 = tpu.memref_slice %arg2[%dma_start3A_190, %dma_start3A_191] : memref<20224x128xf32, #tpu.memory_space<hbm>> -> memref<20224x128xf32, #tpu.memory_space<hbm>>
      tpu.enqueue_indirect_dma source(%dma_start3A_192 : memref<20224x128xf32, #tpu.memory_space<hbm>>) target(%arg9 : memref<80x128xf32, #tpu.memory_space<vmem>>) offsets(%arg13 : memref<80xi32, #tpu.memory_space<vmem>>) semaphore(%arg19 : memref<!tpu.dma_semaphore, #tpu.memory_space<semaphore_mem>>)
      %dma_wait3A_193 = arith.constant 0 : i32
      %dma_wait3A_194 = arith.constant 0 : i32
      %dma_wait3A_195 = tpu.memref_slice %arg8[%dma_wait3A_193, %dma_wait3A_194] : memref<10112x128xf32, #tpu.memory_space<vmem_shared>> -> memref<10112x128xf32, #tpu.memory_space<vmem_shared>>
      tpu.wait_indirect_dma semaphore(%arg22 : memref<!tpu.dma_semaphore, #tpu.memory_space<semaphore_mem>>) src(%arg10 : memref<80x128xf32, #tpu.memory_space<vmem>>) dst(%dma_wait3A_195 : memref<10112x128xf32, #tpu.memory_space<vmem_shared>>)
    }
    %scan3A_49 = arith.constant 62 : i32
    %dma_wait3A = arith.constant 0 : i32
    %dma_wait3A_50 = arith.constant 0 : i32
    %dma_wait3A_51 = tpu.memref_slice %arg2[%dma_wait3A, %dma_wait3A_50] : memref<20224x128xf32, #tpu.memory_space<hbm>> -> memref<20224x128xf32, #tpu.memory_space<hbm>>
    tpu.wait_indirect_dma semaphore(%arg19 : memref<!tpu.dma_semaphore, #tpu.memory_space<semaphore_mem>>) src(%dma_wait3A_51 : memref<20224x128xf32, #tpu.memory_space<hbm>>) dst(%arg9 : memref<80x128xf32, #tpu.memory_space<vmem>>)
    %scan3A_52 = arith.constant 0 : i32
    %scan3A_53 = arith.constant 0 : i32
    %scan3A_54 = arith.constant 20 : i32
    %scan3A_55 = arith.addi %scan3A_53, %scan3A_54 : i32
    %scan3A_56 = arith.constant 1 : i32
    scf.for %scan3A_65 = %scan3A_53 to %scan3A_55 step %scan3A_56  : i32 {
      %mul3A_66 = arith.constant 4 : i32
      %mul3A_67 = arith.muli %mul3A_66, %scan3A_65 : i32
      %mul3A_68 = arith.constant 4 : i32
      %mul3A_69 = arith.muli %mul3A_68, %scan3A_65 : i32
      %add3A_70 = arith.constant 1 : i32
      %add3A_71 = arith.addi %mul3A_69, %add3A_70 : i32
      %mul3A_72 = arith.constant 4 : i32
      %mul3A_73 = arith.muli %mul3A_72, %scan3A_65 : i32
      %add3A_74 = arith.constant 2 : i32
      %add3A_75 = arith.addi %mul3A_73, %add3A_74 : i32
      %mul3A_76 = arith.constant 4 : i32
      %mul3A_77 = arith.muli %mul3A_76, %scan3A_65 : i32
      %add3A_78 = arith.constant 3 : i32
      %add3A_79 = arith.addi %mul3A_77, %add3A_78 : i32
      %broadcast_in_dim3A = vector.broadcast %mul3A_67 : i32 to vector<16xi32>
      %gather3A = tpu.vector_load_idx %arg17[%broadcast_in_dim3A] : memref<80xf32, #tpu.memory_space<vmem>>[vector<16xi32>], vector<16xf32>,
      %broadcast_in_dim3A_80 = vector.broadcast %add3A_71 : i32 to vector<16xi32>
      %gather3A_81 = tpu.vector_load_idx %arg17[%broadcast_in_dim3A_80] : memref<80xf32, #tpu.memory_space<vmem>>[vector<16xi32>], vector<16xf32>,
      %broadcast_in_dim3A_82 = vector.broadcast %add3A_75 : i32 to vector<16xi32>
      %gather3A_83 = tpu.vector_load_idx %arg17[%broadcast_in_dim3A_82] : memref<80xf32, #tpu.memory_space<vmem>>[vector<16xi32>], vector<16xf32>,
      %broadcast_in_dim3A_84 = vector.broadcast %add3A_79 : i32 to vector<16xi32>
      %gather3A_85 = tpu.vector_load_idx %arg17[%broadcast_in_dim3A_84] : memref<80xf32, #tpu.memory_space<vmem>>[vector<16xi32>], vector<16xf32>,
      %get3A_86 = arith.index_cast %mul3A_67 : i32 to index
      %get3A_87 = arith.constant 0 : index
      %get3A_88 = tpu.vector_load %arg9[%get3A_86, %get3A_87] {strides = array<i32>} : memref<80x128xf32, #tpu.memory_space<vmem>>, vector<16xf32>,
      %mul3A_89 = arith.mulf %get3A_88, %gather3A : vector<16xf32>
      %swap3A_90 = arith.index_cast %mul3A_67 : i32 to index
      %swap3A_91 = arith.constant 0 : index
      %swap3A_92 = tpu.vector_load %arg9[%swap3A_90, %swap3A_91] {strides = array<i32>} : memref<80x128xf32, #tpu.memory_space<vmem>>, vector<16xf32>,
      tpu.vector_store %arg9[%swap3A_90, %swap3A_91], %mul3A_89 {strides = array<i32>} : memref<80x128xf32, #tpu.memory_space<vmem>>, vector<16xf32>,
      %get3A_93 = arith.index_cast %mul3A_67 : i32 to index
      %get3A_94 = arith.constant 16 : index
      %get3A_95 = tpu.vector_load %arg9[%get3A_93, %get3A_94] {strides = array<i32>} : memref<80x128xf32, #tpu.memory_space<vmem>>, vector<16xf32>,
      %mul3A_96 = arith.mulf %get3A_95, %gather3A : vector<16xf32>
      %swap3A_97 = arith.index_cast %mul3A_67 : i32 to index
      %swap3A_98 = arith.constant 16 : index
      %swap3A_99 = tpu.vector_load %arg9[%swap3A_97, %swap3A_98] {strides = array<i32>} : memref<80x128xf32, #tpu.memory_space<vmem>>, vector<16xf32>,
      tpu.vector_store %arg9[%swap3A_97, %swap3A_98], %mul3A_96 {strides = array<i32>} : memref<80x128xf32, #tpu.memory_space<vmem>>, vector<16xf32>,
      %get3A_100 = arith.index_cast %mul3A_67 : i32 to index
      %get3A_101 = arith.constant 32 : index
      %get3A_102 = tpu.vector_load %arg9[%get3A_100, %get3A_101] {strides = array<i32>} : memref<80x128xf32, #tpu.memory_space<vmem>>, vector<16xf32>,
      %mul3A_103 = arith.mulf %get3A_102, %gather3A : vector<16xf32>
      %swap3A_104 = arith.index_cast %mul3A_67 : i32 to index
      %swap3A_105 = arith.constant 32 : index
      %swap3A_106 = tpu.vector_load %arg9[%swap3A_104, %swap3A_105] {strides = array<i32>} : memref<80x128xf32, #tpu.memory_space<vmem>>, vector<16xf32>,
      tpu.vector_store %arg9[%swap3A_104, %swap3A_105], %mul3A_103 {strides = array<i32>} : memref<80x128xf32, #tpu.memory_space<vmem>>, vector<16xf32>,
      %get3A_107 = arith.index_cast %mul3A_67 : i32 to index
      %get3A_108 = arith.constant 48 : index
      %get3A_109 = tpu.vector_load %arg9[%get3A_107, %get3A_108] {strides = array<i32>} : memref<80x128xf32, #tpu.memory_space<vmem>>, vector<16xf32>,
      %mul3A_110 = arith.mulf %get3A_109, %gather3A : vector<16xf32>
      %swap3A_111 = arith.index_cast %mul3A_67 : i32 to index
      %swap3A_112 = arith.constant 48 : index
      %swap3A_113 = tpu.vector_load %arg9[%swap3A_111, %swap3A_112] {strides = array<i32>} : memref<80x128xf32, #tpu.memory_space<vmem>>, vector<16xf32>,
      tpu.vector_store %arg9[%swap3A_111, %swap3A_112], %mul3A_110 {strides = array<i32>} : memref<80x128xf32, #tpu.memory_space<vmem>>, vector<16xf32>,
      %get3A_114 = arith.index_cast %mul3A_67 : i32 to index
      %get3A_115 = arith.constant 64 : index
      %get3A_116 = tpu.vector_load %arg9[%get3A_114, %get3A_115] {strides = array<i32>} : memref<80x128xf32, #tpu.memory_space<vmem>>, vector<16xf32>,
      %mul3A_117 = arith.mulf %get3A_116, %gather3A : vector<16xf32>
      %swap3A_118 = arith.index_cast %mul3A_67 : i32 to index
      %swap3A_119 = arith.constant 64 : index
      %swap3A_120 = tpu.vector_load %arg9[%swap3A_118, %swap3A_119] {strides = array<i32>} : memref<80x128xf32, #tpu.memory_space<vmem>>, vector<16xf32>,
      tpu.vector_store %arg9[%swap3A_118, %swap3A_119], %mul3A_117 {strides = array<i32>} : memref<80x128xf32, #tpu.memory_space<vmem>>, vector<16xf32>,
      %get3A_121 = arith.index_cast %mul3A_67 : i32 to index
      %get3A_122 = arith.constant 80 : index
      %get3A_123 = tpu.vector_load %arg9[%get3A_121, %get3A_122] {strides = array<i32>} : memref<80x128xf32, #tpu.memory_space<vmem>>, vector<16xf32>,
      %mul3A_124 = arith.mulf %get3A_123, %gather3A : vector<16xf32>
      %swap3A_125 = arith.index_cast %mul3A_67 : i32 to index
      %swap3A_126 = arith.constant 80 : index
      %swap3A_127 = tpu.vector_load %arg9[%swap3A_125, %swap3A_126] {strides = array<i32>} : memref<80x128xf32, #tpu.memory_space<vmem>>, vector<16xf32>,
      tpu.vector_store %arg9[%swap3A_125, %swap3A_126], %mul3A_124 {strides = array<i32>} : memref<80x128xf32, #tpu.memory_space<vmem>>, vector<16xf32>,
      %get3A_128 = arith.index_cast %mul3A_67 : i32 to index
      %get3A_129 = arith.constant 96 : index
      %get3A_130 = tpu.vector_load %arg9[%get3A_128, %get3A_129] {strides = array<i32>} : memref<80x128xf32, #tpu.memory_space<vmem>>, vector<16xf32>,
      %mul3A_131 = arith.mulf %get3A_130, %gather3A : vector<16xf32>
      %swap3A_132 = arith.index_cast %mul3A_67 : i32 to index
      %swap3A_133 = arith.constant 96 : index
      %swap3A_134 = tpu.vector_load %arg9[%swap3A_132, %swap3A_133] {strides = array<i32>} : memref<80x128xf32, #tpu.memory_space<vmem>>, vector<16xf32>,
      tpu.vector_store %arg9[%swap3A_132, %swap3A_133], %mul3A_131 {strides = array<i32>} : memref<80x128xf32, #tpu.memory_space<vmem>>, vector<16xf32>,
      %get3A_135 = arith.index_cast %mul3A_67 : i32 to index
      %get3A_136 = arith.constant 112 : index
      %get3A_137 = tpu.vector_load %arg9[%get3A_135, %get3A_136] {strides = array<i32>} : memref<80x128xf32, #tpu.memory_space<vmem>>, vector<16xf32>,
      %mul3A_138 = arith.mulf %get3A_137, %gather3A : vector<16xf32>
      %swap3A_139 = arith.index_cast %mul3A_67 : i32 to index
      %swap3A_140 = arith.constant 112 : index
      %swap3A_141 = tpu.vector_load %arg9[%swap3A_139, %swap3A_140] {strides = array<i32>} : memref<80x128xf32, #tpu.memory_space<vmem>>, vector<16xf32>,
      tpu.vector_store %arg9[%swap3A_139, %swap3A_140], %mul3A_138 {strides = array<i32>} : memref<80x128xf32, #tpu.memory_space<vmem>>, vector<16xf32>,
      %get3A_142 = arith.index_cast %add3A_71 : i32 to index
      %get3A_143 = arith.constant 0 : index
      %get3A_144 = tpu.vector_load %arg9[%get3A_142, %get3A_143] {strides = array<i32>} : memref<80x128xf32, #tpu.memory_space<vmem>>, vector<16xf32>,
      %mul3A_145 = arith.mulf %get3A_144, %gather3A_81 : vector<16xf32>
      %swap3A_146 = arith.index_cast %add3A_71 : i32 to index
      %swap3A_147 = arith.constant 0 : index
      %swap3A_148 = tpu.vector_load %arg9[%swap3A_146, %swap3A_147] {strides = array<i32>} : memref<80x128xf32, #tpu.memory_space<vmem>>, vector<16xf32>,
      tpu.vector_store %arg9[%swap3A_146, %swap3A_147], %mul3A_145 {strides = array<i32>} : memref<80x128xf32, #tpu.memory_space<vmem>>, vector<16xf32>,
      %get3A_149 = arith.index_cast %add3A_71 : i32 to index
      %get3A_150 = arith.constant 16 : index
      %get3A_151 = tpu.vector_load %arg9[%get3A_149, %get3A_150] {strides = array<i32>} : memref<80x128xf32, #tpu.memory_space<vmem>>, vector<16xf32>,
      %mul3A_152 = arith.mulf %get3A_151, %gather3A_81 : vector<16xf32>
      %swap3A_153 = arith.index_cast %add3A_71 : i32 to index
      %swap3A_154 = arith.constant 16 : index
      %swap3A_155 = tpu.vector_load %arg9[%swap3A_153, %swap3A_154] {strides = array<i32>} : memref<80x128xf32, #tpu.memory_space<vmem>>, vector<16xf32>,
      tpu.vector_store %arg9[%swap3A_153, %swap3A_154], %mul3A_152 {strides = array<i32>} : memref<80x128xf32, #tpu.memory_space<vmem>>, vector<16xf32>,
      %get3A_156 = arith.index_cast %add3A_71 : i32 to index
      %get3A_157 = arith.constant 32 : index
      %get3A_158 = tpu.vector_load %arg9[%get3A_156, %get3A_157] {strides = array<i32>} : memref<80x128xf32, #tpu.memory_space<vmem>>, vector<16xf32>,
      %mul3A_159 = arith.mulf %get3A_158, %gather3A_81 : vector<16xf32>
      %swap3A_160 = arith.index_cast %add3A_71 : i32 to index
      %swap3A_161 = arith.constant 32 : index
      %swap3A_162 = tpu.vector_load %arg9[%swap3A_160, %swap3A_161] {strides = array<i32>} : memref<80x128xf32, #tpu.memory_space<vmem>>, vector<16xf32>,
      tpu.vector_store %arg9[%swap3A_160, %swap3A_161], %mul3A_159 {strides = array<i32>} : memref<80x128xf32, #tpu.memory_space<vmem>>, vector<16xf32>,
      %get3A_163 = arith.index_cast %add3A_71 : i32 to index
      %get3A_164 = arith.constant 48 : index
      %get3A_165 = tpu.vector_load %arg9[%get3A_163, %get3A_164] {strides = array<i32>} : memref<80x128xf32, #tpu.memory_space<vmem>>, vector<16xf32>,
      %mul3A_166 = arith.mulf %get3A_165, %gather3A_81 : vector<16xf32>
      %swap3A_167 = arith.index_cast %add3A_71 : i32 to index
      %swap3A_168 = arith.constant 48 : index
      %swap3A_169 = tpu.vector_load %arg9[%swap3A_167, %swap3A_168] {strides = array<i32>} : memref<80x128xf32, #tpu.memory_space<vmem>>, vector<16xf32>,
      tpu.vector_store %arg9[%swap3A_167, %swap3A_168], %mul3A_166 {strides = array<i32>} : memref<80x128xf32, #tpu.memory_space<vmem>>, vector<16xf32>,
      %get3A_170 = arith.index_cast %add3A_71 : i32 to index
      %get3A_171 = arith.constant 64 : index
      %get3A_172 = tpu.vector_load %arg9[%get3A_170, %get3A_171] {strides = array<i32>} : memref<80x128xf32, #tpu.memory_space<vmem>>, vector<16xf32>,
      %mul3A_173 = arith.mulf %get3A_172, %gather3A_81 : vector<16xf32>
      %swap3A_174 = arith.index_cast %add3A_71 : i32 to index
      %swap3A_175 = arith.constant 64 : index
      %swap3A_176 = tpu.vector_load %arg9[%swap3A_174, %swap3A_175] {strides = array<i32>} : memref<80x128xf32, #tpu.memory_space<vmem>>, vector<16xf32>,
      tpu.vector_store %arg9[%swap3A_174, %swap3A_175], %mul3A_173 {strides = array<i32>} : memref<80x128xf32, #tpu.memory_space<vmem>>, vector<16xf32>,
      %get3A_177 = arith.index_cast %add3A_71 : i32 to index
      %get3A_178 = arith.constant 80 : index
      %get3A_179 = tpu.vector_load %arg9[%get3A_177, %get3A_178] {strides = array<i32>} : memref<80x128xf32, #tpu.memory_space<vmem>>, vector<16xf32>,
      %mul3A_180 = arith.mulf %get3A_179, %gather3A_81 : vector<16xf32>
      %swap3A_181 = arith.index_cast %add3A_71 : i32 to index
      %swap3A_182 = arith.constant 80 : index
      %swap3A_183 = tpu.vector_load %arg9[%swap3A_181, %swap3A_182] {strides = array<i32>} : memref<80x128xf32, #tpu.memory_space<vmem>>, vector<16xf32>,
      tpu.vector_store %arg9[%swap3A_181, %swap3A_182], %mul3A_180 {strides = array<i32>} : memref<80x128xf32, #tpu.memory_space<vmem>>, vector<16xf32>,
      %get3A_184 = arith.index_cast %add3A_71 : i32 to index
      %get3A_185 = arith.constant 96 : index
      %get3A_186 = tpu.vector_load %arg9[%get3A_184, %get3A_185] {strides = array<i32>} : memref<80x128xf32, #tpu.memory_space<vmem>>, vector<16xf32>,
      %mul3A_187 = arith.mulf %get3A_186, %gather3A_81 : vector<16xf32>
      %swap3A_188 = arith.index_cast %add3A_71 : i32 to index
      %swap3A_189 = arith.constant 96 : index
      %swap3A_190 = tpu.vector_load %arg9[%swap3A_188, %swap3A_189] {strides = array<i32>} : memref<80x128xf32, #tpu.memory_space<vmem>>, vector<16xf32>,
      tpu.vector_store %arg9[%swap3A_188, %swap3A_189], %mul3A_187 {strides = array<i32>} : memref<80x128xf32, #tpu.memory_space<vmem>>, vector<16xf32>,
      %get3A_191 = arith.index_cast %add3A_71 : i32 to index
      %get3A_192 = arith.constant 112 : index
      %get3A_193 = tpu.vector_load %arg9[%get3A_191, %get3A_192] {strides = array<i32>} : memref<80x128xf32, #tpu.memory_space<vmem>>, vector<16xf32>,
      %mul3A_194 = arith.mulf %get3A_193, %gather3A_81 : vector<16xf32>
      %swap3A_195 = arith.index_cast %add3A_71 : i32 to index
      %swap3A_196 = arith.constant 112 : index
      %swap3A_197 = tpu.vector_load %arg9[%swap3A_195, %swap3A_196] {strides = array<i32>} : memref<80x128xf32, #tpu.memory_space<vmem>>, vector<16xf32>,
      tpu.vector_store %arg9[%swap3A_195, %swap3A_196], %mul3A_194 {strides = array<i32>} : memref<80x128xf32, #tpu.memory_space<vmem>>, vector<16xf32>,
      %get3A_198 = arith.index_cast %add3A_75 : i32 to index
      %get3A_199 = arith.constant 0 : index
      %get3A_200 = tpu.vector_load %arg9[%get3A_198, %get3A_199] {strides = array<i32>} : memref<80x128xf32, #tpu.memory_space<vmem>>, vector<16xf32>,
      %mul3A_201 = arith.mulf %get3A_200, %gather3A_83 : vector<16xf32>
      %swap3A_202 = arith.index_cast %add3A_75 : i32 to index
      %swap3A_203 = arith.constant 0 : index
      %swap3A_204 = tpu.vector_load %arg9[%swap3A_202, %swap3A_203] {strides = array<i32>} : memref<80x128xf32, #tpu.memory_space<vmem>>, vector<16xf32>,
      tpu.vector_store %arg9[%swap3A_202, %swap3A_203], %mul3A_201 {strides = array<i32>} : memref<80x128xf32, #tpu.memory_space<vmem>>, vector<16xf32>,
      %get3A_205 = arith.index_cast %add3A_75 : i32 to index
      %get3A_206 = arith.constant 16 : index
      %get3A_207 = tpu.vector_load %arg9[%get3A_205, %get3A_206] {strides = array<i32>} : memref<80x128xf32, #tpu.memory_space<vmem>>, vector<16xf32>,
      %mul3A_208 = arith.mulf %get3A_207, %gather3A_83 : vector<16xf32>
      %swap3A_209 = arith.index_cast %add3A_75 : i32 to index
      %swap3A_210 = arith.constant 16 : index
      %swap3A_211 = tpu.vector_load %arg9[%swap3A_209, %swap3A_210] {strides = array<i32>} : memref<80x128xf32, #tpu.memory_space<vmem>>, vector<16xf32>,
      tpu.vector_store %arg9[%swap3A_209, %swap3A_210], %mul3A_208 {strides = array<i32>} : memref<80x128xf32, #tpu.memory_space<vmem>>, vector<16xf32>,
      %get3A_212 = arith.index_cast %add3A_75 : i32 to index
      %get3A_213 = arith.constant 32 : index
      %get3A_214 = tpu.vector_load %arg9[%get3A_212, %get3A_213] {strides = array<i32>} : memref<80x128xf32, #tpu.memory_space<vmem>>, vector<16xf32>,
      %mul3A_215 = arith.mulf %get3A_214, %gather3A_83 : vector<16xf32>
      %swap3A_216 = arith.index_cast %add3A_75 : i32 to index
      %swap3A_217 = arith.constant 32 : index
      %swap3A_218 = tpu.vector_load %arg9[%swap3A_216, %swap3A_217] {strides = array<i32>} : memref<80x128xf32, #tpu.memory_space<vmem>>, vector<16xf32>,
      tpu.vector_store %arg9[%swap3A_216, %swap3A_217], %mul3A_215 {strides = array<i32>} : memref<80x128xf32, #tpu.memory_space<vmem>>, vector<16xf32>,
      %get3A_219 = arith.index_cast %add3A_75 : i32 to index
      %get3A_220 = arith.constant 48 : index
      %get3A_221 = tpu.vector_load %arg9[%get3A_219, %get3A_220] {strides = array<i32>} : memref<80x128xf32, #tpu.memory_space<vmem>>, vector<16xf32>,
      %mul3A_222 = arith.mulf %get3A_221, %gather3A_83 : vector<16xf32>
      %swap3A_223 = arith.index_cast %add3A_75 : i32 to index
      %swap3A_224 = arith.constant 48 : index
      %swap3A_225 = tpu.vector_load %arg9[%swap3A_223, %swap3A_224] {strides = array<i32>} : memref<80x128xf32, #tpu.memory_space<vmem>>, vector<16xf32>,
      tpu.vector_store %arg9[%swap3A_223, %swap3A_224], %mul3A_222 {strides = array<i32>} : memref<80x128xf32, #tpu.memory_space<vmem>>, vector<16xf32>,
      %get3A_226 = arith.index_cast %add3A_75 : i32 to index
      %get3A_227 = arith.constant 64 : index
      %get3A_228 = tpu.vector_load %arg9[%get3A_226, %get3A_227] {strides = array<i32>} : memref<80x128xf32, #tpu.memory_space<vmem>>, vector<16xf32>,
      %mul3A_229 = arith.mulf %get3A_228, %gather3A_83 : vector<16xf32>
      %swap3A_230 = arith.index_cast %add3A_75 : i32 to index
      %swap3A_231 = arith.constant 64 : index
      %swap3A_232 = tpu.vector_load %arg9[%swap3A_230, %swap3A_231] {strides = array<i32>} : memref<80x128xf32, #tpu.memory_space<vmem>>, vector<16xf32>,
      tpu.vector_store %arg9[%swap3A_230, %swap3A_231], %mul3A_229 {strides = array<i32>} : memref<80x128xf32, #tpu.memory_space<vmem>>, vector<16xf32>,
      %get3A_233 = arith.index_cast %add3A_75 : i32 to index
      %get3A_234 = arith.constant 80 : index
      %get3A_235 = tpu.vector_load %arg9[%get3A_233, %get3A_234] {strides = array<i32>} : memref<80x128xf32, #tpu.memory_space<vmem>>, vector<16xf32>,
      %mul3A_236 = arith.mulf %get3A_235, %gather3A_83 : vector<16xf32>
      %swap3A_237 = arith.index_cast %add3A_75 : i32 to index
      %swap3A_238 = arith.constant 80 : index
      %swap3A_239 = tpu.vector_load %arg9[%swap3A_237, %swap3A_238] {strides = array<i32>} : memref<80x128xf32, #tpu.memory_space<vmem>>, vector<16xf32>,
      tpu.vector_store %arg9[%swap3A_237, %swap3A_238], %mul3A_236 {strides = array<i32>} : memref<80x128xf32, #tpu.memory_space<vmem>>, vector<16xf32>,
      %get3A_240 = arith.index_cast %add3A_75 : i32 to index
      %get3A_241 = arith.constant 96 : index
      %get3A_242 = tpu.vector_load %arg9[%get3A_240, %get3A_241] {strides = array<i32>} : memref<80x128xf32, #tpu.memory_space<vmem>>, vector<16xf32>,
      %mul3A_243 = arith.mulf %get3A_242, %gather3A_83 : vector<16xf32>
      %swap3A_244 = arith.index_cast %add3A_75 : i32 to index
      %swap3A_245 = arith.constant 96 : index
      %swap3A_246 = tpu.vector_load %arg9[%swap3A_244, %swap3A_245] {strides = array<i32>} : memref<80x128xf32, #tpu.memory_space<vmem>>, vector<16xf32>,
      tpu.vector_store %arg9[%swap3A_244, %swap3A_245], %mul3A_243 {strides = array<i32>} : memref<80x128xf32, #tpu.memory_space<vmem>>, vector<16xf32>,
      %get3A_247 = arith.index_cast %add3A_75 : i32 to index
      %get3A_248 = arith.constant 112 : index
      %get3A_249 = tpu.vector_load %arg9[%get3A_247, %get3A_248] {strides = array<i32>} : memref<80x128xf32, #tpu.memory_space<vmem>>, vector<16xf32>,
      %mul3A_250 = arith.mulf %get3A_249, %gather3A_83 : vector<16xf32>
      %swap3A_251 = arith.index_cast %add3A_75 : i32 to index
      %swap3A_252 = arith.constant 112 : index
      %swap3A_253 = tpu.vector_load %arg9[%swap3A_251, %swap3A_252] {strides = array<i32>} : memref<80x128xf32, #tpu.memory_space<vmem>>, vector<16xf32>,
      tpu.vector_store %arg9[%swap3A_251, %swap3A_252], %mul3A_250 {strides = array<i32>} : memref<80x128xf32, #tpu.memory_space<vmem>>, vector<16xf32>,
      %get3A_254 = arith.index_cast %add3A_79 : i32 to index
      %get3A_255 = arith.constant 0 : index
      %get3A_256 = tpu.vector_load %arg9[%get3A_254, %get3A_255] {strides = array<i32>} : memref<80x128xf32, #tpu.memory_space<vmem>>, vector<16xf32>,
      %mul3A_257 = arith.mulf %get3A_256, %gather3A_85 : vector<16xf32>
      %swap3A_258 = arith.index_cast %add3A_79 : i32 to index
      %swap3A_259 = arith.constant 0 : index
      %swap3A_260 = tpu.vector_load %arg9[%swap3A_258, %swap3A_259] {strides = array<i32>} : memref<80x128xf32, #tpu.memory_space<vmem>>, vector<16xf32>,
      tpu.vector_store %arg9[%swap3A_258, %swap3A_259], %mul3A_257 {strides = array<i32>} : memref<80x128xf32, #tpu.memory_space<vmem>>, vector<16xf32>,
      %get3A_261 = arith.index_cast %add3A_79 : i32 to index
      %get3A_262 = arith.constant 16 : index
      %get3A_263 = tpu.vector_load %arg9[%get3A_261, %get3A_262] {strides = array<i32>} : memref<80x128xf32, #tpu.memory_space<vmem>>, vector<16xf32>,
      %mul3A_264 = arith.mulf %get3A_263, %gather3A_85 : vector<16xf32>
      %swap3A_265 = arith.index_cast %add3A_79 : i32 to index
      %swap3A_266 = arith.constant 16 : index
      %swap3A_267 = tpu.vector_load %arg9[%swap3A_265, %swap3A_266] {strides = array<i32>} : memref<80x128xf32, #tpu.memory_space<vmem>>, vector<16xf32>,
      tpu.vector_store %arg9[%swap3A_265, %swap3A_266], %mul3A_264 {strides = array<i32>} : memref<80x128xf32, #tpu.memory_space<vmem>>, vector<16xf32>,
      %get3A_268 = arith.index_cast %add3A_79 : i32 to index
      %get3A_269 = arith.constant 32 : index
      %get3A_270 = tpu.vector_load %arg9[%get3A_268, %get3A_269] {strides = array<i32>} : memref<80x128xf32, #tpu.memory_space<vmem>>, vector<16xf32>,
      %mul3A_271 = arith.mulf %get3A_270, %gather3A_85 : vector<16xf32>
      %swap3A_272 = arith.index_cast %add3A_79 : i32 to index
      %swap3A_273 = arith.constant 32 : index
      %swap3A_274 = tpu.vector_load %arg9[%swap3A_272, %swap3A_273] {strides = array<i32>} : memref<80x128xf32, #tpu.memory_space<vmem>>, vector<16xf32>,
      tpu.vector_store %arg9[%swap3A_272, %swap3A_273], %mul3A_271 {strides = array<i32>} : memref<80x128xf32, #tpu.memory_space<vmem>>, vector<16xf32>,
      %get3A_275 = arith.index_cast %add3A_79 : i32 to index
      %get3A_276 = arith.constant 48 : index
      %get3A_277 = tpu.vector_load %arg9[%get3A_275, %get3A_276] {strides = array<i32>} : memref<80x128xf32, #tpu.memory_space<vmem>>, vector<16xf32>,
      %mul3A_278 = arith.mulf %get3A_277, %gather3A_85 : vector<16xf32>
      %swap3A_279 = arith.index_cast %add3A_79 : i32 to index
      %swap3A_280 = arith.constant 48 : index
      %swap3A_281 = tpu.vector_load %arg9[%swap3A_279, %swap3A_280] {strides = array<i32>} : memref<80x128xf32, #tpu.memory_space<vmem>>, vector<16xf32>,
      tpu.vector_store %arg9[%swap3A_279, %swap3A_280], %mul3A_278 {strides = array<i32>} : memref<80x128xf32, #tpu.memory_space<vmem>>, vector<16xf32>,
      %get3A_282 = arith.index_cast %add3A_79 : i32 to index
      %get3A_283 = arith.constant 64 : index
      %get3A_284 = tpu.vector_load %arg9[%get3A_282, %get3A_283] {strides = array<i32>} : memref<80x128xf32, #tpu.memory_space<vmem>>, vector<16xf32>,
      %mul3A_285 = arith.mulf %get3A_284, %gather3A_85 : vector<16xf32>
      %swap3A_286 = arith.index_cast %add3A_79 : i32 to index
      %swap3A_287 = arith.constant 64 : index
      %swap3A_288 = tpu.vector_load %arg9[%swap3A_286, %swap3A_287] {strides = array<i32>} : memref<80x128xf32, #tpu.memory_space<vmem>>, vector<16xf32>,
      tpu.vector_store %arg9[%swap3A_286, %swap3A_287], %mul3A_285 {strides = array<i32>} : memref<80x128xf32, #tpu.memory_space<vmem>>, vector<16xf32>,
      %get3A_289 = arith.index_cast %add3A_79 : i32 to index
      %get3A_290 = arith.constant 80 : index
      %get3A_291 = tpu.vector_load %arg9[%get3A_289, %get3A_290] {strides = array<i32>} : memref<80x128xf32, #tpu.memory_space<vmem>>, vector<16xf32>,
      %mul3A_292 = arith.mulf %get3A_291, %gather3A_85 : vector<16xf32>
      %swap3A_293 = arith.index_cast %add3A_79 : i32 to index
      %swap3A_294 = arith.constant 80 : index
      %swap3A_295 = tpu.vector_load %arg9[%swap3A_293, %swap3A_294] {strides = array<i32>} : memref<80x128xf32, #tpu.memory_space<vmem>>, vector<16xf32>,
      tpu.vector_store %arg9[%swap3A_293, %swap3A_294], %mul3A_292 {strides = array<i32>} : memref<80x128xf32, #tpu.memory_space<vmem>>, vector<16xf32>,
      %get3A_296 = arith.index_cast %add3A_79 : i32 to index
      %get3A_297 = arith.constant 96 : index
      %get3A_298 = tpu.vector_load %arg9[%get3A_296, %get3A_297] {strides = array<i32>} : memref<80x128xf32, #tpu.memory_space<vmem>>, vector<16xf32>,
      %mul3A_299 = arith.mulf %get3A_298, %gather3A_85 : vector<16xf32>
      %swap3A_300 = arith.index_cast %add3A_79 : i32 to index
      %swap3A_301 = arith.constant 96 : index
      %swap3A_302 = tpu.vector_load %arg9[%swap3A_300, %swap3A_301] {strides = array<i32>} : memref<80x128xf32, #tpu.memory_space<vmem>>, vector<16xf32>,
      tpu.vector_store %arg9[%swap3A_300, %swap3A_301], %mul3A_299 {strides = array<i32>} : memref<80x128xf32, #tpu.memory_space<vmem>>, vector<16xf32>,
      %get3A_303 = arith.index_cast %add3A_79 : i32 to index
      %get3A_304 = arith.constant 112 : index
      %get3A_305 = tpu.vector_load %arg9[%get3A_303, %get3A_304] {strides = array<i32>} : memref<80x128xf32, #tpu.memory_space<vmem>>, vector<16xf32>,
      %mul3A_306 = arith.mulf %get3A_305, %gather3A_85 : vector<16xf32>
      %swap3A_307 = arith.index_cast %add3A_79 : i32 to index
      %swap3A_308 = arith.constant 112 : index
      %swap3A_309 = tpu.vector_load %arg9[%swap3A_307, %swap3A_308] {strides = array<i32>} : memref<80x128xf32, #tpu.memory_space<vmem>>, vector<16xf32>,
      tpu.vector_store %arg9[%swap3A_307, %swap3A_308], %mul3A_306 {strides = array<i32>} : memref<80x128xf32, #tpu.memory_space<vmem>>, vector<16xf32>,
    }
    %scan3A_57 = arith.constant 20 : i32
    "tpu.region"() ({
      %run_scoped3A = tpu.sem_alloc : memref<!tpu.dma_semaphore, #tpu.memory_space<semaphore_mem>>
      %dma_start3A_65 = arith.constant 0 : i32
      %dma_start3A_66 = arith.constant 0 : i32
      %dma_start3A_67 = tpu.memref_slice %arg8[%dma_start3A_65, %dma_start3A_66] : memref<10112x128xf32, #tpu.memory_space<vmem_shared>> -> memref<10112x128xf32, #tpu.memory_space<vmem_shared>>
      tpu.enqueue_indirect_dma source(%arg9 : memref<80x128xf32, #tpu.memory_space<vmem>>) target(%dma_start3A_67 : memref<10112x128xf32, #tpu.memory_space<vmem_shared>>) offsets(%arg15 : memref<80xi32, #tpu.memory_space<vmem>>) semaphore(%run_scoped3A : memref<!tpu.dma_semaphore, #tpu.memory_space<semaphore_mem>>) {add = true}
      %dma_wait3A_68 = arith.constant 0 : i32
      %dma_wait3A_69 = arith.constant 0 : i32
      %dma_wait3A_70 = tpu.memref_slice %arg8[%dma_wait3A_68, %dma_wait3A_69] : memref<10112x128xf32, #tpu.memory_space<vmem_shared>> -> memref<10112x128xf32, #tpu.memory_space<vmem_shared>>
      tpu.wait_indirect_dma semaphore(%run_scoped3A : memref<!tpu.dma_semaphore, #tpu.memory_space<semaphore_mem>>) src(%arg9 : memref<80x128xf32, #tpu.memory_space<vmem>>) dst(%dma_wait3A_70 : memref<10112x128xf32, #tpu.memory_space<vmem_shared>>)
      tpu.yield
    }) : () -> ()
    %barrier3A_58 = arith.constant 0 : index
    tpu.barrier barrier_id(%barrier3A_58)
    %mul3A_59 = arith.constant 10112 : i32
    %mul3A_60 = arith.muli %arg0, %mul3A_59 : i32
    %mul3A_61 = arith.constant 632 : i32
    %mul3A_62 = arith.muli %arg1, %mul3A_61 : i32
    %add3A_63 = arith.addi %mul3A_60, %mul3A_62 : i32
    %multiple_of3A_64 = tpu.assume_multiple %add3A_63, 8 : i32
    "tpu.region"() ({
      %run_scoped3A = tpu.sem_alloc : memref<!tpu.dma_semaphore, #tpu.memory_space<semaphore_mem>>
      %dma_start3A_65 = arith.constant 0 : i32
      %dma_start3A_66 = tpu.memref_slice %arg7[%multiple_of3A_64, %dma_start3A_65] : memref<20224x128xf32, #tpu.memory_space<hbm>> -> memref<632x128xf32, #tpu.memory_space<hbm>>
      %dma_start3A_67 = arith.constant 0 : i32
      %dma_start3A_68 = tpu.memref_slice %arg8[%multiple_of3A, %dma_start3A_67] : memref<10112x128xf32, #tpu.memory_space<vmem_shared>> -> memref<632x128xf32, #tpu.memory_space<vmem_shared>>
      tpu.enqueue_dma source(%dma_start3A_68 : memref<632x128xf32, #tpu.memory_space<vmem_shared>>) target(%dma_start3A_66 : memref<632x128xf32, #tpu.memory_space<hbm>>) target_semaphore(%run_scoped3A : memref<!tpu.dma_semaphore, #tpu.memory_space<semaphore_mem>>)
      %dma_wait3A_69 = arith.constant 0 : i32
      %dma_wait3A_70 = tpu.memref_slice %arg7[%multiple_of3A_64, %dma_wait3A_69] : memref<20224x128xf32, #tpu.memory_space<hbm>> -> memref<632x128xf32, #tpu.memory_space<hbm>>
      %dma_wait3A_71 = arith.constant 0 : i32
      %dma_wait3A_72 = tpu.memref_slice %arg8[%multiple_of3A, %dma_wait3A_71] : memref<10112x128xf32, #tpu.memory_space<vmem_shared>> -> memref<632x128xf32, #tpu.memory_space<vmem_shared>>
      tpu.wait_dma2 semaphore(%run_scoped3A : memref<!tpu.dma_semaphore, #tpu.memory_space<semaphore_mem>>) src(%dma_wait3A_72 : memref<632x128xf32, #tpu.memory_space<vmem_shared>>) dst(%dma_wait3A_70 : memref<632x128xf32, #tpu.memory_space<hbm>>)
      tpu.yield
    }) : () -> ()
    return
  }
}

#map = affine_map<(d0, d1) -> (0, 0)>
#map1 = affine_map<(d0, d1) -> (0)>
module attributes {stable_mosaic.version = 14 : i64} {
  func.func @_spmm_body(%arg0: i32, %arg1: i32, %arg2: memref<20224x128xf32, #tpu.memory_space<hbm>>, %arg3: memref<160000xi32, #tpu.memory_space<hbm>>, %arg4: memref<160000xi32, #tpu.memory_space<hbm>>, %arg5: memref<160000xf32, #tpu.memory_space<hbm>>, %arg6: memref<10112x128xf32, #tpu.memory_space<hbm>>, %arg7: memref<20224x128xf32, #tpu.memory_space<hbm>>, %arg8: memref<10112x128xf32, #tpu.memory_space<vmem_shared>>, %arg9: memref<80x128xf32, #tpu.memory_space<vmem>>, %arg10: memref<80x128xf32, #tpu.memory_space<vmem>>, %arg11: memref<80xi32, #tpu.memory_space<vmem>>, %arg12: memref<80xi32, #tpu.memory_space<vmem>>, %arg13: memref<80xi32, #tpu.memory_space<vmem>>, %arg14: memref<80xi32, #tpu.memory_space<vmem>>, %arg15: memref<80xi32, #tpu.memory_space<vmem>>, %arg16: memref<80xi32, #tpu.memory_space<vmem>>, %arg17: memref<80xf32, #tpu.memory_space<vmem>>, %arg18: memref<80xf32, #tpu.memory_space<vmem>>, %arg19: memref<!tpu.dma_semaphore, #tpu.memory_space<semaphore_mem>>, %arg20: memref<!tpu.dma_semaphore, #tpu.memory_space<semaphore_mem>>, %arg21: memref<!tpu.dma_semaphore, #tpu.memory_space<semaphore_mem>>, %arg22: memref<!tpu.dma_semaphore, #tpu.memory_space<semaphore_mem>>) attributes {dimension_semantics = [#tpu.dimension_semantics<core_parallel>, #tpu.dimension_semantics<subcore_parallel>], iteration_bounds = array<i64: 2, 16>, scalar_prefetch = 0 : i64, scratch_operands = 15 : i64, tpu.core_type = #tpu.core_type<sc_vector_subcore>, window_params = [{transform_indices = #map}, {transform_indices = #map1}, {transform_indices = #map1}, {transform_indices = #map1}, {transform_indices = #map}, {transform_indices = #map}]} {
    %mul3A = arith.constant 632 : i32
    %mul3A_0 = arith.muli %arg1, %mul3A : i32
    %multiple_of3A = tpu.assume_multiple %mul3A_0, 8 : i32
    "tpu.region"() ({
      %run_scoped3A = tpu.sem_alloc : memref<!tpu.dma_semaphore, #tpu.memory_space<semaphore_mem>>
      %dma_start3A_65 = arith.constant 0 : i32
      %dma_start3A_66 = tpu.memref_slice %arg8[%multiple_of3A, %dma_start3A_65] : memref<10112x128xf32, #tpu.memory_space<vmem_shared>> -> memref<632x128xf32, #tpu.memory_space<vmem_shared>>
      %dma_start3A_67 = arith.constant 0 : i32
      %dma_start3A_68 = tpu.memref_slice %arg6[%multiple_of3A, %dma_start3A_67] : memref<10112x128xf32, #tpu.memory_space<hbm>> -> memref<632x128xf32, #tpu.memory_space<hbm>>
      tpu.enqueue_dma source(%dma_start3A_68 : memref<632x128xf32, #tpu.memory_space<hbm>>) target(%dma_start3A_66 : memref<632x128xf32, #tpu.memory_space<vmem_shared>>) target_semaphore(%run_scoped3A : memref<!tpu.dma_semaphore, #tpu.memory_space<semaphore_mem>>)
      %dma_wait3A_69 = arith.constant 0 : i32
      %dma_wait3A_70 = tpu.memref_slice %arg8[%multiple_of3A, %dma_wait3A_69] : memref<10112x128xf32, #tpu.memory_space<vmem_shared>> -> memref<632x128xf32, #tpu.memory_space<vmem_shared>>
      %dma_wait3A_71 = arith.constant 0 : i32
      %dma_wait3A_72 = tpu.memref_slice %arg6[%multiple_of3A, %dma_wait3A_71] : memref<10112x128xf32, #tpu.memory_space<hbm>> -> memref<632x128xf32, #tpu.memory_space<hbm>>
      tpu.wait_dma2 semaphore(%run_scoped3A : memref<!tpu.dma_semaphore, #tpu.memory_space<semaphore_mem>>) src(%dma_wait3A_72 : memref<632x128xf32, #tpu.memory_space<hbm>>) dst(%dma_wait3A_70 : memref<632x128xf32, #tpu.memory_space<vmem_shared>>)
      tpu.yield
    }) : () -> ()
    %barrier3A = arith.constant 0 : index
    tpu.barrier barrier_id(%barrier3A)
    %mul3A_1 = arith.constant 10000 : i32
    %mul3A_2 = arith.muli %arg1, %mul3A_1 : i32
    %add3A = arith.constant 0 : i32
    %add3A_3 = arith.addi %mul3A_2, %add3A : i32
    %multiple_of3A_4 = tpu.assume_multiple %add3A_3, 8 : i32
    "tpu.region"() ({
      %run_scoped3A = tpu.sem_alloc : memref<!tpu.dma_semaphore, #tpu.memory_space<semaphore_mem>>
      %dma_start3A_65 = tpu.memref_slice %arg3[%multiple_of3A_4] : memref<160000xi32, #tpu.memory_space<hbm>> -> memref<80xi32, #tpu.memory_space<hbm>>
      %dma_start3A_66 = tpu.memref_slice %arg3[%multiple_of3A_4] : memref<160000xi32, #tpu.memory_space<hbm>> -> memref<80xi32, #tpu.memory_space<hbm>>
      tpu.enqueue_dma source(%dma_start3A_66 : memref<80xi32, #tpu.memory_space<hbm>>) target(%arg11 : memref<80xi32, #tpu.memory_space<vmem>>) target_semaphore(%run_scoped3A : memref<!tpu.dma_semaphore, #tpu.memory_space<semaphore_mem>>)
      %dma_wait3A_67 = tpu.memref_slice %arg3[%multiple_of3A_4] : memref<160000xi32, #tpu.memory_space<hbm>> -> memref<80xi32, #tpu.memory_space<hbm>>
      %dma_wait3A_68 = tpu.memref_slice %arg3[%multiple_of3A_4] : memref<160000xi32, #tpu.memory_space<hbm>> -> memref<80xi32, #tpu.memory_space<hbm>>
      tpu.wait_dma2 semaphore(%run_scoped3A : memref<!tpu.dma_semaphore, #tpu.memory_space<semaphore_mem>>) src(%dma_wait3A_68 : memref<80xi32, #tpu.memory_space<hbm>>) dst(%arg11 : memref<80xi32, #tpu.memory_space<vmem>>)
      tpu.yield
    }) : () -> ()
    "tpu.region"() ({
      %run_scoped3A = tpu.sem_alloc : memref<!tpu.dma_semaphore, #tpu.memory_space<semaphore_mem>>
      %dma_start3A_65 = tpu.memref_slice %arg4[%multiple_of3A_4] : memref<160000xi32, #tpu.memory_space<hbm>> -> memref<80xi32, #tpu.memory_space<hbm>>
      %dma_start3A_66 = tpu.memref_slice %arg4[%multiple_of3A_4] : memref<160000xi32, #tpu.memory_space<hbm>> -> memref<80xi32, #tpu.memory_space<hbm>>
      tpu.enqueue_dma source(%dma_start3A_66 : memref<80xi32, #tpu.memory_space<hbm>>) target(%arg15 : memref<80xi32, #tpu.memory_space<vmem>>) target_semaphore(%run_scoped3A : memref<!tpu.dma_semaphore, #tpu.memory_space<semaphore_mem>>)
      %dma_wait3A_67 = tpu.memref_slice %arg4[%multiple_of3A_4] : memref<160000xi32, #tpu.memory_space<hbm>> -> memref<80xi32, #tpu.memory_space<hbm>>
      %dma_wait3A_68 = tpu.memref_slice %arg4[%multiple_of3A_4] : memref<160000xi32, #tpu.memory_space<hbm>> -> memref<80xi32, #tpu.memory_space<hbm>>
      tpu.wait_dma2 semaphore(%run_scoped3A : memref<!tpu.dma_semaphore, #tpu.memory_space<semaphore_mem>>) src(%dma_wait3A_68 : memref<80xi32, #tpu.memory_space<hbm>>) dst(%arg15 : memref<80xi32, #tpu.memory_space<vmem>>)
      tpu.yield
    }) : () -> ()
    "tpu.region"() ({
      %run_scoped3A = tpu.sem_alloc : memref<!tpu.dma_semaphore, #tpu.memory_space<semaphore_mem>>
      %dma_start3A_65 = tpu.memref_slice %arg5[%multiple_of3A_4] : memref<160000xf32, #tpu.memory_space<hbm>> -> memref<80xf32, #tpu.memory_space<hbm>>
      %dma_start3A_66 = tpu.memref_slice %arg5[%multiple_of3A_4] : memref<160000xf32, #tpu.memory_space<hbm>> -> memref<80xf32, #tpu.memory_space<hbm>>
      tpu.enqueue_dma source(%dma_start3A_66 : memref<80xf32, #tpu.memory_space<hbm>>) target(%arg17 : memref<80xf32, #tpu.memory_space<vmem>>) target_semaphore(%run_scoped3A : memref<!tpu.dma_semaphore, #tpu.memory_space<semaphore_mem>>)
      %dma_wait3A_67 = tpu.memref_slice %arg5[%multiple_of3A_4] : memref<160000xf32, #tpu.memory_space<hbm>> -> memref<80xf32, #tpu.memory_space<hbm>>
      %dma_wait3A_68 = tpu.memref_slice %arg5[%multiple_of3A_4] : memref<160000xf32, #tpu.memory_space<hbm>> -> memref<80xf32, #tpu.memory_space<hbm>>
      tpu.wait_dma2 semaphore(%run_scoped3A : memref<!tpu.dma_semaphore, #tpu.memory_space<semaphore_mem>>) src(%dma_wait3A_68 : memref<80xf32, #tpu.memory_space<hbm>>) dst(%arg17 : memref<80xf32, #tpu.memory_space<vmem>>)
      tpu.yield
    }) : () -> ()
    %get3A = arith.constant 0 : index
    %get3A_5 = tpu.vector_load %arg11[%get3A] {strides = array<i32>} : memref<80xi32, #tpu.memory_space<vmem>>, vector<16xi32>,
    %mul3A_6 = arith.constant 10112 : i32
    %mul3A_7 = arith.muli %arg0, %mul3A_6 : i32
    %add3A_8 = vector.broadcast %mul3A_7 : i32 to vector<16xi32>
    %add3A_9 = arith.addi %get3A_5, %add3A_8 : vector<16xi32>
    %swap3A = arith.constant 0 : index
    %swap3A_10 = tpu.vector_load %arg13[%swap3A] {strides = array<i32>} : memref<80xi32, #tpu.memory_space<vmem>>, vector<16xi32>,
    tpu.vector_store %arg13[%swap3A], %add3A_9 {strides = array<i32>} : memref<80xi32, #tpu.memory_space<vmem>>, vector<16xi32>,
    %get3A_11 = arith.constant 16 : index
    %get3A_12 = tpu.vector_load %arg11[%get3A_11] {strides = array<i32>} : memref<80xi32, #tpu.memory_space<vmem>>, vector<16xi32>,
    %mul3A_13 = arith.constant 10112 : i32
    %mul3A_14 = arith.muli %arg0, %mul3A_13 : i32
    %add3A_15 = vector.broadcast %mul3A_14 : i32 to vector<16xi32>
    %add3A_16 = arith.addi %get3A_12, %add3A_15 : vector<16xi32>
    %swap3A_17 = arith.constant 16 : index
    %swap3A_18 = tpu.vector_load %arg13[%swap3A_17] {strides = array<i32>} : memref<80xi32, #tpu.memory_space<vmem>>, vector<16xi32>,
    tpu.vector_store %arg13[%swap3A_17], %add3A_16 {strides = array<i32>} : memref<80xi32, #tpu.memory_space<vmem>>, vector<16xi32>,
    %get3A_19 = arith.constant 32 : index
    %get3A_20 = tpu.vector_load %arg11[%get3A_19] {strides = array<i32>} : memref<80xi32, #tpu.memory_space<vmem>>, vector<16xi32>,
    %mul3A_21 = arith.constant 10112 : i32
    %mul3A_22 = arith.muli %arg0, %mul3A_21 : i32
    %add3A_23 = vector.broadcast %mul3A_22 : i32 to vector<16xi32>
    %add3A_24 = arith.addi %get3A_20, %add3A_23 : vector<16xi32>
    %swap3A_25 = arith.constant 32 : index
    %swap3A_26 = tpu.vector_load %arg13[%swap3A_25] {strides = array<i32>} : memref<80xi32, #tpu.memory_space<vmem>>, vector<16xi32>,
    tpu.vector_store %arg13[%swap3A_25], %add3A_24 {strides = array<i32>} : memref<80xi32, #tpu.memory_space<vmem>>, vector<16xi32>,
    %get3A_27 = arith.constant 48 : index
    %get3A_28 = tpu.vector_load %arg11[%get3A_27] {strides = array<i32>} : memref<80xi32, #tpu.memory_space<vmem>>, vector<16xi32>,
    %mul3A_29 = arith.constant 10112 : i32
    %mul3A_30 = arith.muli %arg0, %mul3A_29 : i32
    %add3A_31 = vector.broadcast %mul3A_30 : i32 to vector<16xi32>
    %add3A_32 = arith.addi %get3A_28, %add3A_31 : vector<16xi32>
    %swap3A_33 = arith.constant 48 : index
    %swap3A_34 = tpu.vector_load %arg13[%swap3A_33] {strides = array<i32>} : memref<80xi32, #tpu.memory_space<vmem>>, vector<16xi32>,
    tpu.vector_store %arg13[%swap3A_33], %add3A_32 {strides = array<i32>} : memref<80xi32, #tpu.memory_space<vmem>>, vector<16xi32>,
    %get3A_35 = arith.constant 64 : index
    %get3A_36 = tpu.vector_load %arg11[%get3A_35] {strides = array<i32>} : memref<80xi32, #tpu.memory_space<vmem>>, vector<16xi32>,
    %mul3A_37 = arith.constant 10112 : i32
    %mul3A_38 = arith.muli %arg0, %mul3A_37 : i32
    %add3A_39 = vector.broadcast %mul3A_38 : i32 to vector<16xi32>
    %add3A_40 = arith.addi %get3A_36, %add3A_39 : vector<16xi32>
    %swap3A_41 = arith.constant 64 : index
    %swap3A_42 = tpu.vector_load %arg13[%swap3A_41] {strides = array<i32>} : memref<80xi32, #tpu.memory_space<vmem>>, vector<16xi32>,
    tpu.vector_store %arg13[%swap3A_41], %add3A_40 {strides = array<i32>} : memref<80xi32, #tpu.memory_space<vmem>>, vector<16xi32>,
    %dma_start3A = arith.constant 0 : i32
    %dma_start3A_43 = arith.constant 0 : i32
    %dma_start3A_44 = tpu.memref_slice %arg2[%dma_start3A, %dma_start3A_43] : memref<20224x128xf32, #tpu.memory_space<hbm>> -> memref<20224x128xf32, #tpu.memory_space<hbm>>
    tpu.enqueue_indirect_dma source(%dma_start3A_44 : memref<20224x128xf32, #tpu.memory_space<hbm>>) target(%arg9 : memref<80x128xf32, #tpu.memory_space<vmem>>) offsets(%arg13 : memref<80xi32, #tpu.memory_space<vmem>>) semaphore(%arg19 : memref<!tpu.dma_semaphore, #tpu.memory_space<semaphore_mem>>)
    %scan3A = arith.constant 0 : i32
    %scan3A_45 = arith.constant 0 : i32
    %scan3A_46 = arith.constant 62 : i32
    %scan3A_47 = arith.addi %scan3A_45, %scan3A_46 : i32
    %scan3A_48 = arith.constant 1 : i32
    scf.for %scan3A_65 = %scan3A_45 to %scan3A_47 step %scan3A_48  : i32 {
      %mul3A_66 = arith.constant 2 : i32
      %mul3A_67 = arith.muli %mul3A_66, %scan3A_65 : i32
      %add3A_68 = arith.constant 1 : i32
      %add3A_69 = arith.addi %mul3A_67, %add3A_68 : i32
      %mul3A_70 = arith.constant 80 : i32
      %mul3A_71 = arith.muli %add3A_69, %mul3A_70 : i32
      %add3A_72 = arith.addi %mul3A_2, %mul3A_71 : i32
      %multiple_of3A_73 = tpu.assume_multiple %add3A_72, 8 : i32
      "tpu.region"() ({
        %run_scoped3A = tpu.sem_alloc : memref<!tpu.dma_semaphore, #tpu.memory_space<semaphore_mem>>
        %dma_start3A_196 = tpu.memref_slice %arg3[%multiple_of3A_73] : memref<160000xi32, #tpu.memory_space<hbm>> -> memref<80xi32, #tpu.memory_space<hbm>>
        %dma_start3A_197 = tpu.memref_slice %arg3[%multiple_of3A_73] : memref<160000xi32, #tpu.memory_space<hbm>> -> memref<80xi32, #tpu.memory_space<hbm>>
        tpu.enqueue_dma source(%dma_start3A_197 : memref<80xi32, #tpu.memory_space<hbm>>) target(%arg12 : memref<80xi32, #tpu.memory_space<vmem>>) target_semaphore(%run_scoped3A : memref<!tpu.dma_semaphore, #tpu.memory_space<semaphore_mem>>)
        %dma_wait3A_198 = tpu.memref_slice %arg3[%multiple_of3A_73] : memref<160000xi32, #tpu.memory_space<hbm>> -> memref<80xi32, #tpu.memory_space<hbm>>
        %dma_wait3A_199 = tpu.memref_slice %arg3[%multiple_of3A_73] : memref<160000xi32, #tpu.memory_space<hbm>> -> memref<80xi32, #tpu.memory_space<hbm>>
        tpu.wait_dma2 semaphore(%run_scoped3A : memref<!tpu.dma_semaphore, #tpu.memory_space<semaphore_mem>>) src(%dma_wait3A_199 : memref<80xi32, #tpu.memory_space<hbm>>) dst(%arg12 : memref<80xi32, #tpu.memory_space<vmem>>)
        tpu.yield
      }) : () -> ()
      "tpu.region"() ({
        %run_scoped3A = tpu.sem_alloc : memref<!tpu.dma_semaphore, #tpu.memory_space<semaphore_mem>>
        %dma_start3A_196 = tpu.memref_slice %arg4[%multiple_of3A_73] : memref<160000xi32, #tpu.memory_space<hbm>> -> memref<80xi32, #tpu.memory_space<hbm>>
        %dma_start3A_197 = tpu.memref_slice %arg4[%multiple_of3A_73] : memref<160000xi32, #tpu.memory_space<hbm>> -> memref<80xi32, #tpu.memory_space<hbm>>
        tpu.enqueue_dma source(%dma_start3A_197 : memref<80xi32, #tpu.memory_space<hbm>>) target(%arg16 : memref<80xi32, #tpu.memory_space<vmem>>) target_semaphore(%run_scoped3A : memref<!tpu.dma_semaphore, #tpu.memory_space<semaphore_mem>>)
        %dma_wait3A_198 = tpu.memref_slice %arg4[%multiple_of3A_73] : memref<160000xi32, #tpu.memory_space<hbm>> -> memref<80xi32, #tpu.memory_space<hbm>>
        %dma_wait3A_199 = tpu.memref_slice %arg4[%multiple_of3A_73] : memref<160000xi32, #tpu.memory_space<hbm>> -> memref<80xi32, #tpu.memory_space<hbm>>
        tpu.wait_dma2 semaphore(%run_scoped3A : memref<!tpu.dma_semaphore, #tpu.memory_space<semaphore_mem>>) src(%dma_wait3A_199 : memref<80xi32, #tpu.memory_space<hbm>>) dst(%arg16 : memref<80xi32, #tpu.memory_space<vmem>>)
        tpu.yield
      }) : () -> ()
      "tpu.region"() ({
        %run_scoped3A = tpu.sem_alloc : memref<!tpu.dma_semaphore, #tpu.memory_space<semaphore_mem>>
        %dma_start3A_196 = tpu.memref_slice %arg5[%multiple_of3A_73] : memref<160000xf32, #tpu.memory_space<hbm>> -> memref<80xf32, #tpu.memory_space<hbm>>
        %dma_start3A_197 = tpu.memref_slice %arg5[%multiple_of3A_73] : memref<160000xf32, #tpu.memory_space<hbm>> -> memref<80xf32, #tpu.memory_space<hbm>>
        tpu.enqueue_dma source(%dma_start3A_197 : memref<80xf32, #tpu.memory_space<hbm>>) target(%arg18 : memref<80xf32, #tpu.memory_space<vmem>>) target_semaphore(%run_scoped3A : memref<!tpu.dma_semaphore, #tpu.memory_space<semaphore_mem>>)
        %dma_wait3A_198 = tpu.memref_slice %arg5[%multiple_of3A_73] : memref<160000xf32, #tpu.memory_space<hbm>> -> memref<80xf32, #tpu.memory_space<hbm>>
        %dma_wait3A_199 = tpu.memref_slice %arg5[%multiple_of3A_73] : memref<160000xf32, #tpu.memory_space<hbm>> -> memref<80xf32, #tpu.memory_space<hbm>>
        tpu.wait_dma2 semaphore(%run_scoped3A : memref<!tpu.dma_semaphore, #tpu.memory_space<semaphore_mem>>) src(%dma_wait3A_199 : memref<80xf32, #tpu.memory_space<hbm>>) dst(%arg18 : memref<80xf32, #tpu.memory_space<vmem>>)
        tpu.yield
      }) : () -> ()
      %get3A_74 = arith.constant 0 : index
      %get3A_75 = tpu.vector_load %arg12[%get3A_74] {strides = array<i32>} : memref<80xi32, #tpu.memory_space<vmem>>, vector<16xi32>,
      %mul3A_76 = arith.constant 10112 : i32
      %mul3A_77 = arith.muli %arg0, %mul3A_76 : i32
      %add3A_78 = vector.broadcast %mul3A_77 : i32 to vector<16xi32>
      %add3A_79 = arith.addi %get3A_75, %add3A_78 : vector<16xi32>
      %swap3A_80 = arith.constant 0 : index
      %swap3A_81 = tpu.vector_load %arg14[%swap3A_80] {strides = array<i32>} : memref<80xi32, #tpu.memory_space<vmem>>, vector<16xi32>,
      tpu.vector_store %arg14[%swap3A_80], %add3A_79 {strides = array<i32>} : memref<80xi32, #tpu.memory_space<vmem>>, vector<16xi32>,
      %get3A_82 = arith.constant 16 : index
      %get3A_83 = tpu.vector_load %arg12[%get3A_82] {strides = array<i32>} : memref<80xi32, #tpu.memory_space<vmem>>, vector<16xi32>,
      %mul3A_84 = arith.constant 10112 : i32
      %mul3A_85 = arith.muli %arg0, %mul3A_84 : i32
      %add3A_86 = vector.broadcast %mul3A_85 : i32 to vector<16xi32>
      %add3A_87 = arith.addi %get3A_83, %add3A_86 : vector<16xi32>
      %swap3A_88 = arith.constant 16 : index
      %swap3A_89 = tpu.vector_load %arg14[%swap3A_88] {strides = array<i32>} : memref<80xi32, #tpu.memory_space<vmem>>, vector<16xi32>,
      tpu.vector_store %arg14[%swap3A_88], %add3A_87 {strides = array<i32>} : memref<80xi32, #tpu.memory_space<vmem>>, vector<16xi32>,
      %get3A_90 = arith.constant 32 : index
      %get3A_91 = tpu.vector_load %arg12[%get3A_90] {strides = array<i32>} : memref<80xi32, #tpu.memory_space<vmem>>, vector<16xi32>,
      %mul3A_92 = arith.constant 10112 : i32
      %mul3A_93 = arith.muli %arg0, %mul3A_92 : i32
      %add3A_94 = vector.broadcast %mul3A_93 : i32 to vector<16xi32>
      %add3A_95 = arith.addi %get3A_91, %add3A_94 : vector<16xi32>
      %swap3A_96 = arith.constant 32 : index
      %swap3A_97 = tpu.vector_load %arg14[%swap3A_96] {strides = array<i32>} : memref<80xi32, #tpu.memory_space<vmem>>, vector<16xi32>,
      tpu.vector_store %arg14[%swap3A_96], %add3A_95 {strides = array<i32>} : memref<80xi32, #tpu.memory_space<vmem>>, vector<16xi32>,
      %get3A_98 = arith.constant 48 : index
      %get3A_99 = tpu.vector_load %arg12[%get3A_98] {strides = array<i32>} : memref<80xi32, #tpu.memory_space<vmem>>, vector<16xi32>,
      %mul3A_100 = arith.constant 10112 : i32
      %mul3A_101 = arith.muli %arg0, %mul3A_100 : i32
      %add3A_102 = vector.broadcast %mul3A_101 : i32 to vector<16xi32>
      %add3A_103 = arith.addi %get3A_99, %add3A_102 : vector<16xi32>
      %swap3A_104 = arith.constant 48 : index
      %swap3A_105 = tpu.vector_load %arg14[%swap3A_104] {strides = array<i32>} : memref<80xi32, #tpu.memory_space<vmem>>, vector<16xi32>,
      tpu.vector_store %arg14[%swap3A_104], %add3A_103 {strides = array<i32>} : memref<80xi32, #tpu.memory_space<vmem>>, vector<16xi32>,
      %get3A_106 = arith.constant 64 : index
      %get3A_107 = tpu.vector_load %arg12[%get3A_106] {strides = array<i32>} : memref<80xi32, #tpu.memory_space<vmem>>, vector<16xi32>,
      %mul3A_108 = arith.constant 10112 : i32
      %mul3A_109 = arith.muli %arg0, %mul3A_108 : i32
      %add3A_110 = vector.broadcast %mul3A_109 : i32 to vector<16xi32>
      %add3A_111 = arith.addi %get3A_107, %add3A_110 : vector<16xi32>
      %swap3A_112 = arith.constant 64 : index
      %swap3A_113 = tpu.vector_load %arg14[%swap3A_112] {strides = array<i32>} : memref<80xi32, #tpu.memory_space<vmem>>, vector<16xi32>,
      tpu.vector_store %arg14[%swap3A_112], %add3A_111 {strides = array<i32>} : memref<80xi32, #tpu.memory_space<vmem>>, vector<16xi32>,
      %dma_start3A_114 = arith.constant 0 : i32
      %dma_start3A_115 = arith.constant 0 : i32
      %dma_start3A_116 = tpu.memref_slice %arg2[%dma_start3A_114, %dma_start3A_115] : memref<20224x128xf32, #tpu.memory_space<hbm>> -> memref<20224x128xf32, #tpu.memory_space<hbm>>
      tpu.enqueue_indirect_dma source(%dma_start3A_116 : memref<20224x128xf32, #tpu.memory_space<hbm>>) target(%arg10 : memref<80x128xf32, #tpu.memory_space<vmem>>) offsets(%arg14 : memref<80xi32, #tpu.memory_space<vmem>>) semaphore(%arg20 : memref<!tpu.dma_semaphore, #tpu.memory_space<semaphore_mem>>)
      %dma_wait3A_117 = arith.constant 0 : i32
      %dma_wait3A_118 = arith.constant 0 : i32
      %dma_wait3A_119 = tpu.memref_slice %arg2[%dma_wait3A_117, %dma_wait3A_118] : memref<20224x128xf32, #tpu.memory_space<hbm>> -> memref<20224x128xf32, #tpu.memory_space<hbm>>
      tpu.wait_indirect_dma semaphore(%arg19 : memref<!tpu.dma_semaphore, #tpu.memory_space<semaphore_mem>>) src(%dma_wait3A_119 : memref<20224x128xf32, #tpu.memory_space<hbm>>) dst(%arg9 : memref<80x128xf32, #tpu.memory_space<vmem>>)
      %scan3A_120 = arith.constant 0 : i32
      %scan3A_121 = arith.constant 0 : i32
      %scan3A_122 = arith.constant 20 : i32
      %scan3A_123 = arith.addi %scan3A_121, %scan3A_122 : i32
      %scan3A_124 = arith.constant 1 : i32
      scf.for %scan3A_196 = %scan3A_121 to %scan3A_123 step %scan3A_124  : i32 {
        %mul3A_197 = arith.constant 4 : i32
        %mul3A_198 = arith.muli %mul3A_197, %scan3A_196 : i32
        %mul3A_199 = arith.constant 4 : i32
        %mul3A_200 = arith.muli %mul3A_199, %scan3A_196 : i32
        %add3A_201 = arith.constant 1 : i32
        %add3A_202 = arith.addi %mul3A_200, %add3A_201 : i32
        %mul3A_203 = arith.constant 4 : i32
        %mul3A_204 = arith.muli %mul3A_203, %scan3A_196 : i32
        %add3A_205 = arith.constant 2 : i32
        %add3A_206 = arith.addi %mul3A_204, %add3A_205 : i32
        %mul3A_207 = arith.constant 4 : i32
        %mul3A_208 = arith.muli %mul3A_207, %scan3A_196 : i32
        %add3A_209 = arith.constant 3 : i32
        %add3A_210 = arith.addi %mul3A_208, %add3A_209 : i32
        %broadcast_in_dim3A = vector.broadcast %mul3A_198 : i32 to vector<16xi32>
        %gather3A = tpu.vector_load_idx %arg17[%broadcast_in_dim3A] : memref<80xf32, #tpu.memory_space<vmem>>[vector<16xi32>], vector<16xf32>,
        %broadcast_in_dim3A_211 = vector.broadcast %add3A_202 : i32 to vector<16xi32>
        %gather3A_212 = tpu.vector_load_idx %arg17[%broadcast_in_dim3A_211] : memref<80xf32, #tpu.memory_space<vmem>>[vector<16xi32>], vector<16xf32>,
        %broadcast_in_dim3A_213 = vector.broadcast %add3A_206 : i32 to vector<16xi32>
        %gather3A_214 = tpu.vector_load_idx %arg17[%broadcast_in_dim3A_213] : memref<80xf32, #tpu.memory_space<vmem>>[vector<16xi32>], vector<16xf32>,
        %broadcast_in_dim3A_215 = vector.broadcast %add3A_210 : i32 to vector<16xi32>
        %gather3A_216 = tpu.vector_load_idx %arg17[%broadcast_in_dim3A_215] : memref<80xf32, #tpu.memory_space<vmem>>[vector<16xi32>], vector<16xf32>,
        %get3A_217 = arith.index_cast %mul3A_198 : i32 to index
        %get3A_218 = arith.constant 0 : index
        %get3A_219 = tpu.vector_load %arg9[%get3A_217, %get3A_218] {strides = array<i32>} : memref<80x128xf32, #tpu.memory_space<vmem>>, vector<16xf32>,
        %mul3A_220 = arith.mulf %get3A_219, %gather3A : vector<16xf32>
        %swap3A_221 = arith.index_cast %mul3A_198 : i32 to index
        %swap3A_222 = arith.constant 0 : index
        %swap3A_223 = tpu.vector_load %arg9[%swap3A_221, %swap3A_222] {strides = array<i32>} : memref<80x128xf32, #tpu.memory_space<vmem>>, vector<16xf32>,
        tpu.vector_store %arg9[%swap3A_221, %swap3A_222], %mul3A_220 {strides = array<i32>} : memref<80x128xf32, #tpu.memory_space<vmem>>, vector<16xf32>,
        %get3A_224 = arith.index_cast %mul3A_198 : i32 to index
        %get3A_225 = arith.constant 16 : index
        %get3A_226 = tpu.vector_load %arg9[%get3A_224, %get3A_225] {strides = array<i32>} : memref<80x128xf32, #tpu.memory_space<vmem>>, vector<16xf32>,
        %mul3A_227 = arith.mulf %get3A_226, %gather3A : vector<16xf32>
        %swap3A_228 = arith.index_cast %mul3A_198 : i32 to index
        %swap3A_229 = arith.constant 16 : index
        %swap3A_230 = tpu.vector_load %arg9[%swap3A_228, %swap3A_229] {strides = array<i32>} : memref<80x128xf32, #tpu.memory_space<vmem>>, vector<16xf32>,
        tpu.vector_store %arg9[%swap3A_228, %swap3A_229], %mul3A_227 {strides = array<i32>} : memref<80x128xf32, #tpu.memory_space<vmem>>, vector<16xf32>,
        %get3A_231 = arith.index_cast %mul3A_198 : i32 to index
        %get3A_232 = arith.constant 32 : index
        %get3A_233 = tpu.vector_load %arg9[%get3A_231, %get3A_232] {strides = array<i32>} : memref<80x128xf32, #tpu.memory_space<vmem>>, vector<16xf32>,
        %mul3A_234 = arith.mulf %get3A_233, %gather3A : vector<16xf32>
        %swap3A_235 = arith.index_cast %mul3A_198 : i32 to index
        %swap3A_236 = arith.constant 32 : index
        %swap3A_237 = tpu.vector_load %arg9[%swap3A_235, %swap3A_236] {strides = array<i32>} : memref<80x128xf32, #tpu.memory_space<vmem>>, vector<16xf32>,
        tpu.vector_store %arg9[%swap3A_235, %swap3A_236], %mul3A_234 {strides = array<i32>} : memref<80x128xf32, #tpu.memory_space<vmem>>, vector<16xf32>,
        %get3A_238 = arith.index_cast %mul3A_198 : i32 to index
        %get3A_239 = arith.constant 48 : index
        %get3A_240 = tpu.vector_load %arg9[%get3A_238, %get3A_239] {strides = array<i32>} : memref<80x128xf32, #tpu.memory_space<vmem>>, vector<16xf32>,
        %mul3A_241 = arith.mulf %get3A_240, %gather3A : vector<16xf32>
        %swap3A_242 = arith.index_cast %mul3A_198 : i32 to index
        %swap3A_243 = arith.constant 48 : index
        %swap3A_244 = tpu.vector_load %arg9[%swap3A_242, %swap3A_243] {strides = array<i32>} : memref<80x128xf32, #tpu.memory_space<vmem>>, vector<16xf32>,
        tpu.vector_store %arg9[%swap3A_242, %swap3A_243], %mul3A_241 {strides = array<i32>} : memref<80x128xf32, #tpu.memory_space<vmem>>, vector<16xf32>,
        %get3A_245 = arith.index_cast %mul3A_198 : i32 to index
        %get3A_246 = arith.constant 64 : index
        %get3A_247 = tpu.vector_load %arg9[%get3A_245, %get3A_246] {strides = array<i32>} : memref<80x128xf32, #tpu.memory_space<vmem>>, vector<16xf32>,
        %mul3A_248 = arith.mulf %get3A_247, %gather3A : vector<16xf32>
        %swap3A_249 = arith.index_cast %mul3A_198 : i32 to index
        %swap3A_250 = arith.constant 64 : index
        %swap3A_251 = tpu.vector_load %arg9[%swap3A_249, %swap3A_250] {strides = array<i32>} : memref<80x128xf32, #tpu.memory_space<vmem>>, vector<16xf32>,
        tpu.vector_store %arg9[%swap3A_249, %swap3A_250], %mul3A_248 {strides = array<i32>} : memref<80x128xf32, #tpu.memory_space<vmem>>, vector<16xf32>,
        %get3A_252 = arith.index_cast %mul3A_198 : i32 to index
        %get3A_253 = arith.constant 80 : index
        %get3A_254 = tpu.vector_load %arg9[%get3A_252, %get3A_253] {strides = array<i32>} : memref<80x128xf32, #tpu.memory_space<vmem>>, vector<16xf32>,
        %mul3A_255 = arith.mulf %get3A_254, %gather3A : vector<16xf32>
        %swap3A_256 = arith.index_cast %mul3A_198 : i32 to index
        %swap3A_257 = arith.constant 80 : index
        %swap3A_258 = tpu.vector_load %arg9[%swap3A_256, %swap3A_257] {strides = array<i32>} : memref<80x128xf32, #tpu.memory_space<vmem>>, vector<16xf32>,
        tpu.vector_store %arg9[%swap3A_256, %swap3A_257], %mul3A_255 {strides = array<i32>} : memref<80x128xf32, #tpu.memory_space<vmem>>, vector<16xf32>,
        %get3A_259 = arith.index_cast %mul3A_198 : i32 to index
        %get3A_260 = arith.constant 96 : index
        %get3A_261 = tpu.vector_load %arg9[%get3A_259, %get3A_260] {strides = array<i32>} : memref<80x128xf32, #tpu.memory_space<vmem>>, vector<16xf32>,
        %mul3A_262 = arith.mulf %get3A_261, %gather3A : vector<16xf32>
        %swap3A_263 = arith.index_cast %mul3A_198 : i32 to index
        %swap3A_264 = arith.constant 96 : index
        %swap3A_265 = tpu.vector_load %arg9[%swap3A_263, %swap3A_264] {strides = array<i32>} : memref<80x128xf32, #tpu.memory_space<vmem>>, vector<16xf32>,
        tpu.vector_store %arg9[%swap3A_263, %swap3A_264], %mul3A_262 {strides = array<i32>} : memref<80x128xf32, #tpu.memory_space<vmem>>, vector<16xf32>,
        %get3A_266 = arith.index_cast %mul3A_198 : i32 to index
        %get3A_267 = arith.constant 112 : index
        %get3A_268 = tpu.vector_load %arg9[%get3A_266, %get3A_267] {strides = array<i32>} : memref<80x128xf32, #tpu.memory_space<vmem>>, vector<16xf32>,
        %mul3A_269 = arith.mulf %get3A_268, %gather3A : vector<16xf32>
        %swap3A_270 = arith.index_cast %mul3A_198 : i32 to index
        %swap3A_271 = arith.constant 112 : index
        %swap3A_272 = tpu.vector_load %arg9[%swap3A_270, %swap3A_271] {strides = array<i32>} : memref<80x128xf32, #tpu.memory_space<vmem>>, vector<16xf32>,
        tpu.vector_store %arg9[%swap3A_270, %swap3A_271], %mul3A_269 {strides = array<i32>} : memref<80x128xf32, #tpu.memory_space<vmem>>, vector<16xf32>,
        %get3A_273 = arith.index_cast %add3A_202 : i32 to index
        %get3A_274 = arith.constant 0 : index
        %get3A_275 = tpu.vector_load %arg9[%get3A_273, %get3A_274] {strides = array<i32>} : memref<80x128xf32, #tpu.memory_space<vmem>>, vector<16xf32>,
        %mul3A_276 = arith.mulf %get3A_275, %gather3A_212 : vector<16xf32>
        %swap3A_277 = arith.index_cast %add3A_202 : i32 to index
        %swap3A_278 = arith.constant 0 : index
        %swap3A_279 = tpu.vector_load %arg9[%swap3A_277, %swap3A_278] {strides = array<i32>} : memref<80x128xf32, #tpu.memory_space<vmem>>, vector<16xf32>,
        tpu.vector_store %arg9[%swap3A_277, %swap3A_278], %mul3A_276 {strides = array<i32>} : memref<80x128xf32, #tpu.memory_space<vmem>>, vector<16xf32>,
        %get3A_280 = arith.index_cast %add3A_202 : i32 to index
        %get3A_281 = arith.constant 16 : index
        %get3A_282 = tpu.vector_load %arg9[%get3A_280, %get3A_281] {strides = array<i32>} : memref<80x128xf32, #tpu.memory_space<vmem>>, vector<16xf32>,
        %mul3A_283 = arith.mulf %get3A_282, %gather3A_212 : vector<16xf32>
        %swap3A_284 = arith.index_cast %add3A_202 : i32 to index
        %swap3A_285 = arith.constant 16 : index
        %swap3A_286 = tpu.vector_load %arg9[%swap3A_284, %swap3A_285] {strides = array<i32>} : memref<80x128xf32, #tpu.memory_space<vmem>>, vector<16xf32>,
        tpu.vector_store %arg9[%swap3A_284, %swap3A_285], %mul3A_283 {strides = array<i32>} : memref<80x128xf32, #tpu.memory_space<vmem>>, vector<16xf32>,
        %get3A_287 = arith.index_cast %add3A_202 : i32 to index
        %get3A_288 = arith.constant 32 : index
        %get3A_289 = tpu.vector_load %arg9[%get3A_287, %get3A_288] {strides = array<i32>} : memref<80x128xf32, #tpu.memory_space<vmem>>, vector<16xf32>,
        %mul3A_290 = arith.mulf %get3A_289, %gather3A_212 : vector<16xf32>
        %swap3A_291 = arith.index_cast %add3A_202 : i32 to index
        %swap3A_292 = arith.constant 32 : index
        %swap3A_293 = tpu.vector_load %arg9[%swap3A_291, %swap3A_292] {strides = array<i32>} : memref<80x128xf32, #tpu.memory_space<vmem>>, vector<16xf32>,
        tpu.vector_store %arg9[%swap3A_291, %swap3A_292], %mul3A_290 {strides = array<i32>} : memref<80x128xf32, #tpu.memory_space<vmem>>, vector<16xf32>,
        %get3A_294 = arith.index_cast %add3A_202 : i32 to index
        %get3A_295 = arith.constant 48 : index
        %get3A_296 = tpu.vector_load %arg9[%get3A_294, %get3A_295] {strides = array<i32>} : memref<80x128xf32, #tpu.memory_space<vmem>>, vector<16xf32>,
        %mul3A_297 = arith.mulf %get3A_296, %gather3A_212 : vector<16xf32>
        %swap3A_298 = arith.index_cast %add3A_202 : i32 to index
        %swap3A_299 = arith.constant 48 : index
        %swap3A_300 = tpu.vector_load %arg9[%swap3A_298, %swap3A_299] {strides = array<i32>} : memref<80x128xf32, #tpu.memory_space<vmem>>, vector<16xf32>,
        tpu.vector_store %arg9[%swap3A_298, %swap3A_299], %mul3A_297 {strides = array<i32>} : memref<80x128xf32, #tpu.memory_space<vmem>>, vector<16xf32>,
        %get3A_301 = arith.index_cast %add3A_202 : i32 to index
        %get3A_302 = arith.constant 64 : index
        %get3A_303 = tpu.vector_load %arg9[%get3A_301, %get3A_302] {strides = array<i32>} : memref<80x128xf32, #tpu.memory_space<vmem>>, vector<16xf32>,
        %mul3A_304 = arith.mulf %get3A_303, %gather3A_212 : vector<16xf32>
        %swap3A_305 = arith.index_cast %add3A_202 : i32 to index
        %swap3A_306 = arith.constant 64 : index
        %swap3A_307 = tpu.vector_load %arg9[%swap3A_305, %swap3A_306] {strides = array<i32>} : memref<80x128xf32, #tpu.memory_space<vmem>>, vector<16xf32>,
        tpu.vector_store %arg9[%swap3A_305, %swap3A_306], %mul3A_304 {strides = array<i32>} : memref<80x128xf32, #tpu.memory_space<vmem>>, vector<16xf32>,
        %get3A_308 = arith.index_cast %add3A_202 : i32 to index
        %get3A_309 = arith.constant 80 : index
        %get3A_310 = tpu.vector_load %arg9[%get3A_308, %get3A_309] {strides = array<i32>} : memref<80x128xf32, #tpu.memory_space<vmem>>, vector<16xf32>,
        %mul3A_311 = arith.mulf %get3A_310, %gather3A_212 : vector<16xf32>
        %swap3A_312 = arith.index_cast %add3A_202 : i32 to index
        %swap3A_313 = arith.constant 80 : index
        %swap3A_314 = tpu.vector_load %arg9[%swap3A_312, %swap3A_313] {strides = array<i32>} : memref<80x128xf32, #tpu.memory_space<vmem>>, vector<16xf32>,
        tpu.vector_store %arg9[%swap3A_312, %swap3A_313], %mul3A_311 {strides = array<i32>} : memref<80x128xf32, #tpu.memory_space<vmem>>, vector<16xf32>,
        %get3A_315 = arith.index_cast %add3A_202 : i32 to index
        %get3A_316 = arith.constant 96 : index
        %get3A_317 = tpu.vector_load %arg9[%get3A_315, %get3A_316] {strides = array<i32>} : memref<80x128xf32, #tpu.memory_space<vmem>>, vector<16xf32>,
        %mul3A_318 = arith.mulf %get3A_317, %gather3A_212 : vector<16xf32>
        %swap3A_319 = arith.index_cast %add3A_202 : i32 to index
        %swap3A_320 = arith.constant 96 : index
        %swap3A_321 = tpu.vector_load %arg9[%swap3A_319, %swap3A_320] {strides = array<i32>} : memref<80x128xf32, #tpu.memory_space<vmem>>, vector<16xf32>,
        tpu.vector_store %arg9[%swap3A_319, %swap3A_320], %mul3A_318 {strides = array<i32>} : memref<80x128xf32, #tpu.memory_space<vmem>>, vector<16xf32>,
        %get3A_322 = arith.index_cast %add3A_202 : i32 to index
        %get3A_323 = arith.constant 112 : index
        %get3A_324 = tpu.vector_load %arg9[%get3A_322, %get3A_323] {strides = array<i32>} : memref<80x128xf32, #tpu.memory_space<vmem>>, vector<16xf32>,
        %mul3A_325 = arith.mulf %get3A_324, %gather3A_212 : vector<16xf32>
        %swap3A_326 = arith.index_cast %add3A_202 : i32 to index
        %swap3A_327 = arith.constant 112 : index
        %swap3A_328 = tpu.vector_load %arg9[%swap3A_326, %swap3A_327] {strides = array<i32>} : memref<80x128xf32, #tpu.memory_space<vmem>>, vector<16xf32>,
        tpu.vector_store %arg9[%swap3A_326, %swap3A_327], %mul3A_325 {strides = array<i32>} : memref<80x128xf32, #tpu.memory_space<vmem>>, vector<16xf32>,
        %get3A_329 = arith.index_cast %add3A_206 : i32 to index
        %get3A_330 = arith.constant 0 : index
        %get3A_331 = tpu.vector_load %arg9[%get3A_329, %get3A_330] {strides = array<i32>} : memref<80x128xf32, #tpu.memory_space<vmem>>, vector<16xf32>,
        %mul3A_332 = arith.mulf %get3A_331, %gather3A_214 : vector<16xf32>
        %swap3A_333 = arith.index_cast %add3A_206 : i32 to index
        %swap3A_334 = arith.constant 0 : index
        %swap3A_335 = tpu.vector_load %arg9[%swap3A_333, %swap3A_334] {strides = array<i32>} : memref<80x128xf32, #tpu.memory_space<vmem>>, vector<16xf32>,
        tpu.vector_store %arg9[%swap3A_333, %swap3A_334], %mul3A_332 {strides = array<i32>} : memref<80x128xf32, #tpu.memory_space<vmem>>, vector<16xf32>,
        %get3A_336 = arith.index_cast %add3A_206 : i32 to index
        %get3A_337 = arith.constant 16 : index
        %get3A_338 = tpu.vector_load %arg9[%get3A_336, %get3A_337] {strides = array<i32>} : memref<80x128xf32, #tpu.memory_space<vmem>>, vector<16xf32>,
        %mul3A_339 = arith.mulf %get3A_338, %gather3A_214 : vector<16xf32>
        %swap3A_340 = arith.index_cast %add3A_206 : i32 to index
        %swap3A_341 = arith.constant 16 : index
        %swap3A_342 = tpu.vector_load %arg9[%swap3A_340, %swap3A_341] {strides = array<i32>} : memref<80x128xf32, #tpu.memory_space<vmem>>, vector<16xf32>,
        tpu.vector_store %arg9[%swap3A_340, %swap3A_341], %mul3A_339 {strides = array<i32>} : memref<80x128xf32, #tpu.memory_space<vmem>>, vector<16xf32>,
        %get3A_343 = arith.index_cast %add3A_206 : i32 to index
        %get3A_344 = arith.constant 32 : index
        %get3A_345 = tpu.vector_load %arg9[%get3A_343, %get3A_344] {strides = array<i32>} : memref<80x128xf32, #tpu.memory_space<vmem>>, vector<16xf32>,
        %mul3A_346 = arith.mulf %get3A_345, %gather3A_214 : vector<16xf32>
        %swap3A_347 = arith.index_cast %add3A_206 : i32 to index
        %swap3A_348 = arith.constant 32 : index
        %swap3A_349 = tpu.vector_load %arg9[%swap3A_347, %swap3A_348] {strides = array<i32>} : memref<80x128xf32, #tpu.memory_space<vmem>>, vector<16xf32>,
        tpu.vector_store %arg9[%swap3A_347, %swap3A_348], %mul3A_346 {strides = array<i32>} : memref<80x128xf32, #tpu.memory_space<vmem>>, vector<16xf32>,
        %get3A_350 = arith.index_cast %add3A_206 : i32 to index
        %get3A_351 = arith.constant 48 : index
        %get3A_352 = tpu.vector_load %arg9[%get3A_350, %get3A_351] {strides = array<i32>} : memref<80x128xf32, #tpu.memory_space<vmem>>, vector<16xf32>,
        %mul3A_353 = arith.mulf %get3A_352, %gather3A_214 : vector<16xf32>
        %swap3A_354 = arith.index_cast %add3A_206 : i32 to index
        %swap3A_355 = arith.constant 48 : index
        %swap3A_356 = tpu.vector_load %arg9[%swap3A_354, %swap3A_355] {strides = array<i32>} : memref<80x128xf32, #tpu.memory_space<vmem>>, vector<16xf32>,
        tpu.vector_store %arg9[%swap3A_354, %swap3A_355], %mul3A_353 {strides = array<i32>} : memref<80x128xf32, #tpu.memory_space<vmem>>, vector<16xf32>,
        %get3A_357 = arith.index_cast %add3A_206 : i32 to index
        %get3A_358 = arith.constant 64 : index
        %get3A_359 = tpu.vector_load %arg9[%get3A_357, %get3A_358] {strides = array<i32>} : memref<80x128xf32, #tpu.memory_space<vmem>>, vector<16xf32>,
        %mul3A_360 = arith.mulf %get3A_359, %gather3A_214 : vector<16xf32>
        %swap3A_361 = arith.index_cast %add3A_206 : i32 to index
        %swap3A_362 = arith.constant 64 : index
        %swap3A_363 = tpu.vector_load %arg9[%swap3A_361, %swap3A_362] {strides = array<i32>} : memref<80x128xf32, #tpu.memory_space<vmem>>, vector<16xf32>,
        tpu.vector_store %arg9[%swap3A_361, %swap3A_362], %mul3A_360 {strides = array<i32>} : memref<80x128xf32, #tpu.memory_space<vmem>>, vector<16xf32>,
        %get3A_364 = arith.index_cast %add3A_206 : i32 to index
        %get3A_365 = arith.constant 80 : index
        %get3A_366 = tpu.vector_load %arg9[%get3A_364, %get3A_365] {strides = array<i32>} : memref<80x128xf32, #tpu.memory_space<vmem>>, vector<16xf32>,
        %mul3A_367 = arith.mulf %get3A_366, %gather3A_214 : vector<16xf32>
        %swap3A_368 = arith.index_cast %add3A_206 : i32 to index
        %swap3A_369 = arith.constant 80 : index
        %swap3A_370 = tpu.vector_load %arg9[%swap3A_368, %swap3A_369] {strides = array<i32>} : memref<80x128xf32, #tpu.memory_space<vmem>>, vector<16xf32>,
        tpu.vector_store %arg9[%swap3A_368, %swap3A_369], %mul3A_367 {strides = array<i32>} : memref<80x128xf32, #tpu.memory_space<vmem>>, vector<16xf32>,
        %get3A_371 = arith.index_cast %add3A_206 : i32 to index
        %get3A_372 = arith.constant 96 : index
        %get3A_373 = tpu.vector_load %arg9[%get3A_371, %get3A_372] {strides = array<i32>} : memref<80x128xf32, #tpu.memory_space<vmem>>, vector<16xf32>,
        %mul3A_374 = arith.mulf %get3A_373, %gather3A_214 : vector<16xf32>
        %swap3A_375 = arith.index_cast %add3A_206 : i32 to index
        %swap3A_376 = arith.constant 96 : index
        %swap3A_377 = tpu.vector_load %arg9[%swap3A_375, %swap3A_376] {strides = array<i32>} : memref<80x128xf32, #tpu.memory_space<vmem>>, vector<16xf32>,
        tpu.vector_store %arg9[%swap3A_375, %swap3A_376], %mul3A_374 {strides = array<i32>} : memref<80x128xf32, #tpu.memory_space<vmem>>, vector<16xf32>,
        %get3A_378 = arith.index_cast %add3A_206 : i32 to index
        %get3A_379 = arith.constant 112 : index
        %get3A_380 = tpu.vector_load %arg9[%get3A_378, %get3A_379] {strides = array<i32>} : memref<80x128xf32, #tpu.memory_space<vmem>>, vector<16xf32>,
        %mul3A_381 = arith.mulf %get3A_380, %gather3A_214 : vector<16xf32>
        %swap3A_382 = arith.index_cast %add3A_206 : i32 to index
        %swap3A_383 = arith.constant 112 : index
        %swap3A_384 = tpu.vector_load %arg9[%swap3A_382, %swap3A_383] {strides = array<i32>} : memref<80x128xf32, #tpu.memory_space<vmem>>, vector<16xf32>,
        tpu.vector_store %arg9[%swap3A_382, %swap3A_383], %mul3A_381 {strides = array<i32>} : memref<80x128xf32, #tpu.memory_space<vmem>>, vector<16xf32>,
        %get3A_385 = arith.index_cast %add3A_210 : i32 to index
        %get3A_386 = arith.constant 0 : index
        %get3A_387 = tpu.vector_load %arg9[%get3A_385, %get3A_386] {strides = array<i32>} : memref<80x128xf32, #tpu.memory_space<vmem>>, vector<16xf32>,
        %mul3A_388 = arith.mulf %get3A_387, %gather3A_216 : vector<16xf32>
        %swap3A_389 = arith.index_cast %add3A_210 : i32 to index
        %swap3A_390 = arith.constant 0 : index
        %swap3A_391 = tpu.vector_load %arg9[%swap3A_389, %swap3A_390] {strides = array<i32>} : memref<80x128xf32, #tpu.memory_space<vmem>>, vector<16xf32>,
        tpu.vector_store %arg9[%swap3A_389, %swap3A_390], %mul3A_388 {strides = array<i32>} : memref<80x128xf32, #tpu.memory_space<vmem>>, vector<16xf32>,
        %get3A_392 = arith.index_cast %add3A_210 : i32 to index
        %get3A_393 = arith.constant 16 : index
        %get3A_394 = tpu.vector_load %arg9[%get3A_392, %get3A_393] {strides = array<i32>} : memref<80x128xf32, #tpu.memory_space<vmem>>, vector<16xf32>,
        %mul3A_395 = arith.mulf %get3A_394, %gather3A_216 : vector<16xf32>
        %swap3A_396 = arith.index_cast %add3A_210 : i32 to index
        %swap3A_397 = arith.constant 16 : index
        %swap3A_398 = tpu.vector_load %arg9[%swap3A_396, %swap3A_397] {strides = array<i32>} : memref<80x128xf32, #tpu.memory_space<vmem>>, vector<16xf32>,
        tpu.vector_store %arg9[%swap3A_396, %swap3A_397], %mul3A_395 {strides = array<i32>} : memref<80x128xf32, #tpu.memory_space<vmem>>, vector<16xf32>,
        %get3A_399 = arith.index_cast %add3A_210 : i32 to index
        %get3A_400 = arith.constant 32 : index
        %get3A_401 = tpu.vector_load %arg9[%get3A_399, %get3A_400] {strides = array<i32>} : memref<80x128xf32, #tpu.memory_space<vmem>>, vector<16xf32>,
        %mul3A_402 = arith.mulf %get3A_401, %gather3A_216 : vector<16xf32>
        %swap3A_403 = arith.index_cast %add3A_210 : i32 to index
        %swap3A_404 = arith.constant 32 : index
        %swap3A_405 = tpu.vector_load %arg9[%swap3A_403, %swap3A_404] {strides = array<i32>} : memref<80x128xf32, #tpu.memory_space<vmem>>, vector<16xf32>,
        tpu.vector_store %arg9[%swap3A_403, %swap3A_404], %mul3A_402 {strides = array<i32>} : memref<80x128xf32, #tpu.memory_space<vmem>>, vector<16xf32>,
        %get3A_406 = arith.index_cast %add3A_210 : i32 to index
        %get3A_407 = arith.constant 48 : index
        %get3A_408 = tpu.vector_load %arg9[%get3A_406, %get3A_407] {strides = array<i32>} : memref<80x128xf32, #tpu.memory_space<vmem>>, vector<16xf32>,
        %mul3A_409 = arith.mulf %get3A_408, %gather3A_216 : vector<16xf32>
        %swap3A_410 = arith.index_cast %add3A_210 : i32 to index
        %swap3A_411 = arith.constant 48 : index
        %swap3A_412 = tpu.vector_load %arg9[%swap3A_410, %swap3A_411] {strides = array<i32>} : memref<80x128xf32, #tpu.memory_space<vmem>>, vector<16xf32>,
        tpu.vector_store %arg9[%swap3A_410, %swap3A_411], %mul3A_409 {strides = array<i32>} : memref<80x128xf32, #tpu.memory_space<vmem>>, vector<16xf32>,
        %get3A_413 = arith.index_cast %add3A_210 : i32 to index
        %get3A_414 = arith.constant 64 : index
        %get3A_415 = tpu.vector_load %arg9[%get3A_413, %get3A_414] {strides = array<i32>} : memref<80x128xf32, #tpu.memory_space<vmem>>, vector<16xf32>,
        %mul3A_416 = arith.mulf %get3A_415, %gather3A_216 : vector<16xf32>
        %swap3A_417 = arith.index_cast %add3A_210 : i32 to index
        %swap3A_418 = arith.constant 64 : index
        %swap3A_419 = tpu.vector_load %arg9[%swap3A_417, %swap3A_418] {strides = array<i32>} : memref<80x128xf32, #tpu.memory_space<vmem>>, vector<16xf32>,
        tpu.vector_store %arg9[%swap3A_417, %swap3A_418], %mul3A_416 {strides = array<i32>} : memref<80x128xf32, #tpu.memory_space<vmem>>, vector<16xf32>,
        %get3A_420 = arith.index_cast %add3A_210 : i32 to index
        %get3A_421 = arith.constant 80 : index
        %get3A_422 = tpu.vector_load %arg9[%get3A_420, %get3A_421] {strides = array<i32>} : memref<80x128xf32, #tpu.memory_space<vmem>>, vector<16xf32>,
        %mul3A_423 = arith.mulf %get3A_422, %gather3A_216 : vector<16xf32>
        %swap3A_424 = arith.index_cast %add3A_210 : i32 to index
        %swap3A_425 = arith.constant 80 : index
        %swap3A_426 = tpu.vector_load %arg9[%swap3A_424, %swap3A_425] {strides = array<i32>} : memref<80x128xf32, #tpu.memory_space<vmem>>, vector<16xf32>,
        tpu.vector_store %arg9[%swap3A_424, %swap3A_425], %mul3A_423 {strides = array<i32>} : memref<80x128xf32, #tpu.memory_space<vmem>>, vector<16xf32>,
        %get3A_427 = arith.index_cast %add3A_210 : i32 to index
        %get3A_428 = arith.constant 96 : index
        %get3A_429 = tpu.vector_load %arg9[%get3A_427, %get3A_428] {strides = array<i32>} : memref<80x128xf32, #tpu.memory_space<vmem>>, vector<16xf32>,
        %mul3A_430 = arith.mulf %get3A_429, %gather3A_216 : vector<16xf32>
        %swap3A_431 = arith.index_cast %add3A_210 : i32 to index
        %swap3A_432 = arith.constant 96 : index
        %swap3A_433 = tpu.vector_load %arg9[%swap3A_431, %swap3A_432] {strides = array<i32>} : memref<80x128xf32, #tpu.memory_space<vmem>>, vector<16xf32>,
        tpu.vector_store %arg9[%swap3A_431, %swap3A_432], %mul3A_430 {strides = array<i32>} : memref<80x128xf32, #tpu.memory_space<vmem>>, vector<16xf32>,
        %get3A_434 = arith.index_cast %add3A_210 : i32 to index
        %get3A_435 = arith.constant 112 : index
        %get3A_436 = tpu.vector_load %arg9[%get3A_434, %get3A_435] {strides = array<i32>} : memref<80x128xf32, #tpu.memory_space<vmem>>, vector<16xf32>,
        %mul3A_437 = arith.mulf %get3A_436, %gather3A_216 : vector<16xf32>
        %swap3A_438 = arith.index_cast %add3A_210 : i32 to index
        %swap3A_439 = arith.constant 112 : index
        %swap3A_440 = tpu.vector_load %arg9[%swap3A_438, %swap3A_439] {strides = array<i32>} : memref<80x128xf32, #tpu.memory_space<vmem>>, vector<16xf32>,
        tpu.vector_store %arg9[%swap3A_438, %swap3A_439], %mul3A_437 {strides = array<i32>} : memref<80x128xf32, #tpu.memory_space<vmem>>, vector<16xf32>,
      }
      %scan3A_125 = arith.constant 20 : i32
      %dma_start3A_126 = arith.constant 0 : i32
      %dma_start3A_127 = arith.constant 0 : i32
      %dma_start3A_128 = tpu.memref_slice %arg8[%dma_start3A_126, %dma_start3A_127] : memref<10112x128xf32, #tpu.memory_space<vmem_shared>> -> memref<10112x128xf32, #tpu.memory_space<vmem_shared>>
      tpu.enqueue_indirect_dma source(%arg9 : memref<80x128xf32, #tpu.memory_space<vmem>>) target(%dma_start3A_128 : memref<10112x128xf32, #tpu.memory_space<vmem_shared>>) offsets(%arg15 : memref<80xi32, #tpu.memory_space<vmem>>) semaphore(%arg21 : memref<!tpu.dma_semaphore, #tpu.memory_space<semaphore_mem>>) {add = true}
      %dma_wait3A_129 = arith.constant 0 : i32
      %dma_wait3A_130 = arith.constant 0 : i32
      %dma_wait3A_131 = tpu.memref_slice %arg2[%dma_wait3A_129, %dma_wait3A_130] : memref<20224x128xf32, #tpu.memory_space<hbm>> -> memref<20224x128xf32, #tpu.memory_space<hbm>>
      tpu.wait_indirect_dma semaphore(%arg20 : memref<!tpu.dma_semaphore, #tpu.memory_space<semaphore_mem>>) src(%dma_wait3A_131 : memref<20224x128xf32, #tpu.memory_space<hbm>>) dst(%arg10 : memref<80x128xf32, #tpu.memory_space<vmem>>)
      %scan3A_132 = arith.constant 0 : i32
      %scan3A_133 = arith.constant 0 : i32
      %scan3A_134 = arith.constant 20 : i32
      %scan3A_135 = arith.addi %scan3A_133, %scan3A_134 : i32
      %scan3A_136 = arith.constant 1 : i32
      scf.for %scan3A_196 = %scan3A_133 to %scan3A_135 step %scan3A_136  : i32 {
        %mul3A_197 = arith.constant 4 : i32
        %mul3A_198 = arith.muli %mul3A_197, %scan3A_196 : i32
        %mul3A_199 = arith.constant 4 : i32
        %mul3A_200 = arith.muli %mul3A_199, %scan3A_196 : i32
        %add3A_201 = arith.constant 1 : i32
        %add3A_202 = arith.addi %mul3A_200, %add3A_201 : i32
        %mul3A_203 = arith.constant 4 : i32
        %mul3A_204 = arith.muli %mul3A_203, %scan3A_196 : i32
        %add3A_205 = arith.constant 2 : i32
        %add3A_206 = arith.addi %mul3A_204, %add3A_205 : i32
        %mul3A_207 = arith.constant 4 : i32
        %mul3A_208 = arith.muli %mul3A_207, %scan3A_196 : i32
        %add3A_209 = arith.constant 3 : i32
        %add3A_210 = arith.addi %mul3A_208, %add3A_209 : i32
        %broadcast_in_dim3A = vector.broadcast %mul3A_198 : i32 to vector<16xi32>
        %gather3A = tpu.vector_load_idx %arg18[%broadcast_in_dim3A] : memref<80xf32, #tpu.memory_space<vmem>>[vector<16xi32>], vector<16xf32>,
        %broadcast_in_dim3A_211 = vector.broadcast %add3A_202 : i32 to vector<16xi32>
        %gather3A_212 = tpu.vector_load_idx %arg18[%broadcast_in_dim3A_211] : memref<80xf32, #tpu.memory_space<vmem>>[vector<16xi32>], vector<16xf32>,
        %broadcast_in_dim3A_213 = vector.broadcast %add3A_206 : i32 to vector<16xi32>
        %gather3A_214 = tpu.vector_load_idx %arg18[%broadcast_in_dim3A_213] : memref<80xf32, #tpu.memory_space<vmem>>[vector<16xi32>], vector<16xf32>,
        %broadcast_in_dim3A_215 = vector.broadcast %add3A_210 : i32 to vector<16xi32>
        %gather3A_216 = tpu.vector_load_idx %arg18[%broadcast_in_dim3A_215] : memref<80xf32, #tpu.memory_space<vmem>>[vector<16xi32>], vector<16xf32>,
        %get3A_217 = arith.index_cast %mul3A_198 : i32 to index
        %get3A_218 = arith.constant 0 : index
        %get3A_219 = tpu.vector_load %arg10[%get3A_217, %get3A_218] {strides = array<i32>} : memref<80x128xf32, #tpu.memory_space<vmem>>, vector<16xf32>,
        %mul3A_220 = arith.mulf %get3A_219, %gather3A : vector<16xf32>
        %swap3A_221 = arith.index_cast %mul3A_198 : i32 to index
        %swap3A_222 = arith.constant 0 : index
        %swap3A_223 = tpu.vector_load %arg10[%swap3A_221, %swap3A_222] {strides = array<i32>} : memref<80x128xf32, #tpu.memory_space<vmem>>, vector<16xf32>,
        tpu.vector_store %arg10[%swap3A_221, %swap3A_222], %mul3A_220 {strides = array<i32>} : memref<80x128xf32, #tpu.memory_space<vmem>>, vector<16xf32>,
        %get3A_224 = arith.index_cast %mul3A_198 : i32 to index
        %get3A_225 = arith.constant 16 : index
        %get3A_226 = tpu.vector_load %arg10[%get3A_224, %get3A_225] {strides = array<i32>} : memref<80x128xf32, #tpu.memory_space<vmem>>, vector<16xf32>,
        %mul3A_227 = arith.mulf %get3A_226, %gather3A : vector<16xf32>
        %swap3A_228 = arith.index_cast %mul3A_198 : i32 to index
        %swap3A_229 = arith.constant 16 : index
        %swap3A_230 = tpu.vector_load %arg10[%swap3A_228, %swap3A_229] {strides = array<i32>} : memref<80x128xf32, #tpu.memory_space<vmem>>, vector<16xf32>,
        tpu.vector_store %arg10[%swap3A_228, %swap3A_229], %mul3A_227 {strides = array<i32>} : memref<80x128xf32, #tpu.memory_space<vmem>>, vector<16xf32>,
        %get3A_231 = arith.index_cast %mul3A_198 : i32 to index
        %get3A_232 = arith.constant 32 : index
        %get3A_233 = tpu.vector_load %arg10[%get3A_231, %get3A_232] {strides = array<i32>} : memref<80x128xf32, #tpu.memory_space<vmem>>, vector<16xf32>,
        %mul3A_234 = arith.mulf %get3A_233, %gather3A : vector<16xf32>
        %swap3A_235 = arith.index_cast %mul3A_198 : i32 to index
        %swap3A_236 = arith.constant 32 : index
        %swap3A_237 = tpu.vector_load %arg10[%swap3A_235, %swap3A_236] {strides = array<i32>} : memref<80x128xf32, #tpu.memory_space<vmem>>, vector<16xf32>,
        tpu.vector_store %arg10[%swap3A_235, %swap3A_236], %mul3A_234 {strides = array<i32>} : memref<80x128xf32, #tpu.memory_space<vmem>>, vector<16xf32>,
        %get3A_238 = arith.index_cast %mul3A_198 : i32 to index
        %get3A_239 = arith.constant 48 : index
        %get3A_240 = tpu.vector_load %arg10[%get3A_238, %get3A_239] {strides = array<i32>} : memref<80x128xf32, #tpu.memory_space<vmem>>, vector<16xf32>,
        %mul3A_241 = arith.mulf %get3A_240, %gather3A : vector<16xf32>
        %swap3A_242 = arith.index_cast %mul3A_198 : i32 to index
        %swap3A_243 = arith.constant 48 : index
        %swap3A_244 = tpu.vector_load %arg10[%swap3A_242, %swap3A_243] {strides = array<i32>} : memref<80x128xf32, #tpu.memory_space<vmem>>, vector<16xf32>,
        tpu.vector_store %arg10[%swap3A_242, %swap3A_243], %mul3A_241 {strides = array<i32>} : memref<80x128xf32, #tpu.memory_space<vmem>>, vector<16xf32>,
        %get3A_245 = arith.index_cast %mul3A_198 : i32 to index
        %get3A_246 = arith.constant 64 : index
        %get3A_247 = tpu.vector_load %arg10[%get3A_245, %get3A_246] {strides = array<i32>} : memref<80x128xf32, #tpu.memory_space<vmem>>, vector<16xf32>,
        %mul3A_248 = arith.mulf %get3A_247, %gather3A : vector<16xf32>
        %swap3A_249 = arith.index_cast %mul3A_198 : i32 to index
        %swap3A_250 = arith.constant 64 : index
        %swap3A_251 = tpu.vector_load %arg10[%swap3A_249, %swap3A_250] {strides = array<i32>} : memref<80x128xf32, #tpu.memory_space<vmem>>, vector<16xf32>,
        tpu.vector_store %arg10[%swap3A_249, %swap3A_250], %mul3A_248 {strides = array<i32>} : memref<80x128xf32, #tpu.memory_space<vmem>>, vector<16xf32>,
        %get3A_252 = arith.index_cast %mul3A_198 : i32 to index
        %get3A_253 = arith.constant 80 : index
        %get3A_254 = tpu.vector_load %arg10[%get3A_252, %get3A_253] {strides = array<i32>} : memref<80x128xf32, #tpu.memory_space<vmem>>, vector<16xf32>,
        %mul3A_255 = arith.mulf %get3A_254, %gather3A : vector<16xf32>
        %swap3A_256 = arith.index_cast %mul3A_198 : i32 to index
        %swap3A_257 = arith.constant 80 : index
        %swap3A_258 = tpu.vector_load %arg10[%swap3A_256, %swap3A_257] {strides = array<i32>} : memref<80x128xf32, #tpu.memory_space<vmem>>, vector<16xf32>,
        tpu.vector_store %arg10[%swap3A_256, %swap3A_257], %mul3A_255 {strides = array<i32>} : memref<80x128xf32, #tpu.memory_space<vmem>>, vector<16xf32>,
        %get3A_259 = arith.index_cast %mul3A_198 : i32 to index
        %get3A_260 = arith.constant 96 : index
        %get3A_261 = tpu.vector_load %arg10[%get3A_259, %get3A_260] {strides = array<i32>} : memref<80x128xf32, #tpu.memory_space<vmem>>, vector<16xf32>,
        %mul3A_262 = arith.mulf %get3A_261, %gather3A : vector<16xf32>
        %swap3A_263 = arith.index_cast %mul3A_198 : i32 to index
        %swap3A_264 = arith.constant 96 : index
        %swap3A_265 = tpu.vector_load %arg10[%swap3A_263, %swap3A_264] {strides = array<i32>} : memref<80x128xf32, #tpu.memory_space<vmem>>, vector<16xf32>,
        tpu.vector_store %arg10[%swap3A_263, %swap3A_264], %mul3A_262 {strides = array<i32>} : memref<80x128xf32, #tpu.memory_space<vmem>>, vector<16xf32>,
        %get3A_266 = arith.index_cast %mul3A_198 : i32 to index
        %get3A_267 = arith.constant 112 : index
        %get3A_268 = tpu.vector_load %arg10[%get3A_266, %get3A_267] {strides = array<i32>} : memref<80x128xf32, #tpu.memory_space<vmem>>, vector<16xf32>,
        %mul3A_269 = arith.mulf %get3A_268, %gather3A : vector<16xf32>
        %swap3A_270 = arith.index_cast %mul3A_198 : i32 to index
        %swap3A_271 = arith.constant 112 : index
        %swap3A_272 = tpu.vector_load %arg10[%swap3A_270, %swap3A_271] {strides = array<i32>} : memref<80x128xf32, #tpu.memory_space<vmem>>, vector<16xf32>,
        tpu.vector_store %arg10[%swap3A_270, %swap3A_271], %mul3A_269 {strides = array<i32>} : memref<80x128xf32, #tpu.memory_space<vmem>>, vector<16xf32>,
        %get3A_273 = arith.index_cast %add3A_202 : i32 to index
        %get3A_274 = arith.constant 0 : index
        %get3A_275 = tpu.vector_load %arg10[%get3A_273, %get3A_274] {strides = array<i32>} : memref<80x128xf32, #tpu.memory_space<vmem>>, vector<16xf32>,
        %mul3A_276 = arith.mulf %get3A_275, %gather3A_212 : vector<16xf32>
        %swap3A_277 = arith.index_cast %add3A_202 : i32 to index
        %swap3A_278 = arith.constant 0 : index
        %swap3A_279 = tpu.vector_load %arg10[%swap3A_277, %swap3A_278] {strides = array<i32>} : memref<80x128xf32, #tpu.memory_space<vmem>>, vector<16xf32>,
        tpu.vector_store %arg10[%swap3A_277, %swap3A_278], %mul3A_276 {strides = array<i32>} : memref<80x128xf32, #tpu.memory_space<vmem>>, vector<16xf32>,
        %get3A_280 = arith.index_cast %add3A_202 : i32 to index
        %get3A_281 = arith.constant 16 : index
        %get3A_282 = tpu.vector_load %arg10[%get3A_280, %get3A_281] {strides = array<i32>} : memref<80x128xf32, #tpu.memory_space<vmem>>, vector<16xf32>,
        %mul3A_283 = arith.mulf %get3A_282, %gather3A_212 : vector<16xf32>
        %swap3A_284 = arith.index_cast %add3A_202 : i32 to index
        %swap3A_285 = arith.constant 16 : index
        %swap3A_286 = tpu.vector_load %arg10[%swap3A_284, %swap3A_285] {strides = array<i32>} : memref<80x128xf32, #tpu.memory_space<vmem>>, vector<16xf32>,
        tpu.vector_store %arg10[%swap3A_284, %swap3A_285], %mul3A_283 {strides = array<i32>} : memref<80x128xf32, #tpu.memory_space<vmem>>, vector<16xf32>,
        %get3A_287 = arith.index_cast %add3A_202 : i32 to index
        %get3A_288 = arith.constant 32 : index
        %get3A_289 = tpu.vector_load %arg10[%get3A_287, %get3A_288] {strides = array<i32>} : memref<80x128xf32, #tpu.memory_space<vmem>>, vector<16xf32>,
        %mul3A_290 = arith.mulf %get3A_289, %gather3A_212 : vector<16xf32>
        %swap3A_291 = arith.index_cast %add3A_202 : i32 to index
        %swap3A_292 = arith.constant 32 : index
        %swap3A_293 = tpu.vector_load %arg10[%swap3A_291, %swap3A_292] {strides = array<i32>} : memref<80x128xf32, #tpu.memory_space<vmem>>, vector<16xf32>,
        tpu.vector_store %arg10[%swap3A_291, %swap3A_292], %mul3A_290 {strides = array<i32>} : memref<80x128xf32, #tpu.memory_space<vmem>>, vector<16xf32>,
        %get3A_294 = arith.index_cast %add3A_202 : i32 to index
        %get3A_295 = arith.constant 48 : index
        %get3A_296 = tpu.vector_load %arg10[%get3A_294, %get3A_295] {strides = array<i32>} : memref<80x128xf32, #tpu.memory_space<vmem>>, vector<16xf32>,
        %mul3A_297 = arith.mulf %get3A_296, %gather3A_212 : vector<16xf32>
        %swap3A_298 = arith.index_cast %add3A_202 : i32 to index
        %swap3A_299 = arith.constant 48 : index
        %swap3A_300 = tpu.vector_load %arg10[%swap3A_298, %swap3A_299] {strides = array<i32>} : memref<80x128xf32, #tpu.memory_space<vmem>>, vector<16xf32>,
        tpu.vector_store %arg10[%swap3A_298, %swap3A_299], %mul3A_297 {strides = array<i32>} : memref<80x128xf32, #tpu.memory_space<vmem>>, vector<16xf32>,
        %get3A_301 = arith.index_cast %add3A_202 : i32 to index
        %get3A_302 = arith.constant 64 : index
        %get3A_303 = tpu.vector_load %arg10[%get3A_301, %get3A_302] {strides = array<i32>} : memref<80x128xf32, #tpu.memory_space<vmem>>, vector<16xf32>,
        %mul3A_304 = arith.mulf %get3A_303, %gather3A_212 : vector<16xf32>
        %swap3A_305 = arith.index_cast %add3A_202 : i32 to index
        %swap3A_306 = arith.constant 64 : index
        %swap3A_307 = tpu.vector_load %arg10[%swap3A_305, %swap3A_306] {strides = array<i32>} : memref<80x128xf32, #tpu.memory_space<vmem>>, vector<16xf32>,
        tpu.vector_store %arg10[%swap3A_305, %swap3A_306], %mul3A_304 {strides = array<i32>} : memref<80x128xf32, #tpu.memory_space<vmem>>, vector<16xf32>,
        %get3A_308 = arith.index_cast %add3A_202 : i32 to index
        %get3A_309 = arith.constant 80 : index
        %get3A_310 = tpu.vector_load %arg10[%get3A_308, %get3A_309] {strides = array<i32>} : memref<80x128xf32, #tpu.memory_space<vmem>>, vector<16xf32>,
        %mul3A_311 = arith.mulf %get3A_310, %gather3A_212 : vector<16xf32>
        %swap3A_312 = arith.index_cast %add3A_202 : i32 to index
        %swap3A_313 = arith.constant 80 : index
        %swap3A_314 = tpu.vector_load %arg10[%swap3A_312, %swap3A_313] {strides = array<i32>} : memref<80x128xf32, #tpu.memory_space<vmem>>, vector<16xf32>,
        tpu.vector_store %arg10[%swap3A_312, %swap3A_313], %mul3A_311 {strides = array<i32>} : memref<80x128xf32, #tpu.memory_space<vmem>>, vector<16xf32>,
        %get3A_315 = arith.index_cast %add3A_202 : i32 to index
        %get3A_316 = arith.constant 96 : index
        %get3A_317 = tpu.vector_load %arg10[%get3A_315, %get3A_316] {strides = array<i32>} : memref<80x128xf32, #tpu.memory_space<vmem>>, vector<16xf32>,
        %mul3A_318 = arith.mulf %get3A_317, %gather3A_212 : vector<16xf32>
        %swap3A_319 = arith.index_cast %add3A_202 : i32 to index
        %swap3A_320 = arith.constant 96 : index
        %swap3A_321 = tpu.vector_load %arg10[%swap3A_319, %swap3A_320] {strides = array<i32>} : memref<80x128xf32, #tpu.memory_space<vmem>>, vector<16xf32>,
        tpu.vector_store %arg10[%swap3A_319, %swap3A_320], %mul3A_318 {strides = array<i32>} : memref<80x128xf32, #tpu.memory_space<vmem>>, vector<16xf32>,
        %get3A_322 = arith.index_cast %add3A_202 : i32 to index
        %get3A_323 = arith.constant 112 : index
        %get3A_324 = tpu.vector_load %arg10[%get3A_322, %get3A_323] {strides = array<i32>} : memref<80x128xf32, #tpu.memory_space<vmem>>, vector<16xf32>,
        %mul3A_325 = arith.mulf %get3A_324, %gather3A_212 : vector<16xf32>
        %swap3A_326 = arith.index_cast %add3A_202 : i32 to index
        %swap3A_327 = arith.constant 112 : index
        %swap3A_328 = tpu.vector_load %arg10[%swap3A_326, %swap3A_327] {strides = array<i32>} : memref<80x128xf32, #tpu.memory_space<vmem>>, vector<16xf32>,
        tpu.vector_store %arg10[%swap3A_326, %swap3A_327], %mul3A_325 {strides = array<i32>} : memref<80x128xf32, #tpu.memory_space<vmem>>, vector<16xf32>,
        %get3A_329 = arith.index_cast %add3A_206 : i32 to index
        %get3A_330 = arith.constant 0 : index
        %get3A_331 = tpu.vector_load %arg10[%get3A_329, %get3A_330] {strides = array<i32>} : memref<80x128xf32, #tpu.memory_space<vmem>>, vector<16xf32>,
        %mul3A_332 = arith.mulf %get3A_331, %gather3A_214 : vector<16xf32>
        %swap3A_333 = arith.index_cast %add3A_206 : i32 to index
        %swap3A_334 = arith.constant 0 : index
        %swap3A_335 = tpu.vector_load %arg10[%swap3A_333, %swap3A_334] {strides = array<i32>} : memref<80x128xf32, #tpu.memory_space<vmem>>, vector<16xf32>,
        tpu.vector_store %arg10[%swap3A_333, %swap3A_334], %mul3A_332 {strides = array<i32>} : memref<80x128xf32, #tpu.memory_space<vmem>>, vector<16xf32>,
        %get3A_336 = arith.index_cast %add3A_206 : i32 to index
        %get3A_337 = arith.constant 16 : index
        %get3A_338 = tpu.vector_load %arg10[%get3A_336, %get3A_337] {strides = array<i32>} : memref<80x128xf32, #tpu.memory_space<vmem>>, vector<16xf32>,
        %mul3A_339 = arith.mulf %get3A_338, %gather3A_214 : vector<16xf32>
        %swap3A_340 = arith.index_cast %add3A_206 : i32 to index
        %swap3A_341 = arith.constant 16 : index
        %swap3A_342 = tpu.vector_load %arg10[%swap3A_340, %swap3A_341] {strides = array<i32>} : memref<80x128xf32, #tpu.memory_space<vmem>>, vector<16xf32>,
        tpu.vector_store %arg10[%swap3A_340, %swap3A_341], %mul3A_339 {strides = array<i32>} : memref<80x128xf32, #tpu.memory_space<vmem>>, vector<16xf32>,
        %get3A_343 = arith.index_cast %add3A_206 : i32 to index
        %get3A_344 = arith.constant 32 : index
        %get3A_345 = tpu.vector_load %arg10[%get3A_343, %get3A_344] {strides = array<i32>} : memref<80x128xf32, #tpu.memory_space<vmem>>, vector<16xf32>,
        %mul3A_346 = arith.mulf %get3A_345, %gather3A_214 : vector<16xf32>
        %swap3A_347 = arith.index_cast %add3A_206 : i32 to index
        %swap3A_348 = arith.constant 32 : index
        %swap3A_349 = tpu.vector_load %arg10[%swap3A_347, %swap3A_348] {strides = array<i32>} : memref<80x128xf32, #tpu.memory_space<vmem>>, vector<16xf32>,
        tpu.vector_store %arg10[%swap3A_347, %swap3A_348], %mul3A_346 {strides = array<i32>} : memref<80x128xf32, #tpu.memory_space<vmem>>, vector<16xf32>,
        %get3A_350 = arith.index_cast %add3A_206 : i32 to index
        %get3A_351 = arith.constant 48 : index
        %get3A_352 = tpu.vector_load %arg10[%get3A_350, %get3A_351] {strides = array<i32>} : memref<80x128xf32, #tpu.memory_space<vmem>>, vector<16xf32>,
        %mul3A_353 = arith.mulf %get3A_352, %gather3A_214 : vector<16xf32>
        %swap3A_354 = arith.index_cast %add3A_206 : i32 to index
        %swap3A_355 = arith.constant 48 : index
        %swap3A_356 = tpu.vector_load %arg10[%swap3A_354, %swap3A_355] {strides = array<i32>} : memref<80x128xf32, #tpu.memory_space<vmem>>, vector<16xf32>,
        tpu.vector_store %arg10[%swap3A_354, %swap3A_355], %mul3A_353 {strides = array<i32>} : memref<80x128xf32, #tpu.memory_space<vmem>>, vector<16xf32>,
        %get3A_357 = arith.index_cast %add3A_206 : i32 to index
        %get3A_358 = arith.constant 64 : index
        %get3A_359 = tpu.vector_load %arg10[%get3A_357, %get3A_358] {strides = array<i32>} : memref<80x128xf32, #tpu.memory_space<vmem>>, vector<16xf32>,
        %mul3A_360 = arith.mulf %get3A_359, %gather3A_214 : vector<16xf32>
        %swap3A_361 = arith.index_cast %add3A_206 : i32 to index
        %swap3A_362 = arith.constant 64 : index
        %swap3A_363 = tpu.vector_load %arg10[%swap3A_361, %swap3A_362] {strides = array<i32>} : memref<80x128xf32, #tpu.memory_space<vmem>>, vector<16xf32>,
        tpu.vector_store %arg10[%swap3A_361, %swap3A_362], %mul3A_360 {strides = array<i32>} : memref<80x128xf32, #tpu.memory_space<vmem>>, vector<16xf32>,
        %get3A_364 = arith.index_cast %add3A_206 : i32 to index
        %get3A_365 = arith.constant 80 : index
        %get3A_366 = tpu.vector_load %arg10[%get3A_364, %get3A_365] {strides = array<i32>} : memref<80x128xf32, #tpu.memory_space<vmem>>, vector<16xf32>,
        %mul3A_367 = arith.mulf %get3A_366, %gather3A_214 : vector<16xf32>
        %swap3A_368 = arith.index_cast %add3A_206 : i32 to index
        %swap3A_369 = arith.constant 80 : index
        %swap3A_370 = tpu.vector_load %arg10[%swap3A_368, %swap3A_369] {strides = array<i32>} : memref<80x128xf32, #tpu.memory_space<vmem>>, vector<16xf32>,
        tpu.vector_store %arg10[%swap3A_368, %swap3A_369], %mul3A_367 {strides = array<i32>} : memref<80x128xf32, #tpu.memory_space<vmem>>, vector<16xf32>,
        %get3A_371 = arith.index_cast %add3A_206 : i32 to index
        %get3A_372 = arith.constant 96 : index
        %get3A_373 = tpu.vector_load %arg10[%get3A_371, %get3A_372] {strides = array<i32>} : memref<80x128xf32, #tpu.memory_space<vmem>>, vector<16xf32>,
        %mul3A_374 = arith.mulf %get3A_373, %gather3A_214 : vector<16xf32>
        %swap3A_375 = arith.index_cast %add3A_206 : i32 to index
        %swap3A_376 = arith.constant 96 : index
        %swap3A_377 = tpu.vector_load %arg10[%swap3A_375, %swap3A_376] {strides = array<i32>} : memref<80x128xf32, #tpu.memory_space<vmem>>, vector<16xf32>,
        tpu.vector_store %arg10[%swap3A_375, %swap3A_376], %mul3A_374 {strides = array<i32>} : memref<80x128xf32, #tpu.memory_space<vmem>>, vector<16xf32>,
        %get3A_378 = arith.index_cast %add3A_206 : i32 to index
        %get3A_379 = arith.constant 112 : index
        %get3A_380 = tpu.vector_load %arg10[%get3A_378, %get3A_379] {strides = array<i32>} : memref<80x128xf32, #tpu.memory_space<vmem>>, vector<16xf32>,
        %mul3A_381 = arith.mulf %get3A_380, %gather3A_214 : vector<16xf32>
        %swap3A_382 = arith.index_cast %add3A_206 : i32 to index
        %swap3A_383 = arith.constant 112 : index
        %swap3A_384 = tpu.vector_load %arg10[%swap3A_382, %swap3A_383] {strides = array<i32>} : memref<80x128xf32, #tpu.memory_space<vmem>>, vector<16xf32>,
        tpu.vector_store %arg10[%swap3A_382, %swap3A_383], %mul3A_381 {strides = array<i32>} : memref<80x128xf32, #tpu.memory_space<vmem>>, vector<16xf32>,
        %get3A_385 = arith.index_cast %add3A_210 : i32 to index
        %get3A_386 = arith.constant 0 : index
        %get3A_387 = tpu.vector_load %arg10[%get3A_385, %get3A_386] {strides = array<i32>} : memref<80x128xf32, #tpu.memory_space<vmem>>, vector<16xf32>,
        %mul3A_388 = arith.mulf %get3A_387, %gather3A_216 : vector<16xf32>
        %swap3A_389 = arith.index_cast %add3A_210 : i32 to index
        %swap3A_390 = arith.constant 0 : index
        %swap3A_391 = tpu.vector_load %arg10[%swap3A_389, %swap3A_390] {strides = array<i32>} : memref<80x128xf32, #tpu.memory_space<vmem>>, vector<16xf32>,
        tpu.vector_store %arg10[%swap3A_389, %swap3A_390], %mul3A_388 {strides = array<i32>} : memref<80x128xf32, #tpu.memory_space<vmem>>, vector<16xf32>,
        %get3A_392 = arith.index_cast %add3A_210 : i32 to index
        %get3A_393 = arith.constant 16 : index
        %get3A_394 = tpu.vector_load %arg10[%get3A_392, %get3A_393] {strides = array<i32>} : memref<80x128xf32, #tpu.memory_space<vmem>>, vector<16xf32>,
        %mul3A_395 = arith.mulf %get3A_394, %gather3A_216 : vector<16xf32>
        %swap3A_396 = arith.index_cast %add3A_210 : i32 to index
        %swap3A_397 = arith.constant 16 : index
        %swap3A_398 = tpu.vector_load %arg10[%swap3A_396, %swap3A_397] {strides = array<i32>} : memref<80x128xf32, #tpu.memory_space<vmem>>, vector<16xf32>,
        tpu.vector_store %arg10[%swap3A_396, %swap3A_397], %mul3A_395 {strides = array<i32>} : memref<80x128xf32, #tpu.memory_space<vmem>>, vector<16xf32>,
        %get3A_399 = arith.index_cast %add3A_210 : i32 to index
        %get3A_400 = arith.constant 32 : index
        %get3A_401 = tpu.vector_load %arg10[%get3A_399, %get3A_400] {strides = array<i32>} : memref<80x128xf32, #tpu.memory_space<vmem>>, vector<16xf32>,
        %mul3A_402 = arith.mulf %get3A_401, %gather3A_216 : vector<16xf32>
        %swap3A_403 = arith.index_cast %add3A_210 : i32 to index
        %swap3A_404 = arith.constant 32 : index
        %swap3A_405 = tpu.vector_load %arg10[%swap3A_403, %swap3A_404] {strides = array<i32>} : memref<80x128xf32, #tpu.memory_space<vmem>>, vector<16xf32>,
        tpu.vector_store %arg10[%swap3A_403, %swap3A_404], %mul3A_402 {strides = array<i32>} : memref<80x128xf32, #tpu.memory_space<vmem>>, vector<16xf32>,
        %get3A_406 = arith.index_cast %add3A_210 : i32 to index
        %get3A_407 = arith.constant 48 : index
        %get3A_408 = tpu.vector_load %arg10[%get3A_406, %get3A_407] {strides = array<i32>} : memref<80x128xf32, #tpu.memory_space<vmem>>, vector<16xf32>,
        %mul3A_409 = arith.mulf %get3A_408, %gather3A_216 : vector<16xf32>
        %swap3A_410 = arith.index_cast %add3A_210 : i32 to index
        %swap3A_411 = arith.constant 48 : index
        %swap3A_412 = tpu.vector_load %arg10[%swap3A_410, %swap3A_411] {strides = array<i32>} : memref<80x128xf32, #tpu.memory_space<vmem>>, vector<16xf32>,
        tpu.vector_store %arg10[%swap3A_410, %swap3A_411], %mul3A_409 {strides = array<i32>} : memref<80x128xf32, #tpu.memory_space<vmem>>, vector<16xf32>,
        %get3A_413 = arith.index_cast %add3A_210 : i32 to index
        %get3A_414 = arith.constant 64 : index
        %get3A_415 = tpu.vector_load %arg10[%get3A_413, %get3A_414] {strides = array<i32>} : memref<80x128xf32, #tpu.memory_space<vmem>>, vector<16xf32>,
        %mul3A_416 = arith.mulf %get3A_415, %gather3A_216 : vector<16xf32>
        %swap3A_417 = arith.index_cast %add3A_210 : i32 to index
        %swap3A_418 = arith.constant 64 : index
        %swap3A_419 = tpu.vector_load %arg10[%swap3A_417, %swap3A_418] {strides = array<i32>} : memref<80x128xf32, #tpu.memory_space<vmem>>, vector<16xf32>,
        tpu.vector_store %arg10[%swap3A_417, %swap3A_418], %mul3A_416 {strides = array<i32>} : memref<80x128xf32, #tpu.memory_space<vmem>>, vector<16xf32>,
        %get3A_420 = arith.index_cast %add3A_210 : i32 to index
        %get3A_421 = arith.constant 80 : index
        %get3A_422 = tpu.vector_load %arg10[%get3A_420, %get3A_421] {strides = array<i32>} : memref<80x128xf32, #tpu.memory_space<vmem>>, vector<16xf32>,
        %mul3A_423 = arith.mulf %get3A_422, %gather3A_216 : vector<16xf32>
        %swap3A_424 = arith.index_cast %add3A_210 : i32 to index
        %swap3A_425 = arith.constant 80 : index
        %swap3A_426 = tpu.vector_load %arg10[%swap3A_424, %swap3A_425] {strides = array<i32>} : memref<80x128xf32, #tpu.memory_space<vmem>>, vector<16xf32>,
        tpu.vector_store %arg10[%swap3A_424, %swap3A_425], %mul3A_423 {strides = array<i32>} : memref<80x128xf32, #tpu.memory_space<vmem>>, vector<16xf32>,
        %get3A_427 = arith.index_cast %add3A_210 : i32 to index
        %get3A_428 = arith.constant 96 : index
        %get3A_429 = tpu.vector_load %arg10[%get3A_427, %get3A_428] {strides = array<i32>} : memref<80x128xf32, #tpu.memory_space<vmem>>, vector<16xf32>,
        %mul3A_430 = arith.mulf %get3A_429, %gather3A_216 : vector<16xf32>
        %swap3A_431 = arith.index_cast %add3A_210 : i32 to index
        %swap3A_432 = arith.constant 96 : index
        %swap3A_433 = tpu.vector_load %arg10[%swap3A_431, %swap3A_432] {strides = array<i32>} : memref<80x128xf32, #tpu.memory_space<vmem>>, vector<16xf32>,
        tpu.vector_store %arg10[%swap3A_431, %swap3A_432], %mul3A_430 {strides = array<i32>} : memref<80x128xf32, #tpu.memory_space<vmem>>, vector<16xf32>,
        %get3A_434 = arith.index_cast %add3A_210 : i32 to index
        %get3A_435 = arith.constant 112 : index
        %get3A_436 = tpu.vector_load %arg10[%get3A_434, %get3A_435] {strides = array<i32>} : memref<80x128xf32, #tpu.memory_space<vmem>>, vector<16xf32>,
        %mul3A_437 = arith.mulf %get3A_436, %gather3A_216 : vector<16xf32>
        %swap3A_438 = arith.index_cast %add3A_210 : i32 to index
        %swap3A_439 = arith.constant 112 : index
        %swap3A_440 = tpu.vector_load %arg10[%swap3A_438, %swap3A_439] {strides = array<i32>} : memref<80x128xf32, #tpu.memory_space<vmem>>, vector<16xf32>,
        tpu.vector_store %arg10[%swap3A_438, %swap3A_439], %mul3A_437 {strides = array<i32>} : memref<80x128xf32, #tpu.memory_space<vmem>>, vector<16xf32>,
      }
      %scan3A_137 = arith.constant 20 : i32
      %dma_start3A_138 = arith.constant 0 : i32
      %dma_start3A_139 = arith.constant 0 : i32
      %dma_start3A_140 = tpu.memref_slice %arg8[%dma_start3A_138, %dma_start3A_139] : memref<10112x128xf32, #tpu.memory_space<vmem_shared>> -> memref<10112x128xf32, #tpu.memory_space<vmem_shared>>
      tpu.enqueue_indirect_dma source(%arg10 : memref<80x128xf32, #tpu.memory_space<vmem>>) target(%dma_start3A_140 : memref<10112x128xf32, #tpu.memory_space<vmem_shared>>) offsets(%arg16 : memref<80xi32, #tpu.memory_space<vmem>>) semaphore(%arg22 : memref<!tpu.dma_semaphore, #tpu.memory_space<semaphore_mem>>) {add = true}
      %dma_wait3A_141 = arith.constant 0 : i32
      %dma_wait3A_142 = arith.constant 0 : i32
      %dma_wait3A_143 = tpu.memref_slice %arg8[%dma_wait3A_141, %dma_wait3A_142] : memref<10112x128xf32, #tpu.memory_space<vmem_shared>> -> memref<10112x128xf32, #tpu.memory_space<vmem_shared>>
      tpu.wait_indirect_dma semaphore(%arg21 : memref<!tpu.dma_semaphore, #tpu.memory_space<semaphore_mem>>) src(%arg9 : memref<80x128xf32, #tpu.memory_space<vmem>>) dst(%dma_wait3A_143 : memref<10112x128xf32, #tpu.memory_space<vmem_shared>>)
      %add3A_144 = arith.constant 2 : i32
      %add3A_145 = arith.addi %mul3A_67, %add3A_144 : i32
      %mul3A_146 = arith.constant 80 : i32
      %mul3A_147 = arith.muli %add3A_145, %mul3A_146 : i32
      %add3A_148 = arith.addi %mul3A_2, %mul3A_147 : i32
      %multiple_of3A_149 = tpu.assume_multiple %add3A_148, 8 : i32
      "tpu.region"() ({
        %run_scoped3A = tpu.sem_alloc : memref<!tpu.dma_semaphore, #tpu.memory_space<semaphore_mem>>
        %dma_start3A_196 = tpu.memref_slice %arg3[%multiple_of3A_149] : memref<160000xi32, #tpu.memory_space<hbm>> -> memref<80xi32, #tpu.memory_space<hbm>>
        %dma_start3A_197 = tpu.memref_slice %arg3[%multiple_of3A_149] : memref<160000xi32, #tpu.memory_space<hbm>> -> memref<80xi32, #tpu.memory_space<hbm>>
        tpu.enqueue_dma source(%dma_start3A_197 : memref<80xi32, #tpu.memory_space<hbm>>) target(%arg11 : memref<80xi32, #tpu.memory_space<vmem>>) target_semaphore(%run_scoped3A : memref<!tpu.dma_semaphore, #tpu.memory_space<semaphore_mem>>)
        %dma_wait3A_198 = tpu.memref_slice %arg3[%multiple_of3A_149] : memref<160000xi32, #tpu.memory_space<hbm>> -> memref<80xi32, #tpu.memory_space<hbm>>
        %dma_wait3A_199 = tpu.memref_slice %arg3[%multiple_of3A_149] : memref<160000xi32, #tpu.memory_space<hbm>> -> memref<80xi32, #tpu.memory_space<hbm>>
        tpu.wait_dma2 semaphore(%run_scoped3A : memref<!tpu.dma_semaphore, #tpu.memory_space<semaphore_mem>>) src(%dma_wait3A_199 : memref<80xi32, #tpu.memory_space<hbm>>) dst(%arg11 : memref<80xi32, #tpu.memory_space<vmem>>)
        tpu.yield
      }) : () -> ()
      "tpu.region"() ({
        %run_scoped3A = tpu.sem_alloc : memref<!tpu.dma_semaphore, #tpu.memory_space<semaphore_mem>>
        %dma_start3A_196 = tpu.memref_slice %arg4[%multiple_of3A_149] : memref<160000xi32, #tpu.memory_space<hbm>> -> memref<80xi32, #tpu.memory_space<hbm>>
        %dma_start3A_197 = tpu.memref_slice %arg4[%multiple_of3A_149] : memref<160000xi32, #tpu.memory_space<hbm>> -> memref<80xi32, #tpu.memory_space<hbm>>
        tpu.enqueue_dma source(%dma_start3A_197 : memref<80xi32, #tpu.memory_space<hbm>>) target(%arg15 : memref<80xi32, #tpu.memory_space<vmem>>) target_semaphore(%run_scoped3A : memref<!tpu.dma_semaphore, #tpu.memory_space<semaphore_mem>>)
        %dma_wait3A_198 = tpu.memref_slice %arg4[%multiple_of3A_149] : memref<160000xi32, #tpu.memory_space<hbm>> -> memref<80xi32, #tpu.memory_space<hbm>>
        %dma_wait3A_199 = tpu.memref_slice %arg4[%multiple_of3A_149] : memref<160000xi32, #tpu.memory_space<hbm>> -> memref<80xi32, #tpu.memory_space<hbm>>
        tpu.wait_dma2 semaphore(%run_scoped3A : memref<!tpu.dma_semaphore, #tpu.memory_space<semaphore_mem>>) src(%dma_wait3A_199 : memref<80xi32, #tpu.memory_space<hbm>>) dst(%arg15 : memref<80xi32, #tpu.memory_space<vmem>>)
        tpu.yield
      }) : () -> ()
      "tpu.region"() ({
        %run_scoped3A = tpu.sem_alloc : memref<!tpu.dma_semaphore, #tpu.memory_space<semaphore_mem>>
        %dma_start3A_196 = tpu.memref_slice %arg5[%multiple_of3A_149] : memref<160000xf32, #tpu.memory_space<hbm>> -> memref<80xf32, #tpu.memory_space<hbm>>
        %dma_start3A_197 = tpu.memref_slice %arg5[%multiple_of3A_149] : memref<160000xf32, #tpu.memory_space<hbm>> -> memref<80xf32, #tpu.memory_space<hbm>>
        tpu.enqueue_dma source(%dma_start3A_197 : memref<80xf32, #tpu.memory_space<hbm>>) target(%arg17 : memref<80xf32, #tpu.memory_space<vmem>>) target_semaphore(%run_scoped3A : memref<!tpu.dma_semaphore, #tpu.memory_space<semaphore_mem>>)
        %dma_wait3A_198 = tpu.memref_slice %arg5[%multiple_of3A_149] : memref<160000xf32, #tpu.memory_space<hbm>> -> memref<80xf32, #tpu.memory_space<hbm>>
        %dma_wait3A_199 = tpu.memref_slice %arg5[%multiple_of3A_149] : memref<160000xf32, #tpu.memory_space<hbm>> -> memref<80xf32, #tpu.memory_space<hbm>>
        tpu.wait_dma2 semaphore(%run_scoped3A : memref<!tpu.dma_semaphore, #tpu.memory_space<semaphore_mem>>) src(%dma_wait3A_199 : memref<80xf32, #tpu.memory_space<hbm>>) dst(%arg17 : memref<80xf32, #tpu.memory_space<vmem>>)
        tpu.yield
      }) : () -> ()
      %get3A_150 = arith.constant 0 : index
      %get3A_151 = tpu.vector_load %arg11[%get3A_150] {strides = array<i32>} : memref<80xi32, #tpu.memory_space<vmem>>, vector<16xi32>,
      %mul3A_152 = arith.constant 10112 : i32
      %mul3A_153 = arith.muli %arg0, %mul3A_152 : i32
      %add3A_154 = vector.broadcast %mul3A_153 : i32 to vector<16xi32>
      %add3A_155 = arith.addi %get3A_151, %add3A_154 : vector<16xi32>
      %swap3A_156 = arith.constant 0 : index
      %swap3A_157 = tpu.vector_load %arg13[%swap3A_156] {strides = array<i32>} : memref<80xi32, #tpu.memory_space<vmem>>, vector<16xi32>,
      tpu.vector_store %arg13[%swap3A_156], %add3A_155 {strides = array<i32>} : memref<80xi32, #tpu.memory_space<vmem>>, vector<16xi32>,
      %get3A_158 = arith.constant 16 : index
      %get3A_159 = tpu.vector_load %arg11[%get3A_158] {strides = array<i32>} : memref<80xi32, #tpu.memory_space<vmem>>, vector<16xi32>,
      %mul3A_160 = arith.constant 10112 : i32
      %mul3A_161 = arith.muli %arg0, %mul3A_160 : i32
      %add3A_162 = vector.broadcast %mul3A_161 : i32 to vector<16xi32>
      %add3A_163 = arith.addi %get3A_159, %add3A_162 : vector<16xi32>
      %swap3A_164 = arith.constant 16 : index
      %swap3A_165 = tpu.vector_load %arg13[%swap3A_164] {strides = array<i32>} : memref<80xi32, #tpu.memory_space<vmem>>, vector<16xi32>,
      tpu.vector_store %arg13[%swap3A_164], %add3A_163 {strides = array<i32>} : memref<80xi32, #tpu.memory_space<vmem>>, vector<16xi32>,
      %get3A_166 = arith.constant 32 : index
      %get3A_167 = tpu.vector_load %arg11[%get3A_166] {strides = array<i32>} : memref<80xi32, #tpu.memory_space<vmem>>, vector<16xi32>,
      %mul3A_168 = arith.constant 10112 : i32
      %mul3A_169 = arith.muli %arg0, %mul3A_168 : i32
      %add3A_170 = vector.broadcast %mul3A_169 : i32 to vector<16xi32>
      %add3A_171 = arith.addi %get3A_167, %add3A_170 : vector<16xi32>
      %swap3A_172 = arith.constant 32 : index
      %swap3A_173 = tpu.vector_load %arg13[%swap3A_172] {strides = array<i32>} : memref<80xi32, #tpu.memory_space<vmem>>, vector<16xi32>,
      tpu.vector_store %arg13[%swap3A_172], %add3A_171 {strides = array<i32>} : memref<80xi32, #tpu.memory_space<vmem>>, vector<16xi32>,
      %get3A_174 = arith.constant 48 : index
      %get3A_175 = tpu.vector_load %arg11[%get3A_174] {strides = array<i32>} : memref<80xi32, #tpu.memory_space<vmem>>, vector<16xi32>,
      %mul3A_176 = arith.constant 10112 : i32
      %mul3A_177 = arith.muli %arg0, %mul3A_176 : i32
      %add3A_178 = vector.broadcast %mul3A_177 : i32 to vector<16xi32>
      %add3A_179 = arith.addi %get3A_175, %add3A_178 : vector<16xi32>
      %swap3A_180 = arith.constant 48 : index
      %swap3A_181 = tpu.vector_load %arg13[%swap3A_180] {strides = array<i32>} : memref<80xi32, #tpu.memory_space<vmem>>, vector<16xi32>,
      tpu.vector_store %arg13[%swap3A_180], %add3A_179 {strides = array<i32>} : memref<80xi32, #tpu.memory_space<vmem>>, vector<16xi32>,
      %get3A_182 = arith.constant 64 : index
      %get3A_183 = tpu.vector_load %arg11[%get3A_182] {strides = array<i32>} : memref<80xi32, #tpu.memory_space<vmem>>, vector<16xi32>,
      %mul3A_184 = arith.constant 10112 : i32
      %mul3A_185 = arith.muli %arg0, %mul3A_184 : i32
      %add3A_186 = vector.broadcast %mul3A_185 : i32 to vector<16xi32>
      %add3A_187 = arith.addi %get3A_183, %add3A_186 : vector<16xi32>
      %swap3A_188 = arith.constant 64 : index
      %swap3A_189 = tpu.vector_load %arg13[%swap3A_188] {strides = array<i32>} : memref<80xi32, #tpu.memory_space<vmem>>, vector<16xi32>,
      tpu.vector_store %arg13[%swap3A_188], %add3A_187 {strides = array<i32>} : memref<80xi32, #tpu.memory_space<vmem>>, vector<16xi32>,
      %dma_start3A_190 = arith.constant 0 : i32
      %dma_start3A_191 = arith.constant 0 : i32
      %dma_start3A_192 = tpu.memref_slice %arg2[%dma_start3A_190, %dma_start3A_191] : memref<20224x128xf32, #tpu.memory_space<hbm>> -> memref<20224x128xf32, #tpu.memory_space<hbm>>
      tpu.enqueue_indirect_dma source(%dma_start3A_192 : memref<20224x128xf32, #tpu.memory_space<hbm>>) target(%arg9 : memref<80x128xf32, #tpu.memory_space<vmem>>) offsets(%arg13 : memref<80xi32, #tpu.memory_space<vmem>>) semaphore(%arg19 : memref<!tpu.dma_semaphore, #tpu.memory_space<semaphore_mem>>)
      %dma_wait3A_193 = arith.constant 0 : i32
      %dma_wait3A_194 = arith.constant 0 : i32
      %dma_wait3A_195 = tpu.memref_slice %arg8[%dma_wait3A_193, %dma_wait3A_194] : memref<10112x128xf32, #tpu.memory_space<vmem_shared>> -> memref<10112x128xf32, #tpu.memory_space<vmem_shared>>
      tpu.wait_indirect_dma semaphore(%arg22 : memref<!tpu.dma_semaphore, #tpu.memory_space<semaphore_mem>>) src(%arg10 : memref<80x128xf32, #tpu.memory_space<vmem>>) dst(%dma_wait3A_195 : memref<10112x128xf32, #tpu.memory_space<vmem_shared>>)
    }
    %scan3A_49 = arith.constant 62 : i32
    %dma_wait3A = arith.constant 0 : i32
    %dma_wait3A_50 = arith.constant 0 : i32
    %dma_wait3A_51 = tpu.memref_slice %arg2[%dma_wait3A, %dma_wait3A_50] : memref<20224x128xf32, #tpu.memory_space<hbm>> -> memref<20224x128xf32, #tpu.memory_space<hbm>>
    tpu.wait_indirect_dma semaphore(%arg19 : memref<!tpu.dma_semaphore, #tpu.memory_space<semaphore_mem>>) src(%dma_wait3A_51 : memref<20224x128xf32, #tpu.memory_space<hbm>>) dst(%arg9 : memref<80x128xf32, #tpu.memory_space<vmem>>)
    %scan3A_52 = arith.constant 0 : i32
    %scan3A_53 = arith.constant 0 : i32
    %scan3A_54 = arith.constant 20 : i32
    %scan3A_55 = arith.addi %scan3A_53, %scan3A_54 : i32
    %scan3A_56 = arith.constant 1 : i32
    scf.for %scan3A_65 = %scan3A_53 to %scan3A_55 step %scan3A_56  : i32 {
      %mul3A_66 = arith.constant 4 : i32
      %mul3A_67 = arith.muli %mul3A_66, %scan3A_65 : i32
      %mul3A_68 = arith.constant 4 : i32
      %mul3A_69 = arith.muli %mul3A_68, %scan3A_65 : i32
      %add3A_70 = arith.constant 1 : i32
      %add3A_71 = arith.addi %mul3A_69, %add3A_70 : i32
      %mul3A_72 = arith.constant 4 : i32
      %mul3A_73 = arith.muli %mul3A_72, %scan3A_65 : i32
      %add3A_74 = arith.constant 2 : i32
      %add3A_75 = arith.addi %mul3A_73, %add3A_74 : i32
      %mul3A_76 = arith.constant 4 : i32
      %mul3A_77 = arith.muli %mul3A_76, %scan3A_65 : i32
      %add3A_78 = arith.constant 3 : i32
      %add3A_79 = arith.addi %mul3A_77, %add3A_78 : i32
      %broadcast_in_dim3A = vector.broadcast %mul3A_67 : i32 to vector<16xi32>
      %gather3A = tpu.vector_load_idx %arg17[%broadcast_in_dim3A] : memref<80xf32, #tpu.memory_space<vmem>>[vector<16xi32>], vector<16xf32>,
      %broadcast_in_dim3A_80 = vector.broadcast %add3A_71 : i32 to vector<16xi32>
      %gather3A_81 = tpu.vector_load_idx %arg17[%broadcast_in_dim3A_80] : memref<80xf32, #tpu.memory_space<vmem>>[vector<16xi32>], vector<16xf32>,
      %broadcast_in_dim3A_82 = vector.broadcast %add3A_75 : i32 to vector<16xi32>
      %gather3A_83 = tpu.vector_load_idx %arg17[%broadcast_in_dim3A_82] : memref<80xf32, #tpu.memory_space<vmem>>[vector<16xi32>], vector<16xf32>,
      %broadcast_in_dim3A_84 = vector.broadcast %add3A_79 : i32 to vector<16xi32>
      %gather3A_85 = tpu.vector_load_idx %arg17[%broadcast_in_dim3A_84] : memref<80xf32, #tpu.memory_space<vmem>>[vector<16xi32>], vector<16xf32>,
      %get3A_86 = arith.index_cast %mul3A_67 : i32 to index
      %get3A_87 = arith.constant 0 : index
      %get3A_88 = tpu.vector_load %arg9[%get3A_86, %get3A_87] {strides = array<i32>} : memref<80x128xf32, #tpu.memory_space<vmem>>, vector<16xf32>,
      %mul3A_89 = arith.mulf %get3A_88, %gather3A : vector<16xf32>
      %swap3A_90 = arith.index_cast %mul3A_67 : i32 to index
      %swap3A_91 = arith.constant 0 : index
      %swap3A_92 = tpu.vector_load %arg9[%swap3A_90, %swap3A_91] {strides = array<i32>} : memref<80x128xf32, #tpu.memory_space<vmem>>, vector<16xf32>,
      tpu.vector_store %arg9[%swap3A_90, %swap3A_91], %mul3A_89 {strides = array<i32>} : memref<80x128xf32, #tpu.memory_space<vmem>>, vector<16xf32>,
      %get3A_93 = arith.index_cast %mul3A_67 : i32 to index
      %get3A_94 = arith.constant 16 : index
      %get3A_95 = tpu.vector_load %arg9[%get3A_93, %get3A_94] {strides = array<i32>} : memref<80x128xf32, #tpu.memory_space<vmem>>, vector<16xf32>,
      %mul3A_96 = arith.mulf %get3A_95, %gather3A : vector<16xf32>
      %swap3A_97 = arith.index_cast %mul3A_67 : i32 to index
      %swap3A_98 = arith.constant 16 : index
      %swap3A_99 = tpu.vector_load %arg9[%swap3A_97, %swap3A_98] {strides = array<i32>} : memref<80x128xf32, #tpu.memory_space<vmem>>, vector<16xf32>,
      tpu.vector_store %arg9[%swap3A_97, %swap3A_98], %mul3A_96 {strides = array<i32>} : memref<80x128xf32, #tpu.memory_space<vmem>>, vector<16xf32>,
      %get3A_100 = arith.index_cast %mul3A_67 : i32 to index
      %get3A_101 = arith.constant 32 : index
      %get3A_102 = tpu.vector_load %arg9[%get3A_100, %get3A_101] {strides = array<i32>} : memref<80x128xf32, #tpu.memory_space<vmem>>, vector<16xf32>,
      %mul3A_103 = arith.mulf %get3A_102, %gather3A : vector<16xf32>
      %swap3A_104 = arith.index_cast %mul3A_67 : i32 to index
      %swap3A_105 = arith.constant 32 : index
      %swap3A_106 = tpu.vector_load %arg9[%swap3A_104, %swap3A_105] {strides = array<i32>} : memref<80x128xf32, #tpu.memory_space<vmem>>, vector<16xf32>,
      tpu.vector_store %arg9[%swap3A_104, %swap3A_105], %mul3A_103 {strides = array<i32>} : memref<80x128xf32, #tpu.memory_space<vmem>>, vector<16xf32>,
      %get3A_107 = arith.index_cast %mul3A_67 : i32 to index
      %get3A_108 = arith.constant 48 : index
      %get3A_109 = tpu.vector_load %arg9[%get3A_107, %get3A_108] {strides = array<i32>} : memref<80x128xf32, #tpu.memory_space<vmem>>, vector<16xf32>,
      %mul3A_110 = arith.mulf %get3A_109, %gather3A : vector<16xf32>
      %swap3A_111 = arith.index_cast %mul3A_67 : i32 to index
      %swap3A_112 = arith.constant 48 : index
      %swap3A_113 = tpu.vector_load %arg9[%swap3A_111, %swap3A_112] {strides = array<i32>} : memref<80x128xf32, #tpu.memory_space<vmem>>, vector<16xf32>,
      tpu.vector_store %arg9[%swap3A_111, %swap3A_112], %mul3A_110 {strides = array<i32>} : memref<80x128xf32, #tpu.memory_space<vmem>>, vector<16xf32>,
      %get3A_114 = arith.index_cast %mul3A_67 : i32 to index
      %get3A_115 = arith.constant 64 : index
      %get3A_116 = tpu.vector_load %arg9[%get3A_114, %get3A_115] {strides = array<i32>} : memref<80x128xf32, #tpu.memory_space<vmem>>, vector<16xf32>,
      %mul3A_117 = arith.mulf %get3A_116, %gather3A : vector<16xf32>
      %swap3A_118 = arith.index_cast %mul3A_67 : i32 to index
      %swap3A_119 = arith.constant 64 : index
      %swap3A_120 = tpu.vector_load %arg9[%swap3A_118, %swap3A_119] {strides = array<i32>} : memref<80x128xf32, #tpu.memory_space<vmem>>, vector<16xf32>,
      tpu.vector_store %arg9[%swap3A_118, %swap3A_119], %mul3A_117 {strides = array<i32>} : memref<80x128xf32, #tpu.memory_space<vmem>>, vector<16xf32>,
      %get3A_121 = arith.index_cast %mul3A_67 : i32 to index
      %get3A_122 = arith.constant 80 : index
      %get3A_123 = tpu.vector_load %arg9[%get3A_121, %get3A_122] {strides = array<i32>} : memref<80x128xf32, #tpu.memory_space<vmem>>, vector<16xf32>,
      %mul3A_124 = arith.mulf %get3A_123, %gather3A : vector<16xf32>
      %swap3A_125 = arith.index_cast %mul3A_67 : i32 to index
      %swap3A_126 = arith.constant 80 : index
      %swap3A_127 = tpu.vector_load %arg9[%swap3A_125, %swap3A_126] {strides = array<i32>} : memref<80x128xf32, #tpu.memory_space<vmem>>, vector<16xf32>,
      tpu.vector_store %arg9[%swap3A_125, %swap3A_126], %mul3A_124 {strides = array<i32>} : memref<80x128xf32, #tpu.memory_space<vmem>>, vector<16xf32>,
      %get3A_128 = arith.index_cast %mul3A_67 : i32 to index
      %get3A_129 = arith.constant 96 : index
      %get3A_130 = tpu.vector_load %arg9[%get3A_128, %get3A_129] {strides = array<i32>} : memref<80x128xf32, #tpu.memory_space<vmem>>, vector<16xf32>,
      %mul3A_131 = arith.mulf %get3A_130, %gather3A : vector<16xf32>
      %swap3A_132 = arith.index_cast %mul3A_67 : i32 to index
      %swap3A_133 = arith.constant 96 : index
      %swap3A_134 = tpu.vector_load %arg9[%swap3A_132, %swap3A_133] {strides = array<i32>} : memref<80x128xf32, #tpu.memory_space<vmem>>, vector<16xf32>,
      tpu.vector_store %arg9[%swap3A_132, %swap3A_133], %mul3A_131 {strides = array<i32>} : memref<80x128xf32, #tpu.memory_space<vmem>>, vector<16xf32>,
      %get3A_135 = arith.index_cast %mul3A_67 : i32 to index
      %get3A_136 = arith.constant 112 : index
      %get3A_137 = tpu.vector_load %arg9[%get3A_135, %get3A_136] {strides = array<i32>} : memref<80x128xf32, #tpu.memory_space<vmem>>, vector<16xf32>,
      %mul3A_138 = arith.mulf %get3A_137, %gather3A : vector<16xf32>
      %swap3A_139 = arith.index_cast %mul3A_67 : i32 to index
      %swap3A_140 = arith.constant 112 : index
      %swap3A_141 = tpu.vector_load %arg9[%swap3A_139, %swap3A_140] {strides = array<i32>} : memref<80x128xf32, #tpu.memory_space<vmem>>, vector<16xf32>,
      tpu.vector_store %arg9[%swap3A_139, %swap3A_140], %mul3A_138 {strides = array<i32>} : memref<80x128xf32, #tpu.memory_space<vmem>>, vector<16xf32>,
      %get3A_142 = arith.index_cast %add3A_71 : i32 to index
      %get3A_143 = arith.constant 0 : index
      %get3A_144 = tpu.vector_load %arg9[%get3A_142, %get3A_143] {strides = array<i32>} : memref<80x128xf32, #tpu.memory_space<vmem>>, vector<16xf32>,
      %mul3A_145 = arith.mulf %get3A_144, %gather3A_81 : vector<16xf32>
      %swap3A_146 = arith.index_cast %add3A_71 : i32 to index
      %swap3A_147 = arith.constant 0 : index
      %swap3A_148 = tpu.vector_load %arg9[%swap3A_146, %swap3A_147] {strides = array<i32>} : memref<80x128xf32, #tpu.memory_space<vmem>>, vector<16xf32>,
      tpu.vector_store %arg9[%swap3A_146, %swap3A_147], %mul3A_145 {strides = array<i32>} : memref<80x128xf32, #tpu.memory_space<vmem>>, vector<16xf32>,
      %get3A_149 = arith.index_cast %add3A_71 : i32 to index
      %get3A_150 = arith.constant 16 : index
      %get3A_151 = tpu.vector_load %arg9[%get3A_149, %get3A_150] {strides = array<i32>} : memref<80x128xf32, #tpu.memory_space<vmem>>, vector<16xf32>,
      %mul3A_152 = arith.mulf %get3A_151, %gather3A_81 : vector<16xf32>
      %swap3A_153 = arith.index_cast %add3A_71 : i32 to index
      %swap3A_154 = arith.constant 16 : index
      %swap3A_155 = tpu.vector_load %arg9[%swap3A_153, %swap3A_154] {strides = array<i32>} : memref<80x128xf32, #tpu.memory_space<vmem>>, vector<16xf32>,
      tpu.vector_store %arg9[%swap3A_153, %swap3A_154], %mul3A_152 {strides = array<i32>} : memref<80x128xf32, #tpu.memory_space<vmem>>, vector<16xf32>,
      %get3A_156 = arith.index_cast %add3A_71 : i32 to index
      %get3A_157 = arith.constant 32 : index
      %get3A_158 = tpu.vector_load %arg9[%get3A_156, %get3A_157] {strides = array<i32>} : memref<80x128xf32, #tpu.memory_space<vmem>>, vector<16xf32>,
      %mul3A_159 = arith.mulf %get3A_158, %gather3A_81 : vector<16xf32>
      %swap3A_160 = arith.index_cast %add3A_71 : i32 to index
      %swap3A_161 = arith.constant 32 : index
      %swap3A_162 = tpu.vector_load %arg9[%swap3A_160, %swap3A_161] {strides = array<i32>} : memref<80x128xf32, #tpu.memory_space<vmem>>, vector<16xf32>,
      tpu.vector_store %arg9[%swap3A_160, %swap3A_161], %mul3A_159 {strides = array<i32>} : memref<80x128xf32, #tpu.memory_space<vmem>>, vector<16xf32>,
      %get3A_163 = arith.index_cast %add3A_71 : i32 to index
      %get3A_164 = arith.constant 48 : index
      %get3A_165 = tpu.vector_load %arg9[%get3A_163, %get3A_164] {strides = array<i32>} : memref<80x128xf32, #tpu.memory_space<vmem>>, vector<16xf32>,
      %mul3A_166 = arith.mulf %get3A_165, %gather3A_81 : vector<16xf32>
      %swap3A_167 = arith.index_cast %add3A_71 : i32 to index
      %swap3A_168 = arith.constant 48 : index
      %swap3A_169 = tpu.vector_load %arg9[%swap3A_167, %swap3A_168] {strides = array<i32>} : memref<80x128xf32, #tpu.memory_space<vmem>>, vector<16xf32>,
      tpu.vector_store %arg9[%swap3A_167, %swap3A_168], %mul3A_166 {strides = array<i32>} : memref<80x128xf32, #tpu.memory_space<vmem>>, vector<16xf32>,
      %get3A_170 = arith.index_cast %add3A_71 : i32 to index
      %get3A_171 = arith.constant 64 : index
      %get3A_172 = tpu.vector_load %arg9[%get3A_170, %get3A_171] {strides = array<i32>} : memref<80x128xf32, #tpu.memory_space<vmem>>, vector<16xf32>,
      %mul3A_173 = arith.mulf %get3A_172, %gather3A_81 : vector<16xf32>
      %swap3A_174 = arith.index_cast %add3A_71 : i32 to index
      %swap3A_175 = arith.constant 64 : index
      %swap3A_176 = tpu.vector_load %arg9[%swap3A_174, %swap3A_175] {strides = array<i32>} : memref<80x128xf32, #tpu.memory_space<vmem>>, vector<16xf32>,
      tpu.vector_store %arg9[%swap3A_174, %swap3A_175], %mul3A_173 {strides = array<i32>} : memref<80x128xf32, #tpu.memory_space<vmem>>, vector<16xf32>,
      %get3A_177 = arith.index_cast %add3A_71 : i32 to index
      %get3A_178 = arith.constant 80 : index
      %get3A_179 = tpu.vector_load %arg9[%get3A_177, %get3A_178] {strides = array<i32>} : memref<80x128xf32, #tpu.memory_space<vmem>>, vector<16xf32>,
      %mul3A_180 = arith.mulf %get3A_179, %gather3A_81 : vector<16xf32>
      %swap3A_181 = arith.index_cast %add3A_71 : i32 to index
      %swap3A_182 = arith.constant 80 : index
      %swap3A_183 = tpu.vector_load %arg9[%swap3A_181, %swap3A_182] {strides = array<i32>} : memref<80x128xf32, #tpu.memory_space<vmem>>, vector<16xf32>,
      tpu.vector_store %arg9[%swap3A_181, %swap3A_182], %mul3A_180 {strides = array<i32>} : memref<80x128xf32, #tpu.memory_space<vmem>>, vector<16xf32>,
      %get3A_184 = arith.index_cast %add3A_71 : i32 to index
      %get3A_185 = arith.constant 96 : index
      %get3A_186 = tpu.vector_load %arg9[%get3A_184, %get3A_185] {strides = array<i32>} : memref<80x128xf32, #tpu.memory_space<vmem>>, vector<16xf32>,
      %mul3A_187 = arith.mulf %get3A_186, %gather3A_81 : vector<16xf32>
      %swap3A_188 = arith.index_cast %add3A_71 : i32 to index
      %swap3A_189 = arith.constant 96 : index
      %swap3A_190 = tpu.vector_load %arg9[%swap3A_188, %swap3A_189] {strides = array<i32>} : memref<80x128xf32, #tpu.memory_space<vmem>>, vector<16xf32>,
      tpu.vector_store %arg9[%swap3A_188, %swap3A_189], %mul3A_187 {strides = array<i32>} : memref<80x128xf32, #tpu.memory_space<vmem>>, vector<16xf32>,
      %get3A_191 = arith.index_cast %add3A_71 : i32 to index
      %get3A_192 = arith.constant 112 : index
      %get3A_193 = tpu.vector_load %arg9[%get3A_191, %get3A_192] {strides = array<i32>} : memref<80x128xf32, #tpu.memory_space<vmem>>, vector<16xf32>,
      %mul3A_194 = arith.mulf %get3A_193, %gather3A_81 : vector<16xf32>
      %swap3A_195 = arith.index_cast %add3A_71 : i32 to index
      %swap3A_196 = arith.constant 112 : index
      %swap3A_197 = tpu.vector_load %arg9[%swap3A_195, %swap3A_196] {strides = array<i32>} : memref<80x128xf32, #tpu.memory_space<vmem>>, vector<16xf32>,
      tpu.vector_store %arg9[%swap3A_195, %swap3A_196], %mul3A_194 {strides = array<i32>} : memref<80x128xf32, #tpu.memory_space<vmem>>, vector<16xf32>,
      %get3A_198 = arith.index_cast %add3A_75 : i32 to index
      %get3A_199 = arith.constant 0 : index
      %get3A_200 = tpu.vector_load %arg9[%get3A_198, %get3A_199] {strides = array<i32>} : memref<80x128xf32, #tpu.memory_space<vmem>>, vector<16xf32>,
      %mul3A_201 = arith.mulf %get3A_200, %gather3A_83 : vector<16xf32>
      %swap3A_202 = arith.index_cast %add3A_75 : i32 to index
      %swap3A_203 = arith.constant 0 : index
      %swap3A_204 = tpu.vector_load %arg9[%swap3A_202, %swap3A_203] {strides = array<i32>} : memref<80x128xf32, #tpu.memory_space<vmem>>, vector<16xf32>,
      tpu.vector_store %arg9[%swap3A_202, %swap3A_203], %mul3A_201 {strides = array<i32>} : memref<80x128xf32, #tpu.memory_space<vmem>>, vector<16xf32>,
      %get3A_205 = arith.index_cast %add3A_75 : i32 to index
      %get3A_206 = arith.constant 16 : index
      %get3A_207 = tpu.vector_load %arg9[%get3A_205, %get3A_206] {strides = array<i32>} : memref<80x128xf32, #tpu.memory_space<vmem>>, vector<16xf32>,
      %mul3A_208 = arith.mulf %get3A_207, %gather3A_83 : vector<16xf32>
      %swap3A_209 = arith.index_cast %add3A_75 : i32 to index
      %swap3A_210 = arith.constant 16 : index
      %swap3A_211 = tpu.vector_load %arg9[%swap3A_209, %swap3A_210] {strides = array<i32>} : memref<80x128xf32, #tpu.memory_space<vmem>>, vector<16xf32>,
      tpu.vector_store %arg9[%swap3A_209, %swap3A_210], %mul3A_208 {strides = array<i32>} : memref<80x128xf32, #tpu.memory_space<vmem>>, vector<16xf32>,
      %get3A_212 = arith.index_cast %add3A_75 : i32 to index
      %get3A_213 = arith.constant 32 : index
      %get3A_214 = tpu.vector_load %arg9[%get3A_212, %get3A_213] {strides = array<i32>} : memref<80x128xf32, #tpu.memory_space<vmem>>, vector<16xf32>,
      %mul3A_215 = arith.mulf %get3A_214, %gather3A_83 : vector<16xf32>
      %swap3A_216 = arith.index_cast %add3A_75 : i32 to index
      %swap3A_217 = arith.constant 32 : index
      %swap3A_218 = tpu.vector_load %arg9[%swap3A_216, %swap3A_217] {strides = array<i32>} : memref<80x128xf32, #tpu.memory_space<vmem>>, vector<16xf32>,
      tpu.vector_store %arg9[%swap3A_216, %swap3A_217], %mul3A_215 {strides = array<i32>} : memref<80x128xf32, #tpu.memory_space<vmem>>, vector<16xf32>,
      %get3A_219 = arith.index_cast %add3A_75 : i32 to index
      %get3A_220 = arith.constant 48 : index
      %get3A_221 = tpu.vector_load %arg9[%get3A_219, %get3A_220] {strides = array<i32>} : memref<80x128xf32, #tpu.memory_space<vmem>>, vector<16xf32>,
      %mul3A_222 = arith.mulf %get3A_221, %gather3A_83 : vector<16xf32>
      %swap3A_223 = arith.index_cast %add3A_75 : i32 to index
      %swap3A_224 = arith.constant 48 : index
      %swap3A_225 = tpu.vector_load %arg9[%swap3A_223, %swap3A_224] {strides = array<i32>} : memref<80x128xf32, #tpu.memory_space<vmem>>, vector<16xf32>,
      tpu.vector_store %arg9[%swap3A_223, %swap3A_224], %mul3A_222 {strides = array<i32>} : memref<80x128xf32, #tpu.memory_space<vmem>>, vector<16xf32>,
      %get3A_226 = arith.index_cast %add3A_75 : i32 to index
      %get3A_227 = arith.constant 64 : index
      %get3A_228 = tpu.vector_load %arg9[%get3A_226, %get3A_227] {strides = array<i32>} : memref<80x128xf32, #tpu.memory_space<vmem>>, vector<16xf32>,
      %mul3A_229 = arith.mulf %get3A_228, %gather3A_83 : vector<16xf32>
      %swap3A_230 = arith.index_cast %add3A_75 : i32 to index
      %swap3A_231 = arith.constant 64 : index
      %swap3A_232 = tpu.vector_load %arg9[%swap3A_230, %swap3A_231] {strides = array<i32>} : memref<80x128xf32, #tpu.memory_space<vmem>>, vector<16xf32>,
      tpu.vector_store %arg9[%swap3A_230, %swap3A_231], %mul3A_229 {strides = array<i32>} : memref<80x128xf32, #tpu.memory_space<vmem>>, vector<16xf32>,
      %get3A_233 = arith.index_cast %add3A_75 : i32 to index
      %get3A_234 = arith.constant 80 : index
      %get3A_235 = tpu.vector_load %arg9[%get3A_233, %get3A_234] {strides = array<i32>} : memref<80x128xf32, #tpu.memory_space<vmem>>, vector<16xf32>,
      %mul3A_236 = arith.mulf %get3A_235, %gather3A_83 : vector<16xf32>
      %swap3A_237 = arith.index_cast %add3A_75 : i32 to index
      %swap3A_238 = arith.constant 80 : index
      %swap3A_239 = tpu.vector_load %arg9[%swap3A_237, %swap3A_238] {strides = array<i32>} : memref<80x128xf32, #tpu.memory_space<vmem>>, vector<16xf32>,
      tpu.vector_store %arg9[%swap3A_237, %swap3A_238], %mul3A_236 {strides = array<i32>} : memref<80x128xf32, #tpu.memory_space<vmem>>, vector<16xf32>,
      %get3A_240 = arith.index_cast %add3A_75 : i32 to index
      %get3A_241 = arith.constant 96 : index
      %get3A_242 = tpu.vector_load %arg9[%get3A_240, %get3A_241] {strides = array<i32>} : memref<80x128xf32, #tpu.memory_space<vmem>>, vector<16xf32>,
      %mul3A_243 = arith.mulf %get3A_242, %gather3A_83 : vector<16xf32>
      %swap3A_244 = arith.index_cast %add3A_75 : i32 to index
      %swap3A_245 = arith.constant 96 : index
      %swap3A_246 = tpu.vector_load %arg9[%swap3A_244, %swap3A_245] {strides = array<i32>} : memref<80x128xf32, #tpu.memory_space<vmem>>, vector<16xf32>,
      tpu.vector_store %arg9[%swap3A_244, %swap3A_245], %mul3A_243 {strides = array<i32>} : memref<80x128xf32, #tpu.memory_space<vmem>>, vector<16xf32>,
      %get3A_247 = arith.index_cast %add3A_75 : i32 to index
      %get3A_248 = arith.constant 112 : index
      %get3A_249 = tpu.vector_load %arg9[%get3A_247, %get3A_248] {strides = array<i32>} : memref<80x128xf32, #tpu.memory_space<vmem>>, vector<16xf32>,
      %mul3A_250 = arith.mulf %get3A_249, %gather3A_83 : vector<16xf32>
      %swap3A_251 = arith.index_cast %add3A_75 : i32 to index
      %swap3A_252 = arith.constant 112 : index
      %swap3A_253 = tpu.vector_load %arg9[%swap3A_251, %swap3A_252] {strides = array<i32>} : memref<80x128xf32, #tpu.memory_space<vmem>>, vector<16xf32>,
      tpu.vector_store %arg9[%swap3A_251, %swap3A_252], %mul3A_250 {strides = array<i32>} : memref<80x128xf32, #tpu.memory_space<vmem>>, vector<16xf32>,
      %get3A_254 = arith.index_cast %add3A_79 : i32 to index
      %get3A_255 = arith.constant 0 : index
      %get3A_256 = tpu.vector_load %arg9[%get3A_254, %get3A_255] {strides = array<i32>} : memref<80x128xf32, #tpu.memory_space<vmem>>, vector<16xf32>,
      %mul3A_257 = arith.mulf %get3A_256, %gather3A_85 : vector<16xf32>
      %swap3A_258 = arith.index_cast %add3A_79 : i32 to index
      %swap3A_259 = arith.constant 0 : index
      %swap3A_260 = tpu.vector_load %arg9[%swap3A_258, %swap3A_259] {strides = array<i32>} : memref<80x128xf32, #tpu.memory_space<vmem>>, vector<16xf32>,
      tpu.vector_store %arg9[%swap3A_258, %swap3A_259], %mul3A_257 {strides = array<i32>} : memref<80x128xf32, #tpu.memory_space<vmem>>, vector<16xf32>,
      %get3A_261 = arith.index_cast %add3A_79 : i32 to index
      %get3A_262 = arith.constant 16 : index
      %get3A_263 = tpu.vector_load %arg9[%get3A_261, %get3A_262] {strides = array<i32>} : memref<80x128xf32, #tpu.memory_space<vmem>>, vector<16xf32>,
      %mul3A_264 = arith.mulf %get3A_263, %gather3A_85 : vector<16xf32>
      %swap3A_265 = arith.index_cast %add3A_79 : i32 to index
      %swap3A_266 = arith.constant 16 : index
      %swap3A_267 = tpu.vector_load %arg9[%swap3A_265, %swap3A_266] {strides = array<i32>} : memref<80x128xf32, #tpu.memory_space<vmem>>, vector<16xf32>,
      tpu.vector_store %arg9[%swap3A_265, %swap3A_266], %mul3A_264 {strides = array<i32>} : memref<80x128xf32, #tpu.memory_space<vmem>>, vector<16xf32>,
      %get3A_268 = arith.index_cast %add3A_79 : i32 to index
      %get3A_269 = arith.constant 32 : index
      %get3A_270 = tpu.vector_load %arg9[%get3A_268, %get3A_269] {strides = array<i32>} : memref<80x128xf32, #tpu.memory_space<vmem>>, vector<16xf32>,
      %mul3A_271 = arith.mulf %get3A_270, %gather3A_85 : vector<16xf32>
      %swap3A_272 = arith.index_cast %add3A_79 : i32 to index
      %swap3A_273 = arith.constant 32 : index
      %swap3A_274 = tpu.vector_load %arg9[%swap3A_272, %swap3A_273] {strides = array<i32>} : memref<80x128xf32, #tpu.memory_space<vmem>>, vector<16xf32>,
      tpu.vector_store %arg9[%swap3A_272, %swap3A_273], %mul3A_271 {strides = array<i32>} : memref<80x128xf32, #tpu.memory_space<vmem>>, vector<16xf32>,
      %get3A_275 = arith.index_cast %add3A_79 : i32 to index
      %get3A_276 = arith.constant 48 : index
      %get3A_277 = tpu.vector_load %arg9[%get3A_275, %get3A_276] {strides = array<i32>} : memref<80x128xf32, #tpu.memory_space<vmem>>, vector<16xf32>,
      %mul3A_278 = arith.mulf %get3A_277, %gather3A_85 : vector<16xf32>
      %swap3A_279 = arith.index_cast %add3A_79 : i32 to index
      %swap3A_280 = arith.constant 48 : index
      %swap3A_281 = tpu.vector_load %arg9[%swap3A_279, %swap3A_280] {strides = array<i32>} : memref<80x128xf32, #tpu.memory_space<vmem>>, vector<16xf32>,
      tpu.vector_store %arg9[%swap3A_279, %swap3A_280], %mul3A_278 {strides = array<i32>} : memref<80x128xf32, #tpu.memory_space<vmem>>, vector<16xf32>,
      %get3A_282 = arith.index_cast %add3A_79 : i32 to index
      %get3A_283 = arith.constant 64 : index
      %get3A_284 = tpu.vector_load %arg9[%get3A_282, %get3A_283] {strides = array<i32>} : memref<80x128xf32, #tpu.memory_space<vmem>>, vector<16xf32>,
      %mul3A_285 = arith.mulf %get3A_284, %gather3A_85 : vector<16xf32>
      %swap3A_286 = arith.index_cast %add3A_79 : i32 to index
      %swap3A_287 = arith.constant 64 : index
      %swap3A_288 = tpu.vector_load %arg9[%swap3A_286, %swap3A_287] {strides = array<i32>} : memref<80x128xf32, #tpu.memory_space<vmem>>, vector<16xf32>,
      tpu.vector_store %arg9[%swap3A_286, %swap3A_287], %mul3A_285 {strides = array<i32>} : memref<80x128xf32, #tpu.memory_space<vmem>>, vector<16xf32>,
      %get3A_289 = arith.index_cast %add3A_79 : i32 to index
      %get3A_290 = arith.constant 80 : index
      %get3A_291 = tpu.vector_load %arg9[%get3A_289, %get3A_290] {strides = array<i32>} : memref<80x128xf32, #tpu.memory_space<vmem>>, vector<16xf32>,
      %mul3A_292 = arith.mulf %get3A_291, %gather3A_85 : vector<16xf32>
      %swap3A_293 = arith.index_cast %add3A_79 : i32 to index
      %swap3A_294 = arith.constant 80 : index
      %swap3A_295 = tpu.vector_load %arg9[%swap3A_293, %swap3A_294] {strides = array<i32>} : memref<80x128xf32, #tpu.memory_space<vmem>>, vector<16xf32>,
      tpu.vector_store %arg9[%swap3A_293, %swap3A_294], %mul3A_292 {strides = array<i32>} : memref<80x128xf32, #tpu.memory_space<vmem>>, vector<16xf32>,
      %get3A_296 = arith.index_cast %add3A_79 : i32 to index
      %get3A_297 = arith.constant 96 : index
      %get3A_298 = tpu.vector_load %arg9[%get3A_296, %get3A_297] {strides = array<i32>} : memref<80x128xf32, #tpu.memory_space<vmem>>, vector<16xf32>,
      %mul3A_299 = arith.mulf %get3A_298, %gather3A_85 : vector<16xf32>
      %swap3A_300 = arith.index_cast %add3A_79 : i32 to index
      %swap3A_301 = arith.constant 96 : index
      %swap3A_302 = tpu.vector_load %arg9[%swap3A_300, %swap3A_301] {strides = array<i32>} : memref<80x128xf32, #tpu.memory_space<vmem>>, vector<16xf32>,
      tpu.vector_store %arg9[%swap3A_300, %swap3A_301], %mul3A_299 {strides = array<i32>} : memref<80x128xf32, #tpu.memory_space<vmem>>, vector<16xf32>,
      %get3A_303 = arith.index_cast %add3A_79 : i32 to index
      %get3A_304 = arith.constant 112 : index
      %get3A_305 = tpu.vector_load %arg9[%get3A_303, %get3A_304] {strides = array<i32>} : memref<80x128xf32, #tpu.memory_space<vmem>>, vector<16xf32>,
      %mul3A_306 = arith.mulf %get3A_305, %gather3A_85 : vector<16xf32>
      %swap3A_307 = arith.index_cast %add3A_79 : i32 to index
      %swap3A_308 = arith.constant 112 : index
      %swap3A_309 = tpu.vector_load %arg9[%swap3A_307, %swap3A_308] {strides = array<i32>} : memref<80x128xf32, #tpu.memory_space<vmem>>, vector<16xf32>,
      tpu.vector_store %arg9[%swap3A_307, %swap3A_308], %mul3A_306 {strides = array<i32>} : memref<80x128xf32, #tpu.memory_space<vmem>>, vector<16xf32>,
    }
    %scan3A_57 = arith.constant 20 : i32
    "tpu.region"() ({
      %run_scoped3A = tpu.sem_alloc : memref<!tpu.dma_semaphore, #tpu.memory_space<semaphore_mem>>
      %dma_start3A_65 = arith.constant 0 : i32
      %dma_start3A_66 = arith.constant 0 : i32
      %dma_start3A_67 = tpu.memref_slice %arg8[%dma_start3A_65, %dma_start3A_66] : memref<10112x128xf32, #tpu.memory_space<vmem_shared>> -> memref<10112x128xf32, #tpu.memory_space<vmem_shared>>
      tpu.enqueue_indirect_dma source(%arg9 : memref<80x128xf32, #tpu.memory_space<vmem>>) target(%dma_start3A_67 : memref<10112x128xf32, #tpu.memory_space<vmem_shared>>) offsets(%arg15 : memref<80xi32, #tpu.memory_space<vmem>>) semaphore(%run_scoped3A : memref<!tpu.dma_semaphore, #tpu.memory_space<semaphore_mem>>) {add = true}
      %dma_wait3A_68 = arith.constant 0 : i32
      %dma_wait3A_69 = arith.constant 0 : i32
      %dma_wait3A_70 = tpu.memref_slice %arg8[%dma_wait3A_68, %dma_wait3A_69] : memref<10112x128xf32, #tpu.memory_space<vmem_shared>> -> memref<10112x128xf32, #tpu.memory_space<vmem_shared>>
      tpu.wait_indirect_dma semaphore(%run_scoped3A : memref<!tpu.dma_semaphore, #tpu.memory_space<semaphore_mem>>) src(%arg9 : memref<80x128xf32, #tpu.memory_space<vmem>>) dst(%dma_wait3A_70 : memref<10112x128xf32, #tpu.memory_space<vmem_shared>>)
      tpu.yield
    }) : () -> ()
    %barrier3A_58 = arith.constant 0 : index
    tpu.barrier barrier_id(%barrier3A_58)
    %mul3A_59 = arith.constant 10112 : i32
    %mul3A_60 = arith.muli %arg0, %mul3A_59 : i32
    %mul3A_61 = arith.constant 632 : i32
    %mul3A_62 = arith.muli %arg1, %mul3A_61 : i32
    %add3A_63 = arith.addi %mul3A_60, %mul3A_62 : i32
    %multiple_of3A_64 = tpu.assume_multiple %add3A_63, 8 : i32
    "tpu.region"() ({
      %run_scoped3A = tpu.sem_alloc : memref<!tpu.dma_semaphore, #tpu.memory_space<semaphore_mem>>
      %dma_start3A_65 = arith.constant 0 : i32
      %dma_start3A_66 = tpu.memref_slice %arg7[%multiple_of3A_64, %dma_start3A_65] : memref<20224x128xf32, #tpu.memory_space<hbm>> -> memref<632x128xf32, #tpu.memory_space<hbm>>
      %dma_start3A_67 = arith.constant 0 : i32
      %dma_start3A_68 = tpu.memref_slice %arg8[%multiple_of3A, %dma_start3A_67] : memref<10112x128xf32, #tpu.memory_space<vmem_shared>> -> memref<632x128xf32, #tpu.memory_space<vmem_shared>>
      tpu.enqueue_dma source(%dma_start3A_68 : memref<632x128xf32, #tpu.memory_space<vmem_shared>>) target(%dma_start3A_66 : memref<632x128xf32, #tpu.memory_space<hbm>>) target_semaphore(%run_scoped3A : memref<!tpu.dma_semaphore, #tpu.memory_space<semaphore_mem>>)
      %dma_wait3A_69 = arith.constant 0 : i32
      %dma_wait3A_70 = tpu.memref_slice %arg7[%multiple_of3A_64, %dma_wait3A_69] : memref<20224x128xf32, #tpu.memory_space<hbm>> -> memref<632x128xf32, #tpu.memory_space<hbm>>
      %dma_wait3A_71 = arith.constant 0 : i32
      %dma_wait3A_72 = tpu.memref_slice %arg8[%multiple_of3A, %dma_wait3A_71] : memref<10112x128xf32, #tpu.memory_space<vmem_shared>> -> memref<632x128xf32, #tpu.memory_space<vmem_shared>>
      tpu.wait_dma2 semaphore(%run_scoped3A : memref<!tpu.dma_semaphore, #tpu.memory_space<semaphore_mem>>) src(%dma_wait3A_72 : memref<632x128xf32, #tpu.memory_space<vmem_shared>>) dst(%dma_wait3A_70 : memref<632x128xf32, #tpu.memory_space<hbm>>)
      tpu.yield
    }) : () -> ()
    return
  }
}

#map = affine_map<(d0, d1) -> (0, 0)>
#map1 = affine_map<(d0, d1) -> (0)>
module attributes {stable_mosaic.version = 14 : i64} {
  func.func @_spmm_body(%arg0: i32, %arg1: i32, %arg2: memref<20224x128xf32, #tpu.memory_space<hbm>>, %arg3: memref<160000xi32, #tpu.memory_space<hbm>>, %arg4: memref<160000xi32, #tpu.memory_space<hbm>>, %arg5: memref<160000xf32, #tpu.memory_space<hbm>>, %arg6: memref<10112x128xf32, #tpu.memory_space<hbm>>, %arg7: memref<20224x128xf32, #tpu.memory_space<hbm>>, %arg8: memref<10112x128xf32, #tpu.memory_space<vmem_shared>>, %arg9: memref<80x128xf32, #tpu.memory_space<vmem>>, %arg10: memref<80x128xf32, #tpu.memory_space<vmem>>, %arg11: memref<80xi32, #tpu.memory_space<vmem>>, %arg12: memref<80xi32, #tpu.memory_space<vmem>>, %arg13: memref<80xi32, #tpu.memory_space<vmem>>, %arg14: memref<80xi32, #tpu.memory_space<vmem>>, %arg15: memref<80xi32, #tpu.memory_space<vmem>>, %arg16: memref<80xi32, #tpu.memory_space<vmem>>, %arg17: memref<80xf32, #tpu.memory_space<vmem>>, %arg18: memref<80xf32, #tpu.memory_space<vmem>>, %arg19: memref<!tpu.dma_semaphore, #tpu.memory_space<semaphore_mem>>, %arg20: memref<!tpu.dma_semaphore, #tpu.memory_space<semaphore_mem>>, %arg21: memref<!tpu.dma_semaphore, #tpu.memory_space<semaphore_mem>>, %arg22: memref<!tpu.dma_semaphore, #tpu.memory_space<semaphore_mem>>) attributes {dimension_semantics = [#tpu.dimension_semantics<core_parallel>, #tpu.dimension_semantics<subcore_parallel>], iteration_bounds = array<i64: 2, 16>, scalar_prefetch = 0 : i64, scratch_operands = 15 : i64, tpu.core_type = #tpu.core_type<sc_vector_subcore>, window_params = [{transform_indices = #map}, {transform_indices = #map1}, {transform_indices = #map1}, {transform_indices = #map1}, {transform_indices = #map}, {transform_indices = #map}]} {
    %mul3A = arith.constant 632 : i32
    %mul3A_0 = arith.muli %arg1, %mul3A : i32
    %multiple_of3A = tpu.assume_multiple %mul3A_0, 8 : i32
    "tpu.region"() ({
      %run_scoped3A = tpu.sem_alloc : memref<!tpu.dma_semaphore, #tpu.memory_space<semaphore_mem>>
      %dma_start3A_65 = arith.constant 0 : i32
      %dma_start3A_66 = tpu.memref_slice %arg8[%multiple_of3A, %dma_start3A_65] : memref<10112x128xf32, #tpu.memory_space<vmem_shared>> -> memref<632x128xf32, #tpu.memory_space<vmem_shared>>
      %dma_start3A_67 = arith.constant 0 : i32
      %dma_start3A_68 = tpu.memref_slice %arg6[%multiple_of3A, %dma_start3A_67] : memref<10112x128xf32, #tpu.memory_space<hbm>> -> memref<632x128xf32, #tpu.memory_space<hbm>>
      tpu.enqueue_dma source(%dma_start3A_68 : memref<632x128xf32, #tpu.memory_space<hbm>>) target(%dma_start3A_66 : memref<632x128xf32, #tpu.memory_space<vmem_shared>>) target_semaphore(%run_scoped3A : memref<!tpu.dma_semaphore, #tpu.memory_space<semaphore_mem>>)
      %dma_wait3A_69 = arith.constant 0 : i32
      %dma_wait3A_70 = tpu.memref_slice %arg8[%multiple_of3A, %dma_wait3A_69] : memref<10112x128xf32, #tpu.memory_space<vmem_shared>> -> memref<632x128xf32, #tpu.memory_space<vmem_shared>>
      %dma_wait3A_71 = arith.constant 0 : i32
      %dma_wait3A_72 = tpu.memref_slice %arg6[%multiple_of3A, %dma_wait3A_71] : memref<10112x128xf32, #tpu.memory_space<hbm>> -> memref<632x128xf32, #tpu.memory_space<hbm>>
      tpu.wait_dma2 semaphore(%run_scoped3A : memref<!tpu.dma_semaphore, #tpu.memory_space<semaphore_mem>>) src(%dma_wait3A_72 : memref<632x128xf32, #tpu.memory_space<hbm>>) dst(%dma_wait3A_70 : memref<632x128xf32, #tpu.memory_space<vmem_shared>>)
      tpu.yield
    }) : () -> ()
    %barrier3A = arith.constant 0 : index
    tpu.barrier barrier_id(%barrier3A)
    %mul3A_1 = arith.constant 10000 : i32
    %mul3A_2 = arith.muli %arg1, %mul3A_1 : i32
    %add3A = arith.constant 0 : i32
    %add3A_3 = arith.addi %mul3A_2, %add3A : i32
    %multiple_of3A_4 = tpu.assume_multiple %add3A_3, 8 : i32
    "tpu.region"() ({
      %run_scoped3A = tpu.sem_alloc : memref<!tpu.dma_semaphore, #tpu.memory_space<semaphore_mem>>
      %dma_start3A_65 = tpu.memref_slice %arg3[%multiple_of3A_4] : memref<160000xi32, #tpu.memory_space<hbm>> -> memref<80xi32, #tpu.memory_space<hbm>>
      %dma_start3A_66 = tpu.memref_slice %arg3[%multiple_of3A_4] : memref<160000xi32, #tpu.memory_space<hbm>> -> memref<80xi32, #tpu.memory_space<hbm>>
      tpu.enqueue_dma source(%dma_start3A_66 : memref<80xi32, #tpu.memory_space<hbm>>) target(%arg11 : memref<80xi32, #tpu.memory_space<vmem>>) target_semaphore(%run_scoped3A : memref<!tpu.dma_semaphore, #tpu.memory_space<semaphore_mem>>)
      %dma_wait3A_67 = tpu.memref_slice %arg3[%multiple_of3A_4] : memref<160000xi32, #tpu.memory_space<hbm>> -> memref<80xi32, #tpu.memory_space<hbm>>
      %dma_wait3A_68 = tpu.memref_slice %arg3[%multiple_of3A_4] : memref<160000xi32, #tpu.memory_space<hbm>> -> memref<80xi32, #tpu.memory_space<hbm>>
      tpu.wait_dma2 semaphore(%run_scoped3A : memref<!tpu.dma_semaphore, #tpu.memory_space<semaphore_mem>>) src(%dma_wait3A_68 : memref<80xi32, #tpu.memory_space<hbm>>) dst(%arg11 : memref<80xi32, #tpu.memory_space<vmem>>)
      tpu.yield
    }) : () -> ()
    "tpu.region"() ({
      %run_scoped3A = tpu.sem_alloc : memref<!tpu.dma_semaphore, #tpu.memory_space<semaphore_mem>>
      %dma_start3A_65 = tpu.memref_slice %arg4[%multiple_of3A_4] : memref<160000xi32, #tpu.memory_space<hbm>> -> memref<80xi32, #tpu.memory_space<hbm>>
      %dma_start3A_66 = tpu.memref_slice %arg4[%multiple_of3A_4] : memref<160000xi32, #tpu.memory_space<hbm>> -> memref<80xi32, #tpu.memory_space<hbm>>
      tpu.enqueue_dma source(%dma_start3A_66 : memref<80xi32, #tpu.memory_space<hbm>>) target(%arg15 : memref<80xi32, #tpu.memory_space<vmem>>) target_semaphore(%run_scoped3A : memref<!tpu.dma_semaphore, #tpu.memory_space<semaphore_mem>>)
      %dma_wait3A_67 = tpu.memref_slice %arg4[%multiple_of3A_4] : memref<160000xi32, #tpu.memory_space<hbm>> -> memref<80xi32, #tpu.memory_space<hbm>>
      %dma_wait3A_68 = tpu.memref_slice %arg4[%multiple_of3A_4] : memref<160000xi32, #tpu.memory_space<hbm>> -> memref<80xi32, #tpu.memory_space<hbm>>
      tpu.wait_dma2 semaphore(%run_scoped3A : memref<!tpu.dma_semaphore, #tpu.memory_space<semaphore_mem>>) src(%dma_wait3A_68 : memref<80xi32, #tpu.memory_space<hbm>>) dst(%arg15 : memref<80xi32, #tpu.memory_space<vmem>>)
      tpu.yield
    }) : () -> ()
    "tpu.region"() ({
      %run_scoped3A = tpu.sem_alloc : memref<!tpu.dma_semaphore, #tpu.memory_space<semaphore_mem>>
      %dma_start3A_65 = tpu.memref_slice %arg5[%multiple_of3A_4] : memref<160000xf32, #tpu.memory_space<hbm>> -> memref<80xf32, #tpu.memory_space<hbm>>
      %dma_start3A_66 = tpu.memref_slice %arg5[%multiple_of3A_4] : memref<160000xf32, #tpu.memory_space<hbm>> -> memref<80xf32, #tpu.memory_space<hbm>>
      tpu.enqueue_dma source(%dma_start3A_66 : memref<80xf32, #tpu.memory_space<hbm>>) target(%arg17 : memref<80xf32, #tpu.memory_space<vmem>>) target_semaphore(%run_scoped3A : memref<!tpu.dma_semaphore, #tpu.memory_space<semaphore_mem>>)
      %dma_wait3A_67 = tpu.memref_slice %arg5[%multiple_of3A_4] : memref<160000xf32, #tpu.memory_space<hbm>> -> memref<80xf32, #tpu.memory_space<hbm>>
      %dma_wait3A_68 = tpu.memref_slice %arg5[%multiple_of3A_4] : memref<160000xf32, #tpu.memory_space<hbm>> -> memref<80xf32, #tpu.memory_space<hbm>>
      tpu.wait_dma2 semaphore(%run_scoped3A : memref<!tpu.dma_semaphore, #tpu.memory_space<semaphore_mem>>) src(%dma_wait3A_68 : memref<80xf32, #tpu.memory_space<hbm>>) dst(%arg17 : memref<80xf32, #tpu.memory_space<vmem>>)
      tpu.yield
    }) : () -> ()
    %get3A = arith.constant 0 : index
    %get3A_5 = tpu.vector_load %arg11[%get3A] {strides = array<i32>} : memref<80xi32, #tpu.memory_space<vmem>>, vector<16xi32>,
    %mul3A_6 = arith.constant 10112 : i32
    %mul3A_7 = arith.muli %arg0, %mul3A_6 : i32
    %add3A_8 = vector.broadcast %mul3A_7 : i32 to vector<16xi32>
    %add3A_9 = arith.addi %get3A_5, %add3A_8 : vector<16xi32>
    %swap3A = arith.constant 0 : index
    %swap3A_10 = tpu.vector_load %arg13[%swap3A] {strides = array<i32>} : memref<80xi32, #tpu.memory_space<vmem>>, vector<16xi32>,
    tpu.vector_store %arg13[%swap3A], %add3A_9 {strides = array<i32>} : memref<80xi32, #tpu.memory_space<vmem>>, vector<16xi32>,
    %get3A_11 = arith.constant 16 : index
    %get3A_12 = tpu.vector_load %arg11[%get3A_11] {strides = array<i32>} : memref<80xi32, #tpu.memory_space<vmem>>, vector<16xi32>,
    %mul3A_13 = arith.constant 10112 : i32
    %mul3A_14 = arith.muli %arg0, %mul3A_13 : i32
    %add3A_15 = vector.broadcast %mul3A_14 : i32 to vector<16xi32>
    %add3A_16 = arith.addi %get3A_12, %add3A_15 : vector<16xi32>
    %swap3A_17 = arith.constant 16 : index
    %swap3A_18 = tpu.vector_load %arg13[%swap3A_17] {strides = array<i32>} : memref<80xi32, #tpu.memory_space<vmem>>, vector<16xi32>,
    tpu.vector_store %arg13[%swap3A_17], %add3A_16 {strides = array<i32>} : memref<80xi32, #tpu.memory_space<vmem>>, vector<16xi32>,
    %get3A_19 = arith.constant 32 : index
    %get3A_20 = tpu.vector_load %arg11[%get3A_19] {strides = array<i32>} : memref<80xi32, #tpu.memory_space<vmem>>, vector<16xi32>,
    %mul3A_21 = arith.constant 10112 : i32
    %mul3A_22 = arith.muli %arg0, %mul3A_21 : i32
    %add3A_23 = vector.broadcast %mul3A_22 : i32 to vector<16xi32>
    %add3A_24 = arith.addi %get3A_20, %add3A_23 : vector<16xi32>
    %swap3A_25 = arith.constant 32 : index
    %swap3A_26 = tpu.vector_load %arg13[%swap3A_25] {strides = array<i32>} : memref<80xi32, #tpu.memory_space<vmem>>, vector<16xi32>,
    tpu.vector_store %arg13[%swap3A_25], %add3A_24 {strides = array<i32>} : memref<80xi32, #tpu.memory_space<vmem>>, vector<16xi32>,
    %get3A_27 = arith.constant 48 : index
    %get3A_28 = tpu.vector_load %arg11[%get3A_27] {strides = array<i32>} : memref<80xi32, #tpu.memory_space<vmem>>, vector<16xi32>,
    %mul3A_29 = arith.constant 10112 : i32
    %mul3A_30 = arith.muli %arg0, %mul3A_29 : i32
    %add3A_31 = vector.broadcast %mul3A_30 : i32 to vector<16xi32>
    %add3A_32 = arith.addi %get3A_28, %add3A_31 : vector<16xi32>
    %swap3A_33 = arith.constant 48 : index
    %swap3A_34 = tpu.vector_load %arg13[%swap3A_33] {strides = array<i32>} : memref<80xi32, #tpu.memory_space<vmem>>, vector<16xi32>,
    tpu.vector_store %arg13[%swap3A_33], %add3A_32 {strides = array<i32>} : memref<80xi32, #tpu.memory_space<vmem>>, vector<16xi32>,
    %get3A_35 = arith.constant 64 : index
    %get3A_36 = tpu.vector_load %arg11[%get3A_35] {strides = array<i32>} : memref<80xi32, #tpu.memory_space<vmem>>, vector<16xi32>,
    %mul3A_37 = arith.constant 10112 : i32
    %mul3A_38 = arith.muli %arg0, %mul3A_37 : i32
    %add3A_39 = vector.broadcast %mul3A_38 : i32 to vector<16xi32>
    %add3A_40 = arith.addi %get3A_36, %add3A_39 : vector<16xi32>
    %swap3A_41 = arith.constant 64 : index
    %swap3A_42 = tpu.vector_load %arg13[%swap3A_41] {strides = array<i32>} : memref<80xi32, #tpu.memory_space<vmem>>, vector<16xi32>,
    tpu.vector_store %arg13[%swap3A_41], %add3A_40 {strides = array<i32>} : memref<80xi32, #tpu.memory_space<vmem>>, vector<16xi32>,
    %dma_start3A = arith.constant 0 : i32
    %dma_start3A_43 = arith.constant 0 : i32
    %dma_start3A_44 = tpu.memref_slice %arg2[%dma_start3A, %dma_start3A_43] : memref<20224x128xf32, #tpu.memory_space<hbm>> -> memref<20224x128xf32, #tpu.memory_space<hbm>>
    tpu.enqueue_indirect_dma source(%dma_start3A_44 : memref<20224x128xf32, #tpu.memory_space<hbm>>) target(%arg9 : memref<80x128xf32, #tpu.memory_space<vmem>>) offsets(%arg13 : memref<80xi32, #tpu.memory_space<vmem>>) semaphore(%arg19 : memref<!tpu.dma_semaphore, #tpu.memory_space<semaphore_mem>>)
    %scan3A = arith.constant 0 : i32
    %scan3A_45 = arith.constant 0 : i32
    %scan3A_46 = arith.constant 62 : i32
    %scan3A_47 = arith.addi %scan3A_45, %scan3A_46 : i32
    %scan3A_48 = arith.constant 1 : i32
    scf.for %scan3A_65 = %scan3A_45 to %scan3A_47 step %scan3A_48  : i32 {
      %mul3A_66 = arith.constant 2 : i32
      %mul3A_67 = arith.muli %mul3A_66, %scan3A_65 : i32
      %add3A_68 = arith.constant 1 : i32
      %add3A_69 = arith.addi %mul3A_67, %add3A_68 : i32
      %mul3A_70 = arith.constant 80 : i32
      %mul3A_71 = arith.muli %add3A_69, %mul3A_70 : i32
      %add3A_72 = arith.addi %mul3A_2, %mul3A_71 : i32
      %multiple_of3A_73 = tpu.assume_multiple %add3A_72, 8 : i32
      "tpu.region"() ({
        %run_scoped3A = tpu.sem_alloc : memref<!tpu.dma_semaphore, #tpu.memory_space<semaphore_mem>>
        %dma_start3A_196 = tpu.memref_slice %arg3[%multiple_of3A_73] : memref<160000xi32, #tpu.memory_space<hbm>> -> memref<80xi32, #tpu.memory_space<hbm>>
        %dma_start3A_197 = tpu.memref_slice %arg3[%multiple_of3A_73] : memref<160000xi32, #tpu.memory_space<hbm>> -> memref<80xi32, #tpu.memory_space<hbm>>
        tpu.enqueue_dma source(%dma_start3A_197 : memref<80xi32, #tpu.memory_space<hbm>>) target(%arg12 : memref<80xi32, #tpu.memory_space<vmem>>) target_semaphore(%run_scoped3A : memref<!tpu.dma_semaphore, #tpu.memory_space<semaphore_mem>>)
        %dma_wait3A_198 = tpu.memref_slice %arg3[%multiple_of3A_73] : memref<160000xi32, #tpu.memory_space<hbm>> -> memref<80xi32, #tpu.memory_space<hbm>>
        %dma_wait3A_199 = tpu.memref_slice %arg3[%multiple_of3A_73] : memref<160000xi32, #tpu.memory_space<hbm>> -> memref<80xi32, #tpu.memory_space<hbm>>
        tpu.wait_dma2 semaphore(%run_scoped3A : memref<!tpu.dma_semaphore, #tpu.memory_space<semaphore_mem>>) src(%dma_wait3A_199 : memref<80xi32, #tpu.memory_space<hbm>>) dst(%arg12 : memref<80xi32, #tpu.memory_space<vmem>>)
        tpu.yield
      }) : () -> ()
      "tpu.region"() ({
        %run_scoped3A = tpu.sem_alloc : memref<!tpu.dma_semaphore, #tpu.memory_space<semaphore_mem>>
        %dma_start3A_196 = tpu.memref_slice %arg4[%multiple_of3A_73] : memref<160000xi32, #tpu.memory_space<hbm>> -> memref<80xi32, #tpu.memory_space<hbm>>
        %dma_start3A_197 = tpu.memref_slice %arg4[%multiple_of3A_73] : memref<160000xi32, #tpu.memory_space<hbm>> -> memref<80xi32, #tpu.memory_space<hbm>>
        tpu.enqueue_dma source(%dma_start3A_197 : memref<80xi32, #tpu.memory_space<hbm>>) target(%arg16 : memref<80xi32, #tpu.memory_space<vmem>>) target_semaphore(%run_scoped3A : memref<!tpu.dma_semaphore, #tpu.memory_space<semaphore_mem>>)
        %dma_wait3A_198 = tpu.memref_slice %arg4[%multiple_of3A_73] : memref<160000xi32, #tpu.memory_space<hbm>> -> memref<80xi32, #tpu.memory_space<hbm>>
        %dma_wait3A_199 = tpu.memref_slice %arg4[%multiple_of3A_73] : memref<160000xi32, #tpu.memory_space<hbm>> -> memref<80xi32, #tpu.memory_space<hbm>>
        tpu.wait_dma2 semaphore(%run_scoped3A : memref<!tpu.dma_semaphore, #tpu.memory_space<semaphore_mem>>) src(%dma_wait3A_199 : memref<80xi32, #tpu.memory_space<hbm>>) dst(%arg16 : memref<80xi32, #tpu.memory_space<vmem>>)
        tpu.yield
      }) : () -> ()
      "tpu.region"() ({
        %run_scoped3A = tpu.sem_alloc : memref<!tpu.dma_semaphore, #tpu.memory_space<semaphore_mem>>
        %dma_start3A_196 = tpu.memref_slice %arg5[%multiple_of3A_73] : memref<160000xf32, #tpu.memory_space<hbm>> -> memref<80xf32, #tpu.memory_space<hbm>>
        %dma_start3A_197 = tpu.memref_slice %arg5[%multiple_of3A_73] : memref<160000xf32, #tpu.memory_space<hbm>> -> memref<80xf32, #tpu.memory_space<hbm>>
        tpu.enqueue_dma source(%dma_start3A_197 : memref<80xf32, #tpu.memory_space<hbm>>) target(%arg18 : memref<80xf32, #tpu.memory_space<vmem>>) target_semaphore(%run_scoped3A : memref<!tpu.dma_semaphore, #tpu.memory_space<semaphore_mem>>)
        %dma_wait3A_198 = tpu.memref_slice %arg5[%multiple_of3A_73] : memref<160000xf32, #tpu.memory_space<hbm>> -> memref<80xf32, #tpu.memory_space<hbm>>
        %dma_wait3A_199 = tpu.memref_slice %arg5[%multiple_of3A_73] : memref<160000xf32, #tpu.memory_space<hbm>> -> memref<80xf32, #tpu.memory_space<hbm>>
        tpu.wait_dma2 semaphore(%run_scoped3A : memref<!tpu.dma_semaphore, #tpu.memory_space<semaphore_mem>>) src(%dma_wait3A_199 : memref<80xf32, #tpu.memory_space<hbm>>) dst(%arg18 : memref<80xf32, #tpu.memory_space<vmem>>)
        tpu.yield
      }) : () -> ()
      %get3A_74 = arith.constant 0 : index
      %get3A_75 = tpu.vector_load %arg12[%get3A_74] {strides = array<i32>} : memref<80xi32, #tpu.memory_space<vmem>>, vector<16xi32>,
      %mul3A_76 = arith.constant 10112 : i32
      %mul3A_77 = arith.muli %arg0, %mul3A_76 : i32
      %add3A_78 = vector.broadcast %mul3A_77 : i32 to vector<16xi32>
      %add3A_79 = arith.addi %get3A_75, %add3A_78 : vector<16xi32>
      %swap3A_80 = arith.constant 0 : index
      %swap3A_81 = tpu.vector_load %arg14[%swap3A_80] {strides = array<i32>} : memref<80xi32, #tpu.memory_space<vmem>>, vector<16xi32>,
      tpu.vector_store %arg14[%swap3A_80], %add3A_79 {strides = array<i32>} : memref<80xi32, #tpu.memory_space<vmem>>, vector<16xi32>,
      %get3A_82 = arith.constant 16 : index
      %get3A_83 = tpu.vector_load %arg12[%get3A_82] {strides = array<i32>} : memref<80xi32, #tpu.memory_space<vmem>>, vector<16xi32>,
      %mul3A_84 = arith.constant 10112 : i32
      %mul3A_85 = arith.muli %arg0, %mul3A_84 : i32
      %add3A_86 = vector.broadcast %mul3A_85 : i32 to vector<16xi32>
      %add3A_87 = arith.addi %get3A_83, %add3A_86 : vector<16xi32>
      %swap3A_88 = arith.constant 16 : index
      %swap3A_89 = tpu.vector_load %arg14[%swap3A_88] {strides = array<i32>} : memref<80xi32, #tpu.memory_space<vmem>>, vector<16xi32>,
      tpu.vector_store %arg14[%swap3A_88], %add3A_87 {strides = array<i32>} : memref<80xi32, #tpu.memory_space<vmem>>, vector<16xi32>,
      %get3A_90 = arith.constant 32 : index
      %get3A_91 = tpu.vector_load %arg12[%get3A_90] {strides = array<i32>} : memref<80xi32, #tpu.memory_space<vmem>>, vector<16xi32>,
      %mul3A_92 = arith.constant 10112 : i32
      %mul3A_93 = arith.muli %arg0, %mul3A_92 : i32
      %add3A_94 = vector.broadcast %mul3A_93 : i32 to vector<16xi32>
      %add3A_95 = arith.addi %get3A_91, %add3A_94 : vector<16xi32>
      %swap3A_96 = arith.constant 32 : index
      %swap3A_97 = tpu.vector_load %arg14[%swap3A_96] {strides = array<i32>} : memref<80xi32, #tpu.memory_space<vmem>>, vector<16xi32>,
      tpu.vector_store %arg14[%swap3A_96], %add3A_95 {strides = array<i32>} : memref<80xi32, #tpu.memory_space<vmem>>, vector<16xi32>,
      %get3A_98 = arith.constant 48 : index
      %get3A_99 = tpu.vector_load %arg12[%get3A_98] {strides = array<i32>} : memref<80xi32, #tpu.memory_space<vmem>>, vector<16xi32>,
      %mul3A_100 = arith.constant 10112 : i32
      %mul3A_101 = arith.muli %arg0, %mul3A_100 : i32
      %add3A_102 = vector.broadcast %mul3A_101 : i32 to vector<16xi32>
      %add3A_103 = arith.addi %get3A_99, %add3A_102 : vector<16xi32>
      %swap3A_104 = arith.constant 48 : index
      %swap3A_105 = tpu.vector_load %arg14[%swap3A_104] {strides = array<i32>} : memref<80xi32, #tpu.memory_space<vmem>>, vector<16xi32>,
      tpu.vector_store %arg14[%swap3A_104], %add3A_103 {strides = array<i32>} : memref<80xi32, #tpu.memory_space<vmem>>, vector<16xi32>,
      %get3A_106 = arith.constant 64 : index
      %get3A_107 = tpu.vector_load %arg12[%get3A_106] {strides = array<i32>} : memref<80xi32, #tpu.memory_space<vmem>>, vector<16xi32>,
      %mul3A_108 = arith.constant 10112 : i32
      %mul3A_109 = arith.muli %arg0, %mul3A_108 : i32
      %add3A_110 = vector.broadcast %mul3A_109 : i32 to vector<16xi32>
      %add3A_111 = arith.addi %get3A_107, %add3A_110 : vector<16xi32>
      %swap3A_112 = arith.constant 64 : index
      %swap3A_113 = tpu.vector_load %arg14[%swap3A_112] {strides = array<i32>} : memref<80xi32, #tpu.memory_space<vmem>>, vector<16xi32>,
      tpu.vector_store %arg14[%swap3A_112], %add3A_111 {strides = array<i32>} : memref<80xi32, #tpu.memory_space<vmem>>, vector<16xi32>,
      %dma_start3A_114 = arith.constant 0 : i32
      %dma_start3A_115 = arith.constant 0 : i32
      %dma_start3A_116 = tpu.memref_slice %arg2[%dma_start3A_114, %dma_start3A_115] : memref<20224x128xf32, #tpu.memory_space<hbm>> -> memref<20224x128xf32, #tpu.memory_space<hbm>>
      tpu.enqueue_indirect_dma source(%dma_start3A_116 : memref<20224x128xf32, #tpu.memory_space<hbm>>) target(%arg10 : memref<80x128xf32, #tpu.memory_space<vmem>>) offsets(%arg14 : memref<80xi32, #tpu.memory_space<vmem>>) semaphore(%arg20 : memref<!tpu.dma_semaphore, #tpu.memory_space<semaphore_mem>>)
      %dma_wait3A_117 = arith.constant 0 : i32
      %dma_wait3A_118 = arith.constant 0 : i32
      %dma_wait3A_119 = tpu.memref_slice %arg2[%dma_wait3A_117, %dma_wait3A_118] : memref<20224x128xf32, #tpu.memory_space<hbm>> -> memref<20224x128xf32, #tpu.memory_space<hbm>>
      tpu.wait_indirect_dma semaphore(%arg19 : memref<!tpu.dma_semaphore, #tpu.memory_space<semaphore_mem>>) src(%dma_wait3A_119 : memref<20224x128xf32, #tpu.memory_space<hbm>>) dst(%arg9 : memref<80x128xf32, #tpu.memory_space<vmem>>)
      %scan3A_120 = arith.constant 0 : i32
      %scan3A_121 = arith.constant 0 : i32
      %scan3A_122 = arith.constant 20 : i32
      %scan3A_123 = arith.addi %scan3A_121, %scan3A_122 : i32
      %scan3A_124 = arith.constant 1 : i32
      scf.for %scan3A_196 = %scan3A_121 to %scan3A_123 step %scan3A_124  : i32 {
        %mul3A_197 = arith.constant 4 : i32
        %mul3A_198 = arith.muli %mul3A_197, %scan3A_196 : i32
        %mul3A_199 = arith.constant 4 : i32
        %mul3A_200 = arith.muli %mul3A_199, %scan3A_196 : i32
        %add3A_201 = arith.constant 1 : i32
        %add3A_202 = arith.addi %mul3A_200, %add3A_201 : i32
        %mul3A_203 = arith.constant 4 : i32
        %mul3A_204 = arith.muli %mul3A_203, %scan3A_196 : i32
        %add3A_205 = arith.constant 2 : i32
        %add3A_206 = arith.addi %mul3A_204, %add3A_205 : i32
        %mul3A_207 = arith.constant 4 : i32
        %mul3A_208 = arith.muli %mul3A_207, %scan3A_196 : i32
        %add3A_209 = arith.constant 3 : i32
        %add3A_210 = arith.addi %mul3A_208, %add3A_209 : i32
        %broadcast_in_dim3A = vector.broadcast %mul3A_198 : i32 to vector<16xi32>
        %gather3A = tpu.vector_load_idx %arg17[%broadcast_in_dim3A] : memref<80xf32, #tpu.memory_space<vmem>>[vector<16xi32>], vector<16xf32>,
        %broadcast_in_dim3A_211 = vector.broadcast %add3A_202 : i32 to vector<16xi32>
        %gather3A_212 = tpu.vector_load_idx %arg17[%broadcast_in_dim3A_211] : memref<80xf32, #tpu.memory_space<vmem>>[vector<16xi32>], vector<16xf32>,
        %broadcast_in_dim3A_213 = vector.broadcast %add3A_206 : i32 to vector<16xi32>
        %gather3A_214 = tpu.vector_load_idx %arg17[%broadcast_in_dim3A_213] : memref<80xf32, #tpu.memory_space<vmem>>[vector<16xi32>], vector<16xf32>,
        %broadcast_in_dim3A_215 = vector.broadcast %add3A_210 : i32 to vector<16xi32>
        %gather3A_216 = tpu.vector_load_idx %arg17[%broadcast_in_dim3A_215] : memref<80xf32, #tpu.memory_space<vmem>>[vector<16xi32>], vector<16xf32>,
        %get3A_217 = arith.index_cast %mul3A_198 : i32 to index
        %get3A_218 = arith.constant 0 : index
        %get3A_219 = tpu.vector_load %arg9[%get3A_217, %get3A_218] {strides = array<i32>} : memref<80x128xf32, #tpu.memory_space<vmem>>, vector<16xf32>,
        %mul3A_220 = arith.mulf %get3A_219, %gather3A : vector<16xf32>
        %swap3A_221 = arith.index_cast %mul3A_198 : i32 to index
        %swap3A_222 = arith.constant 0 : index
        %swap3A_223 = tpu.vector_load %arg9[%swap3A_221, %swap3A_222] {strides = array<i32>} : memref<80x128xf32, #tpu.memory_space<vmem>>, vector<16xf32>,
        tpu.vector_store %arg9[%swap3A_221, %swap3A_222], %mul3A_220 {strides = array<i32>} : memref<80x128xf32, #tpu.memory_space<vmem>>, vector<16xf32>,
        %get3A_224 = arith.index_cast %mul3A_198 : i32 to index
        %get3A_225 = arith.constant 16 : index
        %get3A_226 = tpu.vector_load %arg9[%get3A_224, %get3A_225] {strides = array<i32>} : memref<80x128xf32, #tpu.memory_space<vmem>>, vector<16xf32>,
        %mul3A_227 = arith.mulf %get3A_226, %gather3A : vector<16xf32>
        %swap3A_228 = arith.index_cast %mul3A_198 : i32 to index
        %swap3A_229 = arith.constant 16 : index
        %swap3A_230 = tpu.vector_load %arg9[%swap3A_228, %swap3A_229] {strides = array<i32>} : memref<80x128xf32, #tpu.memory_space<vmem>>, vector<16xf32>,
        tpu.vector_store %arg9[%swap3A_228, %swap3A_229], %mul3A_227 {strides = array<i32>} : memref<80x128xf32, #tpu.memory_space<vmem>>, vector<16xf32>,
        %get3A_231 = arith.index_cast %mul3A_198 : i32 to index
        %get3A_232 = arith.constant 32 : index
        %get3A_233 = tpu.vector_load %arg9[%get3A_231, %get3A_232] {strides = array<i32>} : memref<80x128xf32, #tpu.memory_space<vmem>>, vector<16xf32>,
        %mul3A_234 = arith.mulf %get3A_233, %gather3A : vector<16xf32>
        %swap3A_235 = arith.index_cast %mul3A_198 : i32 to index
        %swap3A_236 = arith.constant 32 : index
        %swap3A_237 = tpu.vector_load %arg9[%swap3A_235, %swap3A_236] {strides = array<i32>} : memref<80x128xf32, #tpu.memory_space<vmem>>, vector<16xf32>,
        tpu.vector_store %arg9[%swap3A_235, %swap3A_236], %mul3A_234 {strides = array<i32>} : memref<80x128xf32, #tpu.memory_space<vmem>>, vector<16xf32>,
        %get3A_238 = arith.index_cast %mul3A_198 : i32 to index
        %get3A_239 = arith.constant 48 : index
        %get3A_240 = tpu.vector_load %arg9[%get3A_238, %get3A_239] {strides = array<i32>} : memref<80x128xf32, #tpu.memory_space<vmem>>, vector<16xf32>,
        %mul3A_241 = arith.mulf %get3A_240, %gather3A : vector<16xf32>
        %swap3A_242 = arith.index_cast %mul3A_198 : i32 to index
        %swap3A_243 = arith.constant 48 : index
        %swap3A_244 = tpu.vector_load %arg9[%swap3A_242, %swap3A_243] {strides = array<i32>} : memref<80x128xf32, #tpu.memory_space<vmem>>, vector<16xf32>,
        tpu.vector_store %arg9[%swap3A_242, %swap3A_243], %mul3A_241 {strides = array<i32>} : memref<80x128xf32, #tpu.memory_space<vmem>>, vector<16xf32>,
        %get3A_245 = arith.index_cast %mul3A_198 : i32 to index
        %get3A_246 = arith.constant 64 : index
        %get3A_247 = tpu.vector_load %arg9[%get3A_245, %get3A_246] {strides = array<i32>} : memref<80x128xf32, #tpu.memory_space<vmem>>, vector<16xf32>,
        %mul3A_248 = arith.mulf %get3A_247, %gather3A : vector<16xf32>
        %swap3A_249 = arith.index_cast %mul3A_198 : i32 to index
        %swap3A_250 = arith.constant 64 : index
        %swap3A_251 = tpu.vector_load %arg9[%swap3A_249, %swap3A_250] {strides = array<i32>} : memref<80x128xf32, #tpu.memory_space<vmem>>, vector<16xf32>,
        tpu.vector_store %arg9[%swap3A_249, %swap3A_250], %mul3A_248 {strides = array<i32>} : memref<80x128xf32, #tpu.memory_space<vmem>>, vector<16xf32>,
        %get3A_252 = arith.index_cast %mul3A_198 : i32 to index
        %get3A_253 = arith.constant 80 : index
        %get3A_254 = tpu.vector_load %arg9[%get3A_252, %get3A_253] {strides = array<i32>} : memref<80x128xf32, #tpu.memory_space<vmem>>, vector<16xf32>,
        %mul3A_255 = arith.mulf %get3A_254, %gather3A : vector<16xf32>
        %swap3A_256 = arith.index_cast %mul3A_198 : i32 to index
        %swap3A_257 = arith.constant 80 : index
        %swap3A_258 = tpu.vector_load %arg9[%swap3A_256, %swap3A_257] {strides = array<i32>} : memref<80x128xf32, #tpu.memory_space<vmem>>, vector<16xf32>,
        tpu.vector_store %arg9[%swap3A_256, %swap3A_257], %mul3A_255 {strides = array<i32>} : memref<80x128xf32, #tpu.memory_space<vmem>>, vector<16xf32>,
        %get3A_259 = arith.index_cast %mul3A_198 : i32 to index
        %get3A_260 = arith.constant 96 : index
        %get3A_261 = tpu.vector_load %arg9[%get3A_259, %get3A_260] {strides = array<i32>} : memref<80x128xf32, #tpu.memory_space<vmem>>, vector<16xf32>,
        %mul3A_262 = arith.mulf %get3A_261, %gather3A : vector<16xf32>
        %swap3A_263 = arith.index_cast %mul3A_198 : i32 to index
        %swap3A_264 = arith.constant 96 : index
        %swap3A_265 = tpu.vector_load %arg9[%swap3A_263, %swap3A_264] {strides = array<i32>} : memref<80x128xf32, #tpu.memory_space<vmem>>, vector<16xf32>,
        tpu.vector_store %arg9[%swap3A_263, %swap3A_264], %mul3A_262 {strides = array<i32>} : memref<80x128xf32, #tpu.memory_space<vmem>>, vector<16xf32>,
        %get3A_266 = arith.index_cast %mul3A_198 : i32 to index
        %get3A_267 = arith.constant 112 : index
        %get3A_268 = tpu.vector_load %arg9[%get3A_266, %get3A_267] {strides = array<i32>} : memref<80x128xf32, #tpu.memory_space<vmem>>, vector<16xf32>,
        %mul3A_269 = arith.mulf %get3A_268, %gather3A : vector<16xf32>
        %swap3A_270 = arith.index_cast %mul3A_198 : i32 to index
        %swap3A_271 = arith.constant 112 : index
        %swap3A_272 = tpu.vector_load %arg9[%swap3A_270, %swap3A_271] {strides = array<i32>} : memref<80x128xf32, #tpu.memory_space<vmem>>, vector<16xf32>,
        tpu.vector_store %arg9[%swap3A_270, %swap3A_271], %mul3A_269 {strides = array<i32>} : memref<80x128xf32, #tpu.memory_space<vmem>>, vector<16xf32>,
        %get3A_273 = arith.index_cast %add3A_202 : i32 to index
        %get3A_274 = arith.constant 0 : index
        %get3A_275 = tpu.vector_load %arg9[%get3A_273, %get3A_274] {strides = array<i32>} : memref<80x128xf32, #tpu.memory_space<vmem>>, vector<16xf32>,
        %mul3A_276 = arith.mulf %get3A_275, %gather3A_212 : vector<16xf32>
        %swap3A_277 = arith.index_cast %add3A_202 : i32 to index
        %swap3A_278 = arith.constant 0 : index
        %swap3A_279 = tpu.vector_load %arg9[%swap3A_277, %swap3A_278] {strides = array<i32>} : memref<80x128xf32, #tpu.memory_space<vmem>>, vector<16xf32>,
        tpu.vector_store %arg9[%swap3A_277, %swap3A_278], %mul3A_276 {strides = array<i32>} : memref<80x128xf32, #tpu.memory_space<vmem>>, vector<16xf32>,
        %get3A_280 = arith.index_cast %add3A_202 : i32 to index
        %get3A_281 = arith.constant 16 : index
        %get3A_282 = tpu.vector_load %arg9[%get3A_280, %get3A_281] {strides = array<i32>} : memref<80x128xf32, #tpu.memory_space<vmem>>, vector<16xf32>,
        %mul3A_283 = arith.mulf %get3A_282, %gather3A_212 : vector<16xf32>
        %swap3A_284 = arith.index_cast %add3A_202 : i32 to index
        %swap3A_285 = arith.constant 16 : index
        %swap3A_286 = tpu.vector_load %arg9[%swap3A_284, %swap3A_285] {strides = array<i32>} : memref<80x128xf32, #tpu.memory_space<vmem>>, vector<16xf32>,
        tpu.vector_store %arg9[%swap3A_284, %swap3A_285], %mul3A_283 {strides = array<i32>} : memref<80x128xf32, #tpu.memory_space<vmem>>, vector<16xf32>,
        %get3A_287 = arith.index_cast %add3A_202 : i32 to index
        %get3A_288 = arith.constant 32 : index
        %get3A_289 = tpu.vector_load %arg9[%get3A_287, %get3A_288] {strides = array<i32>} : memref<80x128xf32, #tpu.memory_space<vmem>>, vector<16xf32>,
        %mul3A_290 = arith.mulf %get3A_289, %gather3A_212 : vector<16xf32>
        %swap3A_291 = arith.index_cast %add3A_202 : i32 to index
        %swap3A_292 = arith.constant 32 : index
        %swap3A_293 = tpu.vector_load %arg9[%swap3A_291, %swap3A_292] {strides = array<i32>} : memref<80x128xf32, #tpu.memory_space<vmem>>, vector<16xf32>,
        tpu.vector_store %arg9[%swap3A_291, %swap3A_292], %mul3A_290 {strides = array<i32>} : memref<80x128xf32, #tpu.memory_space<vmem>>, vector<16xf32>,
        %get3A_294 = arith.index_cast %add3A_202 : i32 to index
        %get3A_295 = arith.constant 48 : index
        %get3A_296 = tpu.vector_load %arg9[%get3A_294, %get3A_295] {strides = array<i32>} : memref<80x128xf32, #tpu.memory_space<vmem>>, vector<16xf32>,
        %mul3A_297 = arith.mulf %get3A_296, %gather3A_212 : vector<16xf32>
        %swap3A_298 = arith.index_cast %add3A_202 : i32 to index
        %swap3A_299 = arith.constant 48 : index
        %swap3A_300 = tpu.vector_load %arg9[%swap3A_298, %swap3A_299] {strides = array<i32>} : memref<80x128xf32, #tpu.memory_space<vmem>>, vector<16xf32>,
        tpu.vector_store %arg9[%swap3A_298, %swap3A_299], %mul3A_297 {strides = array<i32>} : memref<80x128xf32, #tpu.memory_space<vmem>>, vector<16xf32>,
        %get3A_301 = arith.index_cast %add3A_202 : i32 to index
        %get3A_302 = arith.constant 64 : index
        %get3A_303 = tpu.vector_load %arg9[%get3A_301, %get3A_302] {strides = array<i32>} : memref<80x128xf32, #tpu.memory_space<vmem>>, vector<16xf32>,
        %mul3A_304 = arith.mulf %get3A_303, %gather3A_212 : vector<16xf32>
        %swap3A_305 = arith.index_cast %add3A_202 : i32 to index
        %swap3A_306 = arith.constant 64 : index
        %swap3A_307 = tpu.vector_load %arg9[%swap3A_305, %swap3A_306] {strides = array<i32>} : memref<80x128xf32, #tpu.memory_space<vmem>>, vector<16xf32>,
        tpu.vector_store %arg9[%swap3A_305, %swap3A_306], %mul3A_304 {strides = array<i32>} : memref<80x128xf32, #tpu.memory_space<vmem>>, vector<16xf32>,
        %get3A_308 = arith.index_cast %add3A_202 : i32 to index
        %get3A_309 = arith.constant 80 : index
        %get3A_310 = tpu.vector_load %arg9[%get3A_308, %get3A_309] {strides = array<i32>} : memref<80x128xf32, #tpu.memory_space<vmem>>, vector<16xf32>,
        %mul3A_311 = arith.mulf %get3A_310, %gather3A_212 : vector<16xf32>
        %swap3A_312 = arith.index_cast %add3A_202 : i32 to index
        %swap3A_313 = arith.constant 80 : index
        %swap3A_314 = tpu.vector_load %arg9[%swap3A_312, %swap3A_313] {strides = array<i32>} : memref<80x128xf32, #tpu.memory_space<vmem>>, vector<16xf32>,
        tpu.vector_store %arg9[%swap3A_312, %swap3A_313], %mul3A_311 {strides = array<i32>} : memref<80x128xf32, #tpu.memory_space<vmem>>, vector<16xf32>,
        %get3A_315 = arith.index_cast %add3A_202 : i32 to index
        %get3A_316 = arith.constant 96 : index
        %get3A_317 = tpu.vector_load %arg9[%get3A_315, %get3A_316] {strides = array<i32>} : memref<80x128xf32, #tpu.memory_space<vmem>>, vector<16xf32>,
        %mul3A_318 = arith.mulf %get3A_317, %gather3A_212 : vector<16xf32>
        %swap3A_319 = arith.index_cast %add3A_202 : i32 to index
        %swap3A_320 = arith.constant 96 : index
        %swap3A_321 = tpu.vector_load %arg9[%swap3A_319, %swap3A_320] {strides = array<i32>} : memref<80x128xf32, #tpu.memory_space<vmem>>, vector<16xf32>,
        tpu.vector_store %arg9[%swap3A_319, %swap3A_320], %mul3A_318 {strides = array<i32>} : memref<80x128xf32, #tpu.memory_space<vmem>>, vector<16xf32>,
        %get3A_322 = arith.index_cast %add3A_202 : i32 to index
        %get3A_323 = arith.constant 112 : index
        %get3A_324 = tpu.vector_load %arg9[%get3A_322, %get3A_323] {strides = array<i32>} : memref<80x128xf32, #tpu.memory_space<vmem>>, vector<16xf32>,
        %mul3A_325 = arith.mulf %get3A_324, %gather3A_212 : vector<16xf32>
        %swap3A_326 = arith.index_cast %add3A_202 : i32 to index
        %swap3A_327 = arith.constant 112 : index
        %swap3A_328 = tpu.vector_load %arg9[%swap3A_326, %swap3A_327] {strides = array<i32>} : memref<80x128xf32, #tpu.memory_space<vmem>>, vector<16xf32>,
        tpu.vector_store %arg9[%swap3A_326, %swap3A_327], %mul3A_325 {strides = array<i32>} : memref<80x128xf32, #tpu.memory_space<vmem>>, vector<16xf32>,
        %get3A_329 = arith.index_cast %add3A_206 : i32 to index
        %get3A_330 = arith.constant 0 : index
        %get3A_331 = tpu.vector_load %arg9[%get3A_329, %get3A_330] {strides = array<i32>} : memref<80x128xf32, #tpu.memory_space<vmem>>, vector<16xf32>,
        %mul3A_332 = arith.mulf %get3A_331, %gather3A_214 : vector<16xf32>
        %swap3A_333 = arith.index_cast %add3A_206 : i32 to index
        %swap3A_334 = arith.constant 0 : index
        %swap3A_335 = tpu.vector_load %arg9[%swap3A_333, %swap3A_334] {strides = array<i32>} : memref<80x128xf32, #tpu.memory_space<vmem>>, vector<16xf32>,
        tpu.vector_store %arg9[%swap3A_333, %swap3A_334], %mul3A_332 {strides = array<i32>} : memref<80x128xf32, #tpu.memory_space<vmem>>, vector<16xf32>,
        %get3A_336 = arith.index_cast %add3A_206 : i32 to index
        %get3A_337 = arith.constant 16 : index
        %get3A_338 = tpu.vector_load %arg9[%get3A_336, %get3A_337] {strides = array<i32>} : memref<80x128xf32, #tpu.memory_space<vmem>>, vector<16xf32>,
        %mul3A_339 = arith.mulf %get3A_338, %gather3A_214 : vector<16xf32>
        %swap3A_340 = arith.index_cast %add3A_206 : i32 to index
        %swap3A_341 = arith.constant 16 : index
        %swap3A_342 = tpu.vector_load %arg9[%swap3A_340, %swap3A_341] {strides = array<i32>} : memref<80x128xf32, #tpu.memory_space<vmem>>, vector<16xf32>,
        tpu.vector_store %arg9[%swap3A_340, %swap3A_341], %mul3A_339 {strides = array<i32>} : memref<80x128xf32, #tpu.memory_space<vmem>>, vector<16xf32>,
        %get3A_343 = arith.index_cast %add3A_206 : i32 to index
        %get3A_344 = arith.constant 32 : index
        %get3A_345 = tpu.vector_load %arg9[%get3A_343, %get3A_344] {strides = array<i32>} : memref<80x128xf32, #tpu.memory_space<vmem>>, vector<16xf32>,
        %mul3A_346 = arith.mulf %get3A_345, %gather3A_214 : vector<16xf32>
        %swap3A_347 = arith.index_cast %add3A_206 : i32 to index
        %swap3A_348 = arith.constant 32 : index
        %swap3A_349 = tpu.vector_load %arg9[%swap3A_347, %swap3A_348] {strides = array<i32>} : memref<80x128xf32, #tpu.memory_space<vmem>>, vector<16xf32>,
        tpu.vector_store %arg9[%swap3A_347, %swap3A_348], %mul3A_346 {strides = array<i32>} : memref<80x128xf32, #tpu.memory_space<vmem>>, vector<16xf32>,
        %get3A_350 = arith.index_cast %add3A_206 : i32 to index
        %get3A_351 = arith.constant 48 : index
        %get3A_352 = tpu.vector_load %arg9[%get3A_350, %get3A_351] {strides = array<i32>} : memref<80x128xf32, #tpu.memory_space<vmem>>, vector<16xf32>,
        %mul3A_353 = arith.mulf %get3A_352, %gather3A_214 : vector<16xf32>
        %swap3A_354 = arith.index_cast %add3A_206 : i32 to index
        %swap3A_355 = arith.constant 48 : index
        %swap3A_356 = tpu.vector_load %arg9[%swap3A_354, %swap3A_355] {strides = array<i32>} : memref<80x128xf32, #tpu.memory_space<vmem>>, vector<16xf32>,
        tpu.vector_store %arg9[%swap3A_354, %swap3A_355], %mul3A_353 {strides = array<i32>} : memref<80x128xf32, #tpu.memory_space<vmem>>, vector<16xf32>,
        %get3A_357 = arith.index_cast %add3A_206 : i32 to index
        %get3A_358 = arith.constant 64 : index
        %get3A_359 = tpu.vector_load %arg9[%get3A_357, %get3A_358] {strides = array<i32>} : memref<80x128xf32, #tpu.memory_space<vmem>>, vector<16xf32>,
        %mul3A_360 = arith.mulf %get3A_359, %gather3A_214 : vector<16xf32>
        %swap3A_361 = arith.index_cast %add3A_206 : i32 to index
        %swap3A_362 = arith.constant 64 : index
        %swap3A_363 = tpu.vector_load %arg9[%swap3A_361, %swap3A_362] {strides = array<i32>} : memref<80x128xf32, #tpu.memory_space<vmem>>, vector<16xf32>,
        tpu.vector_store %arg9[%swap3A_361, %swap3A_362], %mul3A_360 {strides = array<i32>} : memref<80x128xf32, #tpu.memory_space<vmem>>, vector<16xf32>,
        %get3A_364 = arith.index_cast %add3A_206 : i32 to index
        %get3A_365 = arith.constant 80 : index
        %get3A_366 = tpu.vector_load %arg9[%get3A_364, %get3A_365] {strides = array<i32>} : memref<80x128xf32, #tpu.memory_space<vmem>>, vector<16xf32>,
        %mul3A_367 = arith.mulf %get3A_366, %gather3A_214 : vector<16xf32>
        %swap3A_368 = arith.index_cast %add3A_206 : i32 to index
        %swap3A_369 = arith.constant 80 : index
        %swap3A_370 = tpu.vector_load %arg9[%swap3A_368, %swap3A_369] {strides = array<i32>} : memref<80x128xf32, #tpu.memory_space<vmem>>, vector<16xf32>,
        tpu.vector_store %arg9[%swap3A_368, %swap3A_369], %mul3A_367 {strides = array<i32>} : memref<80x128xf32, #tpu.memory_space<vmem>>, vector<16xf32>,
        %get3A_371 = arith.index_cast %add3A_206 : i32 to index
        %get3A_372 = arith.constant 96 : index
        %get3A_373 = tpu.vector_load %arg9[%get3A_371, %get3A_372] {strides = array<i32>} : memref<80x128xf32, #tpu.memory_space<vmem>>, vector<16xf32>,
        %mul3A_374 = arith.mulf %get3A_373, %gather3A_214 : vector<16xf32>
        %swap3A_375 = arith.index_cast %add3A_206 : i32 to index
        %swap3A_376 = arith.constant 96 : index
        %swap3A_377 = tpu.vector_load %arg9[%swap3A_375, %swap3A_376] {strides = array<i32>} : memref<80x128xf32, #tpu.memory_space<vmem>>, vector<16xf32>,
        tpu.vector_store %arg9[%swap3A_375, %swap3A_376], %mul3A_374 {strides = array<i32>} : memref<80x128xf32, #tpu.memory_space<vmem>>, vector<16xf32>,
        %get3A_378 = arith.index_cast %add3A_206 : i32 to index
        %get3A_379 = arith.constant 112 : index
        %get3A_380 = tpu.vector_load %arg9[%get3A_378, %get3A_379] {strides = array<i32>} : memref<80x128xf32, #tpu.memory_space<vmem>>, vector<16xf32>,
        %mul3A_381 = arith.mulf %get3A_380, %gather3A_214 : vector<16xf32>
        %swap3A_382 = arith.index_cast %add3A_206 : i32 to index
        %swap3A_383 = arith.constant 112 : index
        %swap3A_384 = tpu.vector_load %arg9[%swap3A_382, %swap3A_383] {strides = array<i32>} : memref<80x128xf32, #tpu.memory_space<vmem>>, vector<16xf32>,
        tpu.vector_store %arg9[%swap3A_382, %swap3A_383], %mul3A_381 {strides = array<i32>} : memref<80x128xf32, #tpu.memory_space<vmem>>, vector<16xf32>,
        %get3A_385 = arith.index_cast %add3A_210 : i32 to index
        %get3A_386 = arith.constant 0 : index
        %get3A_387 = tpu.vector_load %arg9[%get3A_385, %get3A_386] {strides = array<i32>} : memref<80x128xf32, #tpu.memory_space<vmem>>, vector<16xf32>,
        %mul3A_388 = arith.mulf %get3A_387, %gather3A_216 : vector<16xf32>
        %swap3A_389 = arith.index_cast %add3A_210 : i32 to index
        %swap3A_390 = arith.constant 0 : index
        %swap3A_391 = tpu.vector_load %arg9[%swap3A_389, %swap3A_390] {strides = array<i32>} : memref<80x128xf32, #tpu.memory_space<vmem>>, vector<16xf32>,
        tpu.vector_store %arg9[%swap3A_389, %swap3A_390], %mul3A_388 {strides = array<i32>} : memref<80x128xf32, #tpu.memory_space<vmem>>, vector<16xf32>,
        %get3A_392 = arith.index_cast %add3A_210 : i32 to index
        %get3A_393 = arith.constant 16 : index
        %get3A_394 = tpu.vector_load %arg9[%get3A_392, %get3A_393] {strides = array<i32>} : memref<80x128xf32, #tpu.memory_space<vmem>>, vector<16xf32>,
        %mul3A_395 = arith.mulf %get3A_394, %gather3A_216 : vector<16xf32>
        %swap3A_396 = arith.index_cast %add3A_210 : i32 to index
        %swap3A_397 = arith.constant 16 : index
        %swap3A_398 = tpu.vector_load %arg9[%swap3A_396, %swap3A_397] {strides = array<i32>} : memref<80x128xf32, #tpu.memory_space<vmem>>, vector<16xf32>,
        tpu.vector_store %arg9[%swap3A_396, %swap3A_397], %mul3A_395 {strides = array<i32>} : memref<80x128xf32, #tpu.memory_space<vmem>>, vector<16xf32>,
        %get3A_399 = arith.index_cast %add3A_210 : i32 to index
        %get3A_400 = arith.constant 32 : index
        %get3A_401 = tpu.vector_load %arg9[%get3A_399, %get3A_400] {strides = array<i32>} : memref<80x128xf32, #tpu.memory_space<vmem>>, vector<16xf32>,
        %mul3A_402 = arith.mulf %get3A_401, %gather3A_216 : vector<16xf32>
        %swap3A_403 = arith.index_cast %add3A_210 : i32 to index
        %swap3A_404 = arith.constant 32 : index
        %swap3A_405 = tpu.vector_load %arg9[%swap3A_403, %swap3A_404] {strides = array<i32>} : memref<80x128xf32, #tpu.memory_space<vmem>>, vector<16xf32>,
        tpu.vector_store %arg9[%swap3A_403, %swap3A_404], %mul3A_402 {strides = array<i32>} : memref<80x128xf32, #tpu.memory_space<vmem>>, vector<16xf32>,
        %get3A_406 = arith.index_cast %add3A_210 : i32 to index
        %get3A_407 = arith.constant 48 : index
        %get3A_408 = tpu.vector_load %arg9[%get3A_406, %get3A_407] {strides = array<i32>} : memref<80x128xf32, #tpu.memory_space<vmem>>, vector<16xf32>,
        %mul3A_409 = arith.mulf %get3A_408, %gather3A_216 : vector<16xf32>
        %swap3A_410 = arith.index_cast %add3A_210 : i32 to index
        %swap3A_411 = arith.constant 48 : index
        %swap3A_412 = tpu.vector_load %arg9[%swap3A_410, %swap3A_411] {strides = array<i32>} : memref<80x128xf32, #tpu.memory_space<vmem>>, vector<16xf32>,
        tpu.vector_store %arg9[%swap3A_410, %swap3A_411], %mul3A_409 {strides = array<i32>} : memref<80x128xf32, #tpu.memory_space<vmem>>, vector<16xf32>,
        %get3A_413 = arith.index_cast %add3A_210 : i32 to index
        %get3A_414 = arith.constant 64 : index
        %get3A_415 = tpu.vector_load %arg9[%get3A_413, %get3A_414] {strides = array<i32>} : memref<80x128xf32, #tpu.memory_space<vmem>>, vector<16xf32>,
        %mul3A_416 = arith.mulf %get3A_415, %gather3A_216 : vector<16xf32>
        %swap3A_417 = arith.index_cast %add3A_210 : i32 to index
        %swap3A_418 = arith.constant 64 : index
        %swap3A_419 = tpu.vector_load %arg9[%swap3A_417, %swap3A_418] {strides = array<i32>} : memref<80x128xf32, #tpu.memory_space<vmem>>, vector<16xf32>,
        tpu.vector_store %arg9[%swap3A_417, %swap3A_418], %mul3A_416 {strides = array<i32>} : memref<80x128xf32, #tpu.memory_space<vmem>>, vector<16xf32>,
        %get3A_420 = arith.index_cast %add3A_210 : i32 to index
        %get3A_421 = arith.constant 80 : index
        %get3A_422 = tpu.vector_load %arg9[%get3A_420, %get3A_421] {strides = array<i32>} : memref<80x128xf32, #tpu.memory_space<vmem>>, vector<16xf32>,
        %mul3A_423 = arith.mulf %get3A_422, %gather3A_216 : vector<16xf32>
        %swap3A_424 = arith.index_cast %add3A_210 : i32 to index
        %swap3A_425 = arith.constant 80 : index
        %swap3A_426 = tpu.vector_load %arg9[%swap3A_424, %swap3A_425] {strides = array<i32>} : memref<80x128xf32, #tpu.memory_space<vmem>>, vector<16xf32>,
        tpu.vector_store %arg9[%swap3A_424, %swap3A_425], %mul3A_423 {strides = array<i32>} : memref<80x128xf32, #tpu.memory_space<vmem>>, vector<16xf32>,
        %get3A_427 = arith.index_cast %add3A_210 : i32 to index
        %get3A_428 = arith.constant 96 : index
        %get3A_429 = tpu.vector_load %arg9[%get3A_427, %get3A_428] {strides = array<i32>} : memref<80x128xf32, #tpu.memory_space<vmem>>, vector<16xf32>,
        %mul3A_430 = arith.mulf %get3A_429, %gather3A_216 : vector<16xf32>
        %swap3A_431 = arith.index_cast %add3A_210 : i32 to index
        %swap3A_432 = arith.constant 96 : index
        %swap3A_433 = tpu.vector_load %arg9[%swap3A_431, %swap3A_432] {strides = array<i32>} : memref<80x128xf32, #tpu.memory_space<vmem>>, vector<16xf32>,
        tpu.vector_store %arg9[%swap3A_431, %swap3A_432], %mul3A_430 {strides = array<i32>} : memref<80x128xf32, #tpu.memory_space<vmem>>, vector<16xf32>,
        %get3A_434 = arith.index_cast %add3A_210 : i32 to index
        %get3A_435 = arith.constant 112 : index
        %get3A_436 = tpu.vector_load %arg9[%get3A_434, %get3A_435] {strides = array<i32>} : memref<80x128xf32, #tpu.memory_space<vmem>>, vector<16xf32>,
        %mul3A_437 = arith.mulf %get3A_436, %gather3A_216 : vector<16xf32>
        %swap3A_438 = arith.index_cast %add3A_210 : i32 to index
        %swap3A_439 = arith.constant 112 : index
        %swap3A_440 = tpu.vector_load %arg9[%swap3A_438, %swap3A_439] {strides = array<i32>} : memref<80x128xf32, #tpu.memory_space<vmem>>, vector<16xf32>,
        tpu.vector_store %arg9[%swap3A_438, %swap3A_439], %mul3A_437 {strides = array<i32>} : memref<80x128xf32, #tpu.memory_space<vmem>>, vector<16xf32>,
      }
      %scan3A_125 = arith.constant 20 : i32
      %dma_start3A_126 = arith.constant 0 : i32
      %dma_start3A_127 = arith.constant 0 : i32
      %dma_start3A_128 = tpu.memref_slice %arg8[%dma_start3A_126, %dma_start3A_127] : memref<10112x128xf32, #tpu.memory_space<vmem_shared>> -> memref<10112x128xf32, #tpu.memory_space<vmem_shared>>
      tpu.enqueue_indirect_dma source(%arg9 : memref<80x128xf32, #tpu.memory_space<vmem>>) target(%dma_start3A_128 : memref<10112x128xf32, #tpu.memory_space<vmem_shared>>) offsets(%arg15 : memref<80xi32, #tpu.memory_space<vmem>>) semaphore(%arg21 : memref<!tpu.dma_semaphore, #tpu.memory_space<semaphore_mem>>) {add = true}
      %dma_wait3A_129 = arith.constant 0 : i32
      %dma_wait3A_130 = arith.constant 0 : i32
      %dma_wait3A_131 = tpu.memref_slice %arg2[%dma_wait3A_129, %dma_wait3A_130] : memref<20224x128xf32, #tpu.memory_space<hbm>> -> memref<20224x128xf32, #tpu.memory_space<hbm>>
      tpu.wait_indirect_dma semaphore(%arg20 : memref<!tpu.dma_semaphore, #tpu.memory_space<semaphore_mem>>) src(%dma_wait3A_131 : memref<20224x128xf32, #tpu.memory_space<hbm>>) dst(%arg10 : memref<80x128xf32, #tpu.memory_space<vmem>>)
      %scan3A_132 = arith.constant 0 : i32
      %scan3A_133 = arith.constant 0 : i32
      %scan3A_134 = arith.constant 20 : i32
      %scan3A_135 = arith.addi %scan3A_133, %scan3A_134 : i32
      %scan3A_136 = arith.constant 1 : i32
      scf.for %scan3A_196 = %scan3A_133 to %scan3A_135 step %scan3A_136  : i32 {
        %mul3A_197 = arith.constant 4 : i32
        %mul3A_198 = arith.muli %mul3A_197, %scan3A_196 : i32
        %mul3A_199 = arith.constant 4 : i32
        %mul3A_200 = arith.muli %mul3A_199, %scan3A_196 : i32
        %add3A_201 = arith.constant 1 : i32
        %add3A_202 = arith.addi %mul3A_200, %add3A_201 : i32
        %mul3A_203 = arith.constant 4 : i32
        %mul3A_204 = arith.muli %mul3A_203, %scan3A_196 : i32
        %add3A_205 = arith.constant 2 : i32
        %add3A_206 = arith.addi %mul3A_204, %add3A_205 : i32
        %mul3A_207 = arith.constant 4 : i32
        %mul3A_208 = arith.muli %mul3A_207, %scan3A_196 : i32
        %add3A_209 = arith.constant 3 : i32
        %add3A_210 = arith.addi %mul3A_208, %add3A_209 : i32
        %broadcast_in_dim3A = vector.broadcast %mul3A_198 : i32 to vector<16xi32>
        %gather3A = tpu.vector_load_idx %arg18[%broadcast_in_dim3A] : memref<80xf32, #tpu.memory_space<vmem>>[vector<16xi32>], vector<16xf32>,
        %broadcast_in_dim3A_211 = vector.broadcast %add3A_202 : i32 to vector<16xi32>
        %gather3A_212 = tpu.vector_load_idx %arg18[%broadcast_in_dim3A_211] : memref<80xf32, #tpu.memory_space<vmem>>[vector<16xi32>], vector<16xf32>,
        %broadcast_in_dim3A_213 = vector.broadcast %add3A_206 : i32 to vector<16xi32>
        %gather3A_214 = tpu.vector_load_idx %arg18[%broadcast_in_dim3A_213] : memref<80xf32, #tpu.memory_space<vmem>>[vector<16xi32>], vector<16xf32>,
        %broadcast_in_dim3A_215 = vector.broadcast %add3A_210 : i32 to vector<16xi32>
        %gather3A_216 = tpu.vector_load_idx %arg18[%broadcast_in_dim3A_215] : memref<80xf32, #tpu.memory_space<vmem>>[vector<16xi32>], vector<16xf32>,
        %get3A_217 = arith.index_cast %mul3A_198 : i32 to index
        %get3A_218 = arith.constant 0 : index
        %get3A_219 = tpu.vector_load %arg10[%get3A_217, %get3A_218] {strides = array<i32>} : memref<80x128xf32, #tpu.memory_space<vmem>>, vector<16xf32>,
        %mul3A_220 = arith.mulf %get3A_219, %gather3A : vector<16xf32>
        %swap3A_221 = arith.index_cast %mul3A_198 : i32 to index
        %swap3A_222 = arith.constant 0 : index
        %swap3A_223 = tpu.vector_load %arg10[%swap3A_221, %swap3A_222] {strides = array<i32>} : memref<80x128xf32, #tpu.memory_space<vmem>>, vector<16xf32>,
        tpu.vector_store %arg10[%swap3A_221, %swap3A_222], %mul3A_220 {strides = array<i32>} : memref<80x128xf32, #tpu.memory_space<vmem>>, vector<16xf32>,
        %get3A_224 = arith.index_cast %mul3A_198 : i32 to index
        %get3A_225 = arith.constant 16 : index
        %get3A_226 = tpu.vector_load %arg10[%get3A_224, %get3A_225] {strides = array<i32>} : memref<80x128xf32, #tpu.memory_space<vmem>>, vector<16xf32>,
        %mul3A_227 = arith.mulf %get3A_226, %gather3A : vector<16xf32>
        %swap3A_228 = arith.index_cast %mul3A_198 : i32 to index
        %swap3A_229 = arith.constant 16 : index
        %swap3A_230 = tpu.vector_load %arg10[%swap3A_228, %swap3A_229] {strides = array<i32>} : memref<80x128xf32, #tpu.memory_space<vmem>>, vector<16xf32>,
        tpu.vector_store %arg10[%swap3A_228, %swap3A_229], %mul3A_227 {strides = array<i32>} : memref<80x128xf32, #tpu.memory_space<vmem>>, vector<16xf32>,
        %get3A_231 = arith.index_cast %mul3A_198 : i32 to index
        %get3A_232 = arith.constant 32 : index
        %get3A_233 = tpu.vector_load %arg10[%get3A_231, %get3A_232] {strides = array<i32>} : memref<80x128xf32, #tpu.memory_space<vmem>>, vector<16xf32>,
        %mul3A_234 = arith.mulf %get3A_233, %gather3A : vector<16xf32>
        %swap3A_235 = arith.index_cast %mul3A_198 : i32 to index
        %swap3A_236 = arith.constant 32 : index
        %swap3A_237 = tpu.vector_load %arg10[%swap3A_235, %swap3A_236] {strides = array<i32>} : memref<80x128xf32, #tpu.memory_space<vmem>>, vector<16xf32>,
        tpu.vector_store %arg10[%swap3A_235, %swap3A_236], %mul3A_234 {strides = array<i32>} : memref<80x128xf32, #tpu.memory_space<vmem>>, vector<16xf32>,
        %get3A_238 = arith.index_cast %mul3A_198 : i32 to index
        %get3A_239 = arith.constant 48 : index
        %get3A_240 = tpu.vector_load %arg10[%get3A_238, %get3A_239] {strides = array<i32>} : memref<80x128xf32, #tpu.memory_space<vmem>>, vector<16xf32>,
        %mul3A_241 = arith.mulf %get3A_240, %gather3A : vector<16xf32>
        %swap3A_242 = arith.index_cast %mul3A_198 : i32 to index
        %swap3A_243 = arith.constant 48 : index
        %swap3A_244 = tpu.vector_load %arg10[%swap3A_242, %swap3A_243] {strides = array<i32>} : memref<80x128xf32, #tpu.memory_space<vmem>>, vector<16xf32>,
        tpu.vector_store %arg10[%swap3A_242, %swap3A_243], %mul3A_241 {strides = array<i32>} : memref<80x128xf32, #tpu.memory_space<vmem>>, vector<16xf32>,
        %get3A_245 = arith.index_cast %mul3A_198 : i32 to index
        %get3A_246 = arith.constant 64 : index
        %get3A_247 = tpu.vector_load %arg10[%get3A_245, %get3A_246] {strides = array<i32>} : memref<80x128xf32, #tpu.memory_space<vmem>>, vector<16xf32>,
        %mul3A_248 = arith.mulf %get3A_247, %gather3A : vector<16xf32>
        %swap3A_249 = arith.index_cast %mul3A_198 : i32 to index
        %swap3A_250 = arith.constant 64 : index
        %swap3A_251 = tpu.vector_load %arg10[%swap3A_249, %swap3A_250] {strides = array<i32>} : memref<80x128xf32, #tpu.memory_space<vmem>>, vector<16xf32>,
        tpu.vector_store %arg10[%swap3A_249, %swap3A_250], %mul3A_248 {strides = array<i32>} : memref<80x128xf32, #tpu.memory_space<vmem>>, vector<16xf32>,
        %get3A_252 = arith.index_cast %mul3A_198 : i32 to index
        %get3A_253 = arith.constant 80 : index
        %get3A_254 = tpu.vector_load %arg10[%get3A_252, %get3A_253] {strides = array<i32>} : memref<80x128xf32, #tpu.memory_space<vmem>>, vector<16xf32>,
        %mul3A_255 = arith.mulf %get3A_254, %gather3A : vector<16xf32>
        %swap3A_256 = arith.index_cast %mul3A_198 : i32 to index
        %swap3A_257 = arith.constant 80 : index
        %swap3A_258 = tpu.vector_load %arg10[%swap3A_256, %swap3A_257] {strides = array<i32>} : memref<80x128xf32, #tpu.memory_space<vmem>>, vector<16xf32>,
        tpu.vector_store %arg10[%swap3A_256, %swap3A_257], %mul3A_255 {strides = array<i32>} : memref<80x128xf32, #tpu.memory_space<vmem>>, vector<16xf32>,
        %get3A_259 = arith.index_cast %mul3A_198 : i32 to index
        %get3A_260 = arith.constant 96 : index
        %get3A_261 = tpu.vector_load %arg10[%get3A_259, %get3A_260] {strides = array<i32>} : memref<80x128xf32, #tpu.memory_space<vmem>>, vector<16xf32>,
        %mul3A_262 = arith.mulf %get3A_261, %gather3A : vector<16xf32>
        %swap3A_263 = arith.index_cast %mul3A_198 : i32 to index
        %swap3A_264 = arith.constant 96 : index
        %swap3A_265 = tpu.vector_load %arg10[%swap3A_263, %swap3A_264] {strides = array<i32>} : memref<80x128xf32, #tpu.memory_space<vmem>>, vector<16xf32>,
        tpu.vector_store %arg10[%swap3A_263, %swap3A_264], %mul3A_262 {strides = array<i32>} : memref<80x128xf32, #tpu.memory_space<vmem>>, vector<16xf32>,
        %get3A_266 = arith.index_cast %mul3A_198 : i32 to index
        %get3A_267 = arith.constant 112 : index
        %get3A_268 = tpu.vector_load %arg10[%get3A_266, %get3A_267] {strides = array<i32>} : memref<80x128xf32, #tpu.memory_space<vmem>>, vector<16xf32>,
        %mul3A_269 = arith.mulf %get3A_268, %gather3A : vector<16xf32>
        %swap3A_270 = arith.index_cast %mul3A_198 : i32 to index
        %swap3A_271 = arith.constant 112 : index
        %swap3A_272 = tpu.vector_load %arg10[%swap3A_270, %swap3A_271] {strides = array<i32>} : memref<80x128xf32, #tpu.memory_space<vmem>>, vector<16xf32>,
        tpu.vector_store %arg10[%swap3A_270, %swap3A_271], %mul3A_269 {strides = array<i32>} : memref<80x128xf32, #tpu.memory_space<vmem>>, vector<16xf32>,
        %get3A_273 = arith.index_cast %add3A_202 : i32 to index
        %get3A_274 = arith.constant 0 : index
        %get3A_275 = tpu.vector_load %arg10[%get3A_273, %get3A_274] {strides = array<i32>} : memref<80x128xf32, #tpu.memory_space<vmem>>, vector<16xf32>,
        %mul3A_276 = arith.mulf %get3A_275, %gather3A_212 : vector<16xf32>
        %swap3A_277 = arith.index_cast %add3A_202 : i32 to index
        %swap3A_278 = arith.constant 0 : index
        %swap3A_279 = tpu.vector_load %arg10[%swap3A_277, %swap3A_278] {strides = array<i32>} : memref<80x128xf32, #tpu.memory_space<vmem>>, vector<16xf32>,
        tpu.vector_store %arg10[%swap3A_277, %swap3A_278], %mul3A_276 {strides = array<i32>} : memref<80x128xf32, #tpu.memory_space<vmem>>, vector<16xf32>,
        %get3A_280 = arith.index_cast %add3A_202 : i32 to index
        %get3A_281 = arith.constant 16 : index
        %get3A_282 = tpu.vector_load %arg10[%get3A_280, %get3A_281] {strides = array<i32>} : memref<80x128xf32, #tpu.memory_space<vmem>>, vector<16xf32>,
        %mul3A_283 = arith.mulf %get3A_282, %gather3A_212 : vector<16xf32>
        %swap3A_284 = arith.index_cast %add3A_202 : i32 to index
        %swap3A_285 = arith.constant 16 : index
        %swap3A_286 = tpu.vector_load %arg10[%swap3A_284, %swap3A_285] {strides = array<i32>} : memref<80x128xf32, #tpu.memory_space<vmem>>, vector<16xf32>,
        tpu.vector_store %arg10[%swap3A_284, %swap3A_285], %mul3A_283 {strides = array<i32>} : memref<80x128xf32, #tpu.memory_space<vmem>>, vector<16xf32>,
        %get3A_287 = arith.index_cast %add3A_202 : i32 to index
        %get3A_288 = arith.constant 32 : index
        %get3A_289 = tpu.vector_load %arg10[%get3A_287, %get3A_288] {strides = array<i32>} : memref<80x128xf32, #tpu.memory_space<vmem>>, vector<16xf32>,
        %mul3A_290 = arith.mulf %get3A_289, %gather3A_212 : vector<16xf32>
        %swap3A_291 = arith.index_cast %add3A_202 : i32 to index
        %swap3A_292 = arith.constant 32 : index
        %swap3A_293 = tpu.vector_load %arg10[%swap3A_291, %swap3A_292] {strides = array<i32>} : memref<80x128xf32, #tpu.memory_space<vmem>>, vector<16xf32>,
        tpu.vector_store %arg10[%swap3A_291, %swap3A_292], %mul3A_290 {strides = array<i32>} : memref<80x128xf32, #tpu.memory_space<vmem>>, vector<16xf32>,
        %get3A_294 = arith.index_cast %add3A_202 : i32 to index
        %get3A_295 = arith.constant 48 : index
        %get3A_296 = tpu.vector_load %arg10[%get3A_294, %get3A_295] {strides = array<i32>} : memref<80x128xf32, #tpu.memory_space<vmem>>, vector<16xf32>,
        %mul3A_297 = arith.mulf %get3A_296, %gather3A_212 : vector<16xf32>
        %swap3A_298 = arith.index_cast %add3A_202 : i32 to index
        %swap3A_299 = arith.constant 48 : index
        %swap3A_300 = tpu.vector_load %arg10[%swap3A_298, %swap3A_299] {strides = array<i32>} : memref<80x128xf32, #tpu.memory_space<vmem>>, vector<16xf32>,
        tpu.vector_store %arg10[%swap3A_298, %swap3A_299], %mul3A_297 {strides = array<i32>} : memref<80x128xf32, #tpu.memory_space<vmem>>, vector<16xf32>,
        %get3A_301 = arith.index_cast %add3A_202 : i32 to index
        %get3A_302 = arith.constant 64 : index
        %get3A_303 = tpu.vector_load %arg10[%get3A_301, %get3A_302] {strides = array<i32>} : memref<80x128xf32, #tpu.memory_space<vmem>>, vector<16xf32>,
        %mul3A_304 = arith.mulf %get3A_303, %gather3A_212 : vector<16xf32>
        %swap3A_305 = arith.index_cast %add3A_202 : i32 to index
        %swap3A_306 = arith.constant 64 : index
        %swap3A_307 = tpu.vector_load %arg10[%swap3A_305, %swap3A_306] {strides = array<i32>} : memref<80x128xf32, #tpu.memory_space<vmem>>, vector<16xf32>,
        tpu.vector_store %arg10[%swap3A_305, %swap3A_306], %mul3A_304 {strides = array<i32>} : memref<80x128xf32, #tpu.memory_space<vmem>>, vector<16xf32>,
        %get3A_308 = arith.index_cast %add3A_202 : i32 to index
        %get3A_309 = arith.constant 80 : index
        %get3A_310 = tpu.vector_load %arg10[%get3A_308, %get3A_309] {strides = array<i32>} : memref<80x128xf32, #tpu.memory_space<vmem>>, vector<16xf32>,
        %mul3A_311 = arith.mulf %get3A_310, %gather3A_212 : vector<16xf32>
        %swap3A_312 = arith.index_cast %add3A_202 : i32 to index
        %swap3A_313 = arith.constant 80 : index
        %swap3A_314 = tpu.vector_load %arg10[%swap3A_312, %swap3A_313] {strides = array<i32>} : memref<80x128xf32, #tpu.memory_space<vmem>>, vector<16xf32>,
        tpu.vector_store %arg10[%swap3A_312, %swap3A_313], %mul3A_311 {strides = array<i32>} : memref<80x128xf32, #tpu.memory_space<vmem>>, vector<16xf32>,
        %get3A_315 = arith.index_cast %add3A_202 : i32 to index
        %get3A_316 = arith.constant 96 : index
        %get3A_317 = tpu.vector_load %arg10[%get3A_315, %get3A_316] {strides = array<i32>} : memref<80x128xf32, #tpu.memory_space<vmem>>, vector<16xf32>,
        %mul3A_318 = arith.mulf %get3A_317, %gather3A_212 : vector<16xf32>
        %swap3A_319 = arith.index_cast %add3A_202 : i32 to index
        %swap3A_320 = arith.constant 96 : index
        %swap3A_321 = tpu.vector_load %arg10[%swap3A_319, %swap3A_320] {strides = array<i32>} : memref<80x128xf32, #tpu.memory_space<vmem>>, vector<16xf32>,
        tpu.vector_store %arg10[%swap3A_319, %swap3A_320], %mul3A_318 {strides = array<i32>} : memref<80x128xf32, #tpu.memory_space<vmem>>, vector<16xf32>,
        %get3A_322 = arith.index_cast %add3A_202 : i32 to index
        %get3A_323 = arith.constant 112 : index
        %get3A_324 = tpu.vector_load %arg10[%get3A_322, %get3A_323] {strides = array<i32>} : memref<80x128xf32, #tpu.memory_space<vmem>>, vector<16xf32>,
        %mul3A_325 = arith.mulf %get3A_324, %gather3A_212 : vector<16xf32>
        %swap3A_326 = arith.index_cast %add3A_202 : i32 to index
        %swap3A_327 = arith.constant 112 : index
        %swap3A_328 = tpu.vector_load %arg10[%swap3A_326, %swap3A_327] {strides = array<i32>} : memref<80x128xf32, #tpu.memory_space<vmem>>, vector<16xf32>,
        tpu.vector_store %arg10[%swap3A_326, %swap3A_327], %mul3A_325 {strides = array<i32>} : memref<80x128xf32, #tpu.memory_space<vmem>>, vector<16xf32>,
        %get3A_329 = arith.index_cast %add3A_206 : i32 to index
        %get3A_330 = arith.constant 0 : index
        %get3A_331 = tpu.vector_load %arg10[%get3A_329, %get3A_330] {strides = array<i32>} : memref<80x128xf32, #tpu.memory_space<vmem>>, vector<16xf32>,
        %mul3A_332 = arith.mulf %get3A_331, %gather3A_214 : vector<16xf32>
        %swap3A_333 = arith.index_cast %add3A_206 : i32 to index
        %swap3A_334 = arith.constant 0 : index
        %swap3A_335 = tpu.vector_load %arg10[%swap3A_333, %swap3A_334] {strides = array<i32>} : memref<80x128xf32, #tpu.memory_space<vmem>>, vector<16xf32>,
        tpu.vector_store %arg10[%swap3A_333, %swap3A_334], %mul3A_332 {strides = array<i32>} : memref<80x128xf32, #tpu.memory_space<vmem>>, vector<16xf32>,
        %get3A_336 = arith.index_cast %add3A_206 : i32 to index
        %get3A_337 = arith.constant 16 : index
        %get3A_338 = tpu.vector_load %arg10[%get3A_336, %get3A_337] {strides = array<i32>} : memref<80x128xf32, #tpu.memory_space<vmem>>, vector<16xf32>,
        %mul3A_339 = arith.mulf %get3A_338, %gather3A_214 : vector<16xf32>
        %swap3A_340 = arith.index_cast %add3A_206 : i32 to index
        %swap3A_341 = arith.constant 16 : index
        %swap3A_342 = tpu.vector_load %arg10[%swap3A_340, %swap3A_341] {strides = array<i32>} : memref<80x128xf32, #tpu.memory_space<vmem>>, vector<16xf32>,
        tpu.vector_store %arg10[%swap3A_340, %swap3A_341], %mul3A_339 {strides = array<i32>} : memref<80x128xf32, #tpu.memory_space<vmem>>, vector<16xf32>,
        %get3A_343 = arith.index_cast %add3A_206 : i32 to index
        %get3A_344 = arith.constant 32 : index
        %get3A_345 = tpu.vector_load %arg10[%get3A_343, %get3A_344] {strides = array<i32>} : memref<80x128xf32, #tpu.memory_space<vmem>>, vector<16xf32>,
        %mul3A_346 = arith.mulf %get3A_345, %gather3A_214 : vector<16xf32>
        %swap3A_347 = arith.index_cast %add3A_206 : i32 to index
        %swap3A_348 = arith.constant 32 : index
        %swap3A_349 = tpu.vector_load %arg10[%swap3A_347, %swap3A_348] {strides = array<i32>} : memref<80x128xf32, #tpu.memory_space<vmem>>, vector<16xf32>,
        tpu.vector_store %arg10[%swap3A_347, %swap3A_348], %mul3A_346 {strides = array<i32>} : memref<80x128xf32, #tpu.memory_space<vmem>>, vector<16xf32>,
        %get3A_350 = arith.index_cast %add3A_206 : i32 to index
        %get3A_351 = arith.constant 48 : index
        %get3A_352 = tpu.vector_load %arg10[%get3A_350, %get3A_351] {strides = array<i32>} : memref<80x128xf32, #tpu.memory_space<vmem>>, vector<16xf32>,
        %mul3A_353 = arith.mulf %get3A_352, %gather3A_214 : vector<16xf32>
        %swap3A_354 = arith.index_cast %add3A_206 : i32 to index
        %swap3A_355 = arith.constant 48 : index
        %swap3A_356 = tpu.vector_load %arg10[%swap3A_354, %swap3A_355] {strides = array<i32>} : memref<80x128xf32, #tpu.memory_space<vmem>>, vector<16xf32>,
        tpu.vector_store %arg10[%swap3A_354, %swap3A_355], %mul3A_353 {strides = array<i32>} : memref<80x128xf32, #tpu.memory_space<vmem>>, vector<16xf32>,
        %get3A_357 = arith.index_cast %add3A_206 : i32 to index
        %get3A_358 = arith.constant 64 : index
        %get3A_359 = tpu.vector_load %arg10[%get3A_357, %get3A_358] {strides = array<i32>} : memref<80x128xf32, #tpu.memory_space<vmem>>, vector<16xf32>,
        %mul3A_360 = arith.mulf %get3A_359, %gather3A_214 : vector<16xf32>
        %swap3A_361 = arith.index_cast %add3A_206 : i32 to index
        %swap3A_362 = arith.constant 64 : index
        %swap3A_363 = tpu.vector_load %arg10[%swap3A_361, %swap3A_362] {strides = array<i32>} : memref<80x128xf32, #tpu.memory_space<vmem>>, vector<16xf32>,
        tpu.vector_store %arg10[%swap3A_361, %swap3A_362], %mul3A_360 {strides = array<i32>} : memref<80x128xf32, #tpu.memory_space<vmem>>, vector<16xf32>,
        %get3A_364 = arith.index_cast %add3A_206 : i32 to index
        %get3A_365 = arith.constant 80 : index
        %get3A_366 = tpu.vector_load %arg10[%get3A_364, %get3A_365] {strides = array<i32>} : memref<80x128xf32, #tpu.memory_space<vmem>>, vector<16xf32>,
        %mul3A_367 = arith.mulf %get3A_366, %gather3A_214 : vector<16xf32>
        %swap3A_368 = arith.index_cast %add3A_206 : i32 to index
        %swap3A_369 = arith.constant 80 : index
        %swap3A_370 = tpu.vector_load %arg10[%swap3A_368, %swap3A_369] {strides = array<i32>} : memref<80x128xf32, #tpu.memory_space<vmem>>, vector<16xf32>,
        tpu.vector_store %arg10[%swap3A_368, %swap3A_369], %mul3A_367 {strides = array<i32>} : memref<80x128xf32, #tpu.memory_space<vmem>>, vector<16xf32>,
        %get3A_371 = arith.index_cast %add3A_206 : i32 to index
        %get3A_372 = arith.constant 96 : index
        %get3A_373 = tpu.vector_load %arg10[%get3A_371, %get3A_372] {strides = array<i32>} : memref<80x128xf32, #tpu.memory_space<vmem>>, vector<16xf32>,
        %mul3A_374 = arith.mulf %get3A_373, %gather3A_214 : vector<16xf32>
        %swap3A_375 = arith.index_cast %add3A_206 : i32 to index
        %swap3A_376 = arith.constant 96 : index
        %swap3A_377 = tpu.vector_load %arg10[%swap3A_375, %swap3A_376] {strides = array<i32>} : memref<80x128xf32, #tpu.memory_space<vmem>>, vector<16xf32>,
        tpu.vector_store %arg10[%swap3A_375, %swap3A_376], %mul3A_374 {strides = array<i32>} : memref<80x128xf32, #tpu.memory_space<vmem>>, vector<16xf32>,
        %get3A_378 = arith.index_cast %add3A_206 : i32 to index
        %get3A_379 = arith.constant 112 : index
        %get3A_380 = tpu.vector_load %arg10[%get3A_378, %get3A_379] {strides = array<i32>} : memref<80x128xf32, #tpu.memory_space<vmem>>, vector<16xf32>,
        %mul3A_381 = arith.mulf %get3A_380, %gather3A_214 : vector<16xf32>
        %swap3A_382 = arith.index_cast %add3A_206 : i32 to index
        %swap3A_383 = arith.constant 112 : index
        %swap3A_384 = tpu.vector_load %arg10[%swap3A_382, %swap3A_383] {strides = array<i32>} : memref<80x128xf32, #tpu.memory_space<vmem>>, vector<16xf32>,
        tpu.vector_store %arg10[%swap3A_382, %swap3A_383], %mul3A_381 {strides = array<i32>} : memref<80x128xf32, #tpu.memory_space<vmem>>, vector<16xf32>,
        %get3A_385 = arith.index_cast %add3A_210 : i32 to index
        %get3A_386 = arith.constant 0 : index
        %get3A_387 = tpu.vector_load %arg10[%get3A_385, %get3A_386] {strides = array<i32>} : memref<80x128xf32, #tpu.memory_space<vmem>>, vector<16xf32>,
        %mul3A_388 = arith.mulf %get3A_387, %gather3A_216 : vector<16xf32>
        %swap3A_389 = arith.index_cast %add3A_210 : i32 to index
        %swap3A_390 = arith.constant 0 : index
        %swap3A_391 = tpu.vector_load %arg10[%swap3A_389, %swap3A_390] {strides = array<i32>} : memref<80x128xf32, #tpu.memory_space<vmem>>, vector<16xf32>,
        tpu.vector_store %arg10[%swap3A_389, %swap3A_390], %mul3A_388 {strides = array<i32>} : memref<80x128xf32, #tpu.memory_space<vmem>>, vector<16xf32>,
        %get3A_392 = arith.index_cast %add3A_210 : i32 to index
        %get3A_393 = arith.constant 16 : index
        %get3A_394 = tpu.vector_load %arg10[%get3A_392, %get3A_393] {strides = array<i32>} : memref<80x128xf32, #tpu.memory_space<vmem>>, vector<16xf32>,
        %mul3A_395 = arith.mulf %get3A_394, %gather3A_216 : vector<16xf32>
        %swap3A_396 = arith.index_cast %add3A_210 : i32 to index
        %swap3A_397 = arith.constant 16 : index
        %swap3A_398 = tpu.vector_load %arg10[%swap3A_396, %swap3A_397] {strides = array<i32>} : memref<80x128xf32, #tpu.memory_space<vmem>>, vector<16xf32>,
        tpu.vector_store %arg10[%swap3A_396, %swap3A_397], %mul3A_395 {strides = array<i32>} : memref<80x128xf32, #tpu.memory_space<vmem>>, vector<16xf32>,
        %get3A_399 = arith.index_cast %add3A_210 : i32 to index
        %get3A_400 = arith.constant 32 : index
        %get3A_401 = tpu.vector_load %arg10[%get3A_399, %get3A_400] {strides = array<i32>} : memref<80x128xf32, #tpu.memory_space<vmem>>, vector<16xf32>,
        %mul3A_402 = arith.mulf %get3A_401, %gather3A_216 : vector<16xf32>
        %swap3A_403 = arith.index_cast %add3A_210 : i32 to index
        %swap3A_404 = arith.constant 32 : index
        %swap3A_405 = tpu.vector_load %arg10[%swap3A_403, %swap3A_404] {strides = array<i32>} : memref<80x128xf32, #tpu.memory_space<vmem>>, vector<16xf32>,
        tpu.vector_store %arg10[%swap3A_403, %swap3A_404], %mul3A_402 {strides = array<i32>} : memref<80x128xf32, #tpu.memory_space<vmem>>, vector<16xf32>,
        %get3A_406 = arith.index_cast %add3A_210 : i32 to index
        %get3A_407 = arith.constant 48 : index
        %get3A_408 = tpu.vector_load %arg10[%get3A_406, %get3A_407] {strides = array<i32>} : memref<80x128xf32, #tpu.memory_space<vmem>>, vector<16xf32>,
        %mul3A_409 = arith.mulf %get3A_408, %gather3A_216 : vector<16xf32>
        %swap3A_410 = arith.index_cast %add3A_210 : i32 to index
        %swap3A_411 = arith.constant 48 : index
        %swap3A_412 = tpu.vector_load %arg10[%swap3A_410, %swap3A_411] {strides = array<i32>} : memref<80x128xf32, #tpu.memory_space<vmem>>, vector<16xf32>,
        tpu.vector_store %arg10[%swap3A_410, %swap3A_411], %mul3A_409 {strides = array<i32>} : memref<80x128xf32, #tpu.memory_space<vmem>>, vector<16xf32>,
        %get3A_413 = arith.index_cast %add3A_210 : i32 to index
        %get3A_414 = arith.constant 64 : index
        %get3A_415 = tpu.vector_load %arg10[%get3A_413, %get3A_414] {strides = array<i32>} : memref<80x128xf32, #tpu.memory_space<vmem>>, vector<16xf32>,
        %mul3A_416 = arith.mulf %get3A_415, %gather3A_216 : vector<16xf32>
        %swap3A_417 = arith.index_cast %add3A_210 : i32 to index
        %swap3A_418 = arith.constant 64 : index
        %swap3A_419 = tpu.vector_load %arg10[%swap3A_417, %swap3A_418] {strides = array<i32>} : memref<80x128xf32, #tpu.memory_space<vmem>>, vector<16xf32>,
        tpu.vector_store %arg10[%swap3A_417, %swap3A_418], %mul3A_416 {strides = array<i32>} : memref<80x128xf32, #tpu.memory_space<vmem>>, vector<16xf32>,
        %get3A_420 = arith.index_cast %add3A_210 : i32 to index
        %get3A_421 = arith.constant 80 : index
        %get3A_422 = tpu.vector_load %arg10[%get3A_420, %get3A_421] {strides = array<i32>} : memref<80x128xf32, #tpu.memory_space<vmem>>, vector<16xf32>,
        %mul3A_423 = arith.mulf %get3A_422, %gather3A_216 : vector<16xf32>
        %swap3A_424 = arith.index_cast %add3A_210 : i32 to index
        %swap3A_425 = arith.constant 80 : index
        %swap3A_426 = tpu.vector_load %arg10[%swap3A_424, %swap3A_425] {strides = array<i32>} : memref<80x128xf32, #tpu.memory_space<vmem>>, vector<16xf32>,
        tpu.vector_store %arg10[%swap3A_424, %swap3A_425], %mul3A_423 {strides = array<i32>} : memref<80x128xf32, #tpu.memory_space<vmem>>, vector<16xf32>,
        %get3A_427 = arith.index_cast %add3A_210 : i32 to index
        %get3A_428 = arith.constant 96 : index
        %get3A_429 = tpu.vector_load %arg10[%get3A_427, %get3A_428] {strides = array<i32>} : memref<80x128xf32, #tpu.memory_space<vmem>>, vector<16xf32>,
        %mul3A_430 = arith.mulf %get3A_429, %gather3A_216 : vector<16xf32>
        %swap3A_431 = arith.index_cast %add3A_210 : i32 to index
        %swap3A_432 = arith.constant 96 : index
        %swap3A_433 = tpu.vector_load %arg10[%swap3A_431, %swap3A_432] {strides = array<i32>} : memref<80x128xf32, #tpu.memory_space<vmem>>, vector<16xf32>,
        tpu.vector_store %arg10[%swap3A_431, %swap3A_432], %mul3A_430 {strides = array<i32>} : memref<80x128xf32, #tpu.memory_space<vmem>>, vector<16xf32>,
        %get3A_434 = arith.index_cast %add3A_210 : i32 to index
        %get3A_435 = arith.constant 112 : index
        %get3A_436 = tpu.vector_load %arg10[%get3A_434, %get3A_435] {strides = array<i32>} : memref<80x128xf32, #tpu.memory_space<vmem>>, vector<16xf32>,
        %mul3A_437 = arith.mulf %get3A_436, %gather3A_216 : vector<16xf32>
        %swap3A_438 = arith.index_cast %add3A_210 : i32 to index
        %swap3A_439 = arith.constant 112 : index
        %swap3A_440 = tpu.vector_load %arg10[%swap3A_438, %swap3A_439] {strides = array<i32>} : memref<80x128xf32, #tpu.memory_space<vmem>>, vector<16xf32>,
        tpu.vector_store %arg10[%swap3A_438, %swap3A_439], %mul3A_437 {strides = array<i32>} : memref<80x128xf32, #tpu.memory_space<vmem>>, vector<16xf32>,
      }
      %scan3A_137 = arith.constant 20 : i32
      %dma_start3A_138 = arith.constant 0 : i32
      %dma_start3A_139 = arith.constant 0 : i32
      %dma_start3A_140 = tpu.memref_slice %arg8[%dma_start3A_138, %dma_start3A_139] : memref<10112x128xf32, #tpu.memory_space<vmem_shared>> -> memref<10112x128xf32, #tpu.memory_space<vmem_shared>>
      tpu.enqueue_indirect_dma source(%arg10 : memref<80x128xf32, #tpu.memory_space<vmem>>) target(%dma_start3A_140 : memref<10112x128xf32, #tpu.memory_space<vmem_shared>>) offsets(%arg16 : memref<80xi32, #tpu.memory_space<vmem>>) semaphore(%arg22 : memref<!tpu.dma_semaphore, #tpu.memory_space<semaphore_mem>>) {add = true}
      %dma_wait3A_141 = arith.constant 0 : i32
      %dma_wait3A_142 = arith.constant 0 : i32
      %dma_wait3A_143 = tpu.memref_slice %arg8[%dma_wait3A_141, %dma_wait3A_142] : memref<10112x128xf32, #tpu.memory_space<vmem_shared>> -> memref<10112x128xf32, #tpu.memory_space<vmem_shared>>
      tpu.wait_indirect_dma semaphore(%arg21 : memref<!tpu.dma_semaphore, #tpu.memory_space<semaphore_mem>>) src(%arg9 : memref<80x128xf32, #tpu.memory_space<vmem>>) dst(%dma_wait3A_143 : memref<10112x128xf32, #tpu.memory_space<vmem_shared>>)
      %add3A_144 = arith.constant 2 : i32
      %add3A_145 = arith.addi %mul3A_67, %add3A_144 : i32
      %mul3A_146 = arith.constant 80 : i32
      %mul3A_147 = arith.muli %add3A_145, %mul3A_146 : i32
      %add3A_148 = arith.addi %mul3A_2, %mul3A_147 : i32
      %multiple_of3A_149 = tpu.assume_multiple %add3A_148, 8 : i32
      "tpu.region"() ({
        %run_scoped3A = tpu.sem_alloc : memref<!tpu.dma_semaphore, #tpu.memory_space<semaphore_mem>>
        %dma_start3A_196 = tpu.memref_slice %arg3[%multiple_of3A_149] : memref<160000xi32, #tpu.memory_space<hbm>> -> memref<80xi32, #tpu.memory_space<hbm>>
        %dma_start3A_197 = tpu.memref_slice %arg3[%multiple_of3A_149] : memref<160000xi32, #tpu.memory_space<hbm>> -> memref<80xi32, #tpu.memory_space<hbm>>
        tpu.enqueue_dma source(%dma_start3A_197 : memref<80xi32, #tpu.memory_space<hbm>>) target(%arg11 : memref<80xi32, #tpu.memory_space<vmem>>) target_semaphore(%run_scoped3A : memref<!tpu.dma_semaphore, #tpu.memory_space<semaphore_mem>>)
        %dma_wait3A_198 = tpu.memref_slice %arg3[%multiple_of3A_149] : memref<160000xi32, #tpu.memory_space<hbm>> -> memref<80xi32, #tpu.memory_space<hbm>>
        %dma_wait3A_199 = tpu.memref_slice %arg3[%multiple_of3A_149] : memref<160000xi32, #tpu.memory_space<hbm>> -> memref<80xi32, #tpu.memory_space<hbm>>
        tpu.wait_dma2 semaphore(%run_scoped3A : memref<!tpu.dma_semaphore, #tpu.memory_space<semaphore_mem>>) src(%dma_wait3A_199 : memref<80xi32, #tpu.memory_space<hbm>>) dst(%arg11 : memref<80xi32, #tpu.memory_space<vmem>>)
        tpu.yield
      }) : () -> ()
      "tpu.region"() ({
        %run_scoped3A = tpu.sem_alloc : memref<!tpu.dma_semaphore, #tpu.memory_space<semaphore_mem>>
        %dma_start3A_196 = tpu.memref_slice %arg4[%multiple_of3A_149] : memref<160000xi32, #tpu.memory_space<hbm>> -> memref<80xi32, #tpu.memory_space<hbm>>
        %dma_start3A_197 = tpu.memref_slice %arg4[%multiple_of3A_149] : memref<160000xi32, #tpu.memory_space<hbm>> -> memref<80xi32, #tpu.memory_space<hbm>>
        tpu.enqueue_dma source(%dma_start3A_197 : memref<80xi32, #tpu.memory_space<hbm>>) target(%arg15 : memref<80xi32, #tpu.memory_space<vmem>>) target_semaphore(%run_scoped3A : memref<!tpu.dma_semaphore, #tpu.memory_space<semaphore_mem>>)
        %dma_wait3A_198 = tpu.memref_slice %arg4[%multiple_of3A_149] : memref<160000xi32, #tpu.memory_space<hbm>> -> memref<80xi32, #tpu.memory_space<hbm>>
        %dma_wait3A_199 = tpu.memref_slice %arg4[%multiple_of3A_149] : memref<160000xi32, #tpu.memory_space<hbm>> -> memref<80xi32, #tpu.memory_space<hbm>>
        tpu.wait_dma2 semaphore(%run_scoped3A : memref<!tpu.dma_semaphore, #tpu.memory_space<semaphore_mem>>) src(%dma_wait3A_199 : memref<80xi32, #tpu.memory_space<hbm>>) dst(%arg15 : memref<80xi32, #tpu.memory_space<vmem>>)
        tpu.yield
      }) : () -> ()
      "tpu.region"() ({
        %run_scoped3A = tpu.sem_alloc : memref<!tpu.dma_semaphore, #tpu.memory_space<semaphore_mem>>
        %dma_start3A_196 = tpu.memref_slice %arg5[%multiple_of3A_149] : memref<160000xf32, #tpu.memory_space<hbm>> -> memref<80xf32, #tpu.memory_space<hbm>>
        %dma_start3A_197 = tpu.memref_slice %arg5[%multiple_of3A_149] : memref<160000xf32, #tpu.memory_space<hbm>> -> memref<80xf32, #tpu.memory_space<hbm>>
        tpu.enqueue_dma source(%dma_start3A_197 : memref<80xf32, #tpu.memory_space<hbm>>) target(%arg17 : memref<80xf32, #tpu.memory_space<vmem>>) target_semaphore(%run_scoped3A : memref<!tpu.dma_semaphore, #tpu.memory_space<semaphore_mem>>)
        %dma_wait3A_198 = tpu.memref_slice %arg5[%multiple_of3A_149] : memref<160000xf32, #tpu.memory_space<hbm>> -> memref<80xf32, #tpu.memory_space<hbm>>
        %dma_wait3A_199 = tpu.memref_slice %arg5[%multiple_of3A_149] : memref<160000xf32, #tpu.memory_space<hbm>> -> memref<80xf32, #tpu.memory_space<hbm>>
        tpu.wait_dma2 semaphore(%run_scoped3A : memref<!tpu.dma_semaphore, #tpu.memory_space<semaphore_mem>>) src(%dma_wait3A_199 : memref<80xf32, #tpu.memory_space<hbm>>) dst(%arg17 : memref<80xf32, #tpu.memory_space<vmem>>)
        tpu.yield
      }) : () -> ()
      %get3A_150 = arith.constant 0 : index
      %get3A_151 = tpu.vector_load %arg11[%get3A_150] {strides = array<i32>} : memref<80xi32, #tpu.memory_space<vmem>>, vector<16xi32>,
      %mul3A_152 = arith.constant 10112 : i32
      %mul3A_153 = arith.muli %arg0, %mul3A_152 : i32
      %add3A_154 = vector.broadcast %mul3A_153 : i32 to vector<16xi32>
      %add3A_155 = arith.addi %get3A_151, %add3A_154 : vector<16xi32>
      %swap3A_156 = arith.constant 0 : index
      %swap3A_157 = tpu.vector_load %arg13[%swap3A_156] {strides = array<i32>} : memref<80xi32, #tpu.memory_space<vmem>>, vector<16xi32>,
      tpu.vector_store %arg13[%swap3A_156], %add3A_155 {strides = array<i32>} : memref<80xi32, #tpu.memory_space<vmem>>, vector<16xi32>,
      %get3A_158 = arith.constant 16 : index
      %get3A_159 = tpu.vector_load %arg11[%get3A_158] {strides = array<i32>} : memref<80xi32, #tpu.memory_space<vmem>>, vector<16xi32>,
      %mul3A_160 = arith.constant 10112 : i32
      %mul3A_161 = arith.muli %arg0, %mul3A_160 : i32
      %add3A_162 = vector.broadcast %mul3A_161 : i32 to vector<16xi32>
      %add3A_163 = arith.addi %get3A_159, %add3A_162 : vector<16xi32>
      %swap3A_164 = arith.constant 16 : index
      %swap3A_165 = tpu.vector_load %arg13[%swap3A_164] {strides = array<i32>} : memref<80xi32, #tpu.memory_space<vmem>>, vector<16xi32>,
      tpu.vector_store %arg13[%swap3A_164], %add3A_163 {strides = array<i32>} : memref<80xi32, #tpu.memory_space<vmem>>, vector<16xi32>,
      %get3A_166 = arith.constant 32 : index
      %get3A_167 = tpu.vector_load %arg11[%get3A_166] {strides = array<i32>} : memref<80xi32, #tpu.memory_space<vmem>>, vector<16xi32>,
      %mul3A_168 = arith.constant 10112 : i32
      %mul3A_169 = arith.muli %arg0, %mul3A_168 : i32
      %add3A_170 = vector.broadcast %mul3A_169 : i32 to vector<16xi32>
      %add3A_171 = arith.addi %get3A_167, %add3A_170 : vector<16xi32>
      %swap3A_172 = arith.constant 32 : index
      %swap3A_173 = tpu.vector_load %arg13[%swap3A_172] {strides = array<i32>} : memref<80xi32, #tpu.memory_space<vmem>>, vector<16xi32>,
      tpu.vector_store %arg13[%swap3A_172], %add3A_171 {strides = array<i32>} : memref<80xi32, #tpu.memory_space<vmem>>, vector<16xi32>,
      %get3A_174 = arith.constant 48 : index
      %get3A_175 = tpu.vector_load %arg11[%get3A_174] {strides = array<i32>} : memref<80xi32, #tpu.memory_space<vmem>>, vector<16xi32>,
      %mul3A_176 = arith.constant 10112 : i32
      %mul3A_177 = arith.muli %arg0, %mul3A_176 : i32
      %add3A_178 = vector.broadcast %mul3A_177 : i32 to vector<16xi32>
      %add3A_179 = arith.addi %get3A_175, %add3A_178 : vector<16xi32>
      %swap3A_180 = arith.constant 48 : index
      %swap3A_181 = tpu.vector_load %arg13[%swap3A_180] {strides = array<i32>} : memref<80xi32, #tpu.memory_space<vmem>>, vector<16xi32>,
      tpu.vector_store %arg13[%swap3A_180], %add3A_179 {strides = array<i32>} : memref<80xi32, #tpu.memory_space<vmem>>, vector<16xi32>,
      %get3A_182 = arith.constant 64 : index
      %get3A_183 = tpu.vector_load %arg11[%get3A_182] {strides = array<i32>} : memref<80xi32, #tpu.memory_space<vmem>>, vector<16xi32>,
      %mul3A_184 = arith.constant 10112 : i32
      %mul3A_185 = arith.muli %arg0, %mul3A_184 : i32
      %add3A_186 = vector.broadcast %mul3A_185 : i32 to vector<16xi32>
      %add3A_187 = arith.addi %get3A_183, %add3A_186 : vector<16xi32>
      %swap3A_188 = arith.constant 64 : index
      %swap3A_189 = tpu.vector_load %arg13[%swap3A_188] {strides = array<i32>} : memref<80xi32, #tpu.memory_space<vmem>>, vector<16xi32>,
      tpu.vector_store %arg13[%swap3A_188], %add3A_187 {strides = array<i32>} : memref<80xi32, #tpu.memory_space<vmem>>, vector<16xi32>,
      %dma_start3A_190 = arith.constant 0 : i32
      %dma_start3A_191 = arith.constant 0 : i32
      %dma_start3A_192 = tpu.memref_slice %arg2[%dma_start3A_190, %dma_start3A_191] : memref<20224x128xf32, #tpu.memory_space<hbm>> -> memref<20224x128xf32, #tpu.memory_space<hbm>>
      tpu.enqueue_indirect_dma source(%dma_start3A_192 : memref<20224x128xf32, #tpu.memory_space<hbm>>) target(%arg9 : memref<80x128xf32, #tpu.memory_space<vmem>>) offsets(%arg13 : memref<80xi32, #tpu.memory_space<vmem>>) semaphore(%arg19 : memref<!tpu.dma_semaphore, #tpu.memory_space<semaphore_mem>>)
      %dma_wait3A_193 = arith.constant 0 : i32
      %dma_wait3A_194 = arith.constant 0 : i32
      %dma_wait3A_195 = tpu.memref_slice %arg8[%dma_wait3A_193, %dma_wait3A_194] : memref<10112x128xf32, #tpu.memory_space<vmem_shared>> -> memref<10112x128xf32, #tpu.memory_space<vmem_shared>>
      tpu.wait_indirect_dma semaphore(%arg22 : memref<!tpu.dma_semaphore, #tpu.memory_space<semaphore_mem>>) src(%arg10 : memref<80x128xf32, #tpu.memory_space<vmem>>) dst(%dma_wait3A_195 : memref<10112x128xf32, #tpu.memory_space<vmem_shared>>)
    }
    %scan3A_49 = arith.constant 62 : i32
    %dma_wait3A = arith.constant 0 : i32
    %dma_wait3A_50 = arith.constant 0 : i32
    %dma_wait3A_51 = tpu.memref_slice %arg2[%dma_wait3A, %dma_wait3A_50] : memref<20224x128xf32, #tpu.memory_space<hbm>> -> memref<20224x128xf32, #tpu.memory_space<hbm>>
    tpu.wait_indirect_dma semaphore(%arg19 : memref<!tpu.dma_semaphore, #tpu.memory_space<semaphore_mem>>) src(%dma_wait3A_51 : memref<20224x128xf32, #tpu.memory_space<hbm>>) dst(%arg9 : memref<80x128xf32, #tpu.memory_space<vmem>>)
    %scan3A_52 = arith.constant 0 : i32
    %scan3A_53 = arith.constant 0 : i32
    %scan3A_54 = arith.constant 20 : i32
    %scan3A_55 = arith.addi %scan3A_53, %scan3A_54 : i32
    %scan3A_56 = arith.constant 1 : i32
    scf.for %scan3A_65 = %scan3A_53 to %scan3A_55 step %scan3A_56  : i32 {
      %mul3A_66 = arith.constant 4 : i32
      %mul3A_67 = arith.muli %mul3A_66, %scan3A_65 : i32
      %mul3A_68 = arith.constant 4 : i32
      %mul3A_69 = arith.muli %mul3A_68, %scan3A_65 : i32
      %add3A_70 = arith.constant 1 : i32
      %add3A_71 = arith.addi %mul3A_69, %add3A_70 : i32
      %mul3A_72 = arith.constant 4 : i32
      %mul3A_73 = arith.muli %mul3A_72, %scan3A_65 : i32
      %add3A_74 = arith.constant 2 : i32
      %add3A_75 = arith.addi %mul3A_73, %add3A_74 : i32
      %mul3A_76 = arith.constant 4 : i32
      %mul3A_77 = arith.muli %mul3A_76, %scan3A_65 : i32
      %add3A_78 = arith.constant 3 : i32
      %add3A_79 = arith.addi %mul3A_77, %add3A_78 : i32
      %broadcast_in_dim3A = vector.broadcast %mul3A_67 : i32 to vector<16xi32>
      %gather3A = tpu.vector_load_idx %arg17[%broadcast_in_dim3A] : memref<80xf32, #tpu.memory_space<vmem>>[vector<16xi32>], vector<16xf32>,
      %broadcast_in_dim3A_80 = vector.broadcast %add3A_71 : i32 to vector<16xi32>
      %gather3A_81 = tpu.vector_load_idx %arg17[%broadcast_in_dim3A_80] : memref<80xf32, #tpu.memory_space<vmem>>[vector<16xi32>], vector<16xf32>,
      %broadcast_in_dim3A_82 = vector.broadcast %add3A_75 : i32 to vector<16xi32>
      %gather3A_83 = tpu.vector_load_idx %arg17[%broadcast_in_dim3A_82] : memref<80xf32, #tpu.memory_space<vmem>>[vector<16xi32>], vector<16xf32>,
      %broadcast_in_dim3A_84 = vector.broadcast %add3A_79 : i32 to vector<16xi32>
      %gather3A_85 = tpu.vector_load_idx %arg17[%broadcast_in_dim3A_84] : memref<80xf32, #tpu.memory_space<vmem>>[vector<16xi32>], vector<16xf32>,
      %get3A_86 = arith.index_cast %mul3A_67 : i32 to index
      %get3A_87 = arith.constant 0 : index
      %get3A_88 = tpu.vector_load %arg9[%get3A_86, %get3A_87] {strides = array<i32>} : memref<80x128xf32, #tpu.memory_space<vmem>>, vector<16xf32>,
      %mul3A_89 = arith.mulf %get3A_88, %gather3A : vector<16xf32>
      %swap3A_90 = arith.index_cast %mul3A_67 : i32 to index
      %swap3A_91 = arith.constant 0 : index
      %swap3A_92 = tpu.vector_load %arg9[%swap3A_90, %swap3A_91] {strides = array<i32>} : memref<80x128xf32, #tpu.memory_space<vmem>>, vector<16xf32>,
      tpu.vector_store %arg9[%swap3A_90, %swap3A_91], %mul3A_89 {strides = array<i32>} : memref<80x128xf32, #tpu.memory_space<vmem>>, vector<16xf32>,
      %get3A_93 = arith.index_cast %mul3A_67 : i32 to index
      %get3A_94 = arith.constant 16 : index
      %get3A_95 = tpu.vector_load %arg9[%get3A_93, %get3A_94] {strides = array<i32>} : memref<80x128xf32, #tpu.memory_space<vmem>>, vector<16xf32>,
      %mul3A_96 = arith.mulf %get3A_95, %gather3A : vector<16xf32>
      %swap3A_97 = arith.index_cast %mul3A_67 : i32 to index
      %swap3A_98 = arith.constant 16 : index
      %swap3A_99 = tpu.vector_load %arg9[%swap3A_97, %swap3A_98] {strides = array<i32>} : memref<80x128xf32, #tpu.memory_space<vmem>>, vector<16xf32>,
      tpu.vector_store %arg9[%swap3A_97, %swap3A_98], %mul3A_96 {strides = array<i32>} : memref<80x128xf32, #tpu.memory_space<vmem>>, vector<16xf32>,
      %get3A_100 = arith.index_cast %mul3A_67 : i32 to index
      %get3A_101 = arith.constant 32 : index
      %get3A_102 = tpu.vector_load %arg9[%get3A_100, %get3A_101] {strides = array<i32>} : memref<80x128xf32, #tpu.memory_space<vmem>>, vector<16xf32>,
      %mul3A_103 = arith.mulf %get3A_102, %gather3A : vector<16xf32>
      %swap3A_104 = arith.index_cast %mul3A_67 : i32 to index
      %swap3A_105 = arith.constant 32 : index
      %swap3A_106 = tpu.vector_load %arg9[%swap3A_104, %swap3A_105] {strides = array<i32>} : memref<80x128xf32, #tpu.memory_space<vmem>>, vector<16xf32>,
      tpu.vector_store %arg9[%swap3A_104, %swap3A_105], %mul3A_103 {strides = array<i32>} : memref<80x128xf32, #tpu.memory_space<vmem>>, vector<16xf32>,
      %get3A_107 = arith.index_cast %mul3A_67 : i32 to index
      %get3A_108 = arith.constant 48 : index
      %get3A_109 = tpu.vector_load %arg9[%get3A_107, %get3A_108] {strides = array<i32>} : memref<80x128xf32, #tpu.memory_space<vmem>>, vector<16xf32>,
      %mul3A_110 = arith.mulf %get3A_109, %gather3A : vector<16xf32>
      %swap3A_111 = arith.index_cast %mul3A_67 : i32 to index
      %swap3A_112 = arith.constant 48 : index
      %swap3A_113 = tpu.vector_load %arg9[%swap3A_111, %swap3A_112] {strides = array<i32>} : memref<80x128xf32, #tpu.memory_space<vmem>>, vector<16xf32>,
      tpu.vector_store %arg9[%swap3A_111, %swap3A_112], %mul3A_110 {strides = array<i32>} : memref<80x128xf32, #tpu.memory_space<vmem>>, vector<16xf32>,
      %get3A_114 = arith.index_cast %mul3A_67 : i32 to index
      %get3A_115 = arith.constant 64 : index
      %get3A_116 = tpu.vector_load %arg9[%get3A_114, %get3A_115] {strides = array<i32>} : memref<80x128xf32, #tpu.memory_space<vmem>>, vector<16xf32>,
      %mul3A_117 = arith.mulf %get3A_116, %gather3A : vector<16xf32>
      %swap3A_118 = arith.index_cast %mul3A_67 : i32 to index
      %swap3A_119 = arith.constant 64 : index
      %swap3A_120 = tpu.vector_load %arg9[%swap3A_118, %swap3A_119] {strides = array<i32>} : memref<80x128xf32, #tpu.memory_space<vmem>>, vector<16xf32>,
      tpu.vector_store %arg9[%swap3A_118, %swap3A_119], %mul3A_117 {strides = array<i32>} : memref<80x128xf32, #tpu.memory_space<vmem>>, vector<16xf32>,
      %get3A_121 = arith.index_cast %mul3A_67 : i32 to index
      %get3A_122 = arith.constant 80 : index
      %get3A_123 = tpu.vector_load %arg9[%get3A_121, %get3A_122] {strides = array<i32>} : memref<80x128xf32, #tpu.memory_space<vmem>>, vector<16xf32>,
      %mul3A_124 = arith.mulf %get3A_123, %gather3A : vector<16xf32>
      %swap3A_125 = arith.index_cast %mul3A_67 : i32 to index
      %swap3A_126 = arith.constant 80 : index
      %swap3A_127 = tpu.vector_load %arg9[%swap3A_125, %swap3A_126] {strides = array<i32>} : memref<80x128xf32, #tpu.memory_space<vmem>>, vector<16xf32>,
      tpu.vector_store %arg9[%swap3A_125, %swap3A_126], %mul3A_124 {strides = array<i32>} : memref<80x128xf32, #tpu.memory_space<vmem>>, vector<16xf32>,
      %get3A_128 = arith.index_cast %mul3A_67 : i32 to index
      %get3A_129 = arith.constant 96 : index
      %get3A_130 = tpu.vector_load %arg9[%get3A_128, %get3A_129] {strides = array<i32>} : memref<80x128xf32, #tpu.memory_space<vmem>>, vector<16xf32>,
      %mul3A_131 = arith.mulf %get3A_130, %gather3A : vector<16xf32>
      %swap3A_132 = arith.index_cast %mul3A_67 : i32 to index
      %swap3A_133 = arith.constant 96 : index
      %swap3A_134 = tpu.vector_load %arg9[%swap3A_132, %swap3A_133] {strides = array<i32>} : memref<80x128xf32, #tpu.memory_space<vmem>>, vector<16xf32>,
      tpu.vector_store %arg9[%swap3A_132, %swap3A_133], %mul3A_131 {strides = array<i32>} : memref<80x128xf32, #tpu.memory_space<vmem>>, vector<16xf32>,
      %get3A_135 = arith.index_cast %mul3A_67 : i32 to index
      %get3A_136 = arith.constant 112 : index
      %get3A_137 = tpu.vector_load %arg9[%get3A_135, %get3A_136] {strides = array<i32>} : memref<80x128xf32, #tpu.memory_space<vmem>>, vector<16xf32>,
      %mul3A_138 = arith.mulf %get3A_137, %gather3A : vector<16xf32>
      %swap3A_139 = arith.index_cast %mul3A_67 : i32 to index
      %swap3A_140 = arith.constant 112 : index
      %swap3A_141 = tpu.vector_load %arg9[%swap3A_139, %swap3A_140] {strides = array<i32>} : memref<80x128xf32, #tpu.memory_space<vmem>>, vector<16xf32>,
      tpu.vector_store %arg9[%swap3A_139, %swap3A_140], %mul3A_138 {strides = array<i32>} : memref<80x128xf32, #tpu.memory_space<vmem>>, vector<16xf32>,
      %get3A_142 = arith.index_cast %add3A_71 : i32 to index
      %get3A_143 = arith.constant 0 : index
      %get3A_144 = tpu.vector_load %arg9[%get3A_142, %get3A_143] {strides = array<i32>} : memref<80x128xf32, #tpu.memory_space<vmem>>, vector<16xf32>,
      %mul3A_145 = arith.mulf %get3A_144, %gather3A_81 : vector<16xf32>
      %swap3A_146 = arith.index_cast %add3A_71 : i32 to index
      %swap3A_147 = arith.constant 0 : index
      %swap3A_148 = tpu.vector_load %arg9[%swap3A_146, %swap3A_147] {strides = array<i32>} : memref<80x128xf32, #tpu.memory_space<vmem>>, vector<16xf32>,
      tpu.vector_store %arg9[%swap3A_146, %swap3A_147], %mul3A_145 {strides = array<i32>} : memref<80x128xf32, #tpu.memory_space<vmem>>, vector<16xf32>,
      %get3A_149 = arith.index_cast %add3A_71 : i32 to index
      %get3A_150 = arith.constant 16 : index
      %get3A_151 = tpu.vector_load %arg9[%get3A_149, %get3A_150] {strides = array<i32>} : memref<80x128xf32, #tpu.memory_space<vmem>>, vector<16xf32>,
      %mul3A_152 = arith.mulf %get3A_151, %gather3A_81 : vector<16xf32>
      %swap3A_153 = arith.index_cast %add3A_71 : i32 to index
      %swap3A_154 = arith.constant 16 : index
      %swap3A_155 = tpu.vector_load %arg9[%swap3A_153, %swap3A_154] {strides = array<i32>} : memref<80x128xf32, #tpu.memory_space<vmem>>, vector<16xf32>,
      tpu.vector_store %arg9[%swap3A_153, %swap3A_154], %mul3A_152 {strides = array<i32>} : memref<80x128xf32, #tpu.memory_space<vmem>>, vector<16xf32>,
      %get3A_156 = arith.index_cast %add3A_71 : i32 to index
      %get3A_157 = arith.constant 32 : index
      %get3A_158 = tpu.vector_load %arg9[%get3A_156, %get3A_157] {strides = array<i32>} : memref<80x128xf32, #tpu.memory_space<vmem>>, vector<16xf32>,
      %mul3A_159 = arith.mulf %get3A_158, %gather3A_81 : vector<16xf32>
      %swap3A_160 = arith.index_cast %add3A_71 : i32 to index
      %swap3A_161 = arith.constant 32 : index
      %swap3A_162 = tpu.vector_load %arg9[%swap3A_160, %swap3A_161] {strides = array<i32>} : memref<80x128xf32, #tpu.memory_space<vmem>>, vector<16xf32>,
      tpu.vector_store %arg9[%swap3A_160, %swap3A_161], %mul3A_159 {strides = array<i32>} : memref<80x128xf32, #tpu.memory_space<vmem>>, vector<16xf32>,
      %get3A_163 = arith.index_cast %add3A_71 : i32 to index
      %get3A_164 = arith.constant 48 : index
      %get3A_165 = tpu.vector_load %arg9[%get3A_163, %get3A_164] {strides = array<i32>} : memref<80x128xf32, #tpu.memory_space<vmem>>, vector<16xf32>,
      %mul3A_166 = arith.mulf %get3A_165, %gather3A_81 : vector<16xf32>
      %swap3A_167 = arith.index_cast %add3A_71 : i32 to index
      %swap3A_168 = arith.constant 48 : index
      %swap3A_169 = tpu.vector_load %arg9[%swap3A_167, %swap3A_168] {strides = array<i32>} : memref<80x128xf32, #tpu.memory_space<vmem>>, vector<16xf32>,
      tpu.vector_store %arg9[%swap3A_167, %swap3A_168], %mul3A_166 {strides = array<i32>} : memref<80x128xf32, #tpu.memory_space<vmem>>, vector<16xf32>,
      %get3A_170 = arith.index_cast %add3A_71 : i32 to index
      %get3A_171 = arith.constant 64 : index
      %get3A_172 = tpu.vector_load %arg9[%get3A_170, %get3A_171] {strides = array<i32>} : memref<80x128xf32, #tpu.memory_space<vmem>>, vector<16xf32>,
      %mul3A_173 = arith.mulf %get3A_172, %gather3A_81 : vector<16xf32>
      %swap3A_174 = arith.index_cast %add3A_71 : i32 to index
      %swap3A_175 = arith.constant 64 : index
      %swap3A_176 = tpu.vector_load %arg9[%swap3A_174, %swap3A_175] {strides = array<i32>} : memref<80x128xf32, #tpu.memory_space<vmem>>, vector<16xf32>,
      tpu.vector_store %arg9[%swap3A_174, %swap3A_175], %mul3A_173 {strides = array<i32>} : memref<80x128xf32, #tpu.memory_space<vmem>>, vector<16xf32>,
      %get3A_177 = arith.index_cast %add3A_71 : i32 to index
      %get3A_178 = arith.constant 80 : index
      %get3A_179 = tpu.vector_load %arg9[%get3A_177, %get3A_178] {strides = array<i32>} : memref<80x128xf32, #tpu.memory_space<vmem>>, vector<16xf32>,
      %mul3A_180 = arith.mulf %get3A_179, %gather3A_81 : vector<16xf32>
      %swap3A_181 = arith.index_cast %add3A_71 : i32 to index
      %swap3A_182 = arith.constant 80 : index
      %swap3A_183 = tpu.vector_load %arg9[%swap3A_181, %swap3A_182] {strides = array<i32>} : memref<80x128xf32, #tpu.memory_space<vmem>>, vector<16xf32>,
      tpu.vector_store %arg9[%swap3A_181, %swap3A_182], %mul3A_180 {strides = array<i32>} : memref<80x128xf32, #tpu.memory_space<vmem>>, vector<16xf32>,
      %get3A_184 = arith.index_cast %add3A_71 : i32 to index
      %get3A_185 = arith.constant 96 : index
      %get3A_186 = tpu.vector_load %arg9[%get3A_184, %get3A_185] {strides = array<i32>} : memref<80x128xf32, #tpu.memory_space<vmem>>, vector<16xf32>,
      %mul3A_187 = arith.mulf %get3A_186, %gather3A_81 : vector<16xf32>
      %swap3A_188 = arith.index_cast %add3A_71 : i32 to index
      %swap3A_189 = arith.constant 96 : index
      %swap3A_190 = tpu.vector_load %arg9[%swap3A_188, %swap3A_189] {strides = array<i32>} : memref<80x128xf32, #tpu.memory_space<vmem>>, vector<16xf32>,
      tpu.vector_store %arg9[%swap3A_188, %swap3A_189], %mul3A_187 {strides = array<i32>} : memref<80x128xf32, #tpu.memory_space<vmem>>, vector<16xf32>,
      %get3A_191 = arith.index_cast %add3A_71 : i32 to index
      %get3A_192 = arith.constant 112 : index
      %get3A_193 = tpu.vector_load %arg9[%get3A_191, %get3A_192] {strides = array<i32>} : memref<80x128xf32, #tpu.memory_space<vmem>>, vector<16xf32>,
      %mul3A_194 = arith.mulf %get3A_193, %gather3A_81 : vector<16xf32>
      %swap3A_195 = arith.index_cast %add3A_71 : i32 to index
      %swap3A_196 = arith.constant 112 : index
      %swap3A_197 = tpu.vector_load %arg9[%swap3A_195, %swap3A_196] {strides = array<i32>} : memref<80x128xf32, #tpu.memory_space<vmem>>, vector<16xf32>,
      tpu.vector_store %arg9[%swap3A_195, %swap3A_196], %mul3A_194 {strides = array<i32>} : memref<80x128xf32, #tpu.memory_space<vmem>>, vector<16xf32>,
      %get3A_198 = arith.index_cast %add3A_75 : i32 to index
      %get3A_199 = arith.constant 0 : index
      %get3A_200 = tpu.vector_load %arg9[%get3A_198, %get3A_199] {strides = array<i32>} : memref<80x128xf32, #tpu.memory_space<vmem>>, vector<16xf32>,
      %mul3A_201 = arith.mulf %get3A_200, %gather3A_83 : vector<16xf32>
      %swap3A_202 = arith.index_cast %add3A_75 : i32 to index
      %swap3A_203 = arith.constant 0 : index
      %swap3A_204 = tpu.vector_load %arg9[%swap3A_202, %swap3A_203] {strides = array<i32>} : memref<80x128xf32, #tpu.memory_space<vmem>>, vector<16xf32>,
      tpu.vector_store %arg9[%swap3A_202, %swap3A_203], %mul3A_201 {strides = array<i32>} : memref<80x128xf32, #tpu.memory_space<vmem>>, vector<16xf32>,
      %get3A_205 = arith.index_cast %add3A_75 : i32 to index
      %get3A_206 = arith.constant 16 : index
      %get3A_207 = tpu.vector_load %arg9[%get3A_205, %get3A_206] {strides = array<i32>} : memref<80x128xf32, #tpu.memory_space<vmem>>, vector<16xf32>,
      %mul3A_208 = arith.mulf %get3A_207, %gather3A_83 : vector<16xf32>
      %swap3A_209 = arith.index_cast %add3A_75 : i32 to index
      %swap3A_210 = arith.constant 16 : index
      %swap3A_211 = tpu.vector_load %arg9[%swap3A_209, %swap3A_210] {strides = array<i32>} : memref<80x128xf32, #tpu.memory_space<vmem>>, vector<16xf32>,
      tpu.vector_store %arg9[%swap3A_209, %swap3A_210], %mul3A_208 {strides = array<i32>} : memref<80x128xf32, #tpu.memory_space<vmem>>, vector<16xf32>,
      %get3A_212 = arith.index_cast %add3A_75 : i32 to index
      %get3A_213 = arith.constant 32 : index
      %get3A_214 = tpu.vector_load %arg9[%get3A_212, %get3A_213] {strides = array<i32>} : memref<80x128xf32, #tpu.memory_space<vmem>>, vector<16xf32>,
      %mul3A_215 = arith.mulf %get3A_214, %gather3A_83 : vector<16xf32>
      %swap3A_216 = arith.index_cast %add3A_75 : i32 to index
      %swap3A_217 = arith.constant 32 : index
      %swap3A_218 = tpu.vector_load %arg9[%swap3A_216, %swap3A_217] {strides = array<i32>} : memref<80x128xf32, #tpu.memory_space<vmem>>, vector<16xf32>,
      tpu.vector_store %arg9[%swap3A_216, %swap3A_217], %mul3A_215 {strides = array<i32>} : memref<80x128xf32, #tpu.memory_space<vmem>>, vector<16xf32>,
      %get3A_219 = arith.index_cast %add3A_75 : i32 to index
      %get3A_220 = arith.constant 48 : index
      %get3A_221 = tpu.vector_load %arg9[%get3A_219, %get3A_220] {strides = array<i32>} : memref<80x128xf32, #tpu.memory_space<vmem>>, vector<16xf32>,
      %mul3A_222 = arith.mulf %get3A_221, %gather3A_83 : vector<16xf32>
      %swap3A_223 = arith.index_cast %add3A_75 : i32 to index
      %swap3A_224 = arith.constant 48 : index
      %swap3A_225 = tpu.vector_load %arg9[%swap3A_223, %swap3A_224] {strides = array<i32>} : memref<80x128xf32, #tpu.memory_space<vmem>>, vector<16xf32>,
      tpu.vector_store %arg9[%swap3A_223, %swap3A_224], %mul3A_222 {strides = array<i32>} : memref<80x128xf32, #tpu.memory_space<vmem>>, vector<16xf32>,
      %get3A_226 = arith.index_cast %add3A_75 : i32 to index
      %get3A_227 = arith.constant 64 : index
      %get3A_228 = tpu.vector_load %arg9[%get3A_226, %get3A_227] {strides = array<i32>} : memref<80x128xf32, #tpu.memory_space<vmem>>, vector<16xf32>,
      %mul3A_229 = arith.mulf %get3A_228, %gather3A_83 : vector<16xf32>
      %swap3A_230 = arith.index_cast %add3A_75 : i32 to index
      %swap3A_231 = arith.constant 64 : index
      %swap3A_232 = tpu.vector_load %arg9[%swap3A_230, %swap3A_231] {strides = array<i32>} : memref<80x128xf32, #tpu.memory_space<vmem>>, vector<16xf32>,
      tpu.vector_store %arg9[%swap3A_230, %swap3A_231], %mul3A_229 {strides = array<i32>} : memref<80x128xf32, #tpu.memory_space<vmem>>, vector<16xf32>,
      %get3A_233 = arith.index_cast %add3A_75 : i32 to index
      %get3A_234 = arith.constant 80 : index
      %get3A_235 = tpu.vector_load %arg9[%get3A_233, %get3A_234] {strides = array<i32>} : memref<80x128xf32, #tpu.memory_space<vmem>>, vector<16xf32>,
      %mul3A_236 = arith.mulf %get3A_235, %gather3A_83 : vector<16xf32>
      %swap3A_237 = arith.index_cast %add3A_75 : i32 to index
      %swap3A_238 = arith.constant 80 : index
      %swap3A_239 = tpu.vector_load %arg9[%swap3A_237, %swap3A_238] {strides = array<i32>} : memref<80x128xf32, #tpu.memory_space<vmem>>, vector<16xf32>,
      tpu.vector_store %arg9[%swap3A_237, %swap3A_238], %mul3A_236 {strides = array<i32>} : memref<80x128xf32, #tpu.memory_space<vmem>>, vector<16xf32>,
      %get3A_240 = arith.index_cast %add3A_75 : i32 to index
      %get3A_241 = arith.constant 96 : index
      %get3A_242 = tpu.vector_load %arg9[%get3A_240, %get3A_241] {strides = array<i32>} : memref<80x128xf32, #tpu.memory_space<vmem>>, vector<16xf32>,
      %mul3A_243 = arith.mulf %get3A_242, %gather3A_83 : vector<16xf32>
      %swap3A_244 = arith.index_cast %add3A_75 : i32 to index
      %swap3A_245 = arith.constant 96 : index
      %swap3A_246 = tpu.vector_load %arg9[%swap3A_244, %swap3A_245] {strides = array<i32>} : memref<80x128xf32, #tpu.memory_space<vmem>>, vector<16xf32>,
      tpu.vector_store %arg9[%swap3A_244, %swap3A_245], %mul3A_243 {strides = array<i32>} : memref<80x128xf32, #tpu.memory_space<vmem>>, vector<16xf32>,
      %get3A_247 = arith.index_cast %add3A_75 : i32 to index
      %get3A_248 = arith.constant 112 : index
      %get3A_249 = tpu.vector_load %arg9[%get3A_247, %get3A_248] {strides = array<i32>} : memref<80x128xf32, #tpu.memory_space<vmem>>, vector<16xf32>,
      %mul3A_250 = arith.mulf %get3A_249, %gather3A_83 : vector<16xf32>
      %swap3A_251 = arith.index_cast %add3A_75 : i32 to index
      %swap3A_252 = arith.constant 112 : index
      %swap3A_253 = tpu.vector_load %arg9[%swap3A_251, %swap3A_252] {strides = array<i32>} : memref<80x128xf32, #tpu.memory_space<vmem>>, vector<16xf32>,
      tpu.vector_store %arg9[%swap3A_251, %swap3A_252], %mul3A_250 {strides = array<i32>} : memref<80x128xf32, #tpu.memory_space<vmem>>, vector<16xf32>,
      %get3A_254 = arith.index_cast %add3A_79 : i32 to index
      %get3A_255 = arith.constant 0 : index
      %get3A_256 = tpu.vector_load %arg9[%get3A_254, %get3A_255] {strides = array<i32>} : memref<80x128xf32, #tpu.memory_space<vmem>>, vector<16xf32>,
      %mul3A_257 = arith.mulf %get3A_256, %gather3A_85 : vector<16xf32>
      %swap3A_258 = arith.index_cast %add3A_79 : i32 to index
      %swap3A_259 = arith.constant 0 : index
      %swap3A_260 = tpu.vector_load %arg9[%swap3A_258, %swap3A_259] {strides = array<i32>} : memref<80x128xf32, #tpu.memory_space<vmem>>, vector<16xf32>,
      tpu.vector_store %arg9[%swap3A_258, %swap3A_259], %mul3A_257 {strides = array<i32>} : memref<80x128xf32, #tpu.memory_space<vmem>>, vector<16xf32>,
      %get3A_261 = arith.index_cast %add3A_79 : i32 to index
      %get3A_262 = arith.constant 16 : index
      %get3A_263 = tpu.vector_load %arg9[%get3A_261, %get3A_262] {strides = array<i32>} : memref<80x128xf32, #tpu.memory_space<vmem>>, vector<16xf32>,
      %mul3A_264 = arith.mulf %get3A_263, %gather3A_85 : vector<16xf32>
      %swap3A_265 = arith.index_cast %add3A_79 : i32 to index
      %swap3A_266 = arith.constant 16 : index
      %swap3A_267 = tpu.vector_load %arg9[%swap3A_265, %swap3A_266] {strides = array<i32>} : memref<80x128xf32, #tpu.memory_space<vmem>>, vector<16xf32>,
      tpu.vector_store %arg9[%swap3A_265, %swap3A_266], %mul3A_264 {strides = array<i32>} : memref<80x128xf32, #tpu.memory_space<vmem>>, vector<16xf32>,
      %get3A_268 = arith.index_cast %add3A_79 : i32 to index
      %get3A_269 = arith.constant 32 : index
      %get3A_270 = tpu.vector_load %arg9[%get3A_268, %get3A_269] {strides = array<i32>} : memref<80x128xf32, #tpu.memory_space<vmem>>, vector<16xf32>,
      %mul3A_271 = arith.mulf %get3A_270, %gather3A_85 : vector<16xf32>
      %swap3A_272 = arith.index_cast %add3A_79 : i32 to index
      %swap3A_273 = arith.constant 32 : index
      %swap3A_274 = tpu.vector_load %arg9[%swap3A_272, %swap3A_273] {strides = array<i32>} : memref<80x128xf32, #tpu.memory_space<vmem>>, vector<16xf32>,
      tpu.vector_store %arg9[%swap3A_272, %swap3A_273], %mul3A_271 {strides = array<i32>} : memref<80x128xf32, #tpu.memory_space<vmem>>, vector<16xf32>,
      %get3A_275 = arith.index_cast %add3A_79 : i32 to index
      %get3A_276 = arith.constant 48 : index
      %get3A_277 = tpu.vector_load %arg9[%get3A_275, %get3A_276] {strides = array<i32>} : memref<80x128xf32, #tpu.memory_space<vmem>>, vector<16xf32>,
      %mul3A_278 = arith.mulf %get3A_277, %gather3A_85 : vector<16xf32>
      %swap3A_279 = arith.index_cast %add3A_79 : i32 to index
      %swap3A_280 = arith.constant 48 : index
      %swap3A_281 = tpu.vector_load %arg9[%swap3A_279, %swap3A_280] {strides = array<i32>} : memref<80x128xf32, #tpu.memory_space<vmem>>, vector<16xf32>,
      tpu.vector_store %arg9[%swap3A_279, %swap3A_280], %mul3A_278 {strides = array<i32>} : memref<80x128xf32, #tpu.memory_space<vmem>>, vector<16xf32>,
      %get3A_282 = arith.index_cast %add3A_79 : i32 to index
      %get3A_283 = arith.constant 64 : index
      %get3A_284 = tpu.vector_load %arg9[%get3A_282, %get3A_283] {strides = array<i32>} : memref<80x128xf32, #tpu.memory_space<vmem>>, vector<16xf32>,
      %mul3A_285 = arith.mulf %get3A_284, %gather3A_85 : vector<16xf32>
      %swap3A_286 = arith.index_cast %add3A_79 : i32 to index
      %swap3A_287 = arith.constant 64 : index
      %swap3A_288 = tpu.vector_load %arg9[%swap3A_286, %swap3A_287] {strides = array<i32>} : memref<80x128xf32, #tpu.memory_space<vmem>>, vector<16xf32>,
      tpu.vector_store %arg9[%swap3A_286, %swap3A_287], %mul3A_285 {strides = array<i32>} : memref<80x128xf32, #tpu.memory_space<vmem>>, vector<16xf32>,
      %get3A_289 = arith.index_cast %add3A_79 : i32 to index
      %get3A_290 = arith.constant 80 : index
      %get3A_291 = tpu.vector_load %arg9[%get3A_289, %get3A_290] {strides = array<i32>} : memref<80x128xf32, #tpu.memory_space<vmem>>, vector<16xf32>,
      %mul3A_292 = arith.mulf %get3A_291, %gather3A_85 : vector<16xf32>
      %swap3A_293 = arith.index_cast %add3A_79 : i32 to index
      %swap3A_294 = arith.constant 80 : index
      %swap3A_295 = tpu.vector_load %arg9[%swap3A_293, %swap3A_294] {strides = array<i32>} : memref<80x128xf32, #tpu.memory_space<vmem>>, vector<16xf32>,
      tpu.vector_store %arg9[%swap3A_293, %swap3A_294], %mul3A_292 {strides = array<i32>} : memref<80x128xf32, #tpu.memory_space<vmem>>, vector<16xf32>,
      %get3A_296 = arith.index_cast %add3A_79 : i32 to index
      %get3A_297 = arith.constant 96 : index
      %get3A_298 = tpu.vector_load %arg9[%get3A_296, %get3A_297] {strides = array<i32>} : memref<80x128xf32, #tpu.memory_space<vmem>>, vector<16xf32>,
      %mul3A_299 = arith.mulf %get3A_298, %gather3A_85 : vector<16xf32>
      %swap3A_300 = arith.index_cast %add3A_79 : i32 to index
      %swap3A_301 = arith.constant 96 : index
      %swap3A_302 = tpu.vector_load %arg9[%swap3A_300, %swap3A_301] {strides = array<i32>} : memref<80x128xf32, #tpu.memory_space<vmem>>, vector<16xf32>,
      tpu.vector_store %arg9[%swap3A_300, %swap3A_301], %mul3A_299 {strides = array<i32>} : memref<80x128xf32, #tpu.memory_space<vmem>>, vector<16xf32>,
      %get3A_303 = arith.index_cast %add3A_79 : i32 to index
      %get3A_304 = arith.constant 112 : index
      %get3A_305 = tpu.vector_load %arg9[%get3A_303, %get3A_304] {strides = array<i32>} : memref<80x128xf32, #tpu.memory_space<vmem>>, vector<16xf32>,
      %mul3A_306 = arith.mulf %get3A_305, %gather3A_85 : vector<16xf32>
      %swap3A_307 = arith.index_cast %add3A_79 : i32 to index
      %swap3A_308 = arith.constant 112 : index
      %swap3A_309 = tpu.vector_load %arg9[%swap3A_307, %swap3A_308] {strides = array<i32>} : memref<80x128xf32, #tpu.memory_space<vmem>>, vector<16xf32>,
      tpu.vector_store %arg9[%swap3A_307, %swap3A_308], %mul3A_306 {strides = array<i32>} : memref<80x128xf32, #tpu.memory_space<vmem>>, vector<16xf32>,
    }
    %scan3A_57 = arith.constant 20 : i32
    "tpu.region"() ({
      %run_scoped3A = tpu.sem_alloc : memref<!tpu.dma_semaphore, #tpu.memory_space<semaphore_mem>>
      %dma_start3A_65 = arith.constant 0 : i32
      %dma_start3A_66 = arith.constant 0 : i32
      %dma_start3A_67 = tpu.memref_slice %arg8[%dma_start3A_65, %dma_start3A_66] : memref<10112x128xf32, #tpu.memory_space<vmem_shared>> -> memref<10112x128xf32, #tpu.memory_space<vmem_shared>>
      tpu.enqueue_indirect_dma source(%arg9 : memref<80x128xf32, #tpu.memory_space<vmem>>) target(%dma_start3A_67 : memref<10112x128xf32, #tpu.memory_space<vmem_shared>>) offsets(%arg15 : memref<80xi32, #tpu.memory_space<vmem>>) semaphore(%run_scoped3A : memref<!tpu.dma_semaphore, #tpu.memory_space<semaphore_mem>>) {add = true}
      %dma_wait3A_68 = arith.constant 0 : i32
      %dma_wait3A_69 = arith.constant 0 : i32
      %dma_wait3A_70 = tpu.memref_slice %arg8[%dma_wait3A_68, %dma_wait3A_69] : memref<10112x128xf32, #tpu.memory_space<vmem_shared>> -> memref<10112x128xf32, #tpu.memory_space<vmem_shared>>
      tpu.wait_indirect_dma semaphore(%run_scoped3A : memref<!tpu.dma_semaphore, #tpu.memory_space<semaphore_mem>>) src(%arg9 : memref<80x128xf32, #tpu.memory_space<vmem>>) dst(%dma_wait3A_70 : memref<10112x128xf32, #tpu.memory_space<vmem_shared>>)
      tpu.yield
    }) : () -> ()
    %barrier3A_58 = arith.constant 0 : index
    tpu.barrier barrier_id(%barrier3A_58)
    %mul3A_59 = arith.constant 10112 : i32
    %mul3A_60 = arith.muli %arg0, %mul3A_59 : i32
    %mul3A_61 = arith.constant 632 : i32
    %mul3A_62 = arith.muli %arg1, %mul3A_61 : i32
    %add3A_63 = arith.addi %mul3A_60, %mul3A_62 : i32
    %multiple_of3A_64 = tpu.assume_multiple %add3A_63, 8 : i32
    "tpu.region"() ({
      %run_scoped3A = tpu.sem_alloc : memref<!tpu.dma_semaphore, #tpu.memory_space<semaphore_mem>>
      %dma_start3A_65 = arith.constant 0 : i32
      %dma_start3A_66 = tpu.memref_slice %arg7[%multiple_of3A_64, %dma_start3A_65] : memref<20224x128xf32, #tpu.memory_space<hbm>> -> memref<632x128xf32, #tpu.memory_space<hbm>>
      %dma_start3A_67 = arith.constant 0 : i32
      %dma_start3A_68 = tpu.memref_slice %arg8[%multiple_of3A, %dma_start3A_67] : memref<10112x128xf32, #tpu.memory_space<vmem_shared>> -> memref<632x128xf32, #tpu.memory_space<vmem_shared>>
      tpu.enqueue_dma source(%dma_start3A_68 : memref<632x128xf32, #tpu.memory_space<vmem_shared>>) target(%dma_start3A_66 : memref<632x128xf32, #tpu.memory_space<hbm>>) target_semaphore(%run_scoped3A : memref<!tpu.dma_semaphore, #tpu.memory_space<semaphore_mem>>)
      %dma_wait3A_69 = arith.constant 0 : i32
      %dma_wait3A_70 = tpu.memref_slice %arg7[%multiple_of3A_64, %dma_wait3A_69] : memref<20224x128xf32, #tpu.memory_space<hbm>> -> memref<632x128xf32, #tpu.memory_space<hbm>>
      %dma_wait3A_71 = arith.constant 0 : i32
      %dma_wait3A_72 = tpu.memref_slice %arg8[%multiple_of3A, %dma_wait3A_71] : memref<10112x128xf32, #tpu.memory_space<vmem_shared>> -> memref<632x128xf32, #tpu.memory_space<vmem_shared>>
      tpu.wait_dma2 semaphore(%run_scoped3A : memref<!tpu.dma_semaphore, #tpu.memory_space<semaphore_mem>>) src(%dma_wait3A_72 : memref<632x128xf32, #tpu.memory_space<vmem_shared>>) dst(%dma_wait3A_70 : memref<632x128xf32, #tpu.memory_space<hbm>>)
      tpu.yield
    }) : () -> ()
    return
  }
}

module attributes {stable_mosaic.version = 14 : i64} {
  func.func @_binarize_body(%arg0: i32, %arg1: memref<1000x256xf32, #tpu.memory_space<vmem>>, %arg2: memref<1000x256xf32, #tpu.memory_space<vmem>>, %arg3: memref<1000x256xf32, #tpu.memory_space<vmem>>, %arg4: memref<1000x256xf32, #tpu.memory_space<vmem>>, %arg5: memref<1000x4x256xf32, #tpu.memory_space<vmem>>) attributes {dimension_semantics = [#tpu.dimension_semantics<arbitrary>], iteration_bounds = array<i64: 10>, scalar_prefetch = 0 : i64, scratch_operands = 0 : i64, tpu.core_type = #tpu.core_type<tc>, window_params = [{transform_indices = @transform_0, window_bounds = array<i64: 1000, 256>}, {transform_indices = @transform_1, window_bounds = array<i64: 1000, 256>}, {transform_indices = @transform_2, window_bounds = array<i64: 1000, 256>}, {transform_indices = @transform_3, window_bounds = array<i64: 1000, 256>}, {transform_indices = @transform_4, window_bounds = array<i64: 1000, 4, 256>}]} {
    %get3A = arith.constant 0 : index
    %get3A_0 = arith.constant 0 : index
    %get3A_1 = vector.load %arg1[%get3A, %get3A_0] : memref<1000x256xf32, #tpu.memory_space<vmem>>, vector<1000x256xf32>
    %abs3A = math.absf %get3A_1 : vector<1000x256xf32>
    %reduce_sum3A = arith.constant dense<0.000000e+00> : vector<1000xf32>
    %reduce_sum3A_2 = vector.multi_reduction <add>, %abs3A, %reduce_sum3A [1] : vector<1000x256xf32> to vector<1000xf32>
    %broadcast_in_dim3A = vector.shape_cast %reduce_sum3A_2 : vector<1000xf32> to vector<1000x1xf32>
    %div3A = arith.constant 2.560000e+02 : f32
    %div3A_3 = vector.broadcast %div3A : f32 to vector<1000x1xf32>
    %div3A_4 = arith.divf %broadcast_in_dim3A, %div3A_3 : vector<1000x1xf32>
    %sign3A = tpu.bitcast %get3A_1 : vector<1000x256xf32> -> vector<1000x256xi32>
    %sign3A_5 = arith.constant -2147483648 : i32
    %sign3A_6 = vector.broadcast %sign3A_5 : i32 to vector<1000x256xi32>
    %sign3A_7 = arith.andi %sign3A, %sign3A_6 : vector<1000x256xi32>
    %sign3A_8 = arith.constant 1065353216 : i32
    %sign3A_9 = vector.broadcast %sign3A_8 : i32 to vector<1000x256xi32>
    %sign3A_10 = arith.ori %sign3A_9, %sign3A_7 : vector<1000x256xi32>
    %sign3A_11 = tpu.bitcast %sign3A_10 : vector<1000x256xi32> -> vector<1000x256xf32>
    %sign3A_12 = math.absf %get3A_1 : vector<1000x256xf32>
    %sign3A_13 = arith.constant 0.000000e+00 : f32
    %sign3A_14 = vector.broadcast %sign3A_13 : f32 to vector<1000x256xf32>
    %sign3A_15 = arith.cmpf ogt, %sign3A_12, %sign3A_14 : vector<1000x256xf32>
    %sign3A_16 = arith.select %sign3A_15, %sign3A_11, %get3A_1 : vector<1000x256xi1>, vector<1000x256xf32>
    %mul3A = arith.constant 2.500000e-01 : f32
    %mul3A_17 = vector.broadcast %mul3A : f32 to vector<1000x1xf32>
    %mul3A_18 = arith.mulf %div3A_4, %mul3A_17 : vector<1000x1xf32>
    %mul3A_19 = vector.broadcast %mul3A_18 : vector<1000x1xf32> to vector<1000x256xf32>
    %mul3A_20 = arith.mulf %sign3A_16, %mul3A_19 : vector<1000x256xf32>
    %swap3A = arith.constant 0 : index
    %swap3A_21 = arith.constant 0 : index
    %swap3A_22 = arith.constant 0 : index
    %swap3A_23 = vector.load %arg5[%swap3A, %swap3A_21, %swap3A_22] : memref<1000x4x256xf32, #tpu.memory_space<vmem>>, vector<1000x1x256xf32>
    %swap3A_24 = vector.shape_cast %swap3A_23 : vector<1000x1x256xf32> to vector<1000x256xf32>
    %swap3A_25 = vector.shape_cast %mul3A_20 : vector<1000x256xf32> to vector<1000x1x256xf32>
    tpu.vector_store %arg5[%swap3A, %swap3A_21, %swap3A_22], %swap3A_25 {strides = array<i32>} : memref<1000x4x256xf32, #tpu.memory_space<vmem>>, vector<1000x1x256xf32>,
    %get3A_26 = arith.constant 0 : index
    %get3A_27 = arith.constant 0 : index
    %get3A_28 = vector.load %arg2[%get3A_26, %get3A_27] : memref<1000x256xf32, #tpu.memory_space<vmem>>, vector<1000x256xf32>
    %abs3A_29 = math.absf %get3A_28 : vector<1000x256xf32>
    %reduce_sum3A_30 = arith.constant dense<0.000000e+00> : vector<1000xf32>
    %reduce_sum3A_31 = vector.multi_reduction <add>, %abs3A_29, %reduce_sum3A_30 [1] : vector<1000x256xf32> to vector<1000xf32>
    %broadcast_in_dim3A_32 = vector.shape_cast %reduce_sum3A_31 : vector<1000xf32> to vector<1000x1xf32>
    %div3A_33 = arith.constant 2.560000e+02 : f32
    %div3A_34 = vector.broadcast %div3A_33 : f32 to vector<1000x1xf32>
    %div3A_35 = arith.divf %broadcast_in_dim3A_32, %div3A_34 : vector<1000x1xf32>
    %sign3A_36 = tpu.bitcast %get3A_28 : vector<1000x256xf32> -> vector<1000x256xi32>
    %sign3A_37 = arith.constant -2147483648 : i32
    %sign3A_38 = vector.broadcast %sign3A_37 : i32 to vector<1000x256xi32>
    %sign3A_39 = arith.andi %sign3A_36, %sign3A_38 : vector<1000x256xi32>
    %sign3A_40 = arith.constant 1065353216 : i32
    %sign3A_41 = vector.broadcast %sign3A_40 : i32 to vector<1000x256xi32>
    %sign3A_42 = arith.ori %sign3A_41, %sign3A_39 : vector<1000x256xi32>
    %sign3A_43 = tpu.bitcast %sign3A_42 : vector<1000x256xi32> -> vector<1000x256xf32>
    %sign3A_44 = math.absf %get3A_28 : vector<1000x256xf32>
    %sign3A_45 = arith.constant 0.000000e+00 : f32
    %sign3A_46 = vector.broadcast %sign3A_45 : f32 to vector<1000x256xf32>
    %sign3A_47 = arith.cmpf ogt, %sign3A_44, %sign3A_46 : vector<1000x256xf32>
    %sign3A_48 = arith.select %sign3A_47, %sign3A_43, %get3A_28 : vector<1000x256xi1>, vector<1000x256xf32>
    %mul3A_49 = arith.constant 5.000000e-01 : f32
    %mul3A_50 = vector.broadcast %mul3A_49 : f32 to vector<1000x1xf32>
    %mul3A_51 = arith.mulf %div3A_35, %mul3A_50 : vector<1000x1xf32>
    %mul3A_52 = vector.broadcast %mul3A_51 : vector<1000x1xf32> to vector<1000x256xf32>
    %mul3A_53 = arith.mulf %sign3A_48, %mul3A_52 : vector<1000x256xf32>
    %swap3A_54 = arith.constant 0 : index
    %swap3A_55 = arith.constant 1 : index
    %swap3A_56 = arith.constant 0 : index
    %swap3A_57 = vector.load %arg5[%swap3A_54, %swap3A_55, %swap3A_56] : memref<1000x4x256xf32, #tpu.memory_space<vmem>>, vector<1000x1x256xf32>
    %swap3A_58 = vector.shape_cast %swap3A_57 : vector<1000x1x256xf32> to vector<1000x256xf32>
    %swap3A_59 = vector.shape_cast %mul3A_53 : vector<1000x256xf32> to vector<1000x1x256xf32>
    tpu.vector_store %arg5[%swap3A_54, %swap3A_55, %swap3A_56], %swap3A_59 {strides = array<i32>} : memref<1000x4x256xf32, #tpu.memory_space<vmem>>, vector<1000x1x256xf32>,
    %get3A_60 = arith.constant 0 : index
    %get3A_61 = arith.constant 0 : index
    %get3A_62 = vector.load %arg3[%get3A_60, %get3A_61] : memref<1000x256xf32, #tpu.memory_space<vmem>>, vector<1000x256xf32>
    %abs3A_63 = math.absf %get3A_62 : vector<1000x256xf32>
    %reduce_sum3A_64 = arith.constant dense<0.000000e+00> : vector<1000xf32>
    %reduce_sum3A_65 = vector.multi_reduction <add>, %abs3A_63, %reduce_sum3A_64 [1] : vector<1000x256xf32> to vector<1000xf32>
    %broadcast_in_dim3A_66 = vector.shape_cast %reduce_sum3A_65 : vector<1000xf32> to vector<1000x1xf32>
    %div3A_67 = arith.constant 2.560000e+02 : f32
    %div3A_68 = vector.broadcast %div3A_67 : f32 to vector<1000x1xf32>
    %div3A_69 = arith.divf %broadcast_in_dim3A_66, %div3A_68 : vector<1000x1xf32>
    %sign3A_70 = tpu.bitcast %get3A_62 : vector<1000x256xf32> -> vector<1000x256xi32>
    %sign3A_71 = arith.constant -2147483648 : i32
    %sign3A_72 = vector.broadcast %sign3A_71 : i32 to vector<1000x256xi32>
    %sign3A_73 = arith.andi %sign3A_70, %sign3A_72 : vector<1000x256xi32>
    %sign3A_74 = arith.constant 1065353216 : i32
    %sign3A_75 = vector.broadcast %sign3A_74 : i32 to vector<1000x256xi32>
    %sign3A_76 = arith.ori %sign3A_75, %sign3A_73 : vector<1000x256xi32>
    %sign3A_77 = tpu.bitcast %sign3A_76 : vector<1000x256xi32> -> vector<1000x256xf32>
    %sign3A_78 = math.absf %get3A_62 : vector<1000x256xf32>
    %sign3A_79 = arith.constant 0.000000e+00 : f32
    %sign3A_80 = vector.broadcast %sign3A_79 : f32 to vector<1000x256xf32>
    %sign3A_81 = arith.cmpf ogt, %sign3A_78, %sign3A_80 : vector<1000x256xf32>
    %sign3A_82 = arith.select %sign3A_81, %sign3A_77, %get3A_62 : vector<1000x256xi1>, vector<1000x256xf32>
    %mul3A_83 = arith.constant 7.500000e-01 : f32
    %mul3A_84 = vector.broadcast %mul3A_83 : f32 to vector<1000x1xf32>
    %mul3A_85 = arith.mulf %div3A_69, %mul3A_84 : vector<1000x1xf32>
    %mul3A_86 = vector.broadcast %mul3A_85 : vector<1000x1xf32> to vector<1000x256xf32>
    %mul3A_87 = arith.mulf %sign3A_82, %mul3A_86 : vector<1000x256xf32>
    %swap3A_88 = arith.constant 0 : index
    %swap3A_89 = arith.constant 2 : index
    %swap3A_90 = arith.constant 0 : index
    %swap3A_91 = vector.load %arg5[%swap3A_88, %swap3A_89, %swap3A_90] : memref<1000x4x256xf32, #tpu.memory_space<vmem>>, vector<1000x1x256xf32>
    %swap3A_92 = vector.shape_cast %swap3A_91 : vector<1000x1x256xf32> to vector<1000x256xf32>
    %swap3A_93 = vector.shape_cast %mul3A_87 : vector<1000x256xf32> to vector<1000x1x256xf32>
    tpu.vector_store %arg5[%swap3A_88, %swap3A_89, %swap3A_90], %swap3A_93 {strides = array<i32>} : memref<1000x4x256xf32, #tpu.memory_space<vmem>>, vector<1000x1x256xf32>,
    %get3A_94 = arith.constant 0 : index
    %get3A_95 = arith.constant 0 : index
    %get3A_96 = vector.load %arg4[%get3A_94, %get3A_95] : memref<1000x256xf32, #tpu.memory_space<vmem>>, vector<1000x256xf32>
    %abs3A_97 = math.absf %get3A_96 : vector<1000x256xf32>
    %reduce_sum3A_98 = arith.constant dense<0.000000e+00> : vector<1000xf32>
    %reduce_sum3A_99 = vector.multi_reduction <add>, %abs3A_97, %reduce_sum3A_98 [1] : vector<1000x256xf32> to vector<1000xf32>
    %broadcast_in_dim3A_100 = vector.shape_cast %reduce_sum3A_99 : vector<1000xf32> to vector<1000x1xf32>
    %div3A_101 = arith.constant 2.560000e+02 : f32
    %div3A_102 = vector.broadcast %div3A_101 : f32 to vector<1000x1xf32>
    %div3A_103 = arith.divf %broadcast_in_dim3A_100, %div3A_102 : vector<1000x1xf32>
    %sign3A_104 = tpu.bitcast %get3A_96 : vector<1000x256xf32> -> vector<1000x256xi32>
    %sign3A_105 = arith.constant -2147483648 : i32
    %sign3A_106 = vector.broadcast %sign3A_105 : i32 to vector<1000x256xi32>
    %sign3A_107 = arith.andi %sign3A_104, %sign3A_106 : vector<1000x256xi32>
    %sign3A_108 = arith.constant 1065353216 : i32
    %sign3A_109 = vector.broadcast %sign3A_108 : i32 to vector<1000x256xi32>
    %sign3A_110 = arith.ori %sign3A_109, %sign3A_107 : vector<1000x256xi32>
    %sign3A_111 = tpu.bitcast %sign3A_110 : vector<1000x256xi32> -> vector<1000x256xf32>
    %sign3A_112 = math.absf %get3A_96 : vector<1000x256xf32>
    %sign3A_113 = arith.constant 0.000000e+00 : f32
    %sign3A_114 = vector.broadcast %sign3A_113 : f32 to vector<1000x256xf32>
    %sign3A_115 = arith.cmpf ogt, %sign3A_112, %sign3A_114 : vector<1000x256xf32>
    %sign3A_116 = arith.select %sign3A_115, %sign3A_111, %get3A_96 : vector<1000x256xi1>, vector<1000x256xf32>
    %mul3A_117 = arith.constant 1.000000e+00 : f32
    %mul3A_118 = vector.broadcast %mul3A_117 : f32 to vector<1000x1xf32>
    %mul3A_119 = arith.mulf %div3A_103, %mul3A_118 : vector<1000x1xf32>
    %mul3A_120 = vector.broadcast %mul3A_119 : vector<1000x1xf32> to vector<1000x256xf32>
    %mul3A_121 = arith.mulf %sign3A_116, %mul3A_120 : vector<1000x256xf32>
    %swap3A_122 = arith.constant 0 : index
    %swap3A_123 = arith.constant 3 : index
    %swap3A_124 = arith.constant 0 : index
    %swap3A_125 = vector.load %arg5[%swap3A_122, %swap3A_123, %swap3A_124] : memref<1000x4x256xf32, #tpu.memory_space<vmem>>, vector<1000x1x256xf32>
    %swap3A_126 = vector.shape_cast %swap3A_125 : vector<1000x1x256xf32> to vector<1000x256xf32>
    %swap3A_127 = vector.shape_cast %mul3A_121 : vector<1000x256xf32> to vector<1000x1x256xf32>
    tpu.vector_store %arg5[%swap3A_122, %swap3A_123, %swap3A_124], %swap3A_127 {strides = array<i32>} : memref<1000x4x256xf32, #tpu.memory_space<vmem>>, vector<1000x1x256xf32>,
    return
  }
  func.func @transform_0(%arg0: i32) -> (i32, i32) {
    %c0_i32 = arith.constant 0 : i32
    %c0_i32_0 = arith.constant 0 : i32
    return %arg0, %c0_i32 : i32, i32
  }
  func.func @transform_1(%arg0: i32) -> (i32, i32) {
    %c0_i32 = arith.constant 0 : i32
    %c0_i32_0 = arith.constant 0 : i32
    return %arg0, %c0_i32 : i32, i32
  }
  func.func @transform_2(%arg0: i32) -> (i32, i32) {
    %c0_i32 = arith.constant 0 : i32
    %c0_i32_0 = arith.constant 0 : i32
    return %arg0, %c0_i32 : i32, i32
  }
  func.func @transform_3(%arg0: i32) -> (i32, i32) {
    %c0_i32 = arith.constant 0 : i32
    %c0_i32_0 = arith.constant 0 : i32
    return %arg0, %c0_i32 : i32, i32
  }
  func.func @transform_4(%arg0: i32) -> (i32, i32, i32) {
    %c0_i32 = arith.constant 0 : i32
    %c0_i32_0 = arith.constant 0 : i32
    %c0_i32_1 = arith.constant 0 : i32
    return %arg0, %c0_i32, %c0_i32_0 : i32, i32, i32
  }
}

</mosaic_0001>

<sc_bundles>
// kernel: kernel.12.cloned.1.call-start
scs
__scs_entry_jumppad:
0x0: {  	(pc) =	sbr.rel $0x88, $3  }
0x1: {  	(tag) =	ssettag $0x0;
	lr =	simm.s32 $0x1  }
0x2: {  	[smem:$0x3F9D] =	sst lr;
	_ =	strace $0xD0000000  }
0x3: {  	_ = 	snop  }
0x4: {  	_ = 	snop  }
0x5: {  	_ = 	snop  }
0x6: {  	_ = 	snop  }
0x7: {  	_ = 	snop  }
__scs_overlays_trampoline_lowered:
0x8: {  	[smem:$0x3FAC] =	sst s0  }
0x9: {  	[smem:$0x3FAD] =	sst s1  }
0xa: {  	[smem:$0x3FAE] =	sst s2  }
0xb: {  	[smem:$0x3FAF] =	sst s3  }
0xc: {  	[smem:$0x3FB0] =	sst s4  }
0xd: {  	[smem:$0x3FB1] =	sst s5  }
0xe: {  	[smem:$0x3FB2] =	sst s6  }
0xf: {  	[smem:$0x3FB3] =	sst s7  }
0x10: {  	[smem:$0x3FB4] =	sst s8  }
0x11: {  	[smem:$0x3FB5] =	sst s9;
	s0 =	simm.s32 @!p0 $0x0  }
0x12: {  	s1 =	sld [smem:$0x3F9B];
	s0 =	simm.s32 @p0 $0x1  }
0x13: {  	[smem:$0x3FB6] =	sst s0;
	s0 =	simm.s32 @!p1 $0x0  }
0x14: {  	s2 =	sld [smem:$0x3F9A];
	s0 =	simm.s32 @p1 $0x1  }
0x15: {  	[smem:$0x3FB7] =	sst s0;
	s0 =	simm.s32 @!p2 $0x0  }
0x16: {  	s3 =	sld [smem:$0x3FDB];
	s0 =	simm.s32 @p2 $0x1  }
0x17: {  	s4 =	simm.s32 $0x1BF5;
	[smem:$0x3FB9] =	sst s0  }
0x18: {  	s0 =	sld [smem:$0x3F9C];
	_ =	swait.ge [sflag:s4], $0x0  }
0x19: {  	s7 =	sld [smem:$0x3F9D]  }
0x1a: {  	s8 =	sadd.s32 $0xFFFFE003, lr  }
0x1b: {  	s9 =	sadd.s32 $0xFFFFFEF7, lr;
	s5 =	simm.s32 $0xFFFFFFFF;
	p2 =	slt.u32 s8, $0xFFFFF086  }
0x1c: {  	p1 =	slt.u32 s9, $0xF7A;
	s5 =	simm.s32 @!p2 $0x0  }
0x1d: {  	s5 =	simm.s32 @p1 $0x1;
	p0 =	seq.s32 s7, s2  }
0x1e: {  	s7 =	smul.u32 @!p0 $0xF7A, s2;
	p2 =	seq.s32 @!p0 s5, $0x0  }
0x1f: {  	s9 =	smul.u32 $0xF7A, s1;
	s8 =	simm.s32 @!p0 $0x1BF5;
	p2 =	por !p2, p0  }
0x20: {  	[sflag:s8] =	ssyncset.s32 @!p0 $0xFFFFF086;
	s6 =	sadd.s32 @!p0 s3, s7;
	s7 =	simm.s32 @!p0 $0x108  }
0x21: {  	s3 =	sadd.s32 s3, s9;
	s6 =	sadd.s32 @!p0 $0x88, s6;
	s7 =	simm.s32 @p2 $0x1082  }
0x22: {  	[simem:s7], [sflag:s8] =	dma.local @!p0 [hbm:s6], $0xF7A  }
0x23: {  	s9 =	sor.u32 $0xD0000000, s2;
	s6 =	simm.s32 $0x108;
	_ =	swait.ge @!p0 [sflag:s8], $0x0  }
0x24: {  	s3 =	sadd.s32 $0x88, s3;
	s6 =	simm.s32 @!p1 $0x1082;
	[sflag:s4] =	ssyncset.s32 $0xFFFFF086  }
0x25: {  	[simem:s6], [sflag:s4] =	dma.local [hbm:s3], $0xF7A  }
0x26: {  	[smem:$0x3F9D] =	sst s1;
	(tag) =	ssettag s2;
	_ =	strace s9  }
0x27: {  	s1 =	sld [smem:$0x3FAD]  }
0x28: {  	s2 =	sld [smem:$0x3FAE]  }
0x29: {  	s4 =	sld [smem:$0x3FB0]  }
0x2a: {  	p0 =	seq.s32 s5, $0x0;
	s5 =	sld [smem:$0x3FB1]  }
0x2b: {  	s6 =	sld [smem:$0x3FB2]  }
0x2c: {  	s7 =	sld [smem:$0x3FB3]  }
0x2d: {  	s3 =	simm.s32 $0x108;
	s8 =	sld [smem:$0x3FB4]  }
0x2e: {  	s3 =	simm.s32 @!p0 $0x1082;
	s9 =	sld [smem:$0x3FB5]  }
0x2f: {  	lr =	sadd.s32 s0, s3;
	s0 =	sld [smem:$0x3FAC]  }
0x30: {  	s3 =	sld [smem:$0x3FAF]  }
0x31: {  	[smem:$0x3FB8] =	sst s10  }
0x32: {  	s10 =	sld [smem:$0x3FB6];
	_ =	sdelay $0x3  }
0x33: {  	p0 =	seq.s32 s10, $0x1;
	s10 =	sld [smem:$0x3FB8];
	_ =	sdelay $0x3  }
0x34: {  	[smem:$0x3FB8] =	sst s10  }
0x35: {  	s10 =	sld [smem:$0x3FB7];
	_ =	sdelay $0x3  }
0x36: {  	p1 =	seq.s32 s10, $0x1;
	s10 =	sld [smem:$0x3FB8];
	_ =	sdelay $0x3  }
0x37: {  	[smem:$0x3FB8] =	sst s10  }
0x38: {  	s10 =	sld [smem:$0x3FB9]  }
0x39: {  	_ = 	snop;
	(pc) =	sbr.ind lr, $3  }
0x3a: {  	_ = 	snop  }
0x3b: {  	_ = 	snop  }
0x3c: {  	p2 =	seq.s32 s10, $0x1;
	s10 =	sld [smem:$0x3FB8]  }
0x3d: {  	_ =	shalt  }
0x3e: {  	_ =	shalt  }
0x3f: {  	_ =	shalt  }
0x40: {  	_ =	shalt  }
0x41: {  	_ =	shalt  }
0x42: {  	_ =	shalt  }
0x43: {  	_ =	shalt  }
0x44: {  	_ =	shalt  }
0x45: {  	_ =	shalt  }
0x46: {  	_ =	shalt  }
0x47: {  	_ =	shalt  }
0x48: {  	_ =	shalt  }
0x49: {  	_ =	shalt  }
0x4a: {  	_ =	shalt  }
0x4b: {  	_ =	shalt  }
0x4c: {  	_ =	shalt  }
0x4d: {  	_ =	shalt  }
0x4e: {  	_ =	shalt  }
0x4f: {  	_ =	shalt  }
0x50: {  	_ =	shalt  }
0x51: {  	_ =	shalt  }
0x52: {  	_ =	shalt  }
0x53: {  	_ =	shalt  }
0x54: {  	_ =	shalt  }
0x55: {  	_ =	shalt  }
0x56: {  	_ =	shalt  }
0x57: {  	_ =	shalt  }
0x58: {  	_ =	shalt  }
0x59: {  	_ =	shalt  }
0x5a: {  	_ =	shalt  }
0x5b: {  	_ =	shalt  }
0x5c: {  	_ =	shalt  }
0x5d: {  	_ =	shalt  }
0x5e: {  	_ =	shalt  }
0x5f: {  	_ =	shalt  }
0x60: {  	_ =	shalt  }
0x61: {  	_ =	shalt  }
0x62: {  	_ =	shalt  }
0x63: {  	_ =	shalt  }
0x64: {  	_ =	shalt  }
0x65: {  	_ =	shalt  }
0x66: {  	_ =	shalt  }
0x67: {  	_ =	shalt  }
0x68: {  	_ =	shalt  }
0x69: {  	_ =	shalt  }
0x6a: {  	_ =	shalt  }
0x6b: {  	_ =	shalt  }
0x6c: {  	_ =	shalt  }
0x6d: {  	_ =	shalt  }
0x6e: {  	_ =	shalt  }
0x6f: {  	_ =	shalt  }
0x70: {  	_ =	shalt  }
0x71: {  	_ =	shalt  }
0x72: {  	_ =	shalt  }
0x73: {  	_ =	shalt  }
0x74: {  	_ =	shalt  }
0x75: {  	_ =	shalt  }
0x76: {  	_ =	shalt  }
0x77: {  	_ =	shalt  }
0x78: {  	_ =	shalt  }
0x79: {  	_ =	shalt  }
0x7a: {  	_ =	shalt  }
0x7b: {  	_ =	shalt  }
0x7c: {  	_ =	shalt  }
0x7d: {  	_ =	shalt  }
0x7e: {  	_ =	shalt  }
0x7f: {  	_ =	shalt  }
0x80: {  	_ =	shalt  }
0x81: {  	_ =	shalt  }
0x82: {  	_ =	shalt  }
0x83: {  	_ =	shalt  }
0x84: {  	_ =	shalt  }
0x85: {  	_ =	shalt  }
0x86: {  	_ =	shalt  }
0x87: {  	_ =	shalt  }
.Lfunc_end0:
.L_simem_size_0:
called_computation.2_lowered:
.L_overlay_start_0:
0x88: {  	s2 =	sld [smem:$0x3FD9]  }
0x89: {  	s3 =	sld [smem:$0x3FFE];
	_ =	sdelay $0x1  }
0x8a: {  	s1 =	srdreg.scid  }
0x8b: {  	s0 =	sand.u32 $0x1, s1  }
0x8c: {  	s17 =	sshll.u32 s0, $0xA;
	s2 =	sadd.s32 s3, s2  }
0x8d: {  	s2 =	sadd.s32 s2, s17  }
0x8e: {  	[smem:$0x3FC4] =	sst s2  }
0x8f: {  	_ = 	snop  }
0x90: {  	s2 =	sld [smem:$0x3FC6]  }
0x91: {  	s18 =	sld [smem:$0x3FD0];
	(tm) =	ssettm $0x1  }
0x92: {  	s4 =	sld [smem:$0x3FFB];
	_ =	sdelay $0x3  }
0x93: {  	_ =	strace s4  }
0x94: {  	s4 =	sld [smem:$0x3FFC];
	_ =	sdelay $0x3  }
0x95: {  	_ =	strace s4  }
0x96: {  	s4 =	sld [smem:$0x3FFD];
	_ =	sdelay $0x3  }
0x97: {  	_ =	strace s4  }
0x98: {  	_ =	strace $0x8FFFFFFF  }
0x99: {  	s19 =	sld [smem:$0x3FDB];
	_ =	sdelay $0x1  }
0x9a: {  	s5 =	simm.s32 $_scs_section_size  }
0x9b: {  	s6 =	simm.s32 $_size__tile_overlayer_lowered;
	s7 =	simm.s32 $_tile_overlayer_lowered  }
0x9c: {  	s22 =	simm.s32 $0x1BFF;
	s21 =	sshll.u32 s7, $0x1;
	s4 =	sadd.s32 s5, s19  }
0x9d: {  	s8 =	simm.s32 $0x0;
	s20 =	sshll.u32 s6, $0x1;
	s6 =	sadd.s32 s21, s4  }
0x9e: {  	[timem:s8], [sflag:s22] =	dma.local [hbm:s6], s20  }
0x9f: {  	_ =	swait.ge [sflag:s22], s20  }
0xa0: {  	s5 =	ssub.s32 $0x0, s20;
	[sflag:s22] =	ssyncset.done $0x0  }
0xa1: {  	[sflag:s22] =	ssyncadd.s32 s5;
	_ =	sdelay $0x1  }
0xa2: {  	s23 =	simm.s32 $0x1B8B  }
0xa3: {  	_ =	swait.ge [sflag:s23], $0x1  }
0xa4: {  	[sflag:s23] =	ssyncset.done $0x0  }
0xa5: {  	s25 =	simm.s32 $0x1B8E;
	s24 =	sld [smem:$0x3FFE];
	[sflag:s23] =	ssyncadd.s32 $0xFFFFFFFF  }
0xa6: {  	s26 =	simm.s32 $execute0_lowered;
	[smem:$0x3FD2] =	sst s25  }
0xa7: {  	s6 =	sshll.u32 s26, $0x1;
	_ =	strace $0x8000004C;
	[dreg:$0x1] =	wrdreg $0xFFFFFFFF  }
0xa8: {  	s28 =	simm.s32 $_size_execute0_lowered;
	s4 =	sadd.s32 s4, s6;
	[dreg:$0x0] =	wrdreg $0x0  }
0xa9: {  	s6 =	sshll.u32 s28, $0x1;
	[dreg:$0x2] =	wrdreg s4  }
0xaa: {  	[dreg:$0x3] =	wrdreg s6  }
0xab: {  	[dreg:$0x4] =	wrdreg $0xC0  }
0xac: {  	_ =	task [dreg:s8], $0x5FFFF  }
0xad: {  	[dreg:$0x1] =	wrdreg $0xFFFFFFFF  }
0xae: {  	[dreg:$0x0] =	wrdreg $0x60  }
0xaf: {  	[dreg:$0x2] =	wrdreg s24  }
0xb0: {  	[dreg:$0x3] =	wrdreg s2  }
0xb1: {  	[dreg:$0x4] =	wrdreg s18  }
0xb2: {  	[dreg:$0x5] =	wrdreg $0x0  }
0xb3: {  	[dreg:$0x6] =	wrdreg $0x9  }
0xb4: {  	_ =	task.clear_ibuf [dreg:s8], $0x7FFFF;
	_ =	strace $0x9000004C  }
0xb5: {  	s29 =	simm.s32 $0x9;
	_ =	strace $0x8000004E  }
0xb6: {  	_ =	swait.ge [sflag:s29], $0x1  }
0xb7: {  	[sflag:s29] =	ssyncadd.s32 $0xFFFFFFFF  }
0xb8: {  	_ =	strace $0x9000004E  }
0xb9: {  	_ =	sfence  }
0xba: {  	s30 =	sld [smem:$0x0];
	_ =	sdelay $0x2  }
0xbb: {  	s31 =	sshll.u32 s1, $0xD;
	s1 =	sshrl.u32 s1, $0x2  }
0xbc: {  	s3 =	sand.u32 $0x4000, s31;
	s1 =	sadd.s32 s1, s30  }
0xbd: {  	s0 =	sor.u32 s3, s0;
	s1 =	sshll.u32 s1, $0x11  }
0xbe: {  	s0 =	sor.u32 s1, s0  }
0xbf: {  	s0 =	sadd.s32 $0x8F2B, s0  }
0xc0: {  	[sflag:s0] =	ssyncadd.remote.s32 $0x1  }
0xc1: {  	_ =	sfence.sel $0xFFFF  }
0xc2: {  	[dreg:$0x0] =	wrdreg $0xFFFFFFFF;
	(pc) =	sbr.abs _section_cstart, $3  }
0xc3: {  	[dreg:$0x1] =	wrdreg $0xFFFFFFFF  }
0xc4: {  	_ =	task.clear_ibuf [dreg:s8], $0x2FFFF;
	_ =	strace $0x9FFFFFFF  }
0xc5: {  	(tm) =	ssettm $0x7FFFFFFF  }
tec
execute0_lowered:
.L_overlay_start_1:
0x0: {  	(tag) =	ssettag $0x1  }
0x1: {  	s0 =	rddreg [dreg:$0x0]  }
0x2: {  	s1 =	rddreg [dreg:$0x1]  }
0x3: {  	s3 =	rddreg [dreg:$0x2]  }
0x4: {  	s2 =	rddreg [dreg:$0x3];
	s4 =	simm.s32 $0x0  }
0x5: {  	s13 =	stileid.u32;
	s7 =	srdreg.scid;
	s18 =	simm.s32 $0x5  }
0x6: {  	s28 =	simm.s32 $0x18F80;
	s29 =	simm.s32 $0x18D80;
	s30 =	simm.s32 $0x16400  }
0x7: {  	s31 =	simm.s32 $0x1;
	[smem:$0x7FF] =	sst s4;
	s8 =	smul.u32 $0x2780, s13  }
0x8: {  	s5 =	sadd.s32 $0x82C00, s0;
	s6 =	sadd.s32 $0x7400, s0;
	s11 =	smul.u32 $0x4F000, s13  }
0x9: {  	s9 =	sand.u32 $0x1, s7;
	s7 =	sadd.s32 $0x2400, s0;
	s12 =	smul.u32 $0x278, s13  }
0xa: {  	s21 =	smul.u32 $0x2710, s13;
	s13 =	sshll.u32 s13, $0x6;
	_ =	strace $0x8000004D  }
0xb: {  	s10 =	ssub.s32 $0x2, s9;
	s9 =	smul.u32 $0x2780, s9;
	s15 =	sor.u32 $0x1C05, s13  }
0xc: {  	s0 =	sadd.s32 s8, s0;
	s19 =	sshrl.u32 s10, $0x1;
	s20 =	sshrl.u32 s11, $0x2  }
0xd: {  	s22 =	sshrl.u32 s21, $0x3;
	s13 =	sadd.s32 $0x50, s21;
	s14 =	sadd.s32 $0xA0, s21  }
0xe: {  	s21 =	simm.s32 $0x18F00;
	s11 =	simm.s32 $0x0;
	[dreg:$0x6] =	wrdreg s15  }
0xf: {  	s8 =	ssub.s32 s10, s19;
	s10 =	sadd.s32 s20, s2;
	s0 =	sadd.s32 $0xC400, s0  }
0x10: {  	s23 =	sadd.s32 s6, s22;
	s24 =	sadd.s32 s7, s22;
	[dreg:$0x5] =	wrdreg s0  }
0x11: {  	s12 =	sadd.s32 s12, s9;
	s19 =	simm.s32 $0x18C00;
	[dreg:$0x7] =	wrdreg s23  }
0x12: {  	s20 =	simm.s32 $0x18E00;
	[dreg:$0x8] =	wrdreg s24;
	s0 =	sadd.s32 s1, s22  }
0x13: {  	s25 =	sshll.u32 s12, $0x4;
	s26 =	smax.u32 s8, $0x1;
	s10 =	sshrl.u32 s10, $0x3  }
0x14: {  	s22 =	simm.s32 $0x50;
	s23 =	simm.s32 $0x18D00;
	[dreg:$0x9] =	wrdreg s0  }
0x15: {  	s24 =	simm.s32 $0x13C00;
	s8 =	simm.s32 $0x4;
	[dreg:$0xb] =	wrdreg s26  }
0x16: {  	s0 =	sadd.s32 s3, s25;
	s26 =	simm.s32 $0x18E80;
	[dreg:$0xc] =	wrdreg s10  }
0x17: {  	v0 =	vmov s9;
	s3 =	simm.s32 $0x3;
	[dreg:$0xa] =	wrdreg s0;
	s0 =	simm.s32 $0x2  }
.LBB2_1:
0x18: {  	[dreg:$0xd] =	wrdreg s11  }
0x19: {  	s9 =	rddreg [dreg:$0x5]  }
0x1a: {  	[spmem:s10], [sflag:s15] =	dma.local [hbm:s9], $0x2780  }
0x1b: {  	_ =	swait.ge [sflag:s18], $0x2780  }
0x1c: {  	[sflag:s18] =	ssyncset.done $0x0  }
0x1d: {  	[sflag:s18] =	ssyncadd.s32 $0xFFFFD880  }
0x1e: {  	[bflag:$0x0] =	sbarrier.arrive $0xFFFF  }
0x1f: {  	s16 =	rddreg [dreg:$0x7]  }
0x20: {  	[tilespmem:s19], [sflag:$0x5] =	stream.linear.gather [hbm4b:s16+s4], $0x50, $0x38;
	[tilespmem:$0x19000] =	vst v63  }
0x21: {  	_ =	swait.ge [sflag:s18], $0x50  }
0x22: {  	[sflag:s18] =	ssyncset.done $0x0  }
0x23: {  	s17 =	rddreg [dreg:$0x8];
	[sflag:s18] =	ssyncadd.s32 $0xFFFFFFB0  }
0x24: {  	[tilespmem:s20], [sflag:$0x5] =	stream.linear.gather [hbm4b:s17+s4], $0x50, $0x38;
	[tilespmem:$0x19000] =	vst v63  }
0x25: {  	_ =	swait.ge [sflag:s18], $0x50  }
0x26: {  	[sflag:s18] =	ssyncset.done $0x0  }
0x27: {  	s25 =	rddreg [dreg:$0x9];
	[sflag:s18] =	ssyncadd.s32 $0xFFFFFFB0  }
0x28: {  	[tilespmem:s21], [sflag:$0x5] =	stream.linear.gather [hbm4b:s25+s4], $0x50, $0x38;
	[tilespmem:$0x19000] =	vst v63  }
0x29: {  	_ =	swait.ge [sflag:s18], $0x50  }
0x2a: {  	[sflag:s18] =	ssyncset.done $0x0  }
0x2b: {  	[sflag:s18] =	ssyncadd.s32 $0xFFFFFFB0  }
0x2c: {  	v1 =	vld [tilespmem:$0x18C00]  }
0x2d: {  	v2 =	vld [tilespmem:$0x18C10]  }
0x2e: {  	v3 =	vld [tilespmem:$0x18C20]  }
0x2f: {  	v4 =	vld [tilespmem:$0x18C30]  }
0x30: {  	v5 =	vld [tilespmem:$0x18C40]  }
0x31: {  	v1 =	vadd.s32 v0, v1  }
0x32: {  	[tilespmem:$0x18D00] =	vst v1;
	v1 =	vadd.s32 v0, v2  }
0x33: {  	[tilespmem:$0x18D10] =	vst v1;
	v1 =	vadd.s32 v0, v3  }
0x34: {  	[tilespmem:$0x18D20] =	vst v1;
	v1 =	vadd.s32 v0, v4  }
0x35: {  	[tilespmem:$0x18D30] =	vst v1;
	v1 =	vadd.s32 v0, v5  }
0x36: {  	s11 =	simm.s32 $0x0;
	[tilespmem:$0x18D40] =	vst v1  }
0x37: {  	[tilespmem:s24], [sflag:$0x1] =	stream.indirect.gather [hbm4b:s5+s22], $0x80, s23, s22, $0xb8;
	[tilespmem:$0x19000] =	vst v63  }
.LBB2_2:
0x38: {  	s12 =	smul.u32 $0xA0, s11;
	_ =	sdelay $0x1  }
0x39: {  	s9 =	sadd.s32 s12, s13  }
0x3a: {  	s9 =	sshrl.u32 s9, $0x3  }
0x3b: {  	s10 =	simm.s32 $0x18C80;
	s15 =	sadd.s32 s6, s9  }
0x3c: {  	[tilespmem:s10], [sflag:$0x5] =	stream.linear.gather [hbm4b:s15+s4], $0x50, $0x38;
	[tilespmem:$0x19000] =	vst v63  }
0x3d: {  	_ =	swait.ge [sflag:s18], $0x50  }
0x3e: {  	[sflag:s18] =	ssyncset.done $0x0  }
0x3f: {  	s25 =	sadd.s32 s7, s9;
	[sflag:s18] =	ssyncadd.s32 $0xFFFFFFB0  }
0x40: {  	[tilespmem:s26], [sflag:$0x5] =	stream.linear.gather [hbm4b:s25+s4], $0x50, $0x38;
	[tilespmem:$0x19000] =	vst v63  }
0x41: {  	_ =	swait.ge [sflag:s18], $0x50  }
0x42: {  	[sflag:s18] =	ssyncset.done $0x0  }
0x43: {  	s9 =	sadd.s32 s1, s9;
	[sflag:s18] =	ssyncadd.s32 $0xFFFFFFB0  }
0x44: {  	[tilespmem:s28], [sflag:$0x5] =	stream.linear.gather [hbm4b:s9+s4], $0x50, $0x38;
	[tilespmem:$0x19000] =	vst v63  }
0x45: {  	_ =	swait.ge [sflag:s18], $0x50  }
0x46: {  	[sflag:s18] =	ssyncset.done $0x0  }
0x47: {  	[sflag:s18] =	ssyncadd.s32 $0xFFFFFFB0  }
0x48: {  	v1 =	vld [tilespmem:$0x18C80]  }
0x49: {  	v2 =	vld [tilespmem:$0x18C90]  }
0x4a: {  	v3 =	vld [tilespmem:$0x18CA0]  }
0x4b: {  	v4 =	vld [tilespmem:$0x18CB0]  }
0x4c: {  	v5 =	vld [tilespmem:$0x18CC0]  }
0x4d: {  	v1 =	vadd.s32 v0, v1  }
0x4e: {  	[tilespmem:$0x18D80] =	vst v1;
	v1 =	vadd.s32 v0, v2  }
0x4f: {  	[tilespmem:$0x18D90] =	vst v1;
	v1 =	vadd.s32 v0, v3  }
0x50: {  	[tilespmem:$0x18DA0] =	vst v1;
	v1 =	vadd.s32 v0, v4  }
0x51: {  	[tilespmem:$0x18DB0] =	vst v1;
	v1 =	vadd.s32 v0, v5  }
0x52: {  	[tilespmem:$0x18DC0] =	vst v1  }
0x53: {  	[tilespmem:s30], [sflag:$0x2] =	stream.indirect.gather [hbm4b:s5+s22], $0x80, s29, s22, $0xb8;
	[tilespmem:$0x19000] =	vst v63  }
0x54: {  	_ =	swait.ge [sflag:s31], $0x2800  }
0x55: {  	[sflag:s31] =	ssyncset.done $0x0  }
0x56: {  	s15 =	simm.s32 $0x13D00;
	[sflag:s31] =	ssyncadd.s32 $0xFFFFD800  }
0x57: {  	v3 =	vld [tilespmem:s15+$0xD0]  }
0x58: {  	v4 =	vld [tilespmem:s15+$0xF0]  }
0x59: {  	v5 =	vld [tilespmem:s15+$0xFFFFFFF0]  }
0x5a: {  	v6 =	vld [tilespmem:s15+$0x0]  }
0x5b: {  	v7 =	vld [tilespmem:s15+$0x10]  }
0x5c: {  	v8 =	vld [tilespmem:s15+$0x20]  }
0x5d: {  	v9 =	vld [tilespmem:s15+$0x30]  }
0x5e: {  	s10 =	simm.s32 $0x0;
	v10 =	vld [tilespmem:s15+$0x50]  }
0x5f: {  	s16 =	simm.s32 $0x3;
	s17 =	simm.s32 $0x1;
	v1 =	vmov s10;
	v11 =	vld [tilespmem:s15+$0x60]  }
0x60: {  	v12 =	vmov s17;
	s25 =	simm.s32 $0x2;
	v2 =	vmov s16;
	v1 =	vand.u32 $0xFFFFFFFC, v1;
	v13 =	vld [tilespmem:s15+$0x80]  }
0x61: {  	v14 =	vbroadcast v1, $0x0;
	v1 =	vand.u32 $0xFFFFFFFD, v12;
	v12 =	vmov s25;
	v16 =	vld [tilespmem:s15+$0x90]  }
0x62: {  	v15 =	vbroadcast v1, $0x0;
	v1 =	vand.u32 $0xFFFFFFFE, v12;
	v12 =	vld [tilespmem:s15+$0xA0]  }
0x63: {  	v18 =	vld [tilespmem:s15+$0x40]  }
0x64: {  	v19 =	vld [tilespmem:s15+$0xB0]  }
0x65: {  	v20 =	vld [tilespmem:s15+$0xC0]  }
0x66: {  	v17 =	vbroadcast v1, $0x0;
	v1 =	vld.idx.msk [tilespmem:v2+s21+$0x0], $0xffff  }
0x67: {  	v22 =	vld [tilespmem:s15+$0xFFFFFFC0]  }
0x68: {  	v23 =	vld [tilespmem:s15+$0xFFFFFFB0]  }
0x69: {  	v61 =	vld [tilespmem:s15+$0xFFFFFF90]  }
0x6a: {  	v21 =	vld.idx.msk [tilespmem:v14+s21+$0x0], $0xffff  }
0x6b: {  	v14 =	vld.idx.msk [tilespmem:v15+s21+$0x0], $0xffff;
	v3 =	vmul.f32 v3, v1  }
0x6c: {  	v24 =	vld [tilespmem:s15+$0xFFFFFF60];
	v20 =	vmul.f32 v20, v1  }
0x6d: {  	v2 =	vld.idx.msk [tilespmem:v17+s21+$0x0], $0xffff;
	v13 =	vmul.f32 v13, v1;
	[tilespmem:s15+$0xD0] =	vst v3  }
0x6e: {  	v15 =	vld [tilespmem:s15+$0xFFFFFFE0];
	v19 =	vmul.f32 v19, v1;
	[tilespmem:s15+$0xC0] =	vst v20  }
0x6f: {  	v17 =	vld [tilespmem:s15+$0xFFFFFFD0];
	v4 =	vmul.f32 v4, v1;
	[tilespmem:s15+$0x80] =	vst v13  }
0x70: {  	v3 =	vld [tilespmem:s15+$0xFFFFFFA0];
	[tilespmem:s15+$0xB0] =	vst v19;
	v5 =	vmul.f32 v5, v14  }
0x71: {  	v13 =	vld [tilespmem:s15+$0xFFFFFF80];
	[tilespmem:s15+$0xF0] =	vst v4;
	v23 =	vmul.f32 v23, v14  }
0x72: {  	v19 =	vld [tilespmem:s15+$0xFFFFFF70];
	v6 =	vmul.f32 v6, v2;
	[tilespmem:s15+$0xFFFFFFF0] =	vst v5  }
0x73: {  	v62 =	vld [tilespmem:s15+$0xFFFFFF40];
	v7 =	vmul.f32 v7, v2;
	v8 =	vmul.f32 v8, v2;
	[tilespmem:s15+$0xFFFFFFB0] =	vst v23  }
0x74: {  	v25 =	vld [tilespmem:s15+$0xFFFFFF30];
	v9 =	vmul.f32 v9, v2;
	v5 =	vmul.f32 v15, v14;
	[tilespmem:s15+$0x0] =	vst v6  }
0x75: {  	v63 =	vld [tilespmem:s15+$0xFFFFFF10];
	v15 =	vmul.f32 v22, v14;
	v6 =	vmul.f32 v17, v14;
	[tilespmem:s15+$0x10] =	vst v7  }
0x76: {  	v26 =	vld [tilespmem:s15+$0xFFFFFF00];
	v4 =	vmul.f32 v3, v14;
	v3 =	vmul.f32 v18, v2;
	[tilespmem:s15+$0x20] =	vst v8  }
0x77: {  	v17 =	vld [tilespmem:s15+$0xFFFFFF50];
	v7 =	vmul.f32 v13, v14;
	v8 =	vmul.f32 v19, v21;
	[tilespmem:s15+$0x30] =	vst v9  }
0x78: {  	v18 =	vld [tilespmem:s15+$0xFFFFFF20];
	v13 =	vmul.f32 v16, v1;
	v9 =	vmul.f32 v24, v21;
	[tilespmem:s15+$0xFFFFFFE0] =	vst v5  }
0x79: {  	v5 =	vmul.f32 v61, v14;
	[tilespmem:s15+$0xFFFFFFC0] =	vst v15;
	v14 =	vmul.f32 v12, v1  }
0x7a: {  	v15 =	vmul.f32 v11, v2;
	[tilespmem:s15+$0xFFFFFFD0] =	vst v6;
	v6 =	vmul.f32 v10, v2  }
0x7b: {  	v11 =	vmul.f32 v62, v21;
	v12 =	vmul.f32 v25, v21;
	[tilespmem:s15+$0xA0] =	vst v14  }
0x7c: {  	v16 =	vld [tilespmem:s15+$0xE0];
	v14 =	vmul.f32 v63, v21;
	[tilespmem:s15+$0x50] =	vst v6;
	v6 =	vmul.f32 v26, v21  }
0x7d: {  	s9 =	simm.s32 $0x13F00;
	s16 =	simm.s32 $0x7;
	[tilespmem:s15+$0x90] =	vst v13;
	v10 =	vmul.f32 v17, v21;
	v13 =	vmul.f32 v18, v21;
	v17 =	vld [tilespmem:s15+$0x70]  }
.LBB2_3:
0x7e: {  	s17 =	sadd.s32 $0xFFFFFFFD, s16  }
0x7f: {  	v18 =	vmov s16;
	v19 =	vld [tilespmem:s9+$0xD0];
	p0 =	sne.s32 s16, $0x4F;
	[tilespmem:s15+$0x60] =	vst v15;
	s10 =	smov.u32 s16;
	s16 =	sadd.s32 $0x4, s16  }
0x80: {  	s25 =	sadd.s32 $0xFFFFFFFE, s10;
	v15 =	vmov s17;
	v20 =	vld [tilespmem:s9+$0xF0];
	[tilespmem:s15+$0xFFFFFFA0] =	vst v4  }
0x81: {  	s10 =	sadd.s32 $0xFFFFFFFF, s10;
	v4 =	vand.u32 $0xFFFFFFFC, v15;
	v15 =	vmov s25;
	v21 =	vld [tilespmem:s9+$0xFFFFFFF0];
	[tilespmem:s15+$0xFFFFFF90] =	vst v5  }
0x82: {  	v4 =	vbroadcast v4, $0x0;
	v5 =	vand.u32 $0xFFFFFFFD, v15;
	v15 =	vmov s10;
	v22 =	vld [tilespmem:s9+$0x0];
	[tilespmem:s15+$0xFFFFFF80] =	vst v7  }
0x83: {  	v5 =	vbroadcast v5, $0x0;
	v7 =	vand.u32 $0xFFFFFFFE, v15;
	v15 =	vld [tilespmem:s9+$0x10];
	[tilespmem:s15+$0xFFFFFF70] =	vst v8;
	v2 =	vmul.f32 v17, v2  }
0x84: {  	v1 =	vmul.f32 v16, v1;
	v7 =	vbroadcast v7, $0x0;
	v8 =	vld [tilespmem:s9+$0x20];
	[tilespmem:s15+$0xFFFFFF60] =	vst v9  }
0x85: {  	v9 =	vld [tilespmem:s9+$0x30];
	[tilespmem:s15+$0xFFFFFF50] =	vst v10  }
0x86: {  	v10 =	vld [tilespmem:s9+$0x50];
	[tilespmem:s15+$0xFFFFFF40] =	vst v11  }
0x87: {  	v11 =	vld [tilespmem:s9+$0x60];
	[tilespmem:s15+$0xFFFFFF30] =	vst v12  }
0x88: {  	v12 =	vld [tilespmem:s9+$0x80];
	[tilespmem:s15+$0xFFFFFF20] =	vst v13  }
0x89: {  	v13 =	vld [tilespmem:s9+$0x90];
	[tilespmem:s15+$0xFFFFFF10] =	vst v14  }
0x8a: {  	v14 =	vld [tilespmem:s9+$0xA0];
	[tilespmem:s15+$0x40] =	vst v3  }
0x8b: {  	v3 =	vld [tilespmem:s9+$0x40];
	[tilespmem:s15+$0x70] =	vst v2  }
0x8c: {  	v16 =	vld [tilespmem:s9+$0xB0];
	[tilespmem:s15+$0xE0] =	vst v1  }
0x8d: {  	v17 =	vld [tilespmem:s9+$0xC0];
	[tilespmem:s15+$0xFFFFFF00] =	vst v6;
	s15 =	smov.u32 s9  }
0x8e: {  	v1 =	vld.idx.msk [tilespmem:v18+s21+$0x0], $0xffff  }
0x8f: {  	v6 =	vld.idx.msk [tilespmem:v4+s21+$0x0], $0xffff  }
0x90: {  	v18 =	vld.idx.msk [tilespmem:v5+s21+$0x0], $0xffff  }
0x91: {  	v2 =	vld.idx.msk [tilespmem:v7+s21+$0x0], $0xffff  }
0x92: {  	v4 =	vld [tilespmem:s9+$0xFFFFFFE0]  }
0x93: {  	v5 =	vld [tilespmem:s9+$0xFFFFFFD0]  }
0x94: {  	v19 =	vmul.f32 v19, v1;
	v20 =	vmul.f32 v20, v1;
	v7 =	vld [tilespmem:s9+$0xFFFFFFC0]  }
0x95: {  	v12 =	vmul.f32 v12, v1;
	v17 =	vmul.f32 v17, v1;
	v23 =	vld [tilespmem:s9+$0xFFFFFFB0]  }
0x96: {  	v16 =	vmul.f32 v16, v1;
	v21 =	vmul.f32 v21, v18;
	v24 =	vld [tilespmem:s9+$0xFFFFFFA0];
	[tilespmem:s9+$0xD0] =	vst v19  }
0x97: {  	v22 =	vmul.f32 v22, v2;
	v19 =	vld [tilespmem:s9+$0xFFFFFF90];
	v25 =	vmul.f32 v4, v18;
	[tilespmem:s9+$0xC0] =	vst v17  }
0x98: {  	v27 =	vmul.f32 v15, v2;
	v17 =	vld [tilespmem:s9+$0xFFFFFF80];
	v26 =	vmul.f32 v5, v18;
	[tilespmem:s9+$0x80] =	vst v12  }
0x99: {  	v29 =	vmul.f32 v8, v2;
	v12 =	vld [tilespmem:s9+$0xFFFFFF70];
	v28 =	vmul.f32 v7, v18;
	[tilespmem:s9+$0xB0] =	vst v16  }
0x9a: {  	v16 =	vld [tilespmem:s9+$0xFFFFFF60];
	v23 =	vmul.f32 v23, v18;
	[tilespmem:s9+$0xFFFFFFF0] =	vst v21;
	v21 =	vmul.f32 v9, v2  }
0x9b: {  	v3 =	vmul.f32 v3, v2;
	v30 =	vld [tilespmem:s9+$0xFFFFFF50];
	v4 =	vmul.f32 v24, v18;
	[tilespmem:s9+$0x0] =	vst v22  }
0x9c: {  	v22 =	vld [tilespmem:s9+$0xFFFFFF40];
	v5 =	vmul.f32 v19, v18;
	v19 =	vmul.f32 v10, v2;
	[tilespmem:s9+$0xF0] =	vst v20  }
0x9d: {  	v15 =	vmul.f32 v11, v2;
	v20 =	vld [tilespmem:s9+$0xFFFFFF30];
	v7 =	vmul.f32 v17, v18;
	[tilespmem:s9+$0xFFFFFFE0] =	vst v25  }
0x9e: {  	v18 =	vmul.f32 v13, v1;
	v17 =	vld [tilespmem:s9+$0xFFFFFF20];
	v8 =	vmul.f32 v12, v6;
	[tilespmem:s9+$0x10] =	vst v27  }
0x9f: {  	v24 =	vld [tilespmem:s9+$0xFFFFFF10];
	v9 =	vmul.f32 v16, v6;
	[tilespmem:s9+$0xFFFFFFD0] =	vst v26;
	v16 =	vmul.f32 v14, v1  }
0xa0: {  	v25 =	vld [tilespmem:s9+$0xFFFFFF00];
	v10 =	vmul.f32 v30, v6;
	[tilespmem:s9+$0xFFFFFFC0] =	vst v28  }
0xa1: {  	v11 =	vmul.f32 v22, v6;
	[tilespmem:s9+$0x20] =	vst v29  }
.Ltmp0:
0xa2: {  	v12 =	vmul.f32 v20, v6;
	[tilespmem:s9+$0x30] =	vst v21;
	(pc) =	sbr.rel @p0 .LBB2_3-.Ltmp0, $4  }
0xa3: {  	v13 =	vmul.f32 v17, v6;
	[tilespmem:s9+$0x50] =	vst v19  }
0xa4: {  	v14 =	vmul.f32 v24, v6;
	[tilespmem:s9+$0x90] =	vst v18  }
0xa5: {  	v6 =	vmul.f32 v25, v6;
	[tilespmem:s9+$0xA0] =	vst v16;
	v16 =	vld [tilespmem:s9+$0xE0]  }
0xa6: {  	s9 =	sadd.s32 $0x200, s9;
	[tilespmem:s15+$0xFFFFFFB0] =	vst v23;
	v17 =	vld [tilespmem:s15+$0x70]  }
0xa7: {  	[tilespmem:s15+$0x60] =	vst v15  }
0xa8: {  	[tilespmem:s15+$0xFFFFFFA0] =	vst v4  }
0xa9: {  	[tilespmem:s15+$0xFFFFFF90] =	vst v5  }
0xaa: {  	[tilespmem:s15+$0xFFFFFF80] =	vst v7  }
0xab: {  	[tilespmem:s15+$0xFFFFFF70] =	vst v8  }
0xac: {  	[tilespmem:s15+$0xFFFFFF60] =	vst v9  }
0xad: {  	[tilespmem:s15+$0xFFFFFF50] =	vst v10  }
0xae: {  	[tilespmem:s15+$0xFFFFFF40] =	vst v11  }
0xaf: {  	[tilespmem:s15+$0xFFFFFF30] =	vst v12  }
0xb0: {  	[tilespmem:s15+$0xFFFFFF20] =	vst v13  }
0xb1: {  	[tilespmem:s15+$0xFFFFFF10] =	vst v14  }
0xb2: {  	[tilespmem:s15+$0x40] =	vst v3;
	v1 =	vmul.f32 v16, v1  }
0xb3: {  	[tilespmem:s15+$0xFFFFFF00] =	vst v6;
	v2 =	vmul.f32 v17, v2  }
0xb4: {  	[tilespmem:s15+$0xE0] =	vst v1  }
0xb5: {  	[tilespmem:s15+$0x70] =	vst v2  }
0xb6: {  	[spmem:s2] =	stream.indirect.scatter.add.f32 [tilespmem:s24], [sflag:$0x3], $0x80, s20, s22, $0xb8;
	[tilespmem:$0x19000] =	vst v63  }
0xb7: {  	_ =	swait.ge [sflag:s0], $0x2800  }
0xb8: {  	[sflag:s0] =	ssyncset.done $0x0  }
0xb9: {  	s15 =	simm.s32 $0x16500;
	[sflag:s0] =	ssyncadd.s32 $0xFFFFD800  }
0xba: {  	v3 =	vld [tilespmem:s15+$0xD0]  }
0xbb: {  	v4 =	vld [tilespmem:s15+$0xF0]  }
0xbc: {  	v5 =	vld [tilespmem:s15+$0xFFFFFFF0]  }
0xbd: {  	v6 =	vld [tilespmem:s15+$0x0]  }
0xbe: {  	v7 =	vld [tilespmem:s15+$0x10]  }
0xbf: {  	v8 =	vld [tilespmem:s15+$0x20]  }
0xc0: {  	v9 =	vld [tilespmem:s15+$0x30]  }
0xc1: {  	s9 =	simm.s32 $0x0;
	v10 =	vld [tilespmem:s15+$0x50]  }
0xc2: {  	s10 =	simm.s32 $0x3;
	s16 =	simm.s32 $0x1;
	v1 =	vmov s9;
	v11 =	vld [tilespmem:s15+$0x60]  }
0xc3: {  	s25 =	simm.s32 $0x2;
	v12 =	vmov s16;
	v2 =	vmov s10;
	v1 =	vand.u32 $0xFFFFFFFC, v1;
	v13 =	vld [tilespmem:s15+$0x80]  }
0xc4: {  	v14 =	vbroadcast v1, $0x0;
	v1 =	vand.u32 $0xFFFFFFFD, v12;
	v12 =	vmov s25;
	v16 =	vld [tilespmem:s15+$0x90]  }
0xc5: {  	v15 =	vbroadcast v1, $0x0;
	v1 =	vand.u32 $0xFFFFFFFE, v12;
	v12 =	vld [tilespmem:s15+$0xA0]  }
0xc6: {  	v18 =	vld [tilespmem:s15+$0x40]  }
0xc7: {  	v19 =	vld [tilespmem:s15+$0xB0]  }
0xc8: {  	v20 =	vld [tilespmem:s15+$0xC0]  }
0xc9: {  	v17 =	vbroadcast v1, $0x0;
	v1 =	vld.idx.msk [tilespmem:v2+s28+$0x0], $0xffff  }
0xca: {  	v22 =	vld [tilespmem:s15+$0xFFFFFFC0]  }
0xcb: {  	v23 =	vld [tilespmem:s15+$0xFFFFFFB0]  }
0xcc: {  	v61 =	vld [tilespmem:s15+$0xFFFFFF90]  }
0xcd: {  	v21 =	vld.idx.msk [tilespmem:v14+s28+$0x0], $0xffff  }
0xce: {  	v14 =	vld.idx.msk [tilespmem:v15+s28+$0x0], $0xffff;
	v3 =	vmul.f32 v3, v1  }
0xcf: {  	v24 =	vld [tilespmem:s15+$0xFFFFFF60];
	v20 =	vmul.f32 v20, v1  }
0xd0: {  	v2 =	vld.idx.msk [tilespmem:v17+s28+$0x0], $0xffff;
	v13 =	vmul.f32 v13, v1;
	[tilespmem:s15+$0xD0] =	vst v3  }
0xd1: {  	v62 =	vld [tilespmem:s15+$0xFFFFFF40];
	v19 =	vmul.f32 v19, v1;
	[tilespmem:s15+$0xC0] =	vst v20  }
0xd2: {  	v15 =	vld [tilespmem:s15+$0xFFFFFFE0];
	v4 =	vmul.f32 v4, v1;
	[tilespmem:s15+$0x80] =	vst v13  }
0xd3: {  	v17 =	vld [tilespmem:s15+$0xFFFFFFD0];
	[tilespmem:s15+$0xB0] =	vst v19;
	v5 =	vmul.f32 v5, v14  }
0xd4: {  	v3 =	vld [tilespmem:s15+$0xFFFFFFA0];
	[tilespmem:s15+$0xF0] =	vst v4;
	v23 =	vmul.f32 v23, v14  }
0xd5: {  	v25 =	vld [tilespmem:s15+$0xFFFFFF30];
	v6 =	vmul.f32 v6, v2;
	[tilespmem:s15+$0xFFFFFFF0] =	vst v5  }
0xd6: {  	v13 =	vld [tilespmem:s15+$0xFFFFFF80];
	v7 =	vmul.f32 v7, v2;
	v8 =	vmul.f32 v8, v2;
	[tilespmem:s15+$0xFFFFFFB0] =	vst v23  }
0xd7: {  	v19 =	vld [tilespmem:s15+$0xFFFFFF70];
	v9 =	vmul.f32 v9, v2;
	v5 =	vmul.f32 v15, v14;
	[tilespmem:s15+$0x0] =	vst v6  }
0xd8: {  	v63 =	vld [tilespmem:s15+$0xFFFFFF10];
	v15 =	vmul.f32 v22, v14;
	v6 =	vmul.f32 v17, v14;
	[tilespmem:s15+$0x10] =	vst v7  }
0xd9: {  	v26 =	vld [tilespmem:s15+$0xFFFFFF00];
	[tilespmem:s15+$0x30] =	vst v9;
	v9 =	vmul.f32 v24, v21;
	v4 =	vmul.f32 v3, v14  }
0xda: {  	v17 =	vld [tilespmem:s15+$0xFFFFFF50];
	[tilespmem:s15+$0xFFFFFFE0] =	vst v5;
	v3 =	vmul.f32 v18, v2;
	v5 =	vmul.f32 v61, v14  }
0xdb: {  	v18 =	vld [tilespmem:s15+$0xFFFFFF20];
	[tilespmem:s15+$0xFFFFFFC0] =	vst v15;
	v7 =	vmul.f32 v13, v14;
	v15 =	vmul.f32 v11, v2  }
0xdc: {  	[tilespmem:s15+$0x20] =	vst v8;
	v8 =	vmul.f32 v19, v21;
	v14 =	vmul.f32 v12, v1  }
0xdd: {  	v13 =	vmul.f32 v16, v1;
	[tilespmem:s15+$0xFFFFFFD0] =	vst v6;
	v6 =	vmul.f32 v10, v2  }
0xde: {  	v11 =	vmul.f32 v62, v21;
	v12 =	vmul.f32 v25, v21;
	[tilespmem:s15+$0xA0] =	vst v14  }
0xdf: {  	v16 =	vld [tilespmem:s15+$0xE0];
	v14 =	vmul.f32 v63, v21;
	[tilespmem:s15+$0x50] =	vst v6;
	v6 =	vmul.f32 v26, v21  }
0xe0: {  	s16 =	simm.s32 $0x7;
	s9 =	simm.s32 $0x16700;
	[tilespmem:s15+$0x90] =	vst v13;
	v10 =	vmul.f32 v17, v21;
	v17 =	vld [tilespmem:s15+$0x70];
	v13 =	vmul.f32 v18, v21  }
.LBB2_5:
0xe1: {  	s10 =	sadd.s32 $0xFFFFFFFD, s16  }
0xe2: {  	v18 =	vmov s16;
	v19 =	vld [tilespmem:s9+$0xD0];
	p0 =	sne.s32 s16, $0x4F;
	[tilespmem:s15+$0x60] =	vst v15;
	s17 =	smov.u32 s16;
	s16 =	sadd.s32 $0x4, s16  }
0xe3: {  	s25 =	sadd.s32 $0xFFFFFFFE, s17;
	v15 =	vmov s10;
	v20 =	vld [tilespmem:s9+$0xF0];
	[tilespmem:s15+$0xFFFFFFA0] =	vst v4  }
0xe4: {  	s10 =	sadd.s32 $0xFFFFFFFF, s17;
	v4 =	vand.u32 $0xFFFFFFFC, v15;
	v15 =	vmov s25;
	v21 =	vld [tilespmem:s9+$0xFFFFFFF0];
	[tilespmem:s15+$0xFFFFFF90] =	vst v5  }
0xe5: {  	v4 =	vbroadcast v4, $0x0;
	v5 =	vand.u32 $0xFFFFFFFD, v15;
	v15 =	vmov s10;
	v22 =	vld [tilespmem:s9+$0x0];
	[tilespmem:s15+$0xFFFFFF80] =	vst v7  }
0xe6: {  	v5 =	vbroadcast v5, $0x0;
	v7 =	vand.u32 $0xFFFFFFFE, v15;
	v15 =	vld [tilespmem:s9+$0x10];
	[tilespmem:s15+$0xFFFFFF70] =	vst v8;
	v2 =	vmul.f32 v17, v2  }
0xe7: {  	v1 =	vmul.f32 v16, v1;
	v7 =	vbroadcast v7, $0x0;
	v8 =	vld [tilespmem:s9+$0x20];
	[tilespmem:s15+$0xFFFFFF60] =	vst v9  }
0xe8: {  	v9 =	vld [tilespmem:s9+$0x30];
	[tilespmem:s15+$0xFFFFFF50] =	vst v10  }
0xe9: {  	v10 =	vld [tilespmem:s9+$0x50];
	[tilespmem:s15+$0xFFFFFF40] =	vst v11  }
0xea: {  	v11 =	vld [tilespmem:s9+$0x60];
	[tilespmem:s15+$0xFFFFFF30] =	vst v12  }
0xeb: {  	v12 =	vld [tilespmem:s9+$0x80];
	[tilespmem:s15+$0xFFFFFF20] =	vst v13  }
0xec: {  	v13 =	vld [tilespmem:s9+$0x90];
	[tilespmem:s15+$0xFFFFFF10] =	vst v14  }
0xed: {  	v14 =	vld [tilespmem:s9+$0xA0];
	[tilespmem:s15+$0x40] =	vst v3  }
0xee: {  	v3 =	vld [tilespmem:s9+$0x40];
	[tilespmem:s15+$0x70] =	vst v2  }
0xef: {  	v16 =	vld [tilespmem:s9+$0xB0];
	[tilespmem:s15+$0xE0] =	vst v1  }
0xf0: {  	v17 =	vld [tilespmem:s9+$0xC0];
	[tilespmem:s15+$0xFFFFFF00] =	vst v6;
	s15 =	smov.u32 s9  }
0xf1: {  	v1 =	vld.idx.msk [tilespmem:v18+s28+$0x0], $0xffff  }
0xf2: {  	v6 =	vld.idx.msk [tilespmem:v4+s28+$0x0], $0xffff  }
0xf3: {  	v18 =	vld.idx.msk [tilespmem:v5+s28+$0x0], $0xffff  }
0xf4: {  	v2 =	vld.idx.msk [tilespmem:v7+s28+$0x0], $0xffff  }
0xf5: {  	v4 =	vld [tilespmem:s9+$0xFFFFFFE0]  }
0xf6: {  	v5 =	vld [tilespmem:s9+$0xFFFFFFD0]  }
0xf7: {  	v19 =	vmul.f32 v19, v1;
	v20 =	vmul.f32 v20, v1;
	v7 =	vld [tilespmem:s9+$0xFFFFFFC0]  }
0xf8: {  	v12 =	vmul.f32 v12, v1;
	v17 =	vmul.f32 v17, v1;
	v23 =	vld [tilespmem:s9+$0xFFFFFFB0]  }
0xf9: {  	v16 =	vmul.f32 v16, v1;
	v21 =	vmul.f32 v21, v18;
	v24 =	vld [tilespmem:s9+$0xFFFFFFA0];
	[tilespmem:s9+$0xD0] =	vst v19  }
0xfa: {  	v22 =	vmul.f32 v22, v2;
	v19 =	vld [tilespmem:s9+$0xFFFFFF90];
	v25 =	vmul.f32 v4, v18;
	[tilespmem:s9+$0xC0] =	vst v17  }
0xfb: {  	v27 =	vmul.f32 v15, v2;
	v17 =	vld [tilespmem:s9+$0xFFFFFF80];
	v26 =	vmul.f32 v5, v18;
	[tilespmem:s9+$0x80] =	vst v12  }
0xfc: {  	v29 =	vmul.f32 v8, v2;
	v12 =	vld [tilespmem:s9+$0xFFFFFF70];
	v28 =	vmul.f32 v7, v18;
	[tilespmem:s9+$0xB0] =	vst v16  }
0xfd: {  	v16 =	vld [tilespmem:s9+$0xFFFFFF60];
	v23 =	vmul.f32 v23, v18;
	[tilespmem:s9+$0xFFFFFFF0] =	vst v21;
	v21 =	vmul.f32 v9, v2  }
0xfe: {  	v3 =	vmul.f32 v3, v2;
	v30 =	vld [tilespmem:s9+$0xFFFFFF50];
	v4 =	vmul.f32 v24, v18;
	[tilespmem:s9+$0x0] =	vst v22  }
0xff: {  	v22 =	vld [tilespmem:s9+$0xFFFFFF40];
	v5 =	vmul.f32 v19, v18;
	v19 =	vmul.f32 v10, v2;
	[tilespmem:s9+$0xF0] =	vst v20  }
0x100: {  	v15 =	vmul.f32 v11, v2;
	v20 =	vld [tilespmem:s9+$0xFFFFFF30];
	v7 =	vmul.f32 v17, v18;
	[tilespmem:s9+$0xFFFFFFE0] =	vst v25  }
0x101: {  	v18 =	vmul.f32 v13, v1;
	v17 =	vld [tilespmem:s9+$0xFFFFFF20];
	v8 =	vmul.f32 v12, v6;
	[tilespmem:s9+$0x10] =	vst v27  }
0x102: {  	v24 =	vld [tilespmem:s9+$0xFFFFFF10];
	v9 =	vmul.f32 v16, v6;
	[tilespmem:s9+$0xFFFFFFD0] =	vst v26;
	v16 =	vmul.f32 v14, v1  }
0x103: {  	v25 =	vld [tilespmem:s9+$0xFFFFFF00];
	v10 =	vmul.f32 v30, v6;
	[tilespmem:s9+$0xFFFFFFC0] =	vst v28  }
0x104: {  	v11 =	vmul.f32 v22, v6;
	[tilespmem:s9+$0x20] =	vst v29  }
.Ltmp1:
0x105: {  	v12 =	vmul.f32 v20, v6;
	[tilespmem:s9+$0x30] =	vst v21;
	(pc) =	sbr.rel @p0 .LBB2_5-.Ltmp1, $4  }
0x106: {  	v13 =	vmul.f32 v17, v6;
	[tilespmem:s9+$0x50] =	vst v19  }
0x107: {  	v14 =	vmul.f32 v24, v6;
	[tilespmem:s9+$0x90] =	vst v18  }
0x108: {  	v6 =	vmul.f32 v25, v6;
	[tilespmem:s9+$0xA0] =	vst v16;
	v16 =	vld [tilespmem:s9+$0xE0]  }
0x109: {  	s9 =	sadd.s32 $0x200, s9;
	[tilespmem:s15+$0xFFFFFFB0] =	vst v23;
	v17 =	vld [tilespmem:s15+$0x70]  }
0x10a: {  	[tilespmem:s15+$0x60] =	vst v15  }
0x10b: {  	[tilespmem:s15+$0xFFFFFFA0] =	vst v4  }
0x10c: {  	[tilespmem:s15+$0xFFFFFF90] =	vst v5  }
0x10d: {  	[tilespmem:s15+$0xFFFFFF80] =	vst v7  }
0x10e: {  	[tilespmem:s15+$0xFFFFFF70] =	vst v8  }
0x10f: {  	[tilespmem:s15+$0xFFFFFF60] =	vst v9  }
0x110: {  	[tilespmem:s15+$0xFFFFFF50] =	vst v10  }
0x111: {  	[tilespmem:s15+$0xFFFFFF40] =	vst v11  }
0x112: {  	[tilespmem:s15+$0xFFFFFF30] =	vst v12  }
0x113: {  	[tilespmem:s15+$0xFFFFFF20] =	vst v13  }
0x114: {  	[tilespmem:s15+$0xFFFFFF10] =	vst v14  }
0x115: {  	[tilespmem:s15+$0x40] =	vst v3;
	v1 =	vmul.f32 v16, v1  }
0x116: {  	[tilespmem:s15+$0xFFFFFF00] =	vst v6;
	v2 =	vmul.f32 v17, v2  }
0x117: {  	[tilespmem:s15+$0xE0] =	vst v1  }
0x118: {  	[tilespmem:s15+$0x70] =	vst v2  }
0x119: {  	[spmem:s2] =	stream.indirect.scatter.add.f32 [tilespmem:s30], [sflag:$0x4], $0x80, s26, s22, $0xb8;
	[tilespmem:$0x19000] =	vst v63  }
0x11a: {  	s9 =	sadd.s32 s12, s14;
	_ =	swait.ge [sflag:s3], $0x2800  }
0x11b: {  	s9 =	sshrl.u32 s9, $0x3;
	[sflag:s3] =	ssyncset.done $0x0  }
0x11c: {  	s10 =	sadd.s32 s6, s9;
	[sflag:s3] =	ssyncadd.s32 $0xFFFFD800  }
0x11d: {  	[tilespmem:s19], [sflag:$0x5] =	stream.linear.gather [hbm4b:s10+s4], $0x50, $0x38;
	[tilespmem:$0x19000] =	vst v63  }
0x11e: {  	_ =	swait.ge [sflag:s18], $0x50  }
0x11f: {  	[sflag:s18] =	ssyncset.done $0x0  }
0x120: {  	s25 =	sadd.s32 s7, s9;
	[sflag:s18] =	ssyncadd.s32 $0xFFFFFFB0  }
0x121: {  	[tilespmem:s20], [sflag:$0x5] =	stream.linear.gather [hbm4b:s25+s4], $0x50, $0x38;
	[tilespmem:$0x19000] =	vst v63  }
0x122: {  	_ =	swait.ge [sflag:s18], $0x50  }
0x123: {  	[sflag:s18] =	ssyncset.done $0x0  }
0x124: {  	s9 =	sadd.s32 s1, s9;
	[sflag:s18] =	ssyncadd.s32 $0xFFFFFFB0  }
0x125: {  	[tilespmem:s21], [sflag:$0x5] =	stream.linear.gather [hbm4b:s9+s4], $0x50, $0x38;
	[tilespmem:$0x19000] =	vst v63  }
0x126: {  	_ =	swait.ge [sflag:s18], $0x50  }
0x127: {  	[sflag:s18] =	ssyncset.done $0x0  }
0x128: {  	[sflag:s18] =	ssyncadd.s32 $0xFFFFFFB0  }
0x129: {  	v1 =	vld [tilespmem:$0x18C00]  }
0x12a: {  	v2 =	vld [tilespmem:$0x18C10]  }
0x12b: {  	v3 =	vld [tilespmem:$0x18C20]  }
0x12c: {  	v62 =	vld [tilespmem:$0x18C30]  }
0x12d: {  	v63 =	vld [tilespmem:$0x18C40]  }
0x12e: {  	v1 =	vadd.s32 v0, v1  }
0x12f: {  	[tilespmem:$0x18D00] =	vst v1;
	v1 =	vadd.s32 v0, v2  }
0x130: {  	[tilespmem:$0x18D10] =	vst v1;
	v1 =	vadd.s32 v0, v3  }
0x131: {  	s11 =	sadd.s32 $0x1, s11;
	[tilespmem:$0x18D20] =	vst v1;
	v1 =	vadd.s32 v0, v62  }
0x132: {  	p0 =	sne.s32 s11, $0x3E;
	[tilespmem:$0x18D30] =	vst v1;
	v1 =	vadd.s32 v0, v63  }
.Ltmp2:
0x133: {  	[tilespmem:$0x18D40] =	vst v1;
	(pc) =	sbr.rel @p0 .LBB2_2-.Ltmp2, $4  }
0x134: {  	[tilespmem:s24], [sflag:$0x1] =	stream.indirect.gather [hbm4b:s5+s22], $0x80, s23, s22, $0xb8;
	[tilespmem:$0x19000] =	vst v63  }
0x135: {  	_ =	swait.ge [sflag:s8], $0x2800  }
0x136: {  	[sflag:s8] =	ssyncset.done $0x0  }
0x137: {  	[sflag:s8] =	ssyncadd.s32 $0xFFFFD800  }
0x138: {  	_ =	swait.ge [sflag:s31], $0x2800  }
0x139: {  	[sflag:s31] =	ssyncset.done $0x0  }
0x13a: {  	s11 =	simm.s32 $0x13D00;
	[sflag:s31] =	ssyncadd.s32 $0xFFFFD800  }
0x13b: {  	v3 =	vld [tilespmem:s11+$0xD0]  }
0x13c: {  	v4 =	vld [tilespmem:s11+$0xF0]  }
0x13d: {  	v5 =	vld [tilespmem:s11+$0xFFFFFFF0]  }
0x13e: {  	v6 =	vld [tilespmem:s11+$0x0]  }
0x13f: {  	v7 =	vld [tilespmem:s11+$0x10]  }
0x140: {  	v8 =	vld [tilespmem:s11+$0x20]  }
0x141: {  	v9 =	vld [tilespmem:s11+$0x30]  }
0x142: {  	v10 =	vld [tilespmem:s11+$0x50]  }
0x143: {  	v11 =	vld [tilespmem:s11+$0x60]  }
0x144: {  	s10 =	simm.s32 $0x3;
	v13 =	vld [tilespmem:s11+$0x80]  }
0x145: {  	s9 =	simm.s32 $0x0;
	v2 =	vmov s10;
	v16 =	vld [tilespmem:s11+$0x90]  }
0x146: {  	s12 =	simm.s32 $0x1;
	v1 =	vmov s9;
	v18 =	vld [tilespmem:s11+$0x40]  }
0x147: {  	s25 =	simm.s32 $0x2;
	v12 =	vmov s12;
	v1 =	vand.u32 $0xFFFFFFFC, v1;
	v19 =	vld [tilespmem:s11+$0xB0]  }
0x148: {  	v14 =	vbroadcast v1, $0x0;
	v1 =	vand.u32 $0xFFFFFFFD, v12;
	v12 =	vmov s25;
	v20 =	vld [tilespmem:s11+$0xC0]  }
0x149: {  	v22 =	vld [tilespmem:s11+$0xFFFFFFC0];
	v15 =	vbroadcast v1, $0x0;
	v1 =	vand.u32 $0xFFFFFFFE, v12  }
0x14a: {  	v17 =	vbroadcast v1, $0x0;
	v1 =	vld.idx.msk [tilespmem:v2+s21+$0x0], $0xffff  }
0x14b: {  	v23 =	vld [tilespmem:s11+$0xFFFFFFB0]  }
0x14c: {  	v61 =	vld [tilespmem:s11+$0xFFFFFF90]  }
0x14d: {  	v24 =	vld [tilespmem:s11+$0xFFFFFF60]  }
0x14e: {  	v21 =	vld.idx.msk [tilespmem:v14+s21+$0x0], $0xffff  }
0x14f: {  	v14 =	vld.idx.msk [tilespmem:v15+s21+$0x0], $0xffff;
	v3 =	vmul.f32 v3, v1  }
0x150: {  	v62 =	vld [tilespmem:s11+$0xFFFFFF40];
	v20 =	vmul.f32 v20, v1  }
0x151: {  	v2 =	vld.idx.msk [tilespmem:v17+s21+$0x0], $0xffff;
	v13 =	vmul.f32 v13, v1;
	[tilespmem:s11+$0xD0] =	vst v3  }
0x152: {  	v15 =	vld [tilespmem:s11+$0xFFFFFFE0];
	v19 =	vmul.f32 v19, v1;
	[tilespmem:s11+$0xC0] =	vst v20  }
0x153: {  	v17 =	vld [tilespmem:s11+$0xFFFFFFD0];
	v4 =	vmul.f32 v4, v1;
	[tilespmem:s11+$0x80] =	vst v13  }
0x154: {  	v3 =	vld [tilespmem:s11+$0xFFFFFFA0];
	[tilespmem:s11+$0xB0] =	vst v19;
	v5 =	vmul.f32 v5, v14  }
0x155: {  	v13 =	vld [tilespmem:s11+$0xFFFFFF80];
	[tilespmem:s11+$0xF0] =	vst v4;
	v23 =	vmul.f32 v23, v14  }
0x156: {  	v19 =	vld [tilespmem:s11+$0xFFFFFF70];
	v6 =	vmul.f32 v6, v2;
	[tilespmem:s11+$0xFFFFFFF0] =	vst v5  }
0x157: {  	v25 =	vld [tilespmem:s11+$0xFFFFFF30];
	v7 =	vmul.f32 v7, v2;
	v8 =	vmul.f32 v8, v2;
	[tilespmem:s11+$0xFFFFFFB0] =	vst v23  }
0x158: {  	v12 =	vld [tilespmem:s11+$0xA0];
	v9 =	vmul.f32 v9, v2;
	v5 =	vmul.f32 v15, v14;
	[tilespmem:s11+$0x0] =	vst v6  }
0x159: {  	v63 =	vld [tilespmem:s11+$0xFFFFFF10];
	v15 =	vmul.f32 v22, v14;
	v6 =	vmul.f32 v17, v14;
	[tilespmem:s11+$0x10] =	vst v7  }
0x15a: {  	v26 =	vld [tilespmem:s11+$0xFFFFFF00];
	v4 =	vmul.f32 v3, v14;
	v3 =	vmul.f32 v18, v2;
	[tilespmem:s11+$0x20] =	vst v8  }
0x15b: {  	v17 =	vld [tilespmem:s11+$0xFFFFFF50];
	v7 =	vmul.f32 v13, v14;
	v8 =	vmul.f32 v19, v21;
	[tilespmem:s11+$0x30] =	vst v9  }
0x15c: {  	v18 =	vld [tilespmem:s11+$0xFFFFFF20];
	v13 =	vmul.f32 v16, v1;
	v9 =	vmul.f32 v24, v21;
	[tilespmem:s11+$0xFFFFFFE0] =	vst v5  }
0x15d: {  	v5 =	vmul.f32 v61, v14;
	[tilespmem:s11+$0xFFFFFFC0] =	vst v15;
	v14 =	vmul.f32 v12, v1  }
0x15e: {  	v15 =	vmul.f32 v11, v2;
	[tilespmem:s11+$0xFFFFFFD0] =	vst v6;
	v6 =	vmul.f32 v10, v2  }
0x15f: {  	v11 =	vmul.f32 v62, v21;
	v12 =	vmul.f32 v25, v21;
	[tilespmem:s11+$0xA0] =	vst v14  }
0x160: {  	v16 =	vld [tilespmem:s11+$0xE0];
	v14 =	vmul.f32 v63, v21;
	[tilespmem:s11+$0x50] =	vst v6;
	v6 =	vmul.f32 v26, v21  }
0x161: {  	s12 =	simm.s32 $0x7;
	s9 =	simm.s32 $0x13F00;
	[tilespmem:s11+$0x90] =	vst v13;
	v10 =	vmul.f32 v17, v21;
	v13 =	vmul.f32 v18, v21;
	v17 =	vld [tilespmem:s11+$0x70]  }
.LBB2_8:
0x162: {  	s10 =	sadd.s32 $0xFFFFFFFD, s12  }
0x163: {  	v18 =	vmov s12;
	v19 =	vld [tilespmem:s9+$0xD0];
	p0 =	sne.s32 s12, $0x4F;
	[tilespmem:s11+$0x60] =	vst v15;
	s15 =	smov.u32 s12;
	s12 =	sadd.s32 $0x4, s12  }
0x164: {  	s16 =	sadd.s32 $0xFFFFFFFE, s15;
	v15 =	vmov s10;
	v20 =	vld [tilespmem:s9+$0xF0];
	[tilespmem:s11+$0xFFFFFFA0] =	vst v4  }
0x165: {  	s10 =	sadd.s32 $0xFFFFFFFF, s15;
	v4 =	vand.u32 $0xFFFFFFFC, v15;
	v15 =	vmov s16;
	v21 =	vld [tilespmem:s9+$0xFFFFFFF0];
	[tilespmem:s11+$0xFFFFFF90] =	vst v5  }
0x166: {  	v4 =	vbroadcast v4, $0x0;
	v5 =	vand.u32 $0xFFFFFFFD, v15;
	v15 =	vmov s10;
	v22 =	vld [tilespmem:s9+$0x0];
	[tilespmem:s11+$0xFFFFFF80] =	vst v7  }
0x167: {  	v5 =	vbroadcast v5, $0x0;
	v7 =	vand.u32 $0xFFFFFFFE, v15;
	v15 =	vld [tilespmem:s9+$0x10];
	[tilespmem:s11+$0xFFFFFF70] =	vst v8;
	v2 =	vmul.f32 v17, v2  }
0x168: {  	v1 =	vmul.f32 v16, v1;
	v7 =	vbroadcast v7, $0x0;
	v8 =	vld [tilespmem:s9+$0x20];
	[tilespmem:s11+$0xFFFFFF60] =	vst v9  }
0x169: {  	v9 =	vld [tilespmem:s9+$0x30];
	[tilespmem:s11+$0xFFFFFF50] =	vst v10  }
0x16a: {  	v10 =	vld [tilespmem:s9+$0x50];
	[tilespmem:s11+$0xFFFFFF40] =	vst v11  }
0x16b: {  	v11 =	vld [tilespmem:s9+$0x60];
	[tilespmem:s11+$0xFFFFFF30] =	vst v12  }
0x16c: {  	v12 =	vld [tilespmem:s9+$0x80];
	[tilespmem:s11+$0xFFFFFF20] =	vst v13  }
0x16d: {  	v13 =	vld [tilespmem:s9+$0x90];
	[tilespmem:s11+$0xFFFFFF10] =	vst v14  }
0x16e: {  	v14 =	vld [tilespmem:s9+$0xA0];
	[tilespmem:s11+$0x40] =	vst v3  }
0x16f: {  	v3 =	vld [tilespmem:s9+$0x40];
	[tilespmem:s11+$0x70] =	vst v2  }
0x170: {  	v16 =	vld [tilespmem:s9+$0xB0];
	[tilespmem:s11+$0xE0] =	vst v1  }
0x171: {  	v17 =	vld [tilespmem:s9+$0xC0];
	[tilespmem:s11+$0xFFFFFF00] =	vst v6;
	s11 =	smov.u32 s9  }
0x172: {  	v1 =	vld.idx.msk [tilespmem:v18+s21+$0x0], $0xffff  }
0x173: {  	v6 =	vld.idx.msk [tilespmem:v4+s21+$0x0], $0xffff  }
0x174: {  	v18 =	vld.idx.msk [tilespmem:v5+s21+$0x0], $0xffff  }
0x175: {  	v2 =	vld.idx.msk [tilespmem:v7+s21+$0x0], $0xffff  }
0x176: {  	v4 =	vld [tilespmem:s9+$0xFFFFFFE0]  }
0x177: {  	v5 =	vld [tilespmem:s9+$0xFFFFFFD0]  }
0x178: {  	v19 =	vmul.f32 v19, v1;
	v20 =	vmul.f32 v20, v1;
	v7 =	vld [tilespmem:s9+$0xFFFFFFC0]  }
0x179: {  	v12 =	vmul.f32 v12, v1;
	v17 =	vmul.f32 v17, v1;
	v23 =	vld [tilespmem:s9+$0xFFFFFFB0]  }
0x17a: {  	v16 =	vmul.f32 v16, v1;
	v21 =	vmul.f32 v21, v18;
	v24 =	vld [tilespmem:s9+$0xFFFFFFA0];
	[tilespmem:s9+$0xD0] =	vst v19  }
0x17b: {  	v22 =	vmul.f32 v22, v2;
	v19 =	vld [tilespmem:s9+$0xFFFFFF90];
	v25 =	vmul.f32 v4, v18;
	[tilespmem:s9+$0xC0] =	vst v17  }
0x17c: {  	v27 =	vmul.f32 v15, v2;
	v17 =	vld [tilespmem:s9+$0xFFFFFF80];
	v26 =	vmul.f32 v5, v18;
	[tilespmem:s9+$0x80] =	vst v12  }
0x17d: {  	v29 =	vmul.f32 v8, v2;
	v12 =	vld [tilespmem:s9+$0xFFFFFF70];
	v28 =	vmul.f32 v7, v18;
	[tilespmem:s9+$0xB0] =	vst v16  }
0x17e: {  	v16 =	vld [tilespmem:s9+$0xFFFFFF60];
	v23 =	vmul.f32 v23, v18;
	[tilespmem:s9+$0xFFFFFFF0] =	vst v21;
	v21 =	vmul.f32 v9, v2  }
0x17f: {  	v3 =	vmul.f32 v3, v2;
	v30 =	vld [tilespmem:s9+$0xFFFFFF50];
	v4 =	vmul.f32 v24, v18;
	[tilespmem:s9+$0x0] =	vst v22  }
0x180: {  	v22 =	vld [tilespmem:s9+$0xFFFFFF40];
	v5 =	vmul.f32 v19, v18;
	v19 =	vmul.f32 v10, v2;
	[tilespmem:s9+$0xF0] =	vst v20  }
0x181: {  	v15 =	vmul.f32 v11, v2;
	v20 =	vld [tilespmem:s9+$0xFFFFFF30];
	v7 =	vmul.f32 v17, v18;
	[tilespmem:s9+$0xFFFFFFE0] =	vst v25  }
0x182: {  	v18 =	vmul.f32 v13, v1;
	v17 =	vld [tilespmem:s9+$0xFFFFFF20];
	v8 =	vmul.f32 v12, v6;
	[tilespmem:s9+$0x10] =	vst v27  }
0x183: {  	v24 =	vld [tilespmem:s9+$0xFFFFFF10];
	v9 =	vmul.f32 v16, v6;
	[tilespmem:s9+$0xFFFFFFD0] =	vst v26;
	v16 =	vmul.f32 v14, v1  }
0x184: {  	v25 =	vld [tilespmem:s9+$0xFFFFFF00];
	v10 =	vmul.f32 v30, v6;
	[tilespmem:s9+$0xFFFFFFC0] =	vst v28  }
0x185: {  	v11 =	vmul.f32 v22, v6;
	[tilespmem:s9+$0x20] =	vst v29  }
.Ltmp3:
0x186: {  	v12 =	vmul.f32 v20, v6;
	[tilespmem:s9+$0x30] =	vst v21;
	(pc) =	sbr.rel @p0 .LBB2_8-.Ltmp3, $4  }
0x187: {  	v13 =	vmul.f32 v17, v6;
	[tilespmem:s9+$0x50] =	vst v19  }
0x188: {  	v14 =	vmul.f32 v24, v6;
	[tilespmem:s9+$0x90] =	vst v18  }
0x189: {  	v6 =	vmul.f32 v25, v6;
	[tilespmem:s9+$0xA0] =	vst v16;
	v16 =	vld [tilespmem:s9+$0xE0]  }
0x18a: {  	s9 =	sadd.s32 $0x200, s9;
	[tilespmem:s11+$0xFFFFFFB0] =	vst v23;
	v17 =	vld [tilespmem:s11+$0x70]  }
0x18b: {  	[tilespmem:s11+$0x60] =	vst v15  }
0x18c: {  	[tilespmem:s11+$0xFFFFFFA0] =	vst v4  }
0x18d: {  	[tilespmem:s11+$0xFFFFFF90] =	vst v5  }
0x18e: {  	[tilespmem:s11+$0xFFFFFF80] =	vst v7  }
0x18f: {  	[tilespmem:s11+$0xFFFFFF70] =	vst v8  }
0x190: {  	[tilespmem:s11+$0xFFFFFF60] =	vst v9  }
0x191: {  	[tilespmem:s11+$0xFFFFFF50] =	vst v10  }
0x192: {  	[tilespmem:s11+$0xFFFFFF40] =	vst v11  }
0x193: {  	[tilespmem:s11+$0xFFFFFF30] =	vst v12  }
0x194: {  	[tilespmem:s11+$0xFFFFFF20] =	vst v13  }
0x195: {  	[tilespmem:s11+$0xFFFFFF10] =	vst v14  }
0x196: {  	[tilespmem:s11+$0x40] =	vst v3;
	v1 =	vmul.f32 v16, v1  }
0x197: {  	[tilespmem:s11+$0xFFFFFF00] =	vst v6;
	v2 =	vmul.f32 v17, v2  }
0x198: {  	[tilespmem:s11+$0xE0] =	vst v1  }
0x199: {  	[tilespmem:s11+$0x70] =	vst v2  }
0x19a: {  	[spmem:s2] =	stream.indirect.scatter.add.f32 [tilespmem:s24], [sflag:$0x5], $0x80, s20, s22, $0xb8;
	[tilespmem:$0x19000] =	vst v63  }
0x19b: {  	_ =	swait.ge [sflag:s18], $0x2800  }
0x19c: {  	[sflag:s18] =	ssyncset.done $0x0  }
0x19d: {  	[sflag:s18] =	ssyncadd.s32 $0xFFFFD800  }
0x19e: {  	[bflag:$0x0] =	sbarrier.arrive $0xFFFF  }
0x19f: {  	s15 =	rddreg [dreg:$0x6]  }
0x1a0: {  	s9 =	rddreg [dreg:$0xa]  }
0x1a1: {  	s10 =	rddreg [dreg:$0xc]  }
0x1a2: {  	[hbm:s9], [sflag:s15] =	dma.local [spmem:s10], $0x2780  }
0x1a3: {  	_ =	swait.ge [sflag:s18], $0x2780  }
0x1a4: {  	s17 =	rddreg [dreg:$0xd]  }
0x1a5: {  	s25 =	rddreg [dreg:$0xb];
	s11 =	sadd.s32 $0x1, s17  }
0x1a6: {  	p0 =	sne.s32 s11, s25  }
.Ltmp4:
0x1a7: {  	_ = 	snop;
	(pc) =	sbr.rel @p0 .LBB2_1-.Ltmp4, $3  }
0x1a8: {  	_ =	sdelay $0x1  }
0x1a9: {  	[sflag:s18] =	ssyncset.done $0x0  }
0x1aa: {  	[sflag:s18] =	ssyncadd.s32 $0xFFFFD880  }
0x1ab: {  	_ =	sfence.sel $0x180000  }
0x1ac: {  	[bflag:$0x0] =	sbarrier.arrive $0xFFFF  }
0x1ad: {  	_ =	strace $0x9000004D  }
0x1ae: {  	s0 =	stileid.u32;
	[bflag:$0x2] =	sbarrier.arrive $0xFFFF  }
0x1af: {  	p0 =	sne.s32 s0, $0x0;
	s0 =	rddreg [dreg:$0x4]  }
0x1b0: {  	s0 =	sadd.s32 @!p0 $0x100000, s0  }
0x1b1: {  	[sflag:s0] =	ssyncadd.tile.s32 @!p0 $0x1;
	_ =	shalt  }
.Lfunc_end2:
_tile_overlayer_lowered:
.L_overlay_start_2:
0x1b2: {  	(tag) =	ssettag $0x2  }
0x1b3: {  	s0 =	rddreg [dreg:$0x0];
	s2 =	stileid.u32  }
0x1b4: {  	s1 =	rddreg [dreg:$0x1];
	p0 =	sne.s32 s2, $0x0  }
0x1b5: {  	s3 =	rddreg [dreg:$0x2];
	[bflag:$0x3] =	sbarrier.arrive $0xFFFF;
	s2 =	simm.s32 @!p0 $0x1C05  }
0x1b6: {  	[timem:s3], [sflag:s2] =	dma.local @!p0 [hbm:s0], s1  }
0x1b7: {  	s0 =	simm.s32 @!p0 $0x5  }
0x1b8: {  	_ =	swait.ge @!p0 [sflag:s0], s1  }
0x1b9: {  	s1 =	ssub.s32 @!p0 $0x0, s1;
	[sflag:s0] =	ssyncset.done @!p0 $0x0  }
0x1ba: {  	[sflag:s0] =	ssyncadd.s32 @!p0 s1  }
0x1bb: {  	[bflag:$0x3] =	sbarrier.arrive $0xFFFF  }
0x1bc: {  	_ =	shalt  }

// kernel: kernel.6.cloned.1.call-start
scs
__scs_entry_jumppad:
0x0: {  	(pc) =	sbr.rel $0x88, $3  }
0x1: {  	(tag) =	ssettag $0x0;
	lr =	simm.s32 $0x1  }
0x2: {  	[smem:$0x3F9D] =	sst lr;
	_ =	strace $0xD0000000  }
0x3: {  	_ = 	snop  }
0x4: {  	_ = 	snop  }
0x5: {  	_ = 	snop  }
0x6: {  	_ = 	snop  }
0x7: {  	_ = 	snop  }
__scs_overlays_trampoline_lowered:
0x8: {  	[smem:$0x3FAC] =	sst s0  }
0x9: {  	[smem:$0x3FAD] =	sst s1  }
0xa: {  	[smem:$0x3FAE] =	sst s2  }
0xb: {  	[smem:$0x3FAF] =	sst s3  }
0xc: {  	[smem:$0x3FB0] =	sst s4  }
0xd: {  	[smem:$0x3FB1] =	sst s5  }
0xe: {  	[smem:$0x3FB2] =	sst s6  }
0xf: {  	[smem:$0x3FB3] =	sst s7  }
0x10: {  	[smem:$0x3FB4] =	sst s8  }
0x11: {  	[smem:$0x3FB5] =	sst s9;
	s0 =	simm.s32 @!p0 $0x0  }
0x12: {  	s1 =	sld [smem:$0x3F9B];
	s0 =	simm.s32 @p0 $0x1  }
0x13: {  	[smem:$0x3FB6] =	sst s0;
	s0 =	simm.s32 @!p1 $0x0  }
0x14: {  	s2 =	sld [smem:$0x3F9A];
	s0 =	simm.s32 @p1 $0x1  }
0x15: {  	[smem:$0x3FB7] =	sst s0;
	s0 =	simm.s32 @!p2 $0x0  }
0x16: {  	s3 =	sld [smem:$0x3FDB];
	s0 =	simm.s32 @p2 $0x1  }
0x17: {  	s4 =	simm.s32 $0x1BF5;
	[smem:$0x3FB9] =	sst s0  }
0x18: {  	s0 =	sld [smem:$0x3F9C];
	_ =	swait.ge [sflag:s4], $0x0  }
0x19: {  	s7 =	sld [smem:$0x3F9D]  }
0x1a: {  	s8 =	sadd.s32 $0xFFFFE003, lr  }
0x1b: {  	s9 =	sadd.s32 $0xFFFFFEF7, lr;
	s5 =	simm.s32 $0xFFFFFFFF;
	p2 =	slt.u32 s8, $0xFFFFF086  }
0x1c: {  	p1 =	slt.u32 s9, $0xF7A;
	s5 =	simm.s32 @!p2 $0x0  }
0x1d: {  	s5 =	simm.s32 @p1 $0x1;
	p0 =	seq.s32 s7, s2  }
0x1e: {  	s7 =	smul.u32 @!p0 $0xF7A, s2;
	p2 =	seq.s32 @!p0 s5, $0x0  }
0x1f: {  	s9 =	smul.u32 $0xF7A, s1;
	s8 =	simm.s32 @!p0 $0x1BF5;
	p2 =	por !p2, p0  }
0x20: {  	[sflag:s8] =	ssyncset.s32 @!p0 $0xFFFFF086;
	s6 =	sadd.s32 @!p0 s3, s7;
	s7 =	simm.s32 @!p0 $0x108  }
0x21: {  	s3 =	sadd.s32 s3, s9;
	s6 =	sadd.s32 @!p0 $0x88, s6;
	s7 =	simm.s32 @p2 $0x1082  }
0x22: {  	[simem:s7], [sflag:s8] =	dma.local @!p0 [hbm:s6], $0xF7A  }
0x23: {  	s9 =	sor.u32 $0xD0000000, s2;
	s6 =	simm.s32 $0x108;
	_ =	swait.ge @!p0 [sflag:s8], $0x0  }
0x24: {  	s3 =	sadd.s32 $0x88, s3;
	s6 =	simm.s32 @!p1 $0x1082;
	[sflag:s4] =	ssyncset.s32 $0xFFFFF086  }
0x25: {  	[simem:s6], [sflag:s4] =	dma.local [hbm:s3], $0xF7A  }
0x26: {  	[smem:$0x3F9D] =	sst s1;
	(tag) =	ssettag s2;
	_ =	strace s9  }
0x27: {  	s1 =	sld [smem:$0x3FAD]  }
0x28: {  	s2 =	sld [smem:$0x3FAE]  }
0x29: {  	s4 =	sld [smem:$0x3FB0]  }
0x2a: {  	p0 =	seq.s32 s5, $0x0;
	s5 =	sld [smem:$0x3FB1]  }
0x2b: {  	s6 =	sld [smem:$0x3FB2]  }
0x2c: {  	s7 =	sld [smem:$0x3FB3]  }
0x2d: {  	s3 =	simm.s32 $0x108;
	s8 =	sld [smem:$0x3FB4]  }
0x2e: {  	s3 =	simm.s32 @!p0 $0x1082;
	s9 =	sld [smem:$0x3FB5]  }
0x2f: {  	lr =	sadd.s32 s0, s3;
	s0 =	sld [smem:$0x3FAC]  }
0x30: {  	s3 =	sld [smem:$0x3FAF]  }
0x31: {  	[smem:$0x3FB8] =	sst s10  }
0x32: {  	s10 =	sld [smem:$0x3FB6];
	_ =	sdelay $0x3  }
0x33: {  	p0 =	seq.s32 s10, $0x1;
	s10 =	sld [smem:$0x3FB8];
	_ =	sdelay $0x3  }
0x34: {  	[smem:$0x3FB8] =	sst s10  }
0x35: {  	s10 =	sld [smem:$0x3FB7];
	_ =	sdelay $0x3  }
0x36: {  	p1 =	seq.s32 s10, $0x1;
	s10 =	sld [smem:$0x3FB8];
	_ =	sdelay $0x3  }
0x37: {  	[smem:$0x3FB8] =	sst s10  }
0x38: {  	s10 =	sld [smem:$0x3FB9]  }
0x39: {  	_ = 	snop;
	(pc) =	sbr.ind lr, $3  }
0x3a: {  	_ = 	snop  }
0x3b: {  	_ = 	snop  }
0x3c: {  	p2 =	seq.s32 s10, $0x1;
	s10 =	sld [smem:$0x3FB8]  }
0x3d: {  	_ =	shalt  }
0x3e: {  	_ =	shalt  }
0x3f: {  	_ =	shalt  }
0x40: {  	_ =	shalt  }
0x41: {  	_ =	shalt  }
0x42: {  	_ =	shalt  }
0x43: {  	_ =	shalt  }
0x44: {  	_ =	shalt  }
0x45: {  	_ =	shalt  }
0x46: {  	_ =	shalt  }
0x47: {  	_ =	shalt  }
0x48: {  	_ =	shalt  }
0x49: {  	_ =	shalt  }
0x4a: {  	_ =	shalt  }
0x4b: {  	_ =	shalt  }
0x4c: {  	_ =	shalt  }
0x4d: {  	_ =	shalt  }
0x4e: {  	_ =	shalt  }
0x4f: {  	_ =	shalt  }
0x50: {  	_ =	shalt  }
0x51: {  	_ =	shalt  }
0x52: {  	_ =	shalt  }
0x53: {  	_ =	shalt  }
0x54: {  	_ =	shalt  }
0x55: {  	_ =	shalt  }
0x56: {  	_ =	shalt  }
0x57: {  	_ =	shalt  }
0x58: {  	_ =	shalt  }
0x59: {  	_ =	shalt  }
0x5a: {  	_ =	shalt  }
0x5b: {  	_ =	shalt  }
0x5c: {  	_ =	shalt  }
0x5d: {  	_ =	shalt  }
0x5e: {  	_ =	shalt  }
0x5f: {  	_ =	shalt  }
0x60: {  	_ =	shalt  }
0x61: {  	_ =	shalt  }
0x62: {  	_ =	shalt  }
0x63: {  	_ =	shalt  }
0x64: {  	_ =	shalt  }
0x65: {  	_ =	shalt  }
0x66: {  	_ =	shalt  }
0x67: {  	_ =	shalt  }
0x68: {  	_ =	shalt  }
0x69: {  	_ =	shalt  }
0x6a: {  	_ =	shalt  }
0x6b: {  	_ =	shalt  }
0x6c: {  	_ =	shalt  }
0x6d: {  	_ =	shalt  }
0x6e: {  	_ =	shalt  }
0x6f: {  	_ =	shalt  }
0x70: {  	_ =	shalt  }
0x71: {  	_ =	shalt  }
0x72: {  	_ =	shalt  }
0x73: {  	_ =	shalt  }
0x74: {  	_ =	shalt  }
0x75: {  	_ =	shalt  }
0x76: {  	_ =	shalt  }
0x77: {  	_ =	shalt  }
0x78: {  	_ =	shalt  }
0x79: {  	_ =	shalt  }
0x7a: {  	_ =	shalt  }
0x7b: {  	_ =	shalt  }
0x7c: {  	_ =	shalt  }
0x7d: {  	_ =	shalt  }
0x7e: {  	_ =	shalt  }
0x7f: {  	_ =	shalt  }
0x80: {  	_ =	shalt  }
0x81: {  	_ =	shalt  }
0x82: {  	_ =	shalt  }
0x83: {  	_ =	shalt  }
0x84: {  	_ =	shalt  }
0x85: {  	_ =	shalt  }
0x86: {  	_ =	shalt  }
0x87: {  	_ =	shalt  }
.Lfunc_end0:
.L_simem_size_0:
called_computation_lowered:
.L_overlay_start_0:
0x88: {  	s2 =	sld [smem:$0x3FD9]  }
0x89: {  	s3 =	sld [smem:$0x3FFE];
	_ =	sdelay $0x1  }
0x8a: {  	s1 =	srdreg.scid  }
0x8b: {  	s0 =	sand.u32 $0x1, s1  }
0x8c: {  	s17 =	sshll.u32 s0, $0xA;
	s2 =	sadd.s32 s3, s2  }
0x8d: {  	s2 =	sadd.s32 s2, s17  }
0x8e: {  	[smem:$0x3FC4] =	sst s2  }
0x8f: {  	_ = 	snop  }
0x90: {  	s2 =	sld [smem:$0x3FC6]  }
0x91: {  	s18 =	sld [smem:$0x3FD0];
	(tm) =	ssettm $0x1  }
0x92: {  	s4 =	sld [smem:$0x3FFB];
	_ =	sdelay $0x3  }
0x93: {  	_ =	strace s4  }
0x94: {  	s4 =	sld [smem:$0x3FFC];
	_ =	sdelay $0x3  }
0x95: {  	_ =	strace s4  }
0x96: {  	s4 =	sld [smem:$0x3FFD];
	_ =	sdelay $0x3  }
0x97: {  	_ =	strace s4  }
0x98: {  	_ =	strace $0x8FFFFFFF  }
0x99: {  	s19 =	sld [smem:$0x3FDB];
	_ =	sdelay $0x1  }
0x9a: {  	s5 =	simm.s32 $_scs_section_size  }
0x9b: {  	s6 =	simm.s32 $_size__tile_overlayer_lowered;
	s7 =	simm.s32 $_tile_overlayer_lowered  }
0x9c: {  	s22 =	simm.s32 $0x1BFF;
	s21 =	sshll.u32 s7, $0x1;
	s4 =	sadd.s32 s5, s19  }
0x9d: {  	s8 =	simm.s32 $0x0;
	s20 =	sshll.u32 s6, $0x1;
	s6 =	sadd.s32 s21, s4  }
0x9e: {  	[timem:s8], [sflag:s22] =	dma.local [hbm:s6], s20  }
0x9f: {  	_ =	swait.ge [sflag:s22], s20  }
0xa0: {  	s5 =	ssub.s32 $0x0, s20;
	[sflag:s22] =	ssyncset.done $0x0  }
0xa1: {  	[sflag:s22] =	ssyncadd.s32 s5;
	_ =	sdelay $0x1  }
0xa2: {  	s23 =	simm.s32 $0x1B8B  }
0xa3: {  	_ =	swait.ge [sflag:s23], $0x1  }
0xa4: {  	[sflag:s23] =	ssyncset.done $0x0  }
0xa5: {  	s25 =	simm.s32 $0x1B8E;
	s24 =	sld [smem:$0x3FFE];
	[sflag:s23] =	ssyncadd.s32 $0xFFFFFFFF  }
0xa6: {  	s26 =	simm.s32 $execute0_lowered;
	[smem:$0x3FD2] =	sst s25  }
0xa7: {  	s6 =	sshll.u32 s26, $0x1;
	_ =	strace $0x80000046;
	[dreg:$0x1] =	wrdreg $0xFFFFFFFF  }
0xa8: {  	s28 =	simm.s32 $_size_execute0_lowered;
	s4 =	sadd.s32 s4, s6;
	[dreg:$0x0] =	wrdreg $0x0  }
0xa9: {  	s6 =	sshll.u32 s28, $0x1;
	[dreg:$0x2] =	wrdreg s4  }
0xaa: {  	[dreg:$0x3] =	wrdreg s6  }
0xab: {  	[dreg:$0x4] =	wrdreg $0xC0  }
0xac: {  	_ =	task [dreg:s8], $0x5FFFF  }
0xad: {  	[dreg:$0x1] =	wrdreg $0xFFFFFFFF  }
0xae: {  	[dreg:$0x0] =	wrdreg $0x60  }
0xaf: {  	[dreg:$0x2] =	wrdreg s18  }
0xb0: {  	[dreg:$0x3] =	wrdreg s24  }
0xb1: {  	[dreg:$0x4] =	wrdreg s2  }
0xb2: {  	[dreg:$0x5] =	wrdreg $0x0  }
0xb3: {  	[dreg:$0x6] =	wrdreg $0x9  }
0xb4: {  	_ =	task.clear_ibuf [dreg:s8], $0x7FFFF;
	_ =	strace $0x90000046  }
0xb5: {  	s29 =	simm.s32 $0x9;
	_ =	strace $0x80000048  }
0xb6: {  	_ =	swait.ge [sflag:s29], $0x1  }
0xb7: {  	[sflag:s29] =	ssyncadd.s32 $0xFFFFFFFF  }
0xb8: {  	_ =	strace $0x90000048  }
0xb9: {  	_ =	sfence  }
0xba: {  	s30 =	sld [smem:$0x0];
	_ =	sdelay $0x2  }
0xbb: {  	s31 =	sshll.u32 s1, $0xD;
	s1 =	sshrl.u32 s1, $0x2  }
0xbc: {  	s3 =	sand.u32 $0x4000, s31;
	s1 =	sadd.s32 s1, s30  }
0xbd: {  	s0 =	sor.u32 s3, s0;
	s1 =	sshll.u32 s1, $0x11  }
0xbe: {  	s0 =	sor.u32 s1, s0  }
0xbf: {  	s0 =	sadd.s32 $0x8F2B, s0  }
0xc0: {  	[sflag:s0] =	ssyncadd.remote.s32 $0x1  }
0xc1: {  	_ =	sfence.sel $0xFFFF  }
0xc2: {  	[dreg:$0x0] =	wrdreg $0xFFFFFFFF;
	(pc) =	sbr.abs _section_cstart, $3  }
0xc3: {  	[dreg:$0x1] =	wrdreg $0xFFFFFFFF  }
0xc4: {  	_ =	task.clear_ibuf [dreg:s8], $0x2FFFF;
	_ =	strace $0x9FFFFFFF  }
0xc5: {  	(tm) =	ssettm $0x7FFFFFFF  }
tec
execute0_lowered:
.L_overlay_start_1:
0x0: {  	(tag) =	ssettag $0x1  }
0x1: {  	s1 =	rddreg [dreg:$0x0]  }
0x2: {  	s0 =	rddreg [dreg:$0x1]  }
0x3: {  	s3 =	rddreg [dreg:$0x2]  }
0x4: {  	s4 =	rddreg [dreg:$0x3];
	s13 =	stileid.u32  }
0x5: {  	s5 =	simm.s32 $0x0;
	s6 =	srdreg.scid;
	s18 =	simm.s32 $0x5  }
0x6: {  	s19 =	simm.s32 $0x18C00;
	s28 =	simm.s32 $0x18F80;
	s29 =	simm.s32 $0x18D80  }
0x7: {  	s30 =	simm.s32 $0x16400;
	s31 =	simm.s32 $0x1;
	s2 =	smul.u32 $0x2780, s13  }
0x8: {  	[smem:$0x7FF] =	sst s5;
	s8 =	sand.u32 $0x1, s6;
	s9 =	smul.u32 $0x278, s13  }
0x9: {  	s6 =	sadd.s32 $0x7400, s0;
	s7 =	sadd.s32 $0x2400, s0;
	s11 =	smul.u32 $0x4F000, s13  }
0xa: {  	s14 =	smul.u32 $0x2710, s13;
	s21 =	sshll.u32 s13, $0x6;
	_ =	strace $0x80000047  }
0xb: {  	s10 =	smul.u32 $0x2780, s8;
	s8 =	ssub.s32 $0x2, s8;
	s2 =	sadd.s32 s2, s0  }
0xc: {  	s12 =	sshrl.u32 s8, $0x1;
	s20 =	sshrl.u32 s11, $0x2;
	s22 =	sshrl.u32 s14, $0x3  }
0xd: {  	s11 =	sor.u32 $0x1C05, s21;
	s13 =	sadd.s32 $0x50, s14;
	s14 =	sadd.s32 $0xA0, s14  }
0xe: {  	s21 =	simm.s32 $0x18F00;
	s2 =	sadd.s32 $0xC400, s2;
	[dreg:$0x6] =	wrdreg s11  }
0xf: {  	s9 =	sadd.s32 s9, s10;
	s23 =	sadd.s32 s6, s22;
	[dreg:$0x5] =	wrdreg s2  }
0x10: {  	s8 =	ssub.s32 s8, s12;
	s24 =	sadd.s32 s7, s22;
	[dreg:$0x7] =	wrdreg s23  }
0x11: {  	s25 =	sadd.s32 s3, s22;
	s22 =	simm.s32 $0x50;
	[dreg:$0x8] =	wrdreg s24  }
0x12: {  	v0 =	vmov s10;
	s10 =	simm.s32 $0x0;
	s9 =	sshll.u32 s9, $0x4;
	[dreg:$0x9] =	wrdreg s25  }
0x13: {  	s26 =	smax.u32 s8, $0x1;
	s23 =	simm.s32 $0x18D00;
	s24 =	simm.s32 $0x13C00  }
0x14: {  	s2 =	simm.s32 $0x3;
	s8 =	simm.s32 $0x4;
	s0 =	sadd.s32 s9, s0  }
0x15: {  	s9 =	sadd.s32 s20, s4;
	[dreg:$0xb] =	wrdreg s26;
	s0 =	sadd.s32 $0x33C00, s0  }
0x16: {  	s20 =	simm.s32 $0x18E00;
	s12 =	sshrl.u32 s9, $0x3;
	[dreg:$0xa] =	wrdreg s0  }
0x17: {  	s26 =	simm.s32 $0x18E80;
	s0 =	simm.s32 $0x2;
	[dreg:$0xc] =	wrdreg s12  }
.LBB2_1:
0x18: {  	[dreg:$0xd] =	wrdreg s10  }
0x19: {  	s9 =	rddreg [dreg:$0x5]  }
0x1a: {  	[spmem:s12], [sflag:s11] =	dma.local [hbm:s9], $0x2780  }
0x1b: {  	_ =	swait.ge [sflag:s18], $0x2780  }
0x1c: {  	[sflag:s18] =	ssyncset.done $0x0  }
0x1d: {  	[sflag:s18] =	ssyncadd.s32 $0xFFFFD880  }
0x1e: {  	[bflag:$0x0] =	sbarrier.arrive $0xFFFF  }
0x1f: {  	s16 =	rddreg [dreg:$0x7]  }
0x20: {  	[tilespmem:s19], [sflag:$0x5] =	stream.linear.gather [hbm4b:s16+s5], $0x50, $0x38;
	[tilespmem:$0x19000] =	vst v63  }
0x21: {  	_ =	swait.ge [sflag:s18], $0x50  }
0x22: {  	[sflag:s18] =	ssyncset.done $0x0  }
0x23: {  	s17 =	rddreg [dreg:$0x8];
	[sflag:s18] =	ssyncadd.s32 $0xFFFFFFB0  }
0x24: {  	[tilespmem:s20], [sflag:$0x5] =	stream.linear.gather [hbm4b:s17+s5], $0x50, $0x38;
	[tilespmem:$0x19000] =	vst v63  }
0x25: {  	_ =	swait.ge [sflag:s18], $0x50  }
0x26: {  	[sflag:s18] =	ssyncset.done $0x0  }
0x27: {  	s25 =	rddreg [dreg:$0x9];
	[sflag:s18] =	ssyncadd.s32 $0xFFFFFFB0  }
0x28: {  	[tilespmem:s21], [sflag:$0x5] =	stream.linear.gather [hbm4b:s25+s5], $0x50, $0x38;
	[tilespmem:$0x19000] =	vst v63  }
0x29: {  	_ =	swait.ge [sflag:s18], $0x50  }
0x2a: {  	[sflag:s18] =	ssyncset.done $0x0  }
0x2b: {  	[sflag:s18] =	ssyncadd.s32 $0xFFFFFFB0  }
0x2c: {  	v1 =	vld [tilespmem:$0x18C00]  }
0x2d: {  	v2 =	vld [tilespmem:$0x18C10]  }
0x2e: {  	v3 =	vld [tilespmem:$0x18C20]  }
0x2f: {  	v4 =	vld [tilespmem:$0x18C30]  }
0x30: {  	v5 =	vld [tilespmem:$0x18C40]  }
0x31: {  	v1 =	vadd.s32 v0, v1  }
0x32: {  	[tilespmem:$0x18D00] =	vst v1;
	v1 =	vadd.s32 v0, v2  }
0x33: {  	[tilespmem:$0x18D10] =	vst v1;
	v1 =	vadd.s32 v0, v3  }
0x34: {  	[tilespmem:$0x18D20] =	vst v1;
	v1 =	vadd.s32 v0, v4  }
0x35: {  	[tilespmem:$0x18D30] =	vst v1;
	v1 =	vadd.s32 v0, v5  }
0x36: {  	s11 =	simm.s32 $0x0;
	[tilespmem:$0x18D40] =	vst v1  }
0x37: {  	[tilespmem:s24], [sflag:$0x1] =	stream.indirect.gather [hbm4b:s1+s22], $0x80, s23, s22, $0xb8;
	[tilespmem:$0x19000] =	vst v63  }
.LBB2_2:
0x38: {  	s12 =	smul.u32 $0xA0, s11;
	_ =	sdelay $0x1  }
0x39: {  	s9 =	sadd.s32 s12, s13  }
0x3a: {  	s9 =	sshrl.u32 s9, $0x3  }
0x3b: {  	s10 =	simm.s32 $0x18C80;
	s15 =	sadd.s32 s6, s9  }
0x3c: {  	[tilespmem:s10], [sflag:$0x5] =	stream.linear.gather [hbm4b:s15+s5], $0x50, $0x38;
	[tilespmem:$0x19000] =	vst v63  }
0x3d: {  	_ =	swait.ge [sflag:s18], $0x50  }
0x3e: {  	[sflag:s18] =	ssyncset.done $0x0  }
0x3f: {  	s25 =	sadd.s32 s7, s9;
	[sflag:s18] =	ssyncadd.s32 $0xFFFFFFB0  }
0x40: {  	[tilespmem:s26], [sflag:$0x5] =	stream.linear.gather [hbm4b:s25+s5], $0x50, $0x38;
	[tilespmem:$0x19000] =	vst v63  }
0x41: {  	_ =	swait.ge [sflag:s18], $0x50  }
0x42: {  	[sflag:s18] =	ssyncset.done $0x0  }
0x43: {  	s9 =	sadd.s32 s3, s9;
	[sflag:s18] =	ssyncadd.s32 $0xFFFFFFB0  }
0x44: {  	[tilespmem:s28], [sflag:$0x5] =	stream.linear.gather [hbm4b:s9+s5], $0x50, $0x38;
	[tilespmem:$0x19000] =	vst v63  }
0x45: {  	_ =	swait.ge [sflag:s18], $0x50  }
0x46: {  	[sflag:s18] =	ssyncset.done $0x0  }
0x47: {  	[sflag:s18] =	ssyncadd.s32 $0xFFFFFFB0  }
0x48: {  	v1 =	vld [tilespmem:$0x18C80]  }
0x49: {  	v2 =	vld [tilespmem:$0x18C90]  }
0x4a: {  	v3 =	vld [tilespmem:$0x18CA0]  }
0x4b: {  	v4 =	vld [tilespmem:$0x18CB0]  }
0x4c: {  	v5 =	vld [tilespmem:$0x18CC0]  }
0x4d: {  	v1 =	vadd.s32 v0, v1  }
0x4e: {  	[tilespmem:$0x18D80] =	vst v1;
	v1 =	vadd.s32 v0, v2  }
0x4f: {  	[tilespmem:$0x18D90] =	vst v1;
	v1 =	vadd.s32 v0, v3  }
0x50: {  	[tilespmem:$0x18DA0] =	vst v1;
	v1 =	vadd.s32 v0, v4  }
0x51: {  	[tilespmem:$0x18DB0] =	vst v1;
	v1 =	vadd.s32 v0, v5  }
0x52: {  	[tilespmem:$0x18DC0] =	vst v1  }
0x53: {  	[tilespmem:s30], [sflag:$0x2] =	stream.indirect.gather [hbm4b:s1+s22], $0x80, s29, s22, $0xb8;
	[tilespmem:$0x19000] =	vst v63  }
0x54: {  	_ =	swait.ge [sflag:s31], $0x2800  }
0x55: {  	[sflag:s31] =	ssyncset.done $0x0  }
0x56: {  	s15 =	simm.s32 $0x13D00;
	[sflag:s31] =	ssyncadd.s32 $0xFFFFD800  }
0x57: {  	v3 =	vld [tilespmem:s15+$0xD0]  }
0x58: {  	v4 =	vld [tilespmem:s15+$0xF0]  }
0x59: {  	v5 =	vld [tilespmem:s15+$0xFFFFFFF0]  }
0x5a: {  	v6 =	vld [tilespmem:s15+$0x0]  }
0x5b: {  	v7 =	vld [tilespmem:s15+$0x10]  }
0x5c: {  	v8 =	vld [tilespmem:s15+$0x20]  }
0x5d: {  	v9 =	vld [tilespmem:s15+$0x30]  }
0x5e: {  	s10 =	simm.s32 $0x0;
	v10 =	vld [tilespmem:s15+$0x50]  }
0x5f: {  	s16 =	simm.s32 $0x3;
	s17 =	simm.s32 $0x1;
	v1 =	vmov s10;
	v11 =	vld [tilespmem:s15+$0x60]  }
0x60: {  	v12 =	vmov s17;
	s25 =	simm.s32 $0x2;
	v2 =	vmov s16;
	v1 =	vand.u32 $0xFFFFFFFC, v1;
	v13 =	vld [tilespmem:s15+$0x80]  }
0x61: {  	v14 =	vbroadcast v1, $0x0;
	v1 =	vand.u32 $0xFFFFFFFD, v12;
	v12 =	vmov s25;
	v16 =	vld [tilespmem:s15+$0x90]  }
0x62: {  	v15 =	vbroadcast v1, $0x0;
	v1 =	vand.u32 $0xFFFFFFFE, v12;
	v12 =	vld [tilespmem:s15+$0xA0]  }
0x63: {  	v18 =	vld [tilespmem:s15+$0x40]  }
0x64: {  	v19 =	vld [tilespmem:s15+$0xB0]  }
0x65: {  	v20 =	vld [tilespmem:s15+$0xC0]  }
0x66: {  	v17 =	vbroadcast v1, $0x0;
	v1 =	vld.idx.msk [tilespmem:v2+s21+$0x0], $0xffff  }
0x67: {  	v22 =	vld [tilespmem:s15+$0xFFFFFFC0]  }
0x68: {  	v23 =	vld [tilespmem:s15+$0xFFFFFFB0]  }
0x69: {  	v61 =	vld [tilespmem:s15+$0xFFFFFF90]  }
0x6a: {  	v21 =	vld.idx.msk [tilespmem:v14+s21+$0x0], $0xffff  }
0x6b: {  	v14 =	vld.idx.msk [tilespmem:v15+s21+$0x0], $0xffff;
	v3 =	vmul.f32 v3, v1  }
0x6c: {  	v24 =	vld [tilespmem:s15+$0xFFFFFF60];
	v20 =	vmul.f32 v20, v1  }
0x6d: {  	v2 =	vld.idx.msk [tilespmem:v17+s21+$0x0], $0xffff;
	v13 =	vmul.f32 v13, v1;
	[tilespmem:s15+$0xD0] =	vst v3  }
0x6e: {  	v15 =	vld [tilespmem:s15+$0xFFFFFFE0];
	v19 =	vmul.f32 v19, v1;
	[tilespmem:s15+$0xC0] =	vst v20  }
0x6f: {  	v17 =	vld [tilespmem:s15+$0xFFFFFFD0];
	v4 =	vmul.f32 v4, v1;
	[tilespmem:s15+$0x80] =	vst v13  }
0x70: {  	v3 =	vld [tilespmem:s15+$0xFFFFFFA0];
	[tilespmem:s15+$0xB0] =	vst v19;
	v5 =	vmul.f32 v5, v14  }
0x71: {  	v13 =	vld [tilespmem:s15+$0xFFFFFF80];
	[tilespmem:s15+$0xF0] =	vst v4;
	v23 =	vmul.f32 v23, v14  }
0x72: {  	v19 =	vld [tilespmem:s15+$0xFFFFFF70];
	v6 =	vmul.f32 v6, v2;
	[tilespmem:s15+$0xFFFFFFF0] =	vst v5  }
0x73: {  	v62 =	vld [tilespmem:s15+$0xFFFFFF40];
	v7 =	vmul.f32 v7, v2;
	v8 =	vmul.f32 v8, v2;
	[tilespmem:s15+$0xFFFFFFB0] =	vst v23  }
0x74: {  	v25 =	vld [tilespmem:s15+$0xFFFFFF30];
	v9 =	vmul.f32 v9, v2;
	v5 =	vmul.f32 v15, v14;
	[tilespmem:s15+$0x0] =	vst v6  }
0x75: {  	v63 =	vld [tilespmem:s15+$0xFFFFFF10];
	v15 =	vmul.f32 v22, v14;
	v6 =	vmul.f32 v17, v14;
	[tilespmem:s15+$0x10] =	vst v7  }
0x76: {  	v26 =	vld [tilespmem:s15+$0xFFFFFF00];
	v4 =	vmul.f32 v3, v14;
	v3 =	vmul.f32 v18, v2;
	[tilespmem:s15+$0x20] =	vst v8  }
0x77: {  	v17 =	vld [tilespmem:s15+$0xFFFFFF50];
	v7 =	vmul.f32 v13, v14;
	v8 =	vmul.f32 v19, v21;
	[tilespmem:s15+$0x30] =	vst v9  }
0x78: {  	v18 =	vld [tilespmem:s15+$0xFFFFFF20];
	v13 =	vmul.f32 v16, v1;
	v9 =	vmul.f32 v24, v21;
	[tilespmem:s15+$0xFFFFFFE0] =	vst v5  }
0x79: {  	v5 =	vmul.f32 v61, v14;
	[tilespmem:s15+$0xFFFFFFC0] =	vst v15;
	v14 =	vmul.f32 v12, v1  }
0x7a: {  	v15 =	vmul.f32 v11, v2;
	[tilespmem:s15+$0xFFFFFFD0] =	vst v6;
	v6 =	vmul.f32 v10, v2  }
0x7b: {  	v11 =	vmul.f32 v62, v21;
	v12 =	vmul.f32 v25, v21;
	[tilespmem:s15+$0xA0] =	vst v14  }
0x7c: {  	v16 =	vld [tilespmem:s15+$0xE0];
	v14 =	vmul.f32 v63, v21;
	[tilespmem:s15+$0x50] =	vst v6;
	v6 =	vmul.f32 v26, v21  }
0x7d: {  	s9 =	simm.s32 $0x13F00;
	s16 =	simm.s32 $0x7;
	[tilespmem:s15+$0x90] =	vst v13;
	v10 =	vmul.f32 v17, v21;
	v13 =	vmul.f32 v18, v21;
	v17 =	vld [tilespmem:s15+$0x70]  }
.LBB2_3:
0x7e: {  	s17 =	sadd.s32 $0xFFFFFFFD, s16  }
0x7f: {  	v18 =	vmov s16;
	v19 =	vld [tilespmem:s9+$0xD0];
	p0 =	sne.s32 s16, $0x4F;
	[tilespmem:s15+$0x60] =	vst v15;
	s10 =	smov.u32 s16;
	s16 =	sadd.s32 $0x4, s16  }
0x80: {  	s25 =	sadd.s32 $0xFFFFFFFE, s10;
	v15 =	vmov s17;
	v20 =	vld [tilespmem:s9+$0xF0];
	[tilespmem:s15+$0xFFFFFFA0] =	vst v4  }
0x81: {  	s10 =	sadd.s32 $0xFFFFFFFF, s10;
	v4 =	vand.u32 $0xFFFFFFFC, v15;
	v15 =	vmov s25;
	v21 =	vld [tilespmem:s9+$0xFFFFFFF0];
	[tilespmem:s15+$0xFFFFFF90] =	vst v5  }
0x82: {  	v4 =	vbroadcast v4, $0x0;
	v5 =	vand.u32 $0xFFFFFFFD, v15;
	v15 =	vmov s10;
	v22 =	vld [tilespmem:s9+$0x0];
	[tilespmem:s15+$0xFFFFFF80] =	vst v7  }
0x83: {  	v5 =	vbroadcast v5, $0x0;
	v7 =	vand.u32 $0xFFFFFFFE, v15;
	v15 =	vld [tilespmem:s9+$0x10];
	[tilespmem:s15+$0xFFFFFF70] =	vst v8;
	v2 =	vmul.f32 v17, v2  }
0x84: {  	v1 =	vmul.f32 v16, v1;
	v7 =	vbroadcast v7, $0x0;
	v8 =	vld [tilespmem:s9+$0x20];
	[tilespmem:s15+$0xFFFFFF60] =	vst v9  }
0x85: {  	v9 =	vld [tilespmem:s9+$0x30];
	[tilespmem:s15+$0xFFFFFF50] =	vst v10  }
0x86: {  	v10 =	vld [tilespmem:s9+$0x50];
	[tilespmem:s15+$0xFFFFFF40] =	vst v11  }
0x87: {  	v11 =	vld [tilespmem:s9+$0x60];
	[tilespmem:s15+$0xFFFFFF30] =	vst v12  }
0x88: {  	v12 =	vld [tilespmem:s9+$0x80];
	[tilespmem:s15+$0xFFFFFF20] =	vst v13  }
0x89: {  	v13 =	vld [tilespmem:s9+$0x90];
	[tilespmem:s15+$0xFFFFFF10] =	vst v14  }
0x8a: {  	v14 =	vld [tilespmem:s9+$0xA0];
	[tilespmem:s15+$0x40] =	vst v3  }
0x8b: {  	v3 =	vld [tilespmem:s9+$0x40];
	[tilespmem:s15+$0x70] =	vst v2  }
0x8c: {  	v16 =	vld [tilespmem:s9+$0xB0];
	[tilespmem:s15+$0xE0] =	vst v1  }
0x8d: {  	v17 =	vld [tilespmem:s9+$0xC0];
	[tilespmem:s15+$0xFFFFFF00] =	vst v6;
	s15 =	smov.u32 s9  }
0x8e: {  	v1 =	vld.idx.msk [tilespmem:v18+s21+$0x0], $0xffff  }
0x8f: {  	v6 =	vld.idx.msk [tilespmem:v4+s21+$0x0], $0xffff  }
0x90: {  	v18 =	vld.idx.msk [tilespmem:v5+s21+$0x0], $0xffff  }
0x91: {  	v2 =	vld.idx.msk [tilespmem:v7+s21+$0x0], $0xffff  }
0x92: {  	v4 =	vld [tilespmem:s9+$0xFFFFFFE0]  }
0x93: {  	v5 =	vld [tilespmem:s9+$0xFFFFFFD0]  }
0x94: {  	v19 =	vmul.f32 v19, v1;
	v20 =	vmul.f32 v20, v1;
	v7 =	vld [tilespmem:s9+$0xFFFFFFC0]  }
0x95: {  	v12 =	vmul.f32 v12, v1;
	v17 =	vmul.f32 v17, v1;
	v23 =	vld [tilespmem:s9+$0xFFFFFFB0]  }
0x96: {  	v16 =	vmul.f32 v16, v1;
	v21 =	vmul.f32 v21, v18;
	v24 =	vld [tilespmem:s9+$0xFFFFFFA0];
	[tilespmem:s9+$0xD0] =	vst v19  }
0x97: {  	v22 =	vmul.f32 v22, v2;
	v19 =	vld [tilespmem:s9+$0xFFFFFF90];
	v25 =	vmul.f32 v4, v18;
	[tilespmem:s9+$0xC0] =	vst v17  }
0x98: {  	v27 =	vmul.f32 v15, v2;
	v17 =	vld [tilespmem:s9+$0xFFFFFF80];
	v26 =	vmul.f32 v5, v18;
	[tilespmem:s9+$0x80] =	vst v12  }
0x99: {  	v29 =	vmul.f32 v8, v2;
	v12 =	vld [tilespmem:s9+$0xFFFFFF70];
	v28 =	vmul.f32 v7, v18;
	[tilespmem:s9+$0xB0] =	vst v16  }
0x9a: {  	v16 =	vld [tilespmem:s9+$0xFFFFFF60];
	v23 =	vmul.f32 v23, v18;
	[tilespmem:s9+$0xFFFFFFF0] =	vst v21;
	v21 =	vmul.f32 v9, v2  }
0x9b: {  	v3 =	vmul.f32 v3, v2;
	v30 =	vld [tilespmem:s9+$0xFFFFFF50];
	v4 =	vmul.f32 v24, v18;
	[tilespmem:s9+$0x0] =	vst v22  }
0x9c: {  	v22 =	vld [tilespmem:s9+$0xFFFFFF40];
	v5 =	vmul.f32 v19, v18;
	v19 =	vmul.f32 v10, v2;
	[tilespmem:s9+$0xF0] =	vst v20  }
0x9d: {  	v15 =	vmul.f32 v11, v2;
	v20 =	vld [tilespmem:s9+$0xFFFFFF30];
	v7 =	vmul.f32 v17, v18;
	[tilespmem:s9+$0xFFFFFFE0] =	vst v25  }
0x9e: {  	v18 =	vmul.f32 v13, v1;
	v17 =	vld [tilespmem:s9+$0xFFFFFF20];
	v8 =	vmul.f32 v12, v6;
	[tilespmem:s9+$0x10] =	vst v27  }
0x9f: {  	v24 =	vld [tilespmem:s9+$0xFFFFFF10];
	v9 =	vmul.f32 v16, v6;
	[tilespmem:s9+$0xFFFFFFD0] =	vst v26;
	v16 =	vmul.f32 v14, v1  }
0xa0: {  	v25 =	vld [tilespmem:s9+$0xFFFFFF00];
	v10 =	vmul.f32 v30, v6;
	[tilespmem:s9+$0xFFFFFFC0] =	vst v28  }
0xa1: {  	v11 =	vmul.f32 v22, v6;
	[tilespmem:s9+$0x20] =	vst v29  }
.Ltmp0:
0xa2: {  	v12 =	vmul.f32 v20, v6;
	[tilespmem:s9+$0x30] =	vst v21;
	(pc) =	sbr.rel @p0 .LBB2_3-.Ltmp0, $4  }
0xa3: {  	v13 =	vmul.f32 v17, v6;
	[tilespmem:s9+$0x50] =	vst v19  }
0xa4: {  	v14 =	vmul.f32 v24, v6;
	[tilespmem:s9+$0x90] =	vst v18  }
0xa5: {  	v6 =	vmul.f32 v25, v6;
	[tilespmem:s9+$0xA0] =	vst v16;
	v16 =	vld [tilespmem:s9+$0xE0]  }
0xa6: {  	s9 =	sadd.s32 $0x200, s9;
	[tilespmem:s15+$0xFFFFFFB0] =	vst v23;
	v17 =	vld [tilespmem:s15+$0x70]  }
0xa7: {  	[tilespmem:s15+$0x60] =	vst v15  }
0xa8: {  	[tilespmem:s15+$0xFFFFFFA0] =	vst v4  }
0xa9: {  	[tilespmem:s15+$0xFFFFFF90] =	vst v5  }
0xaa: {  	[tilespmem:s15+$0xFFFFFF80] =	vst v7  }
0xab: {  	[tilespmem:s15+$0xFFFFFF70] =	vst v8  }
0xac: {  	[tilespmem:s15+$0xFFFFFF60] =	vst v9  }
0xad: {  	[tilespmem:s15+$0xFFFFFF50] =	vst v10  }
0xae: {  	[tilespmem:s15+$0xFFFFFF40] =	vst v11  }
0xaf: {  	[tilespmem:s15+$0xFFFFFF30] =	vst v12  }
0xb0: {  	[tilespmem:s15+$0xFFFFFF20] =	vst v13  }
0xb1: {  	[tilespmem:s15+$0xFFFFFF10] =	vst v14  }
0xb2: {  	[tilespmem:s15+$0x40] =	vst v3;
	v1 =	vmul.f32 v16, v1  }
0xb3: {  	[tilespmem:s15+$0xFFFFFF00] =	vst v6;
	v2 =	vmul.f32 v17, v2  }
0xb4: {  	[tilespmem:s15+$0xE0] =	vst v1  }
0xb5: {  	[tilespmem:s15+$0x70] =	vst v2  }
0xb6: {  	[spmem:s4] =	stream.indirect.scatter.add.f32 [tilespmem:s24], [sflag:$0x3], $0x80, s20, s22, $0xb8;
	[tilespmem:$0x19000] =	vst v63  }
0xb7: {  	_ =	swait.ge [sflag:s0], $0x2800  }
0xb8: {  	[sflag:s0] =	ssyncset.done $0x0  }
0xb9: {  	s15 =	simm.s32 $0x16500;
	[sflag:s0] =	ssyncadd.s32 $0xFFFFD800  }
0xba: {  	v3 =	vld [tilespmem:s15+$0xD0]  }
0xbb: {  	v4 =	vld [tilespmem:s15+$0xF0]  }
0xbc: {  	v5 =	vld [tilespmem:s15+$0xFFFFFFF0]  }
0xbd: {  	v6 =	vld [tilespmem:s15+$0x0]  }
0xbe: {  	v7 =	vld [tilespmem:s15+$0x10]  }
0xbf: {  	v8 =	vld [tilespmem:s15+$0x20]  }
0xc0: {  	v9 =	vld [tilespmem:s15+$0x30]  }
0xc1: {  	s9 =	simm.s32 $0x0;
	v10 =	vld [tilespmem:s15+$0x50]  }
0xc2: {  	s10 =	simm.s32 $0x3;
	s16 =	simm.s32 $0x1;
	v1 =	vmov s9;
	v11 =	vld [tilespmem:s15+$0x60]  }
0xc3: {  	s25 =	simm.s32 $0x2;
	v12 =	vmov s16;
	v2 =	vmov s10;
	v1 =	vand.u32 $0xFFFFFFFC, v1;
	v13 =	vld [tilespmem:s15+$0x80]  }
0xc4: {  	v14 =	vbroadcast v1, $0x0;
	v1 =	vand.u32 $0xFFFFFFFD, v12;
	v12 =	vmov s25;
	v16 =	vld [tilespmem:s15+$0x90]  }
0xc5: {  	v15 =	vbroadcast v1, $0x0;
	v1 =	vand.u32 $0xFFFFFFFE, v12;
	v12 =	vld [tilespmem:s15+$0xA0]  }
0xc6: {  	v18 =	vld [tilespmem:s15+$0x40]  }
0xc7: {  	v19 =	vld [tilespmem:s15+$0xB0]  }
0xc8: {  	v20 =	vld [tilespmem:s15+$0xC0]  }
0xc9: {  	v17 =	vbroadcast v1, $0x0;
	v1 =	vld.idx.msk [tilespmem:v2+s28+$0x0], $0xffff  }
0xca: {  	v22 =	vld [tilespmem:s15+$0xFFFFFFC0]  }
0xcb: {  	v23 =	vld [tilespmem:s15+$0xFFFFFFB0]  }
0xcc: {  	v61 =	vld [tilespmem:s15+$0xFFFFFF90]  }
0xcd: {  	v21 =	vld.idx.msk [tilespmem:v14+s28+$0x0], $0xffff  }
0xce: {  	v14 =	vld.idx.msk [tilespmem:v15+s28+$0x0], $0xffff;
	v3 =	vmul.f32 v3, v1  }
0xcf: {  	v24 =	vld [tilespmem:s15+$0xFFFFFF60];
	v20 =	vmul.f32 v20, v1  }
0xd0: {  	v2 =	vld.idx.msk [tilespmem:v17+s28+$0x0], $0xffff;
	v13 =	vmul.f32 v13, v1;
	[tilespmem:s15+$0xD0] =	vst v3  }
0xd1: {  	v62 =	vld [tilespmem:s15+$0xFFFFFF40];
	v19 =	vmul.f32 v19, v1;
	[tilespmem:s15+$0xC0] =	vst v20  }
0xd2: {  	v15 =	vld [tilespmem:s15+$0xFFFFFFE0];
	v4 =	vmul.f32 v4, v1;
	[tilespmem:s15+$0x80] =	vst v13  }
0xd3: {  	v17 =	vld [tilespmem:s15+$0xFFFFFFD0];
	[tilespmem:s15+$0xB0] =	vst v19;
	v5 =	vmul.f32 v5, v14  }
0xd4: {  	v3 =	vld [tilespmem:s15+$0xFFFFFFA0];
	[tilespmem:s15+$0xF0] =	vst v4;
	v23 =	vmul.f32 v23, v14  }
0xd5: {  	v25 =	vld [tilespmem:s15+$0xFFFFFF30];
	v6 =	vmul.f32 v6, v2;
	[tilespmem:s15+$0xFFFFFFF0] =	vst v5  }
0xd6: {  	v13 =	vld [tilespmem:s15+$0xFFFFFF80];
	v7 =	vmul.f32 v7, v2;
	v8 =	vmul.f32 v8, v2;
	[tilespmem:s15+$0xFFFFFFB0] =	vst v23  }
0xd7: {  	v19 =	vld [tilespmem:s15+$0xFFFFFF70];
	v9 =	vmul.f32 v9, v2;
	v5 =	vmul.f32 v15, v14;
	[tilespmem:s15+$0x0] =	vst v6  }
0xd8: {  	v63 =	vld [tilespmem:s15+$0xFFFFFF10];
	v15 =	vmul.f32 v22, v14;
	v6 =	vmul.f32 v17, v14;
	[tilespmem:s15+$0x10] =	vst v7  }
0xd9: {  	v26 =	vld [tilespmem:s15+$0xFFFFFF00];
	[tilespmem:s15+$0x30] =	vst v9;
	v9 =	vmul.f32 v24, v21;
	v4 =	vmul.f32 v3, v14  }
0xda: {  	v17 =	vld [tilespmem:s15+$0xFFFFFF50];
	[tilespmem:s15+$0xFFFFFFE0] =	vst v5;
	v3 =	vmul.f32 v18, v2;
	v5 =	vmul.f32 v61, v14  }
0xdb: {  	v18 =	vld [tilespmem:s15+$0xFFFFFF20];
	[tilespmem:s15+$0xFFFFFFC0] =	vst v15;
	v7 =	vmul.f32 v13, v14;
	v15 =	vmul.f32 v11, v2  }
0xdc: {  	[tilespmem:s15+$0x20] =	vst v8;
	v8 =	vmul.f32 v19, v21;
	v14 =	vmul.f32 v12, v1  }
0xdd: {  	v13 =	vmul.f32 v16, v1;
	[tilespmem:s15+$0xFFFFFFD0] =	vst v6;
	v6 =	vmul.f32 v10, v2  }
0xde: {  	v11 =	vmul.f32 v62, v21;
	v12 =	vmul.f32 v25, v21;
	[tilespmem:s15+$0xA0] =	vst v14  }
0xdf: {  	v16 =	vld [tilespmem:s15+$0xE0];
	v14 =	vmul.f32 v63, v21;
	[tilespmem:s15+$0x50] =	vst v6;
	v6 =	vmul.f32 v26, v21  }
0xe0: {  	s16 =	simm.s32 $0x7;
	s9 =	simm.s32 $0x16700;
	[tilespmem:s15+$0x90] =	vst v13;
	v10 =	vmul.f32 v17, v21;
	v17 =	vld [tilespmem:s15+$0x70];
	v13 =	vmul.f32 v18, v21  }
.LBB2_5:
0xe1: {  	s10 =	sadd.s32 $0xFFFFFFFD, s16  }
0xe2: {  	v18 =	vmov s16;
	v19 =	vld [tilespmem:s9+$0xD0];
	p0 =	sne.s32 s16, $0x4F;
	[tilespmem:s15+$0x60] =	vst v15;
	s17 =	smov.u32 s16;
	s16 =	sadd.s32 $0x4, s16  }
0xe3: {  	s25 =	sadd.s32 $0xFFFFFFFE, s17;
	v15 =	vmov s10;
	v20 =	vld [tilespmem:s9+$0xF0];
	[tilespmem:s15+$0xFFFFFFA0] =	vst v4  }
0xe4: {  	s10 =	sadd.s32 $0xFFFFFFFF, s17;
	v4 =	vand.u32 $0xFFFFFFFC, v15;
	v15 =	vmov s25;
	v21 =	vld [tilespmem:s9+$0xFFFFFFF0];
	[tilespmem:s15+$0xFFFFFF90] =	vst v5  }
0xe5: {  	v4 =	vbroadcast v4, $0x0;
	v5 =	vand.u32 $0xFFFFFFFD, v15;
	v15 =	vmov s10;
	v22 =	vld [tilespmem:s9+$0x0];
	[tilespmem:s15+$0xFFFFFF80] =	vst v7  }
0xe6: {  	v5 =	vbroadcast v5, $0x0;
	v7 =	vand.u32 $0xFFFFFFFE, v15;
	v15 =	vld [tilespmem:s9+$0x10];
	[tilespmem:s15+$0xFFFFFF70] =	vst v8;
	v2 =	vmul.f32 v17, v2  }
0xe7: {  	v1 =	vmul.f32 v16, v1;
	v7 =	vbroadcast v7, $0x0;
	v8 =	vld [tilespmem:s9+$0x20];
	[tilespmem:s15+$0xFFFFFF60] =	vst v9  }
0xe8: {  	v9 =	vld [tilespmem:s9+$0x30];
	[tilespmem:s15+$0xFFFFFF50] =	vst v10  }
0xe9: {  	v10 =	vld [tilespmem:s9+$0x50];
	[tilespmem:s15+$0xFFFFFF40] =	vst v11  }
0xea: {  	v11 =	vld [tilespmem:s9+$0x60];
	[tilespmem:s15+$0xFFFFFF30] =	vst v12  }
0xeb: {  	v12 =	vld [tilespmem:s9+$0x80];
	[tilespmem:s15+$0xFFFFFF20] =	vst v13  }
0xec: {  	v13 =	vld [tilespmem:s9+$0x90];
	[tilespmem:s15+$0xFFFFFF10] =	vst v14  }
0xed: {  	v14 =	vld [tilespmem:s9+$0xA0];
	[tilespmem:s15+$0x40] =	vst v3  }
0xee: {  	v3 =	vld [tilespmem:s9+$0x40];
	[tilespmem:s15+$0x70] =	vst v2  }
0xef: {  	v16 =	vld [tilespmem:s9+$0xB0];
	[tilespmem:s15+$0xE0] =	vst v1  }
0xf0: {  	v17 =	vld [tilespmem:s9+$0xC0];
	[tilespmem:s15+$0xFFFFFF00] =	vst v6;
	s15 =	smov.u32 s9  }
0xf1: {  	v1 =	vld.idx.msk [tilespmem:v18+s28+$0x0], $0xffff  }
0xf2: {  	v6 =	vld.idx.msk [tilespmem:v4+s28+$0x0], $0xffff  }
0xf3: {  	v18 =	vld.idx.msk [tilespmem:v5+s28+$0x0], $0xffff  }
0xf4: {  	v2 =	vld.idx.msk [tilespmem:v7+s28+$0x0], $0xffff  }
0xf5: {  	v4 =	vld [tilespmem:s9+$0xFFFFFFE0]  }
0xf6: {  	v5 =	vld [tilespmem:s9+$0xFFFFFFD0]  }
0xf7: {  	v19 =	vmul.f32 v19, v1;
	v20 =	vmul.f32 v20, v1;
	v7 =	vld [tilespmem:s9+$0xFFFFFFC0]  }
0xf8: {  	v12 =	vmul.f32 v12, v1;
	v17 =	vmul.f32 v17, v1;
	v23 =	vld [tilespmem:s9+$0xFFFFFFB0]  }
0xf9: {  	v16 =	vmul.f32 v16, v1;
	v21 =	vmul.f32 v21, v18;
	v24 =	vld [tilespmem:s9+$0xFFFFFFA0];
	[tilespmem:s9+$0xD0] =	vst v19  }
0xfa: {  	v22 =	vmul.f32 v22, v2;
	v19 =	vld [tilespmem:s9+$0xFFFFFF90];
	v25 =	vmul.f32 v4, v18;
	[tilespmem:s9+$0xC0] =	vst v17  }
0xfb: {  	v27 =	vmul.f32 v15, v2;
	v17 =	vld [tilespmem:s9+$0xFFFFFF80];
	v26 =	vmul.f32 v5, v18;
	[tilespmem:s9+$0x80] =	vst v12  }
0xfc: {  	v29 =	vmul.f32 v8, v2;
	v12 =	vld [tilespmem:s9+$0xFFFFFF70];
	v28 =	vmul.f32 v7, v18;
	[tilespmem:s9+$0xB0] =	vst v16  }
0xfd: {  	v16 =	vld [tilespmem:s9+$0xFFFFFF60];
	v23 =	vmul.f32 v23, v18;
	[tilespmem:s9+$0xFFFFFFF0] =	vst v21;
	v21 =	vmul.f32 v9, v2  }
0xfe: {  	v3 =	vmul.f32 v3, v2;
	v30 =	vld [tilespmem:s9+$0xFFFFFF50];
	v4 =	vmul.f32 v24, v18;
	[tilespmem:s9+$0x0] =	vst v22  }
0xff: {  	v22 =	vld [tilespmem:s9+$0xFFFFFF40];
	v5 =	vmul.f32 v19, v18;
	v19 =	vmul.f32 v10, v2;
	[tilespmem:s9+$0xF0] =	vst v20  }
0x100: {  	v15 =	vmul.f32 v11, v2;
	v20 =	vld [tilespmem:s9+$0xFFFFFF30];
	v7 =	vmul.f32 v17, v18;
	[tilespmem:s9+$0xFFFFFFE0] =	vst v25  }
0x101: {  	v18 =	vmul.f32 v13, v1;
	v17 =	vld [tilespmem:s9+$0xFFFFFF20];
	v8 =	vmul.f32 v12, v6;
	[tilespmem:s9+$0x10] =	vst v27  }
0x102: {  	v24 =	vld [tilespmem:s9+$0xFFFFFF10];
	v9 =	vmul.f32 v16, v6;
	[tilespmem:s9+$0xFFFFFFD0] =	vst v26;
	v16 =	vmul.f32 v14, v1  }
0x103: {  	v25 =	vld [tilespmem:s9+$0xFFFFFF00];
	v10 =	vmul.f32 v30, v6;
	[tilespmem:s9+$0xFFFFFFC0] =	vst v28  }
0x104: {  	v11 =	vmul.f32 v22, v6;
	[tilespmem:s9+$0x20] =	vst v29  }
.Ltmp1:
0x105: {  	v12 =	vmul.f32 v20, v6;
	[tilespmem:s9+$0x30] =	vst v21;
	(pc) =	sbr.rel @p0 .LBB2_5-.Ltmp1, $4  }
0x106: {  	v13 =	vmul.f32 v17, v6;
	[tilespmem:s9+$0x50] =	vst v19  }
0x107: {  	v14 =	vmul.f32 v24, v6;
	[tilespmem:s9+$0x90] =	vst v18  }
0x108: {  	v6 =	vmul.f32 v25, v6;
	[tilespmem:s9+$0xA0] =	vst v16;
	v16 =	vld [tilespmem:s9+$0xE0]  }
0x109: {  	s9 =	sadd.s32 $0x200, s9;
	[tilespmem:s15+$0xFFFFFFB0] =	vst v23;
	v17 =	vld [tilespmem:s15+$0x70]  }
0x10a: {  	[tilespmem:s15+$0x60] =	vst v15  }
0x10b: {  	[tilespmem:s15+$0xFFFFFFA0] =	vst v4  }
0x10c: {  	[tilespmem:s15+$0xFFFFFF90] =	vst v5  }
0x10d: {  	[tilespmem:s15+$0xFFFFFF80] =	vst v7  }
0x10e: {  	[tilespmem:s15+$0xFFFFFF70] =	vst v8  }
0x10f: {  	[tilespmem:s15+$0xFFFFFF60] =	vst v9  }
0x110: {  	[tilespmem:s15+$0xFFFFFF50] =	vst v10  }
0x111: {  	[tilespmem:s15+$0xFFFFFF40] =	vst v11  }
0x112: {  	[tilespmem:s15+$0xFFFFFF30] =	vst v12  }
0x113: {  	[tilespmem:s15+$0xFFFFFF20] =	vst v13  }
0x114: {  	[tilespmem:s15+$0xFFFFFF10] =	vst v14  }
0x115: {  	[tilespmem:s15+$0x40] =	vst v3;
	v1 =	vmul.f32 v16, v1  }
0x116: {  	[tilespmem:s15+$0xFFFFFF00] =	vst v6;
	v2 =	vmul.f32 v17, v2  }
0x117: {  	[tilespmem:s15+$0xE0] =	vst v1  }
0x118: {  	[tilespmem:s15+$0x70] =	vst v2  }
0x119: {  	[spmem:s4] =	stream.indirect.scatter.add.f32 [tilespmem:s30], [sflag:$0x4], $0x80, s26, s22, $0xb8;
	[tilespmem:$0x19000] =	vst v63  }
0x11a: {  	s9 =	sadd.s32 s12, s14;
	_ =	swait.ge [sflag:s2], $0x2800  }
0x11b: {  	s9 =	sshrl.u32 s9, $0x3;
	[sflag:s2] =	ssyncset.done $0x0  }
0x11c: {  	s10 =	sadd.s32 s6, s9;
	[sflag:s2] =	ssyncadd.s32 $0xFFFFD800  }
0x11d: {  	[tilespmem:s19], [sflag:$0x5] =	stream.linear.gather [hbm4b:s10+s5], $0x50, $0x38;
	[tilespmem:$0x19000] =	vst v63  }
0x11e: {  	_ =	swait.ge [sflag:s18], $0x50  }
0x11f: {  	[sflag:s18] =	ssyncset.done $0x0  }
0x120: {  	s25 =	sadd.s32 s7, s9;
	[sflag:s18] =	ssyncadd.s32 $0xFFFFFFB0  }
0x121: {  	[tilespmem:s20], [sflag:$0x5] =	stream.linear.gather [hbm4b:s25+s5], $0x50, $0x38;
	[tilespmem:$0x19000] =	vst v63  }
0x122: {  	_ =	swait.ge [sflag:s18], $0x50  }
0x123: {  	[sflag:s18] =	ssyncset.done $0x0  }
0x124: {  	s9 =	sadd.s32 s3, s9;
	[sflag:s18] =	ssyncadd.s32 $0xFFFFFFB0  }
0x125: {  	[tilespmem:s21], [sflag:$0x5] =	stream.linear.gather [hbm4b:s9+s5], $0x50, $0x38;
	[tilespmem:$0x19000] =	vst v63  }
0x126: {  	_ =	swait.ge [sflag:s18], $0x50  }
0x127: {  	[sflag:s18] =	ssyncset.done $0x0  }
0x128: {  	[sflag:s18] =	ssyncadd.s32 $0xFFFFFFB0  }
0x129: {  	v1 =	vld [tilespmem:$0x18C00]  }
0x12a: {  	v2 =	vld [tilespmem:$0x18C10]  }
0x12b: {  	v3 =	vld [tilespmem:$0x18C20]  }
0x12c: {  	v62 =	vld [tilespmem:$0x18C30]  }
0x12d: {  	v63 =	vld [tilespmem:$0x18C40]  }
0x12e: {  	v1 =	vadd.s32 v0, v1  }
0x12f: {  	[tilespmem:$0x18D00] =	vst v1;
	v1 =	vadd.s32 v0, v2  }
0x130: {  	[tilespmem:$0x18D10] =	vst v1;
	v1 =	vadd.s32 v0, v3  }
0x131: {  	s11 =	sadd.s32 $0x1, s11;
	[tilespmem:$0x18D20] =	vst v1;
	v1 =	vadd.s32 v0, v62  }
0x132: {  	p0 =	sne.s32 s11, $0x3E;
	[tilespmem:$0x18D30] =	vst v1;
	v1 =	vadd.s32 v0, v63  }
.Ltmp2:
0x133: {  	[tilespmem:$0x18D40] =	vst v1;
	(pc) =	sbr.rel @p0 .LBB2_2-.Ltmp2, $4  }
0x134: {  	[tilespmem:s24], [sflag:$0x1] =	stream.indirect.gather [hbm4b:s1+s22], $0x80, s23, s22, $0xb8;
	[tilespmem:$0x19000] =	vst v63  }
0x135: {  	_ =	swait.ge [sflag:s8], $0x2800  }
0x136: {  	[sflag:s8] =	ssyncset.done $0x0  }
0x137: {  	[sflag:s8] =	ssyncadd.s32 $0xFFFFD800  }
0x138: {  	_ =	swait.ge [sflag:s31], $0x2800  }
0x139: {  	[sflag:s31] =	ssyncset.done $0x0  }
0x13a: {  	s11 =	simm.s32 $0x13D00;
	[sflag:s31] =	ssyncadd.s32 $0xFFFFD800  }
0x13b: {  	v3 =	vld [tilespmem:s11+$0xD0]  }
0x13c: {  	v4 =	vld [tilespmem:s11+$0xF0]  }
0x13d: {  	v5 =	vld [tilespmem:s11+$0xFFFFFFF0]  }
0x13e: {  	v6 =	vld [tilespmem:s11+$0x0]  }
0x13f: {  	v7 =	vld [tilespmem:s11+$0x10]  }
0x140: {  	v8 =	vld [tilespmem:s11+$0x20]  }
0x141: {  	v9 =	vld [tilespmem:s11+$0x30]  }
0x142: {  	v10 =	vld [tilespmem:s11+$0x50]  }
0x143: {  	v11 =	vld [tilespmem:s11+$0x60]  }
0x144: {  	s10 =	simm.s32 $0x3;
	v13 =	vld [tilespmem:s11+$0x80]  }
0x145: {  	s9 =	simm.s32 $0x0;
	v2 =	vmov s10;
	v16 =	vld [tilespmem:s11+$0x90]  }
0x146: {  	s12 =	simm.s32 $0x1;
	v1 =	vmov s9;
	v18 =	vld [tilespmem:s11+$0x40]  }
0x147: {  	s25 =	simm.s32 $0x2;
	v12 =	vmov s12;
	v1 =	vand.u32 $0xFFFFFFFC, v1;
	v19 =	vld [tilespmem:s11+$0xB0]  }
0x148: {  	v14 =	vbroadcast v1, $0x0;
	v1 =	vand.u32 $0xFFFFFFFD, v12;
	v12 =	vmov s25;
	v20 =	vld [tilespmem:s11+$0xC0]  }
0x149: {  	v22 =	vld [tilespmem:s11+$0xFFFFFFC0];
	v15 =	vbroadcast v1, $0x0;
	v1 =	vand.u32 $0xFFFFFFFE, v12  }
0x14a: {  	v17 =	vbroadcast v1, $0x0;
	v1 =	vld.idx.msk [tilespmem:v2+s21+$0x0], $0xffff  }
0x14b: {  	v23 =	vld [tilespmem:s11+$0xFFFFFFB0]  }
0x14c: {  	v61 =	vld [tilespmem:s11+$0xFFFFFF90]  }
0x14d: {  	v24 =	vld [tilespmem:s11+$0xFFFFFF60]  }
0x14e: {  	v21 =	vld.idx.msk [tilespmem:v14+s21+$0x0], $0xffff  }
0x14f: {  	v14 =	vld.idx.msk [tilespmem:v15+s21+$0x0], $0xffff;
	v3 =	vmul.f32 v3, v1  }
0x150: {  	v62 =	vld [tilespmem:s11+$0xFFFFFF40];
	v20 =	vmul.f32 v20, v1  }
0x151: {  	v2 =	vld.idx.msk [tilespmem:v17+s21+$0x0], $0xffff;
	v13 =	vmul.f32 v13, v1;
	[tilespmem:s11+$0xD0] =	vst v3  }
0x152: {  	v15 =	vld [tilespmem:s11+$0xFFFFFFE0];
	v19 =	vmul.f32 v19, v1;
	[tilespmem:s11+$0xC0] =	vst v20  }
0x153: {  	v17 =	vld [tilespmem:s11+$0xFFFFFFD0];
	v4 =	vmul.f32 v4, v1;
	[tilespmem:s11+$0x80] =	vst v13  }
0x154: {  	v3 =	vld [tilespmem:s11+$0xFFFFFFA0];
	[tilespmem:s11+$0xB0] =	vst v19;
	v5 =	vmul.f32 v5, v14  }
0x155: {  	v13 =	vld [tilespmem:s11+$0xFFFFFF80];
	[tilespmem:s11+$0xF0] =	vst v4;
	v23 =	vmul.f32 v23, v14  }
0x156: {  	v19 =	vld [tilespmem:s11+$0xFFFFFF70];
	v6 =	vmul.f32 v6, v2;
	[tilespmem:s11+$0xFFFFFFF0] =	vst v5  }
0x157: {  	v25 =	vld [tilespmem:s11+$0xFFFFFF30];
	v7 =	vmul.f32 v7, v2;
	v8 =	vmul.f32 v8, v2;
	[tilespmem:s11+$0xFFFFFFB0] =	vst v23  }
0x158: {  	v12 =	vld [tilespmem:s11+$0xA0];
	v9 =	vmul.f32 v9, v2;
	v5 =	vmul.f32 v15, v14;
	[tilespmem:s11+$0x0] =	vst v6  }
0x159: {  	v63 =	vld [tilespmem:s11+$0xFFFFFF10];
	v15 =	vmul.f32 v22, v14;
	v6 =	vmul.f32 v17, v14;
	[tilespmem:s11+$0x10] =	vst v7  }
0x15a: {  	v26 =	vld [tilespmem:s11+$0xFFFFFF00];
	v4 =	vmul.f32 v3, v14;
	v3 =	vmul.f32 v18, v2;
	[tilespmem:s11+$0x20] =	vst v8  }
0x15b: {  	v17 =	vld [tilespmem:s11+$0xFFFFFF50];
	v7 =	vmul.f32 v13, v14;
	v8 =	vmul.f32 v19, v21;
	[tilespmem:s11+$0x30] =	vst v9  }
0x15c: {  	v18 =	vld [tilespmem:s11+$0xFFFFFF20];
	v13 =	vmul.f32 v16, v1;
	v9 =	vmul.f32 v24, v21;
	[tilespmem:s11+$0xFFFFFFE0] =	vst v5  }
0x15d: {  	v5 =	vmul.f32 v61, v14;
	[tilespmem:s11+$0xFFFFFFC0] =	vst v15;
	v14 =	vmul.f32 v12, v1  }
0x15e: {  	v15 =	vmul.f32 v11, v2;
	[tilespmem:s11+$0xFFFFFFD0] =	vst v6;
	v6 =	vmul.f32 v10, v2  }
0x15f: {  	v11 =	vmul.f32 v62, v21;
	v12 =	vmul.f32 v25, v21;
	[tilespmem:s11+$0xA0] =	vst v14  }
0x160: {  	v16 =	vld [tilespmem:s11+$0xE0];
	v14 =	vmul.f32 v63, v21;
	[tilespmem:s11+$0x50] =	vst v6;
	v6 =	vmul.f32 v26, v21  }
0x161: {  	s12 =	simm.s32 $0x7;
	s9 =	simm.s32 $0x13F00;
	[tilespmem:s11+$0x90] =	vst v13;
	v10 =	vmul.f32 v17, v21;
	v13 =	vmul.f32 v18, v21;
	v17 =	vld [tilespmem:s11+$0x70]  }
.LBB2_8:
0x162: {  	s10 =	sadd.s32 $0xFFFFFFFD, s12  }
0x163: {  	v18 =	vmov s12;
	v19 =	vld [tilespmem:s9+$0xD0];
	p0 =	sne.s32 s12, $0x4F;
	[tilespmem:s11+$0x60] =	vst v15;
	s15 =	smov.u32 s12;
	s12 =	sadd.s32 $0x4, s12  }
0x164: {  	s16 =	sadd.s32 $0xFFFFFFFE, s15;
	v15 =	vmov s10;
	v20 =	vld [tilespmem:s9+$0xF0];
	[tilespmem:s11+$0xFFFFFFA0] =	vst v4  }
0x165: {  	s10 =	sadd.s32 $0xFFFFFFFF, s15;
	v4 =	vand.u32 $0xFFFFFFFC, v15;
	v15 =	vmov s16;
	v21 =	vld [tilespmem:s9+$0xFFFFFFF0];
	[tilespmem:s11+$0xFFFFFF90] =	vst v5  }
0x166: {  	v4 =	vbroadcast v4, $0x0;
	v5 =	vand.u32 $0xFFFFFFFD, v15;
	v15 =	vmov s10;
	v22 =	vld [tilespmem:s9+$0x0];
	[tilespmem:s11+$0xFFFFFF80] =	vst v7  }
0x167: {  	v5 =	vbroadcast v5, $0x0;
	v7 =	vand.u32 $0xFFFFFFFE, v15;
	v15 =	vld [tilespmem:s9+$0x10];
	[tilespmem:s11+$0xFFFFFF70] =	vst v8;
	v2 =	vmul.f32 v17, v2  }
0x168: {  	v1 =	vmul.f32 v16, v1;
	v7 =	vbroadcast v7, $0x0;
	v8 =	vld [tilespmem:s9+$0x20];
	[tilespmem:s11+$0xFFFFFF60] =	vst v9  }
0x169: {  	v9 =	vld [tilespmem:s9+$0x30];
	[tilespmem:s11+$0xFFFFFF50] =	vst v10  }
0x16a: {  	v10 =	vld [tilespmem:s9+$0x50];
	[tilespmem:s11+$0xFFFFFF40] =	vst v11  }
0x16b: {  	v11 =	vld [tilespmem:s9+$0x60];
	[tilespmem:s11+$0xFFFFFF30] =	vst v12  }
0x16c: {  	v12 =	vld [tilespmem:s9+$0x80];
	[tilespmem:s11+$0xFFFFFF20] =	vst v13  }
0x16d: {  	v13 =	vld [tilespmem:s9+$0x90];
	[tilespmem:s11+$0xFFFFFF10] =	vst v14  }
0x16e: {  	v14 =	vld [tilespmem:s9+$0xA0];
	[tilespmem:s11+$0x40] =	vst v3  }
0x16f: {  	v3 =	vld [tilespmem:s9+$0x40];
	[tilespmem:s11+$0x70] =	vst v2  }
0x170: {  	v16 =	vld [tilespmem:s9+$0xB0];
	[tilespmem:s11+$0xE0] =	vst v1  }
0x171: {  	v17 =	vld [tilespmem:s9+$0xC0];
	[tilespmem:s11+$0xFFFFFF00] =	vst v6;
	s11 =	smov.u32 s9  }
0x172: {  	v1 =	vld.idx.msk [tilespmem:v18+s21+$0x0], $0xffff  }
0x173: {  	v6 =	vld.idx.msk [tilespmem:v4+s21+$0x0], $0xffff  }
0x174: {  	v18 =	vld.idx.msk [tilespmem:v5+s21+$0x0], $0xffff  }
0x175: {  	v2 =	vld.idx.msk [tilespmem:v7+s21+$0x0], $0xffff  }
0x176: {  	v4 =	vld [tilespmem:s9+$0xFFFFFFE0]  }
0x177: {  	v5 =	vld [tilespmem:s9+$0xFFFFFFD0]  }
0x178: {  	v19 =	vmul.f32 v19, v1;
	v20 =	vmul.f32 v20, v1;
	v7 =	vld [tilespmem:s9+$0xFFFFFFC0]  }
0x179: {  	v12 =	vmul.f32 v12, v1;
	v17 =	vmul.f32 v17, v1;
	v23 =	vld [tilespmem:s9+$0xFFFFFFB0]  }
0x17a: {  	v16 =	vmul.f32 v16, v1;
	v21 =	vmul.f32 v21, v18;
	v24 =	vld [tilespmem:s9+$0xFFFFFFA0];
	[tilespmem:s9+$0xD0] =	vst v19  }
0x17b: {  	v22 =	vmul.f32 v22, v2;
	v19 =	vld [tilespmem:s9+$0xFFFFFF90];
	v25 =	vmul.f32 v4, v18;
	[tilespmem:s9+$0xC0] =	vst v17  }
0x17c: {  	v27 =	vmul.f32 v15, v2;
	v17 =	vld [tilespmem:s9+$0xFFFFFF80];
	v26 =	vmul.f32 v5, v18;
	[tilespmem:s9+$0x80] =	vst v12  }
0x17d: {  	v29 =	vmul.f32 v8, v2;
	v12 =	vld [tilespmem:s9+$0xFFFFFF70];
	v28 =	vmul.f32 v7, v18;
	[tilespmem:s9+$0xB0] =	vst v16  }
0x17e: {  	v16 =	vld [tilespmem:s9+$0xFFFFFF60];
	v23 =	vmul.f32 v23, v18;
	[tilespmem:s9+$0xFFFFFFF0] =	vst v21;
	v21 =	vmul.f32 v9, v2  }
0x17f: {  	v3 =	vmul.f32 v3, v2;
	v30 =	vld [tilespmem:s9+$0xFFFFFF50];
	v4 =	vmul.f32 v24, v18;
	[tilespmem:s9+$0x0] =	vst v22  }
0x180: {  	v22 =	vld [tilespmem:s9+$0xFFFFFF40];
	v5 =	vmul.f32 v19, v18;
	v19 =	vmul.f32 v10, v2;
	[tilespmem:s9+$0xF0] =	vst v20  }
0x181: {  	v15 =	vmul.f32 v11, v2;
	v20 =	vld [tilespmem:s9+$0xFFFFFF30];
	v7 =	vmul.f32 v17, v18;
	[tilespmem:s9+$0xFFFFFFE0] =	vst v25  }
0x182: {  	v18 =	vmul.f32 v13, v1;
	v17 =	vld [tilespmem:s9+$0xFFFFFF20];
	v8 =	vmul.f32 v12, v6;
	[tilespmem:s9+$0x10] =	vst v27  }
0x183: {  	v24 =	vld [tilespmem:s9+$0xFFFFFF10];
	v9 =	vmul.f32 v16, v6;
	[tilespmem:s9+$0xFFFFFFD0] =	vst v26;
	v16 =	vmul.f32 v14, v1  }
0x184: {  	v25 =	vld [tilespmem:s9+$0xFFFFFF00];
	v10 =	vmul.f32 v30, v6;
	[tilespmem:s9+$0xFFFFFFC0] =	vst v28  }
0x185: {  	v11 =	vmul.f32 v22, v6;
	[tilespmem:s9+$0x20] =	vst v29  }
.Ltmp3:
0x186: {  	v12 =	vmul.f32 v20, v6;
	[tilespmem:s9+$0x30] =	vst v21;
	(pc) =	sbr.rel @p0 .LBB2_8-.Ltmp3, $4  }
0x187: {  	v13 =	vmul.f32 v17, v6;
	[tilespmem:s9+$0x50] =	vst v19  }
0x188: {  	v14 =	vmul.f32 v24, v6;
	[tilespmem:s9+$0x90] =	vst v18  }
0x189: {  	v6 =	vmul.f32 v25, v6;
	[tilespmem:s9+$0xA0] =	vst v16;
	v16 =	vld [tilespmem:s9+$0xE0]  }
0x18a: {  	s9 =	sadd.s32 $0x200, s9;
	[tilespmem:s11+$0xFFFFFFB0] =	vst v23;
	v17 =	vld [tilespmem:s11+$0x70]  }
0x18b: {  	[tilespmem:s11+$0x60] =	vst v15  }
0x18c: {  	[tilespmem:s11+$0xFFFFFFA0] =	vst v4  }
0x18d: {  	[tilespmem:s11+$0xFFFFFF90] =	vst v5  }
0x18e: {  	[tilespmem:s11+$0xFFFFFF80] =	vst v7  }
0x18f: {  	[tilespmem:s11+$0xFFFFFF70] =	vst v8  }
0x190: {  	[tilespmem:s11+$0xFFFFFF60] =	vst v9  }
0x191: {  	[tilespmem:s11+$0xFFFFFF50] =	vst v10  }
0x192: {  	[tilespmem:s11+$0xFFFFFF40] =	vst v11  }
0x193: {  	[tilespmem:s11+$0xFFFFFF30] =	vst v12  }
0x194: {  	[tilespmem:s11+$0xFFFFFF20] =	vst v13  }
0x195: {  	[tilespmem:s11+$0xFFFFFF10] =	vst v14  }
0x196: {  	[tilespmem:s11+$0x40] =	vst v3;
	v1 =	vmul.f32 v16, v1  }
0x197: {  	[tilespmem:s11+$0xFFFFFF00] =	vst v6;
	v2 =	vmul.f32 v17, v2  }
0x198: {  	[tilespmem:s11+$0xE0] =	vst v1  }
0x199: {  	[tilespmem:s11+$0x70] =	vst v2  }
0x19a: {  	[spmem:s4] =	stream.indirect.scatter.add.f32 [tilespmem:s24], [sflag:$0x5], $0x80, s20, s22, $0xb8;
	[tilespmem:$0x19000] =	vst v63  }
0x19b: {  	_ =	swait.ge [sflag:s18], $0x2800  }
0x19c: {  	[sflag:s18] =	ssyncset.done $0x0  }
0x19d: {  	[sflag:s18] =	ssyncadd.s32 $0xFFFFD800  }
0x19e: {  	[bflag:$0x0] =	sbarrier.arrive $0xFFFF  }
0x19f: {  	s11 =	rddreg [dreg:$0x6]  }
0x1a0: {  	s9 =	rddreg [dreg:$0xa]  }
0x1a1: {  	s12 =	rddreg [dreg:$0xc]  }
0x1a2: {  	[hbm:s9], [sflag:s11] =	dma.local [spmem:s12], $0x2780  }
0x1a3: {  	_ =	swait.ge [sflag:s18], $0x2780  }
0x1a4: {  	s10 =	rddreg [dreg:$0xd]  }
0x1a5: {  	s25 =	rddreg [dreg:$0xb];
	s10 =	sadd.s32 $0x1, s10  }
0x1a6: {  	p0 =	sne.s32 s10, s25  }
.Ltmp4:
0x1a7: {  	_ = 	snop;
	(pc) =	sbr.rel @p0 .LBB2_1-.Ltmp4, $3  }
0x1a8: {  	_ =	sdelay $0x1  }
0x1a9: {  	[sflag:s18] =	ssyncset.done $0x0  }
0x1aa: {  	[sflag:s18] =	ssyncadd.s32 $0xFFFFD880  }
0x1ab: {  	_ =	sfence.sel $0x180000  }
0x1ac: {  	[bflag:$0x0] =	sbarrier.arrive $0xFFFF  }
0x1ad: {  	_ =	strace $0x90000047  }
0x1ae: {  	s0 =	stileid.u32;
	[bflag:$0x2] =	sbarrier.arrive $0xFFFF  }
0x1af: {  	p0 =	sne.s32 s0, $0x0;
	s0 =	rddreg [dreg:$0x4]  }
0x1b0: {  	s0 =	sadd.s32 @!p0 $0x100000, s0  }
0x1b1: {  	[sflag:s0] =	ssyncadd.tile.s32 @!p0 $0x1;
	_ =	shalt  }
.Lfunc_end2:
_tile_overlayer_lowered:
.L_overlay_start_2:
0x1b2: {  	(tag) =	ssettag $0x2  }
0x1b3: {  	s0 =	rddreg [dreg:$0x0];
	s2 =	stileid.u32  }
0x1b4: {  	s1 =	rddreg [dreg:$0x1];
	p0 =	sne.s32 s2, $0x0  }
0x1b5: {  	s3 =	rddreg [dreg:$0x2];
	[bflag:$0x3] =	sbarrier.arrive $0xFFFF;
	s2 =	simm.s32 @!p0 $0x1C05  }
0x1b6: {  	[timem:s3], [sflag:s2] =	dma.local @!p0 [hbm:s0], s1  }
0x1b7: {  	s0 =	simm.s32 @!p0 $0x5  }
0x1b8: {  	_ =	swait.ge @!p0 [sflag:s0], s1  }
0x1b9: {  	s1 =	ssub.s32 @!p0 $0x0, s1;
	[sflag:s0] =	ssyncset.done @!p0 $0x0  }
0x1ba: {  	[sflag:s0] =	ssyncadd.s32 @!p0 s1  }
0x1bb: {  	[bflag:$0x3] =	sbarrier.arrive $0xFFFF  }
0x1bc: {  	_ =	shalt  }

// kernel: kernel.9.cloned.1.call-start
scs
__scs_entry_jumppad:
0x0: {  	(pc) =	sbr.rel $0x88, $3  }
0x1: {  	(tag) =	ssettag $0x0;
	lr =	simm.s32 $0x1  }
0x2: {  	[smem:$0x3F9D] =	sst lr;
	_ =	strace $0xD0000000  }
0x3: {  	_ = 	snop  }
0x4: {  	_ = 	snop  }
0x5: {  	_ = 	snop  }
0x6: {  	_ = 	snop  }
0x7: {  	_ = 	snop  }
__scs_overlays_trampoline_lowered:
0x8: {  	[smem:$0x3FAC] =	sst s0  }
0x9: {  	[smem:$0x3FAD] =	sst s1  }
0xa: {  	[smem:$0x3FAE] =	sst s2  }
0xb: {  	[smem:$0x3FAF] =	sst s3  }
0xc: {  	[smem:$0x3FB0] =	sst s4  }
0xd: {  	[smem:$0x3FB1] =	sst s5  }
0xe: {  	[smem:$0x3FB2] =	sst s6  }
0xf: {  	[smem:$0x3FB3] =	sst s7  }
0x10: {  	[smem:$0x3FB4] =	sst s8  }
0x11: {  	[smem:$0x3FB5] =	sst s9;
	s0 =	simm.s32 @!p0 $0x0  }
0x12: {  	s1 =	sld [smem:$0x3F9B];
	s0 =	simm.s32 @p0 $0x1  }
0x13: {  	[smem:$0x3FB6] =	sst s0;
	s0 =	simm.s32 @!p1 $0x0  }
0x14: {  	s2 =	sld [smem:$0x3F9A];
	s0 =	simm.s32 @p1 $0x1  }
0x15: {  	[smem:$0x3FB7] =	sst s0;
	s0 =	simm.s32 @!p2 $0x0  }
0x16: {  	s3 =	sld [smem:$0x3FDB];
	s0 =	simm.s32 @p2 $0x1  }
0x17: {  	s4 =	simm.s32 $0x1BF5;
	[smem:$0x3FB9] =	sst s0  }
0x18: {  	s0 =	sld [smem:$0x3F9C];
	_ =	swait.ge [sflag:s4], $0x0  }
0x19: {  	s7 =	sld [smem:$0x3F9D]  }
0x1a: {  	s8 =	sadd.s32 $0xFFFFE003, lr  }
0x1b: {  	s9 =	sadd.s32 $0xFFFFFEF7, lr;
	s5 =	simm.s32 $0xFFFFFFFF;
	p2 =	slt.u32 s8, $0xFFFFF086  }
0x1c: {  	p1 =	slt.u32 s9, $0xF7A;
	s5 =	simm.s32 @!p2 $0x0  }
0x1d: {  	s5 =	simm.s32 @p1 $0x1;
	p0 =	seq.s32 s7, s2  }
0x1e: {  	s7 =	smul.u32 @!p0 $0xF7A, s2;
	p2 =	seq.s32 @!p0 s5, $0x0  }
0x1f: {  	s9 =	smul.u32 $0xF7A, s1;
	s8 =	simm.s32 @!p0 $0x1BF5;
	p2 =	por !p2, p0  }
0x20: {  	[sflag:s8] =	ssyncset.s32 @!p0 $0xFFFFF086;
	s6 =	sadd.s32 @!p0 s3, s7;
	s7 =	simm.s32 @!p0 $0x108  }
0x21: {  	s3 =	sadd.s32 s3, s9;
	s6 =	sadd.s32 @!p0 $0x88, s6;
	s7 =	simm.s32 @p2 $0x1082  }
0x22: {  	[simem:s7], [sflag:s8] =	dma.local @!p0 [hbm:s6], $0xF7A  }
0x23: {  	s9 =	sor.u32 $0xD0000000, s2;
	s6 =	simm.s32 $0x108;
	_ =	swait.ge @!p0 [sflag:s8], $0x0  }
0x24: {  	s3 =	sadd.s32 $0x88, s3;
	s6 =	simm.s32 @!p1 $0x1082;
	[sflag:s4] =	ssyncset.s32 $0xFFFFF086  }
0x25: {  	[simem:s6], [sflag:s4] =	dma.local [hbm:s3], $0xF7A  }
0x26: {  	[smem:$0x3F9D] =	sst s1;
	(tag) =	ssettag s2;
	_ =	strace s9  }
0x27: {  	s1 =	sld [smem:$0x3FAD]  }
0x28: {  	s2 =	sld [smem:$0x3FAE]  }
0x29: {  	s4 =	sld [smem:$0x3FB0]  }
0x2a: {  	p0 =	seq.s32 s5, $0x0;
	s5 =	sld [smem:$0x3FB1]  }
0x2b: {  	s6 =	sld [smem:$0x3FB2]  }
0x2c: {  	s7 =	sld [smem:$0x3FB3]  }
0x2d: {  	s3 =	simm.s32 $0x108;
	s8 =	sld [smem:$0x3FB4]  }
0x2e: {  	s3 =	simm.s32 @!p0 $0x1082;
	s9 =	sld [smem:$0x3FB5]  }
0x2f: {  	lr =	sadd.s32 s0, s3;
	s0 =	sld [smem:$0x3FAC]  }
0x30: {  	s3 =	sld [smem:$0x3FAF]  }
0x31: {  	[smem:$0x3FB8] =	sst s10  }
0x32: {  	s10 =	sld [smem:$0x3FB6];
	_ =	sdelay $0x3  }
0x33: {  	p0 =	seq.s32 s10, $0x1;
	s10 =	sld [smem:$0x3FB8];
	_ =	sdelay $0x3  }
0x34: {  	[smem:$0x3FB8] =	sst s10  }
0x35: {  	s10 =	sld [smem:$0x3FB7];
	_ =	sdelay $0x3  }
0x36: {  	p1 =	seq.s32 s10, $0x1;
	s10 =	sld [smem:$0x3FB8];
	_ =	sdelay $0x3  }
0x37: {  	[smem:$0x3FB8] =	sst s10  }
0x38: {  	s10 =	sld [smem:$0x3FB9]  }
0x39: {  	_ = 	snop;
	(pc) =	sbr.ind lr, $3  }
0x3a: {  	_ = 	snop  }
0x3b: {  	_ = 	snop  }
0x3c: {  	p2 =	seq.s32 s10, $0x1;
	s10 =	sld [smem:$0x3FB8]  }
0x3d: {  	_ =	shalt  }
0x3e: {  	_ =	shalt  }
0x3f: {  	_ =	shalt  }
0x40: {  	_ =	shalt  }
0x41: {  	_ =	shalt  }
0x42: {  	_ =	shalt  }
0x43: {  	_ =	shalt  }
0x44: {  	_ =	shalt  }
0x45: {  	_ =	shalt  }
0x46: {  	_ =	shalt  }
0x47: {  	_ =	shalt  }
0x48: {  	_ =	shalt  }
0x49: {  	_ =	shalt  }
0x4a: {  	_ =	shalt  }
0x4b: {  	_ =	shalt  }
0x4c: {  	_ =	shalt  }
0x4d: {  	_ =	shalt  }
0x4e: {  	_ =	shalt  }
0x4f: {  	_ =	shalt  }
0x50: {  	_ =	shalt  }
0x51: {  	_ =	shalt  }
0x52: {  	_ =	shalt  }
0x53: {  	_ =	shalt  }
0x54: {  	_ =	shalt  }
0x55: {  	_ =	shalt  }
0x56: {  	_ =	shalt  }
0x57: {  	_ =	shalt  }
0x58: {  	_ =	shalt  }
0x59: {  	_ =	shalt  }
0x5a: {  	_ =	shalt  }
0x5b: {  	_ =	shalt  }
0x5c: {  	_ =	shalt  }
0x5d: {  	_ =	shalt  }
0x5e: {  	_ =	shalt  }
0x5f: {  	_ =	shalt  }
0x60: {  	_ =	shalt  }
0x61: {  	_ =	shalt  }
0x62: {  	_ =	shalt  }
0x63: {  	_ =	shalt  }
0x64: {  	_ =	shalt  }
0x65: {  	_ =	shalt  }
0x66: {  	_ =	shalt  }
0x67: {  	_ =	shalt  }
0x68: {  	_ =	shalt  }
0x69: {  	_ =	shalt  }
0x6a: {  	_ =	shalt  }
0x6b: {  	_ =	shalt  }
0x6c: {  	_ =	shalt  }
0x6d: {  	_ =	shalt  }
0x6e: {  	_ =	shalt  }
0x6f: {  	_ =	shalt  }
0x70: {  	_ =	shalt  }
0x71: {  	_ =	shalt  }
0x72: {  	_ =	shalt  }
0x73: {  	_ =	shalt  }
0x74: {  	_ =	shalt  }
0x75: {  	_ =	shalt  }
0x76: {  	_ =	shalt  }
0x77: {  	_ =	shalt  }
0x78: {  	_ =	shalt  }
0x79: {  	_ =	shalt  }
0x7a: {  	_ =	shalt  }
0x7b: {  	_ =	shalt  }
0x7c: {  	_ =	shalt  }
0x7d: {  	_ =	shalt  }
0x7e: {  	_ =	shalt  }
0x7f: {  	_ =	shalt  }
0x80: {  	_ =	shalt  }
0x81: {  	_ =	shalt  }
0x82: {  	_ =	shalt  }
0x83: {  	_ =	shalt  }
0x84: {  	_ =	shalt  }
0x85: {  	_ =	shalt  }
0x86: {  	_ =	shalt  }
0x87: {  	_ =	shalt  }
.Lfunc_end0:
.L_simem_size_0:
called_computation.1_lowered:
.L_overlay_start_0:
0x88: {  	s2 =	sld [smem:$0x3FD9]  }
0x89: {  	s3 =	sld [smem:$0x3FFE];
	_ =	sdelay $0x1  }
0x8a: {  	s1 =	srdreg.scid  }
0x8b: {  	s0 =	sand.u32 $0x1, s1  }
0x8c: {  	s17 =	sshll.u32 s0, $0xA;
	s2 =	sadd.s32 s3, s2  }
0x8d: {  	s2 =	sadd.s32 s2, s17  }
0x8e: {  	[smem:$0x3FC4] =	sst s2  }
0x8f: {  	_ = 	snop  }
0x90: {  	s2 =	sld [smem:$0x3FC6];
	(tm) =	ssettm $0x1  }
0x91: {  	s18 =	sld [smem:$0x3FFB];
	_ =	sdelay $0x3  }
0x92: {  	_ =	strace s18  }
0x93: {  	s3 =	sld [smem:$0x3FFC];
	_ =	sdelay $0x3  }
0x94: {  	_ =	strace s3  }
0x95: {  	s3 =	sld [smem:$0x3FFD];
	_ =	sdelay $0x3  }
0x96: {  	_ =	strace s3  }
0x97: {  	_ =	strace $0x8FFFFFFF  }
0x98: {  	s19 =	sld [smem:$0x3FDB];
	_ =	sdelay $0x1  }
0x99: {  	s4 =	simm.s32 $_scs_section_size  }
0x9a: {  	s5 =	simm.s32 $_size__tile_overlayer_lowered;
	s6 =	simm.s32 $_tile_overlayer_lowered  }
0x9b: {  	s22 =	simm.s32 $0x1BFF;
	s21 =	sshll.u32 s6, $0x1;
	s3 =	sadd.s32 s4, s19  }
0x9c: {  	s7 =	simm.s32 $0x0;
	s20 =	sshll.u32 s5, $0x1;
	s5 =	sadd.s32 s21, s3  }
0x9d: {  	[timem:s7], [sflag:s22] =	dma.local [hbm:s5], s20  }
0x9e: {  	_ =	swait.ge [sflag:s22], s20  }
0x9f: {  	s4 =	ssub.s32 $0x0, s20;
	[sflag:s22] =	ssyncset.done $0x0  }
0xa0: {  	[sflag:s22] =	ssyncadd.s32 s4;
	_ =	sdelay $0x1  }
0xa1: {  	s23 =	simm.s32 $0x1B8B  }
0xa2: {  	_ =	swait.ge [sflag:s23], $0x1  }
0xa3: {  	[sflag:s23] =	ssyncset.done $0x0  }
0xa4: {  	s25 =	simm.s32 $0x1B8E;
	s24 =	sld [smem:$0x3FFE];
	[sflag:s23] =	ssyncadd.s32 $0xFFFFFFFF  }
0xa5: {  	s26 =	simm.s32 $execute0_lowered;
	[smem:$0x3FD2] =	sst s25  }
0xa6: {  	s5 =	sshll.u32 s26, $0x1;
	_ =	strace $0x80000049;
	[dreg:$0x1] =	wrdreg $0xFFFFFFFF  }
0xa7: {  	s28 =	simm.s32 $_size_execute0_lowered;
	s3 =	sadd.s32 s3, s5;
	[dreg:$0x0] =	wrdreg $0x0  }
0xa8: {  	s5 =	sshll.u32 s28, $0x1;
	[dreg:$0x2] =	wrdreg s3  }
0xa9: {  	[dreg:$0x3] =	wrdreg s5  }
0xaa: {  	[dreg:$0x4] =	wrdreg $0xC0  }
0xab: {  	_ =	task [dreg:s7], $0x5FFFF  }
0xac: {  	[dreg:$0x1] =	wrdreg $0xFFFFFFFF  }
0xad: {  	[dreg:$0x0] =	wrdreg $0x60  }
0xae: {  	[dreg:$0x2] =	wrdreg s24  }
0xaf: {  	[dreg:$0x3] =	wrdreg s2  }
0xb0: {  	[dreg:$0x4] =	wrdreg $0x0  }
0xb1: {  	[dreg:$0x5] =	wrdreg $0x9  }
0xb2: {  	_ =	task.clear_ibuf [dreg:s7], $0x6FFFF;
	_ =	strace $0x90000049  }
0xb3: {  	s29 =	simm.s32 $0x9;
	_ =	strace $0x8000004B  }
0xb4: {  	_ =	swait.ge [sflag:s29], $0x1  }
0xb5: {  	[sflag:s29] =	ssyncadd.s32 $0xFFFFFFFF  }
0xb6: {  	_ =	strace $0x9000004B  }
0xb7: {  	_ =	sfence  }
0xb8: {  	s30 =	sld [smem:$0x0];
	_ =	sdelay $0x2  }
0xb9: {  	s31 =	sshll.u32 s1, $0xD;
	s1 =	sshrl.u32 s1, $0x2  }
0xba: {  	s3 =	sand.u32 $0x4000, s31;
	s1 =	sadd.s32 s1, s30  }
0xbb: {  	s0 =	sor.u32 s3, s0;
	s1 =	sshll.u32 s1, $0x11  }
0xbc: {  	s0 =	sor.u32 s1, s0  }
0xbd: {  	s0 =	sadd.s32 $0x8F2B, s0  }
0xbe: {  	[sflag:s0] =	ssyncadd.remote.s32 $0x1  }
0xbf: {  	_ =	sfence.sel $0xFFFF  }
0xc0: {  	[dreg:$0x0] =	wrdreg $0xFFFFFFFF;
	(pc) =	sbr.abs _section_cstart, $3  }
0xc1: {  	[dreg:$0x1] =	wrdreg $0xFFFFFFFF  }
0xc2: {  	_ =	task.clear_ibuf [dreg:s7], $0x2FFFF;
	_ =	strace $0x9FFFFFFF  }
0xc3: {  	(tm) =	ssettm $0x7FFFFFFF  }
tec
execute0_lowered:
.L_overlay_start_1:
0x0: {  	(tag) =	ssettag $0x1  }
0x1: {  	s0 =	rddreg [dreg:$0x0]  }
0x2: {  	s2 =	rddreg [dreg:$0x1]  }
0x3: {  	s3 =	rddreg [dreg:$0x2];
	s13 =	stileid.u32;
	s4 =	simm.s32 $0x0  }
0x4: {  	s5 =	srdreg.scid;
	s18 =	simm.s32 $0x5;
	s19 =	simm.s32 $0x18C00  }
0x5: {  	s28 =	simm.s32 $0x18F80;
	s29 =	simm.s32 $0x18D80;
	s30 =	simm.s32 $0x16400  }
0x6: {  	s31 =	simm.s32 $0x1;
	s1 =	smul.u32 $0x2780, s13;
	[smem:$0x7FF] =	sst s4  }
0x7: {  	s8 =	sand.u32 $0x1, s5;
	s9 =	smul.u32 $0x278, s13;
	s5 =	sadd.s32 $0x33C00, s0  }
0x8: {  	s6 =	sadd.s32 $0x7400, s0;
	s7 =	sadd.s32 $0x2400, s0;
	s11 =	smul.u32 $0x4F000, s13  }
0x9: {  	s14 =	smul.u32 $0x2710, s13;
	s21 =	sshll.u32 s13, $0x6;
	_ =	strace $0x8000004A  }
0xa: {  	s10 =	smul.u32 $0x2780, s8;
	s8 =	ssub.s32 $0x2, s8;
	s1 =	sadd.s32 s1, s0  }
0xb: {  	s12 =	sshrl.u32 s8, $0x1;
	s20 =	sshrl.u32 s11, $0x2;
	s22 =	sshrl.u32 s14, $0x3  }
0xc: {  	s11 =	sor.u32 $0x1C05, s21;
	s13 =	sadd.s32 $0x50, s14;
	s14 =	sadd.s32 $0xA0, s14  }
0xd: {  	s21 =	simm.s32 $0x18F00;
	s1 =	sadd.s32 $0xC400, s1;
	[dreg:$0x5] =	wrdreg s11  }
0xe: {  	s9 =	sadd.s32 s9, s10;
	s23 =	sadd.s32 s6, s22;
	[dreg:$0x4] =	wrdreg s1  }
0xf: {  	s8 =	ssub.s32 s8, s12;
	s24 =	sadd.s32 s7, s22;
	[dreg:$0x6] =	wrdreg s23  }
0x10: {  	s25 =	sadd.s32 s2, s22;
	s22 =	simm.s32 $0x50;
	[dreg:$0x7] =	wrdreg s24  }
0x11: {  	v0 =	vmov s10;
	s10 =	simm.s32 $0x0;
	s9 =	sshll.u32 s9, $0x4;
	[dreg:$0x8] =	wrdreg s25  }
0x12: {  	s26 =	smax.u32 s8, $0x1;
	s23 =	simm.s32 $0x18D00;
	s24 =	simm.s32 $0x13C00  }
0x13: {  	s1 =	simm.s32 $0x3;
	s8 =	simm.s32 $0x4;
	s0 =	sadd.s32 s9, s0  }
0x14: {  	s9 =	sadd.s32 s20, s3;
	[dreg:$0xa] =	wrdreg s26;
	s0 =	sadd.s32 $0x82C00, s0  }
0x15: {  	s20 =	simm.s32 $0x18E00;
	s12 =	sshrl.u32 s9, $0x3;
	[dreg:$0x9] =	wrdreg s0  }
0x16: {  	s26 =	simm.s32 $0x18E80;
	s0 =	simm.s32 $0x2;
	[dreg:$0xb] =	wrdreg s12  }
.LBB2_1:
0x17: {  	[dreg:$0xc] =	wrdreg s10  }
0x18: {  	s9 =	rddreg [dreg:$0x4]  }
0x19: {  	[spmem:s12], [sflag:s11] =	dma.local [hbm:s9], $0x2780  }
0x1a: {  	_ =	swait.ge [sflag:s18], $0x2780  }
0x1b: {  	[sflag:s18] =	ssyncset.done $0x0  }
0x1c: {  	[sflag:s18] =	ssyncadd.s32 $0xFFFFD880  }
0x1d: {  	[bflag:$0x0] =	sbarrier.arrive $0xFFFF  }
0x1e: {  	s16 =	rddreg [dreg:$0x6]  }
0x1f: {  	[tilespmem:s19], [sflag:$0x5] =	stream.linear.gather [hbm4b:s16+s4], $0x50, $0x38;
	[tilespmem:$0x19000] =	vst v63  }
0x20: {  	_ =	swait.ge [sflag:s18], $0x50  }
0x21: {  	[sflag:s18] =	ssyncset.done $0x0  }
0x22: {  	s17 =	rddreg [dreg:$0x7];
	[sflag:s18] =	ssyncadd.s32 $0xFFFFFFB0  }
0x23: {  	[tilespmem:s20], [sflag:$0x5] =	stream.linear.gather [hbm4b:s17+s4], $0x50, $0x38;
	[tilespmem:$0x19000] =	vst v63  }
0x24: {  	_ =	swait.ge [sflag:s18], $0x50  }
0x25: {  	[sflag:s18] =	ssyncset.done $0x0  }
0x26: {  	s25 =	rddreg [dreg:$0x8];
	[sflag:s18] =	ssyncadd.s32 $0xFFFFFFB0  }
0x27: {  	[tilespmem:s21], [sflag:$0x5] =	stream.linear.gather [hbm4b:s25+s4], $0x50, $0x38;
	[tilespmem:$0x19000] =	vst v63  }
0x28: {  	_ =	swait.ge [sflag:s18], $0x50  }
0x29: {  	[sflag:s18] =	ssyncset.done $0x0  }
0x2a: {  	[sflag:s18] =	ssyncadd.s32 $0xFFFFFFB0  }
0x2b: {  	v1 =	vld [tilespmem:$0x18C00]  }
0x2c: {  	v2 =	vld [tilespmem:$0x18C10]  }
0x2d: {  	v3 =	vld [tilespmem:$0x18C20]  }
0x2e: {  	v4 =	vld [tilespmem:$0x18C30]  }
0x2f: {  	v5 =	vld [tilespmem:$0x18C40]  }
0x30: {  	v1 =	vadd.s32 v0, v1  }
0x31: {  	[tilespmem:$0x18D00] =	vst v1;
	v1 =	vadd.s32 v0, v2  }
0x32: {  	[tilespmem:$0x18D10] =	vst v1;
	v1 =	vadd.s32 v0, v3  }
0x33: {  	[tilespmem:$0x18D20] =	vst v1;
	v1 =	vadd.s32 v0, v4  }
0x34: {  	[tilespmem:$0x18D30] =	vst v1;
	v1 =	vadd.s32 v0, v5  }
0x35: {  	s11 =	simm.s32 $0x0;
	[tilespmem:$0x18D40] =	vst v1  }
0x36: {  	[tilespmem:s24], [sflag:$0x1] =	stream.indirect.gather [hbm4b:s5+s22], $0x80, s23, s22, $0xb8;
	[tilespmem:$0x19000] =	vst v63  }
.LBB2_2:
0x37: {  	s12 =	smul.u32 $0xA0, s11;
	_ =	sdelay $0x1  }
0x38: {  	s9 =	sadd.s32 s12, s13  }
0x39: {  	s9 =	sshrl.u32 s9, $0x3  }
0x3a: {  	s10 =	simm.s32 $0x18C80;
	s15 =	sadd.s32 s6, s9  }
0x3b: {  	[tilespmem:s10], [sflag:$0x5] =	stream.linear.gather [hbm4b:s15+s4], $0x50, $0x38;
	[tilespmem:$0x19000] =	vst v63  }
0x3c: {  	_ =	swait.ge [sflag:s18], $0x50  }
0x3d: {  	[sflag:s18] =	ssyncset.done $0x0  }
0x3e: {  	s25 =	sadd.s32 s7, s9;
	[sflag:s18] =	ssyncadd.s32 $0xFFFFFFB0  }
0x3f: {  	[tilespmem:s26], [sflag:$0x5] =	stream.linear.gather [hbm4b:s25+s4], $0x50, $0x38;
	[tilespmem:$0x19000] =	vst v63  }
0x40: {  	_ =	swait.ge [sflag:s18], $0x50  }
0x41: {  	[sflag:s18] =	ssyncset.done $0x0  }
0x42: {  	s9 =	sadd.s32 s2, s9;
	[sflag:s18] =	ssyncadd.s32 $0xFFFFFFB0  }
0x43: {  	[tilespmem:s28], [sflag:$0x5] =	stream.linear.gather [hbm4b:s9+s4], $0x50, $0x38;
	[tilespmem:$0x19000] =	vst v63  }
0x44: {  	_ =	swait.ge [sflag:s18], $0x50  }
0x45: {  	[sflag:s18] =	ssyncset.done $0x0  }
0x46: {  	[sflag:s18] =	ssyncadd.s32 $0xFFFFFFB0  }
0x47: {  	v1 =	vld [tilespmem:$0x18C80]  }
0x48: {  	v2 =	vld [tilespmem:$0x18C90]  }
0x49: {  	v3 =	vld [tilespmem:$0x18CA0]  }
0x4a: {  	v4 =	vld [tilespmem:$0x18CB0]  }
0x4b: {  	v5 =	vld [tilespmem:$0x18CC0]  }
0x4c: {  	v1 =	vadd.s32 v0, v1  }
0x4d: {  	[tilespmem:$0x18D80] =	vst v1;
	v1 =	vadd.s32 v0, v2  }
0x4e: {  	[tilespmem:$0x18D90] =	vst v1;
	v1 =	vadd.s32 v0, v3  }
0x4f: {  	[tilespmem:$0x18DA0] =	vst v1;
	v1 =	vadd.s32 v0, v4  }
0x50: {  	[tilespmem:$0x18DB0] =	vst v1;
	v1 =	vadd.s32 v0, v5  }
0x51: {  	[tilespmem:$0x18DC0] =	vst v1  }
0x52: {  	[tilespmem:s30], [sflag:$0x2] =	stream.indirect.gather [hbm4b:s5+s22], $0x80, s29, s22, $0xb8;
	[tilespmem:$0x19000] =	vst v63  }
0x53: {  	_ =	swait.ge [sflag:s31], $0x2800  }
0x54: {  	[sflag:s31] =	ssyncset.done $0x0  }
0x55: {  	s15 =	simm.s32 $0x13D00;
	[sflag:s31] =	ssyncadd.s32 $0xFFFFD800  }
0x56: {  	v3 =	vld [tilespmem:s15+$0xD0]  }
0x57: {  	v4 =	vld [tilespmem:s15+$0xF0]  }
0x58: {  	v5 =	vld [tilespmem:s15+$0xFFFFFFF0]  }
0x59: {  	v6 =	vld [tilespmem:s15+$0x0]  }
0x5a: {  	v7 =	vld [tilespmem:s15+$0x10]  }
0x5b: {  	v8 =	vld [tilespmem:s15+$0x20]  }
0x5c: {  	v9 =	vld [tilespmem:s15+$0x30]  }
0x5d: {  	s10 =	simm.s32 $0x0;
	v10 =	vld [tilespmem:s15+$0x50]  }
0x5e: {  	s16 =	simm.s32 $0x3;
	s17 =	simm.s32 $0x1;
	v1 =	vmov s10;
	v11 =	vld [tilespmem:s15+$0x60]  }
0x5f: {  	v12 =	vmov s17;
	s25 =	simm.s32 $0x2;
	v2 =	vmov s16;
	v1 =	vand.u32 $0xFFFFFFFC, v1;
	v13 =	vld [tilespmem:s15+$0x80]  }
0x60: {  	v14 =	vbroadcast v1, $0x0;
	v1 =	vand.u32 $0xFFFFFFFD, v12;
	v12 =	vmov s25;
	v16 =	vld [tilespmem:s15+$0x90]  }
0x61: {  	v15 =	vbroadcast v1, $0x0;
	v1 =	vand.u32 $0xFFFFFFFE, v12;
	v12 =	vld [tilespmem:s15+$0xA0]  }
0x62: {  	v18 =	vld [tilespmem:s15+$0x40]  }
0x63: {  	v19 =	vld [tilespmem:s15+$0xB0]  }
0x64: {  	v20 =	vld [tilespmem:s15+$0xC0]  }
0x65: {  	v17 =	vbroadcast v1, $0x0;
	v1 =	vld.idx.msk [tilespmem:v2+s21+$0x0], $0xffff  }
0x66: {  	v22 =	vld [tilespmem:s15+$0xFFFFFFC0]  }
0x67: {  	v23 =	vld [tilespmem:s15+$0xFFFFFFB0]  }
0x68: {  	v61 =	vld [tilespmem:s15+$0xFFFFFF90]  }
0x69: {  	v21 =	vld.idx.msk [tilespmem:v14+s21+$0x0], $0xffff  }
0x6a: {  	v14 =	vld.idx.msk [tilespmem:v15+s21+$0x0], $0xffff;
	v3 =	vmul.f32 v3, v1  }
0x6b: {  	v24 =	vld [tilespmem:s15+$0xFFFFFF60];
	v20 =	vmul.f32 v20, v1  }
0x6c: {  	v2 =	vld.idx.msk [tilespmem:v17+s21+$0x0], $0xffff;
	v13 =	vmul.f32 v13, v1;
	[tilespmem:s15+$0xD0] =	vst v3  }
0x6d: {  	v15 =	vld [tilespmem:s15+$0xFFFFFFE0];
	v19 =	vmul.f32 v19, v1;
	[tilespmem:s15+$0xC0] =	vst v20  }
0x6e: {  	v17 =	vld [tilespmem:s15+$0xFFFFFFD0];
	v4 =	vmul.f32 v4, v1;
	[tilespmem:s15+$0x80] =	vst v13  }
0x6f: {  	v3 =	vld [tilespmem:s15+$0xFFFFFFA0];
	[tilespmem:s15+$0xB0] =	vst v19;
	v5 =	vmul.f32 v5, v14  }
0x70: {  	v13 =	vld [tilespmem:s15+$0xFFFFFF80];
	[tilespmem:s15+$0xF0] =	vst v4;
	v23 =	vmul.f32 v23, v14  }
0x71: {  	v19 =	vld [tilespmem:s15+$0xFFFFFF70];
	v6 =	vmul.f32 v6, v2;
	[tilespmem:s15+$0xFFFFFFF0] =	vst v5  }
0x72: {  	v62 =	vld [tilespmem:s15+$0xFFFFFF40];
	v7 =	vmul.f32 v7, v2;
	v8 =	vmul.f32 v8, v2;
	[tilespmem:s15+$0xFFFFFFB0] =	vst v23  }
0x73: {  	v25 =	vld [tilespmem:s15+$0xFFFFFF30];
	v9 =	vmul.f32 v9, v2;
	v5 =	vmul.f32 v15, v14;
	[tilespmem:s15+$0x0] =	vst v6  }
0x74: {  	v63 =	vld [tilespmem:s15+$0xFFFFFF10];
	v15 =	vmul.f32 v22, v14;
	v6 =	vmul.f32 v17, v14;
	[tilespmem:s15+$0x10] =	vst v7  }
0x75: {  	v26 =	vld [tilespmem:s15+$0xFFFFFF00];
	v4 =	vmul.f32 v3, v14;
	v3 =	vmul.f32 v18, v2;
	[tilespmem:s15+$0x20] =	vst v8  }
0x76: {  	v17 =	vld [tilespmem:s15+$0xFFFFFF50];
	v7 =	vmul.f32 v13, v14;
	v8 =	vmul.f32 v19, v21;
	[tilespmem:s15+$0x30] =	vst v9  }
0x77: {  	v18 =	vld [tilespmem:s15+$0xFFFFFF20];
	v13 =	vmul.f32 v16, v1;
	v9 =	vmul.f32 v24, v21;
	[tilespmem:s15+$0xFFFFFFE0] =	vst v5  }
0x78: {  	v5 =	vmul.f32 v61, v14;
	[tilespmem:s15+$0xFFFFFFC0] =	vst v15;
	v14 =	vmul.f32 v12, v1  }
0x79: {  	v15 =	vmul.f32 v11, v2;
	[tilespmem:s15+$0xFFFFFFD0] =	vst v6;
	v6 =	vmul.f32 v10, v2  }
0x7a: {  	v11 =	vmul.f32 v62, v21;
	v12 =	vmul.f32 v25, v21;
	[tilespmem:s15+$0xA0] =	vst v14  }
0x7b: {  	v16 =	vld [tilespmem:s15+$0xE0];
	v14 =	vmul.f32 v63, v21;
	[tilespmem:s15+$0x50] =	vst v6;
	v6 =	vmul.f32 v26, v21  }
0x7c: {  	s9 =	simm.s32 $0x13F00;
	s16 =	simm.s32 $0x7;
	[tilespmem:s15+$0x90] =	vst v13;
	v10 =	vmul.f32 v17, v21;
	v13 =	vmul.f32 v18, v21;
	v17 =	vld [tilespmem:s15+$0x70]  }
.LBB2_3:
0x7d: {  	s17 =	sadd.s32 $0xFFFFFFFD, s16  }
0x7e: {  	v18 =	vmov s16;
	v19 =	vld [tilespmem:s9+$0xD0];
	p0 =	sne.s32 s16, $0x4F;
	[tilespmem:s15+$0x60] =	vst v15;
	s10 =	smov.u32 s16;
	s16 =	sadd.s32 $0x4, s16  }
0x7f: {  	s25 =	sadd.s32 $0xFFFFFFFE, s10;
	v15 =	vmov s17;
	v20 =	vld [tilespmem:s9+$0xF0];
	[tilespmem:s15+$0xFFFFFFA0] =	vst v4  }
0x80: {  	s10 =	sadd.s32 $0xFFFFFFFF, s10;
	v4 =	vand.u32 $0xFFFFFFFC, v15;
	v15 =	vmov s25;
	v21 =	vld [tilespmem:s9+$0xFFFFFFF0];
	[tilespmem:s15+$0xFFFFFF90] =	vst v5  }
0x81: {  	v4 =	vbroadcast v4, $0x0;
	v5 =	vand.u32 $0xFFFFFFFD, v15;
	v15 =	vmov s10;
	v22 =	vld [tilespmem:s9+$0x0];
	[tilespmem:s15+$0xFFFFFF80] =	vst v7  }
0x82: {  	v5 =	vbroadcast v5, $0x0;
	v7 =	vand.u32 $0xFFFFFFFE, v15;
	v15 =	vld [tilespmem:s9+$0x10];
	[tilespmem:s15+$0xFFFFFF70] =	vst v8;
	v2 =	vmul.f32 v17, v2  }
0x83: {  	v1 =	vmul.f32 v16, v1;
	v7 =	vbroadcast v7, $0x0;
	v8 =	vld [tilespmem:s9+$0x20];
	[tilespmem:s15+$0xFFFFFF60] =	vst v9  }
0x84: {  	v9 =	vld [tilespmem:s9+$0x30];
	[tilespmem:s15+$0xFFFFFF50] =	vst v10  }
0x85: {  	v10 =	vld [tilespmem:s9+$0x50];
	[tilespmem:s15+$0xFFFFFF40] =	vst v11  }
0x86: {  	v11 =	vld [tilespmem:s9+$0x60];
	[tilespmem:s15+$0xFFFFFF30] =	vst v12  }
0x87: {  	v12 =	vld [tilespmem:s9+$0x80];
	[tilespmem:s15+$0xFFFFFF20] =	vst v13  }
0x88: {  	v13 =	vld [tilespmem:s9+$0x90];
	[tilespmem:s15+$0xFFFFFF10] =	vst v14  }
0x89: {  	v14 =	vld [tilespmem:s9+$0xA0];
	[tilespmem:s15+$0x40] =	vst v3  }
0x8a: {  	v3 =	vld [tilespmem:s9+$0x40];
	[tilespmem:s15+$0x70] =	vst v2  }
0x8b: {  	v16 =	vld [tilespmem:s9+$0xB0];
	[tilespmem:s15+$0xE0] =	vst v1  }
0x8c: {  	v17 =	vld [tilespmem:s9+$0xC0];
	[tilespmem:s15+$0xFFFFFF00] =	vst v6;
	s15 =	smov.u32 s9  }
0x8d: {  	v1 =	vld.idx.msk [tilespmem:v18+s21+$0x0], $0xffff  }
0x8e: {  	v6 =	vld.idx.msk [tilespmem:v4+s21+$0x0], $0xffff  }
0x8f: {  	v18 =	vld.idx.msk [tilespmem:v5+s21+$0x0], $0xffff  }
0x90: {  	v2 =	vld.idx.msk [tilespmem:v7+s21+$0x0], $0xffff  }
0x91: {  	v4 =	vld [tilespmem:s9+$0xFFFFFFE0]  }
0x92: {  	v5 =	vld [tilespmem:s9+$0xFFFFFFD0]  }
0x93: {  	v19 =	vmul.f32 v19, v1;
	v20 =	vmul.f32 v20, v1;
	v7 =	vld [tilespmem:s9+$0xFFFFFFC0]  }
0x94: {  	v12 =	vmul.f32 v12, v1;
	v17 =	vmul.f32 v17, v1;
	v23 =	vld [tilespmem:s9+$0xFFFFFFB0]  }
0x95: {  	v16 =	vmul.f32 v16, v1;
	v21 =	vmul.f32 v21, v18;
	v24 =	vld [tilespmem:s9+$0xFFFFFFA0];
	[tilespmem:s9+$0xD0] =	vst v19  }
0x96: {  	v22 =	vmul.f32 v22, v2;
	v19 =	vld [tilespmem:s9+$0xFFFFFF90];
	v25 =	vmul.f32 v4, v18;
	[tilespmem:s9+$0xC0] =	vst v17  }
0x97: {  	v27 =	vmul.f32 v15, v2;
	v17 =	vld [tilespmem:s9+$0xFFFFFF80];
	v26 =	vmul.f32 v5, v18;
	[tilespmem:s9+$0x80] =	vst v12  }
0x98: {  	v29 =	vmul.f32 v8, v2;
	v12 =	vld [tilespmem:s9+$0xFFFFFF70];
	v28 =	vmul.f32 v7, v18;
	[tilespmem:s9+$0xB0] =	vst v16  }
0x99: {  	v16 =	vld [tilespmem:s9+$0xFFFFFF60];
	v23 =	vmul.f32 v23, v18;
	[tilespmem:s9+$0xFFFFFFF0] =	vst v21;
	v21 =	vmul.f32 v9, v2  }
0x9a: {  	v3 =	vmul.f32 v3, v2;
	v30 =	vld [tilespmem:s9+$0xFFFFFF50];
	v4 =	vmul.f32 v24, v18;
	[tilespmem:s9+$0x0] =	vst v22  }
0x9b: {  	v22 =	vld [tilespmem:s9+$0xFFFFFF40];
	v5 =	vmul.f32 v19, v18;
	v19 =	vmul.f32 v10, v2;
	[tilespmem:s9+$0xF0] =	vst v20  }
0x9c: {  	v15 =	vmul.f32 v11, v2;
	v20 =	vld [tilespmem:s9+$0xFFFFFF30];
	v7 =	vmul.f32 v17, v18;
	[tilespmem:s9+$0xFFFFFFE0] =	vst v25  }
0x9d: {  	v18 =	vmul.f32 v13, v1;
	v17 =	vld [tilespmem:s9+$0xFFFFFF20];
	v8 =	vmul.f32 v12, v6;
	[tilespmem:s9+$0x10] =	vst v27  }
0x9e: {  	v24 =	vld [tilespmem:s9+$0xFFFFFF10];
	v9 =	vmul.f32 v16, v6;
	[tilespmem:s9+$0xFFFFFFD0] =	vst v26;
	v16 =	vmul.f32 v14, v1  }
0x9f: {  	v25 =	vld [tilespmem:s9+$0xFFFFFF00];
	v10 =	vmul.f32 v30, v6;
	[tilespmem:s9+$0xFFFFFFC0] =	vst v28  }
0xa0: {  	v11 =	vmul.f32 v22, v6;
	[tilespmem:s9+$0x20] =	vst v29  }
.Ltmp0:
0xa1: {  	v12 =	vmul.f32 v20, v6;
	[tilespmem:s9+$0x30] =	vst v21;
	(pc) =	sbr.rel @p0 .LBB2_3-.Ltmp0, $4  }
0xa2: {  	v13 =	vmul.f32 v17, v6;
	[tilespmem:s9+$0x50] =	vst v19  }
0xa3: {  	v14 =	vmul.f32 v24, v6;
	[tilespmem:s9+$0x90] =	vst v18  }
0xa4: {  	v6 =	vmul.f32 v25, v6;
	[tilespmem:s9+$0xA0] =	vst v16;
	v16 =	vld [tilespmem:s9+$0xE0]  }
0xa5: {  	s9 =	sadd.s32 $0x200, s9;
	[tilespmem:s15+$0xFFFFFFB0] =	vst v23;
	v17 =	vld [tilespmem:s15+$0x70]  }
0xa6: {  	[tilespmem:s15+$0x60] =	vst v15  }
0xa7: {  	[tilespmem:s15+$0xFFFFFFA0] =	vst v4  }
0xa8: {  	[tilespmem:s15+$0xFFFFFF90] =	vst v5  }
0xa9: {  	[tilespmem:s15+$0xFFFFFF80] =	vst v7  }
0xaa: {  	[tilespmem:s15+$0xFFFFFF70] =	vst v8  }
0xab: {  	[tilespmem:s15+$0xFFFFFF60] =	vst v9  }
0xac: {  	[tilespmem:s15+$0xFFFFFF50] =	vst v10  }
0xad: {  	[tilespmem:s15+$0xFFFFFF40] =	vst v11  }
0xae: {  	[tilespmem:s15+$0xFFFFFF30] =	vst v12  }
0xaf: {  	[tilespmem:s15+$0xFFFFFF20] =	vst v13  }
0xb0: {  	[tilespmem:s15+$0xFFFFFF10] =	vst v14  }
0xb1: {  	[tilespmem:s15+$0x40] =	vst v3;
	v1 =	vmul.f32 v16, v1  }
0xb2: {  	[tilespmem:s15+$0xFFFFFF00] =	vst v6;
	v2 =	vmul.f32 v17, v2  }
0xb3: {  	[tilespmem:s15+$0xE0] =	vst v1  }
0xb4: {  	[tilespmem:s15+$0x70] =	vst v2  }
0xb5: {  	[spmem:s3] =	stream.indirect.scatter.add.f32 [tilespmem:s24], [sflag:$0x3], $0x80, s20, s22, $0xb8;
	[tilespmem:$0x19000] =	vst v63  }
0xb6: {  	_ =	swait.ge [sflag:s0], $0x2800  }
0xb7: {  	[sflag:s0] =	ssyncset.done $0x0  }
0xb8: {  	s15 =	simm.s32 $0x16500;
	[sflag:s0] =	ssyncadd.s32 $0xFFFFD800  }
0xb9: {  	v3 =	vld [tilespmem:s15+$0xD0]  }
0xba: {  	v4 =	vld [tilespmem:s15+$0xF0]  }
0xbb: {  	v5 =	vld [tilespmem:s15+$0xFFFFFFF0]  }
0xbc: {  	v6 =	vld [tilespmem:s15+$0x0]  }
0xbd: {  	v7 =	vld [tilespmem:s15+$0x10]  }
0xbe: {  	v8 =	vld [tilespmem:s15+$0x20]  }
0xbf: {  	v9 =	vld [tilespmem:s15+$0x30]  }
0xc0: {  	s9 =	simm.s32 $0x0;
	v10 =	vld [tilespmem:s15+$0x50]  }
0xc1: {  	s10 =	simm.s32 $0x3;
	s16 =	simm.s32 $0x1;
	v1 =	vmov s9;
	v11 =	vld [tilespmem:s15+$0x60]  }
0xc2: {  	s25 =	simm.s32 $0x2;
	v12 =	vmov s16;
	v2 =	vmov s10;
	v1 =	vand.u32 $0xFFFFFFFC, v1;
	v13 =	vld [tilespmem:s15+$0x80]  }
0xc3: {  	v14 =	vbroadcast v1, $0x0;
	v1 =	vand.u32 $0xFFFFFFFD, v12;
	v12 =	vmov s25;
	v16 =	vld [tilespmem:s15+$0x90]  }
0xc4: {  	v15 =	vbroadcast v1, $0x0;
	v1 =	vand.u32 $0xFFFFFFFE, v12;
	v12 =	vld [tilespmem:s15+$0xA0]  }
0xc5: {  	v18 =	vld [tilespmem:s15+$0x40]  }
0xc6: {  	v19 =	vld [tilespmem:s15+$0xB0]  }
0xc7: {  	v20 =	vld [tilespmem:s15+$0xC0]  }
0xc8: {  	v17 =	vbroadcast v1, $0x0;
	v1 =	vld.idx.msk [tilespmem:v2+s28+$0x0], $0xffff  }
0xc9: {  	v22 =	vld [tilespmem:s15+$0xFFFFFFC0]  }
0xca: {  	v23 =	vld [tilespmem:s15+$0xFFFFFFB0]  }
0xcb: {  	v61 =	vld [tilespmem:s15+$0xFFFFFF90]  }
0xcc: {  	v21 =	vld.idx.msk [tilespmem:v14+s28+$0x0], $0xffff  }
0xcd: {  	v14 =	vld.idx.msk [tilespmem:v15+s28+$0x0], $0xffff;
	v3 =	vmul.f32 v3, v1  }
0xce: {  	v24 =	vld [tilespmem:s15+$0xFFFFFF60];
	v20 =	vmul.f32 v20, v1  }
0xcf: {  	v2 =	vld.idx.msk [tilespmem:v17+s28+$0x0], $0xffff;
	v13 =	vmul.f32 v13, v1;
	[tilespmem:s15+$0xD0] =	vst v3  }
0xd0: {  	v62 =	vld [tilespmem:s15+$0xFFFFFF40];
	v19 =	vmul.f32 v19, v1;
	[tilespmem:s15+$0xC0] =	vst v20  }
0xd1: {  	v15 =	vld [tilespmem:s15+$0xFFFFFFE0];
	v4 =	vmul.f32 v4, v1;
	[tilespmem:s15+$0x80] =	vst v13  }
0xd2: {  	v17 =	vld [tilespmem:s15+$0xFFFFFFD0];
	[tilespmem:s15+$0xB0] =	vst v19;
	v5 =	vmul.f32 v5, v14  }
0xd3: {  	v3 =	vld [tilespmem:s15+$0xFFFFFFA0];
	[tilespmem:s15+$0xF0] =	vst v4;
	v23 =	vmul.f32 v23, v14  }
0xd4: {  	v25 =	vld [tilespmem:s15+$0xFFFFFF30];
	v6 =	vmul.f32 v6, v2;
	[tilespmem:s15+$0xFFFFFFF0] =	vst v5  }
0xd5: {  	v13 =	vld [tilespmem:s15+$0xFFFFFF80];
	v7 =	vmul.f32 v7, v2;
	v8 =	vmul.f32 v8, v2;
	[tilespmem:s15+$0xFFFFFFB0] =	vst v23  }
0xd6: {  	v19 =	vld [tilespmem:s15+$0xFFFFFF70];
	v9 =	vmul.f32 v9, v2;
	v5 =	vmul.f32 v15, v14;
	[tilespmem:s15+$0x0] =	vst v6  }
0xd7: {  	v63 =	vld [tilespmem:s15+$0xFFFFFF10];
	v15 =	vmul.f32 v22, v14;
	v6 =	vmul.f32 v17, v14;
	[tilespmem:s15+$0x10] =	vst v7  }
0xd8: {  	v26 =	vld [tilespmem:s15+$0xFFFFFF00];
	[tilespmem:s15+$0x30] =	vst v9;
	v9 =	vmul.f32 v24, v21;
	v4 =	vmul.f32 v3, v14  }
0xd9: {  	v17 =	vld [tilespmem:s15+$0xFFFFFF50];
	[tilespmem:s15+$0xFFFFFFE0] =	vst v5;
	v3 =	vmul.f32 v18, v2;
	v5 =	vmul.f32 v61, v14  }
0xda: {  	v18 =	vld [tilespmem:s15+$0xFFFFFF20];
	[tilespmem:s15+$0xFFFFFFC0] =	vst v15;
	v7 =	vmul.f32 v13, v14;
	v15 =	vmul.f32 v11, v2  }
0xdb: {  	[tilespmem:s15+$0x20] =	vst v8;
	v8 =	vmul.f32 v19, v21;
	v14 =	vmul.f32 v12, v1  }
0xdc: {  	v13 =	vmul.f32 v16, v1;
	[tilespmem:s15+$0xFFFFFFD0] =	vst v6;
	v6 =	vmul.f32 v10, v2  }
0xdd: {  	v11 =	vmul.f32 v62, v21;
	v12 =	vmul.f32 v25, v21;
	[tilespmem:s15+$0xA0] =	vst v14  }
0xde: {  	v16 =	vld [tilespmem:s15+$0xE0];
	v14 =	vmul.f32 v63, v21;
	[tilespmem:s15+$0x50] =	vst v6;
	v6 =	vmul.f32 v26, v21  }
0xdf: {  	s16 =	simm.s32 $0x7;
	s9 =	simm.s32 $0x16700;
	[tilespmem:s15+$0x90] =	vst v13;
	v10 =	vmul.f32 v17, v21;
	v17 =	vld [tilespmem:s15+$0x70];
	v13 =	vmul.f32 v18, v21  }
.LBB2_5:
0xe0: {  	s10 =	sadd.s32 $0xFFFFFFFD, s16  }
0xe1: {  	v18 =	vmov s16;
	v19 =	vld [tilespmem:s9+$0xD0];
	p0 =	sne.s32 s16, $0x4F;
	[tilespmem:s15+$0x60] =	vst v15;
	s17 =	smov.u32 s16;
	s16 =	sadd.s32 $0x4, s16  }
0xe2: {  	s25 =	sadd.s32 $0xFFFFFFFE, s17;
	v15 =	vmov s10;
	v20 =	vld [tilespmem:s9+$0xF0];
	[tilespmem:s15+$0xFFFFFFA0] =	vst v4  }
0xe3: {  	s10 =	sadd.s32 $0xFFFFFFFF, s17;
	v4 =	vand.u32 $0xFFFFFFFC, v15;
	v15 =	vmov s25;
	v21 =	vld [tilespmem:s9+$0xFFFFFFF0];
	[tilespmem:s15+$0xFFFFFF90] =	vst v5  }
0xe4: {  	v4 =	vbroadcast v4, $0x0;
	v5 =	vand.u32 $0xFFFFFFFD, v15;
	v15 =	vmov s10;
	v22 =	vld [tilespmem:s9+$0x0];
	[tilespmem:s15+$0xFFFFFF80] =	vst v7  }
0xe5: {  	v5 =	vbroadcast v5, $0x0;
	v7 =	vand.u32 $0xFFFFFFFE, v15;
	v15 =	vld [tilespmem:s9+$0x10];
	[tilespmem:s15+$0xFFFFFF70] =	vst v8;
	v2 =	vmul.f32 v17, v2  }
0xe6: {  	v1 =	vmul.f32 v16, v1;
	v7 =	vbroadcast v7, $0x0;
	v8 =	vld [tilespmem:s9+$0x20];
	[tilespmem:s15+$0xFFFFFF60] =	vst v9  }
0xe7: {  	v9 =	vld [tilespmem:s9+$0x30];
	[tilespmem:s15+$0xFFFFFF50] =	vst v10  }
0xe8: {  	v10 =	vld [tilespmem:s9+$0x50];
	[tilespmem:s15+$0xFFFFFF40] =	vst v11  }
0xe9: {  	v11 =	vld [tilespmem:s9+$0x60];
	[tilespmem:s15+$0xFFFFFF30] =	vst v12  }
0xea: {  	v12 =	vld [tilespmem:s9+$0x80];
	[tilespmem:s15+$0xFFFFFF20] =	vst v13  }
0xeb: {  	v13 =	vld [tilespmem:s9+$0x90];
	[tilespmem:s15+$0xFFFFFF10] =	vst v14  }
0xec: {  	v14 =	vld [tilespmem:s9+$0xA0];
	[tilespmem:s15+$0x40] =	vst v3  }
0xed: {  	v3 =	vld [tilespmem:s9+$0x40];
	[tilespmem:s15+$0x70] =	vst v2  }
0xee: {  	v16 =	vld [tilespmem:s9+$0xB0];
	[tilespmem:s15+$0xE0] =	vst v1  }
0xef: {  	v17 =	vld [tilespmem:s9+$0xC0];
	[tilespmem:s15+$0xFFFFFF00] =	vst v6;
	s15 =	smov.u32 s9  }
0xf0: {  	v1 =	vld.idx.msk [tilespmem:v18+s28+$0x0], $0xffff  }
0xf1: {  	v6 =	vld.idx.msk [tilespmem:v4+s28+$0x0], $0xffff  }
0xf2: {  	v18 =	vld.idx.msk [tilespmem:v5+s28+$0x0], $0xffff  }
0xf3: {  	v2 =	vld.idx.msk [tilespmem:v7+s28+$0x0], $0xffff  }
0xf4: {  	v4 =	vld [tilespmem:s9+$0xFFFFFFE0]  }
0xf5: {  	v5 =	vld [tilespmem:s9+$0xFFFFFFD0]  }
0xf6: {  	v19 =	vmul.f32 v19, v1;
	v20 =	vmul.f32 v20, v1;
	v7 =	vld [tilespmem:s9+$0xFFFFFFC0]  }
0xf7: {  	v12 =	vmul.f32 v12, v1;
	v17 =	vmul.f32 v17, v1;
	v23 =	vld [tilespmem:s9+$0xFFFFFFB0]  }
0xf8: {  	v16 =	vmul.f32 v16, v1;
	v21 =	vmul.f32 v21, v18;
	v24 =	vld [tilespmem:s9+$0xFFFFFFA0];
	[tilespmem:s9+$0xD0] =	vst v19  }
0xf9: {  	v22 =	vmul.f32 v22, v2;
	v19 =	vld [tilespmem:s9+$0xFFFFFF90];
	v25 =	vmul.f32 v4, v18;
	[tilespmem:s9+$0xC0] =	vst v17  }
0xfa: {  	v27 =	vmul.f32 v15, v2;
	v17 =	vld [tilespmem:s9+$0xFFFFFF80];
	v26 =	vmul.f32 v5, v18;
	[tilespmem:s9+$0x80] =	vst v12  }
0xfb: {  	v29 =	vmul.f32 v8, v2;
	v12 =	vld [tilespmem:s9+$0xFFFFFF70];
	v28 =	vmul.f32 v7, v18;
	[tilespmem:s9+$0xB0] =	vst v16  }
0xfc: {  	v16 =	vld [tilespmem:s9+$0xFFFFFF60];
	v23 =	vmul.f32 v23, v18;
	[tilespmem:s9+$0xFFFFFFF0] =	vst v21;
	v21 =	vmul.f32 v9, v2  }
0xfd: {  	v3 =	vmul.f32 v3, v2;
	v30 =	vld [tilespmem:s9+$0xFFFFFF50];
	v4 =	vmul.f32 v24, v18;
	[tilespmem:s9+$0x0] =	vst v22  }
0xfe: {  	v22 =	vld [tilespmem:s9+$0xFFFFFF40];
	v5 =	vmul.f32 v19, v18;
	v19 =	vmul.f32 v10, v2;
	[tilespmem:s9+$0xF0] =	vst v20  }
0xff: {  	v15 =	vmul.f32 v11, v2;
	v20 =	vld [tilespmem:s9+$0xFFFFFF30];
	v7 =	vmul.f32 v17, v18;
	[tilespmem:s9+$0xFFFFFFE0] =	vst v25  }
0x100: {  	v18 =	vmul.f32 v13, v1;
	v17 =	vld [tilespmem:s9+$0xFFFFFF20];
	v8 =	vmul.f32 v12, v6;
	[tilespmem:s9+$0x10] =	vst v27  }
0x101: {  	v24 =	vld [tilespmem:s9+$0xFFFFFF10];
	v9 =	vmul.f32 v16, v6;
	[tilespmem:s9+$0xFFFFFFD0] =	vst v26;
	v16 =	vmul.f32 v14, v1  }
0x102: {  	v25 =	vld [tilespmem:s9+$0xFFFFFF00];
	v10 =	vmul.f32 v30, v6;
	[tilespmem:s9+$0xFFFFFFC0] =	vst v28  }
0x103: {  	v11 =	vmul.f32 v22, v6;
	[tilespmem:s9+$0x20] =	vst v29  }
.Ltmp1:
0x104: {  	v12 =	vmul.f32 v20, v6;
	[tilespmem:s9+$0x30] =	vst v21;
	(pc) =	sbr.rel @p0 .LBB2_5-.Ltmp1, $4  }
0x105: {  	v13 =	vmul.f32 v17, v6;
	[tilespmem:s9+$0x50] =	vst v19  }
0x106: {  	v14 =	vmul.f32 v24, v6;
	[tilespmem:s9+$0x90] =	vst v18  }
0x107: {  	v6 =	vmul.f32 v25, v6;
	[tilespmem:s9+$0xA0] =	vst v16;
	v16 =	vld [tilespmem:s9+$0xE0]  }
0x108: {  	s9 =	sadd.s32 $0x200, s9;
	[tilespmem:s15+$0xFFFFFFB0] =	vst v23;
	v17 =	vld [tilespmem:s15+$0x70]  }
0x109: {  	[tilespmem:s15+$0x60] =	vst v15  }
0x10a: {  	[tilespmem:s15+$0xFFFFFFA0] =	vst v4  }
0x10b: {  	[tilespmem:s15+$0xFFFFFF90] =	vst v5  }
0x10c: {  	[tilespmem:s15+$0xFFFFFF80] =	vst v7  }
0x10d: {  	[tilespmem:s15+$0xFFFFFF70] =	vst v8  }
0x10e: {  	[tilespmem:s15+$0xFFFFFF60] =	vst v9  }
0x10f: {  	[tilespmem:s15+$0xFFFFFF50] =	vst v10  }
0x110: {  	[tilespmem:s15+$0xFFFFFF40] =	vst v11  }
0x111: {  	[tilespmem:s15+$0xFFFFFF30] =	vst v12  }
0x112: {  	[tilespmem:s15+$0xFFFFFF20] =	vst v13  }
0x113: {  	[tilespmem:s15+$0xFFFFFF10] =	vst v14  }
0x114: {  	[tilespmem:s15+$0x40] =	vst v3;
	v1 =	vmul.f32 v16, v1  }
0x115: {  	[tilespmem:s15+$0xFFFFFF00] =	vst v6;
	v2 =	vmul.f32 v17, v2  }
0x116: {  	[tilespmem:s15+$0xE0] =	vst v1  }
0x117: {  	[tilespmem:s15+$0x70] =	vst v2  }
0x118: {  	[spmem:s3] =	stream.indirect.scatter.add.f32 [tilespmem:s30], [sflag:$0x4], $0x80, s26, s22, $0xb8;
	[tilespmem:$0x19000] =	vst v63  }
0x119: {  	s9 =	sadd.s32 s12, s14;
	_ =	swait.ge [sflag:s1], $0x2800  }
0x11a: {  	s9 =	sshrl.u32 s9, $0x3;
	[sflag:s1] =	ssyncset.done $0x0  }
0x11b: {  	s10 =	sadd.s32 s6, s9;
	[sflag:s1] =	ssyncadd.s32 $0xFFFFD800  }
0x11c: {  	[tilespmem:s19], [sflag:$0x5] =	stream.linear.gather [hbm4b:s10+s4], $0x50, $0x38;
	[tilespmem:$0x19000] =	vst v63  }
0x11d: {  	_ =	swait.ge [sflag:s18], $0x50  }
0x11e: {  	[sflag:s18] =	ssyncset.done $0x0  }
0x11f: {  	s25 =	sadd.s32 s7, s9;
	[sflag:s18] =	ssyncadd.s32 $0xFFFFFFB0  }
0x120: {  	[tilespmem:s20], [sflag:$0x5] =	stream.linear.gather [hbm4b:s25+s4], $0x50, $0x38;
	[tilespmem:$0x19000] =	vst v63  }
0x121: {  	_ =	swait.ge [sflag:s18], $0x50  }
0x122: {  	[sflag:s18] =	ssyncset.done $0x0  }
0x123: {  	s9 =	sadd.s32 s2, s9;
	[sflag:s18] =	ssyncadd.s32 $0xFFFFFFB0  }
0x124: {  	[tilespmem:s21], [sflag:$0x5] =	stream.linear.gather [hbm4b:s9+s4], $0x50, $0x38;
	[tilespmem:$0x19000] =	vst v63  }
0x125: {  	_ =	swait.ge [sflag:s18], $0x50  }
0x126: {  	[sflag:s18] =	ssyncset.done $0x0  }
0x127: {  	[sflag:s18] =	ssyncadd.s32 $0xFFFFFFB0  }
0x128: {  	v1 =	vld [tilespmem:$0x18C00]  }
0x129: {  	v2 =	vld [tilespmem:$0x18C10]  }
0x12a: {  	v3 =	vld [tilespmem:$0x18C20]  }
0x12b: {  	v62 =	vld [tilespmem:$0x18C30]  }
0x12c: {  	v63 =	vld [tilespmem:$0x18C40]  }
0x12d: {  	v1 =	vadd.s32 v0, v1  }
0x12e: {  	[tilespmem:$0x18D00] =	vst v1;
	v1 =	vadd.s32 v0, v2  }
0x12f: {  	[tilespmem:$0x18D10] =	vst v1;
	v1 =	vadd.s32 v0, v3  }
0x130: {  	s11 =	sadd.s32 $0x1, s11;
	[tilespmem:$0x18D20] =	vst v1;
	v1 =	vadd.s32 v0, v62  }
0x131: {  	p0 =	sne.s32 s11, $0x3E;
	[tilespmem:$0x18D30] =	vst v1;
	v1 =	vadd.s32 v0, v63  }
.Ltmp2:
0x132: {  	[tilespmem:$0x18D40] =	vst v1;
	(pc) =	sbr.rel @p0 .LBB2_2-.Ltmp2, $4  }
0x133: {  	[tilespmem:s24], [sflag:$0x1] =	stream.indirect.gather [hbm4b:s5+s22], $0x80, s23, s22, $0xb8;
	[tilespmem:$0x19000] =	vst v63  }
0x134: {  	_ =	swait.ge [sflag:s8], $0x2800  }
0x135: {  	[sflag:s8] =	ssyncset.done $0x0  }
0x136: {  	[sflag:s8] =	ssyncadd.s32 $0xFFFFD800  }
0x137: {  	_ =	swait.ge [sflag:s31], $0x2800  }
0x138: {  	[sflag:s31] =	ssyncset.done $0x0  }
0x139: {  	s11 =	simm.s32 $0x13D00;
	[sflag:s31] =	ssyncadd.s32 $0xFFFFD800  }
0x13a: {  	v3 =	vld [tilespmem:s11+$0xD0]  }
0x13b: {  	v4 =	vld [tilespmem:s11+$0xF0]  }
0x13c: {  	v5 =	vld [tilespmem:s11+$0xFFFFFFF0]  }
0x13d: {  	v6 =	vld [tilespmem:s11+$0x0]  }
0x13e: {  	v7 =	vld [tilespmem:s11+$0x10]  }
0x13f: {  	v8 =	vld [tilespmem:s11+$0x20]  }
0x140: {  	v9 =	vld [tilespmem:s11+$0x30]  }
0x141: {  	v10 =	vld [tilespmem:s11+$0x50]  }
0x142: {  	v11 =	vld [tilespmem:s11+$0x60]  }
0x143: {  	s10 =	simm.s32 $0x3;
	v13 =	vld [tilespmem:s11+$0x80]  }
0x144: {  	s9 =	simm.s32 $0x0;
	v2 =	vmov s10;
	v16 =	vld [tilespmem:s11+$0x90]  }
0x145: {  	s12 =	simm.s32 $0x1;
	v1 =	vmov s9;
	v18 =	vld [tilespmem:s11+$0x40]  }
0x146: {  	s25 =	simm.s32 $0x2;
	v12 =	vmov s12;
	v1 =	vand.u32 $0xFFFFFFFC, v1;
	v19 =	vld [tilespmem:s11+$0xB0]  }
0x147: {  	v14 =	vbroadcast v1, $0x0;
	v1 =	vand.u32 $0xFFFFFFFD, v12;
	v12 =	vmov s25;
	v20 =	vld [tilespmem:s11+$0xC0]  }
0x148: {  	v22 =	vld [tilespmem:s11+$0xFFFFFFC0];
	v15 =	vbroadcast v1, $0x0;
	v1 =	vand.u32 $0xFFFFFFFE, v12  }
0x149: {  	v17 =	vbroadcast v1, $0x0;
	v1 =	vld.idx.msk [tilespmem:v2+s21+$0x0], $0xffff  }
0x14a: {  	v23 =	vld [tilespmem:s11+$0xFFFFFFB0]  }
0x14b: {  	v61 =	vld [tilespmem:s11+$0xFFFFFF90]  }
0x14c: {  	v24 =	vld [tilespmem:s11+$0xFFFFFF60]  }
0x14d: {  	v21 =	vld.idx.msk [tilespmem:v14+s21+$0x0], $0xffff  }
0x14e: {  	v14 =	vld.idx.msk [tilespmem:v15+s21+$0x0], $0xffff;
	v3 =	vmul.f32 v3, v1  }
0x14f: {  	v62 =	vld [tilespmem:s11+$0xFFFFFF40];
	v20 =	vmul.f32 v20, v1  }
0x150: {  	v2 =	vld.idx.msk [tilespmem:v17+s21+$0x0], $0xffff;
	v13 =	vmul.f32 v13, v1;
	[tilespmem:s11+$0xD0] =	vst v3  }
0x151: {  	v15 =	vld [tilespmem:s11+$0xFFFFFFE0];
	v19 =	vmul.f32 v19, v1;
	[tilespmem:s11+$0xC0] =	vst v20  }
0x152: {  	v17 =	vld [tilespmem:s11+$0xFFFFFFD0];
	v4 =	vmul.f32 v4, v1;
	[tilespmem:s11+$0x80] =	vst v13  }
0x153: {  	v3 =	vld [tilespmem:s11+$0xFFFFFFA0];
	[tilespmem:s11+$0xB0] =	vst v19;
	v5 =	vmul.f32 v5, v14  }
0x154: {  	v13 =	vld [tilespmem:s11+$0xFFFFFF80];
	[tilespmem:s11+$0xF0] =	vst v4;
	v23 =	vmul.f32 v23, v14  }
0x155: {  	v19 =	vld [tilespmem:s11+$0xFFFFFF70];
	v6 =	vmul.f32 v6, v2;
	[tilespmem:s11+$0xFFFFFFF0] =	vst v5  }
0x156: {  	v25 =	vld [tilespmem:s11+$0xFFFFFF30];
	v7 =	vmul.f32 v7, v2;
	v8 =	vmul.f32 v8, v2;
	[tilespmem:s11+$0xFFFFFFB0] =	vst v23  }
0x157: {  	v12 =	vld [tilespmem:s11+$0xA0];
	v9 =	vmul.f32 v9, v2;
	v5 =	vmul.f32 v15, v14;
	[tilespmem:s11+$0x0] =	vst v6  }
0x158: {  	v63 =	vld [tilespmem:s11+$0xFFFFFF10];
	v15 =	vmul.f32 v22, v14;
	v6 =	vmul.f32 v17, v14;
	[tilespmem:s11+$0x10] =	vst v7  }
0x159: {  	v26 =	vld [tilespmem:s11+$0xFFFFFF00];
	v4 =	vmul.f32 v3, v14;
	v3 =	vmul.f32 v18, v2;
	[tilespmem:s11+$0x20] =	vst v8  }
0x15a: {  	v17 =	vld [tilespmem:s11+$0xFFFFFF50];
	v7 =	vmul.f32 v13, v14;
	v8 =	vmul.f32 v19, v21;
	[tilespmem:s11+$0x30] =	vst v9  }
0x15b: {  	v18 =	vld [tilespmem:s11+$0xFFFFFF20];
	v13 =	vmul.f32 v16, v1;
	v9 =	vmul.f32 v24, v21;
	[tilespmem:s11+$0xFFFFFFE0] =	vst v5  }
0x15c: {  	v5 =	vmul.f32 v61, v14;
	[tilespmem:s11+$0xFFFFFFC0] =	vst v15;
	v14 =	vmul.f32 v12, v1  }
0x15d: {  	v15 =	vmul.f32 v11, v2;
	[tilespmem:s11+$0xFFFFFFD0] =	vst v6;
	v6 =	vmul.f32 v10, v2  }
0x15e: {  	v11 =	vmul.f32 v62, v21;
	v12 =	vmul.f32 v25, v21;
	[tilespmem:s11+$0xA0] =	vst v14  }
0x15f: {  	v16 =	vld [tilespmem:s11+$0xE0];
	v14 =	vmul.f32 v63, v21;
	[tilespmem:s11+$0x50] =	vst v6;
	v6 =	vmul.f32 v26, v21  }
0x160: {  	s12 =	simm.s32 $0x7;
	s9 =	simm.s32 $0x13F00;
	[tilespmem:s11+$0x90] =	vst v13;
	v10 =	vmul.f32 v17, v21;
	v13 =	vmul.f32 v18, v21;
	v17 =	vld [tilespmem:s11+$0x70]  }
.LBB2_8:
0x161: {  	s10 =	sadd.s32 $0xFFFFFFFD, s12  }
0x162: {  	v18 =	vmov s12;
	v19 =	vld [tilespmem:s9+$0xD0];
	p0 =	sne.s32 s12, $0x4F;
	[tilespmem:s11+$0x60] =	vst v15;
	s15 =	smov.u32 s12;
	s12 =	sadd.s32 $0x4, s12  }
0x163: {  	s16 =	sadd.s32 $0xFFFFFFFE, s15;
	v15 =	vmov s10;
	v20 =	vld [tilespmem:s9+$0xF0];
	[tilespmem:s11+$0xFFFFFFA0] =	vst v4  }
0x164: {  	s10 =	sadd.s32 $0xFFFFFFFF, s15;
	v4 =	vand.u32 $0xFFFFFFFC, v15;
	v15 =	vmov s16;
	v21 =	vld [tilespmem:s9+$0xFFFFFFF0];
	[tilespmem:s11+$0xFFFFFF90] =	vst v5  }
0x165: {  	v4 =	vbroadcast v4, $0x0;
	v5 =	vand.u32 $0xFFFFFFFD, v15;
	v15 =	vmov s10;
	v22 =	vld [tilespmem:s9+$0x0];
	[tilespmem:s11+$0xFFFFFF80] =	vst v7  }
0x166: {  	v5 =	vbroadcast v5, $0x0;
	v7 =	vand.u32 $0xFFFFFFFE, v15;
	v15 =	vld [tilespmem:s9+$0x10];
	[tilespmem:s11+$0xFFFFFF70] =	vst v8;
	v2 =	vmul.f32 v17, v2  }
0x167: {  	v1 =	vmul.f32 v16, v1;
	v7 =	vbroadcast v7, $0x0;
	v8 =	vld [tilespmem:s9+$0x20];
	[tilespmem:s11+$0xFFFFFF60] =	vst v9  }
0x168: {  	v9 =	vld [tilespmem:s9+$0x30];
	[tilespmem:s11+$0xFFFFFF50] =	vst v10  }
0x169: {  	v10 =	vld [tilespmem:s9+$0x50];
	[tilespmem:s11+$0xFFFFFF40] =	vst v11  }
0x16a: {  	v11 =	vld [tilespmem:s9+$0x60];
	[tilespmem:s11+$0xFFFFFF30] =	vst v12  }
0x16b: {  	v12 =	vld [tilespmem:s9+$0x80];
	[tilespmem:s11+$0xFFFFFF20] =	vst v13  }
0x16c: {  	v13 =	vld [tilespmem:s9+$0x90];
	[tilespmem:s11+$0xFFFFFF10] =	vst v14  }
0x16d: {  	v14 =	vld [tilespmem:s9+$0xA0];
	[tilespmem:s11+$0x40] =	vst v3  }
0x16e: {  	v3 =	vld [tilespmem:s9+$0x40];
	[tilespmem:s11+$0x70] =	vst v2  }
0x16f: {  	v16 =	vld [tilespmem:s9+$0xB0];
	[tilespmem:s11+$0xE0] =	vst v1  }
0x170: {  	v17 =	vld [tilespmem:s9+$0xC0];
	[tilespmem:s11+$0xFFFFFF00] =	vst v6;
	s11 =	smov.u32 s9  }
0x171: {  	v1 =	vld.idx.msk [tilespmem:v18+s21+$0x0], $0xffff  }
0x172: {  	v6 =	vld.idx.msk [tilespmem:v4+s21+$0x0], $0xffff  }
0x173: {  	v18 =	vld.idx.msk [tilespmem:v5+s21+$0x0], $0xffff  }
0x174: {  	v2 =	vld.idx.msk [tilespmem:v7+s21+$0x0], $0xffff  }
0x175: {  	v4 =	vld [tilespmem:s9+$0xFFFFFFE0]  }
0x176: {  	v5 =	vld [tilespmem:s9+$0xFFFFFFD0]  }
0x177: {  	v19 =	vmul.f32 v19, v1;
	v20 =	vmul.f32 v20, v1;
	v7 =	vld [tilespmem:s9+$0xFFFFFFC0]  }
0x178: {  	v12 =	vmul.f32 v12, v1;
	v17 =	vmul.f32 v17, v1;
	v23 =	vld [tilespmem:s9+$0xFFFFFFB0]  }
0x179: {  	v16 =	vmul.f32 v16, v1;
	v21 =	vmul.f32 v21, v18;
	v24 =	vld [tilespmem:s9+$0xFFFFFFA0];
	[tilespmem:s9+$0xD0] =	vst v19  }
0x17a: {  	v22 =	vmul.f32 v22, v2;
	v19 =	vld [tilespmem:s9+$0xFFFFFF90];
	v25 =	vmul.f32 v4, v18;
	[tilespmem:s9+$0xC0] =	vst v17  }
0x17b: {  	v27 =	vmul.f32 v15, v2;
	v17 =	vld [tilespmem:s9+$0xFFFFFF80];
	v26 =	vmul.f32 v5, v18;
	[tilespmem:s9+$0x80] =	vst v12  }
0x17c: {  	v29 =	vmul.f32 v8, v2;
	v12 =	vld [tilespmem:s9+$0xFFFFFF70];
	v28 =	vmul.f32 v7, v18;
	[tilespmem:s9+$0xB0] =	vst v16  }
0x17d: {  	v16 =	vld [tilespmem:s9+$0xFFFFFF60];
	v23 =	vmul.f32 v23, v18;
	[tilespmem:s9+$0xFFFFFFF0] =	vst v21;
	v21 =	vmul.f32 v9, v2  }
0x17e: {  	v3 =	vmul.f32 v3, v2;
	v30 =	vld [tilespmem:s9+$0xFFFFFF50];
	v4 =	vmul.f32 v24, v18;
	[tilespmem:s9+$0x0] =	vst v22  }
0x17f: {  	v22 =	vld [tilespmem:s9+$0xFFFFFF40];
	v5 =	vmul.f32 v19, v18;
	v19 =	vmul.f32 v10, v2;
	[tilespmem:s9+$0xF0] =	vst v20  }
0x180: {  	v15 =	vmul.f32 v11, v2;
	v20 =	vld [tilespmem:s9+$0xFFFFFF30];
	v7 =	vmul.f32 v17, v18;
	[tilespmem:s9+$0xFFFFFFE0] =	vst v25  }
0x181: {  	v18 =	vmul.f32 v13, v1;
	v17 =	vld [tilespmem:s9+$0xFFFFFF20];
	v8 =	vmul.f32 v12, v6;
	[tilespmem:s9+$0x10] =	vst v27  }
0x182: {  	v24 =	vld [tilespmem:s9+$0xFFFFFF10];
	v9 =	vmul.f32 v16, v6;
	[tilespmem:s9+$0xFFFFFFD0] =	vst v26;
	v16 =	vmul.f32 v14, v1  }
0x183: {  	v25 =	vld [tilespmem:s9+$0xFFFFFF00];
	v10 =	vmul.f32 v30, v6;
	[tilespmem:s9+$0xFFFFFFC0] =	vst v28  }
0x184: {  	v11 =	vmul.f32 v22, v6;
	[tilespmem:s9+$0x20] =	vst v29  }
.Ltmp3:
0x185: {  	v12 =	vmul.f32 v20, v6;
	[tilespmem:s9+$0x30] =	vst v21;
	(pc) =	sbr.rel @p0 .LBB2_8-.Ltmp3, $4  }
0x186: {  	v13 =	vmul.f32 v17, v6;
	[tilespmem:s9+$0x50] =	vst v19  }
0x187: {  	v14 =	vmul.f32 v24, v6;
	[tilespmem:s9+$0x90] =	vst v18  }
0x188: {  	v6 =	vmul.f32 v25, v6;
	[tilespmem:s9+$0xA0] =	vst v16;
	v16 =	vld [tilespmem:s9+$0xE0]  }
0x189: {  	s9 =	sadd.s32 $0x200, s9;
	[tilespmem:s11+$0xFFFFFFB0] =	vst v23;
	v17 =	vld [tilespmem:s11+$0x70]  }
0x18a: {  	[tilespmem:s11+$0x60] =	vst v15  }
0x18b: {  	[tilespmem:s11+$0xFFFFFFA0] =	vst v4  }
0x18c: {  	[tilespmem:s11+$0xFFFFFF90] =	vst v5  }
0x18d: {  	[tilespmem:s11+$0xFFFFFF80] =	vst v7  }
0x18e: {  	[tilespmem:s11+$0xFFFFFF70] =	vst v8  }
0x18f: {  	[tilespmem:s11+$0xFFFFFF60] =	vst v9  }
0x190: {  	[tilespmem:s11+$0xFFFFFF50] =	vst v10  }
0x191: {  	[tilespmem:s11+$0xFFFFFF40] =	vst v11  }
0x192: {  	[tilespmem:s11+$0xFFFFFF30] =	vst v12  }
0x193: {  	[tilespmem:s11+$0xFFFFFF20] =	vst v13  }
0x194: {  	[tilespmem:s11+$0xFFFFFF10] =	vst v14  }
0x195: {  	[tilespmem:s11+$0x40] =	vst v3;
	v1 =	vmul.f32 v16, v1  }
0x196: {  	[tilespmem:s11+$0xFFFFFF00] =	vst v6;
	v2 =	vmul.f32 v17, v2  }
0x197: {  	[tilespmem:s11+$0xE0] =	vst v1  }
0x198: {  	[tilespmem:s11+$0x70] =	vst v2  }
0x199: {  	[spmem:s3] =	stream.indirect.scatter.add.f32 [tilespmem:s24], [sflag:$0x5], $0x80, s20, s22, $0xb8;
	[tilespmem:$0x19000] =	vst v63  }
0x19a: {  	_ =	swait.ge [sflag:s18], $0x2800  }
0x19b: {  	[sflag:s18] =	ssyncset.done $0x0  }
0x19c: {  	[sflag:s18] =	ssyncadd.s32 $0xFFFFD800  }
0x19d: {  	[bflag:$0x0] =	sbarrier.arrive $0xFFFF  }
0x19e: {  	s11 =	rddreg [dreg:$0x5]  }
0x19f: {  	s9 =	rddreg [dreg:$0x9]  }
0x1a0: {  	s12 =	rddreg [dreg:$0xb]  }
0x1a1: {  	[hbm:s9], [sflag:s11] =	dma.local [spmem:s12], $0x2780  }
0x1a2: {  	_ =	swait.ge [sflag:s18], $0x2780  }
0x1a3: {  	s10 =	rddreg [dreg:$0xc]  }
0x1a4: {  	s25 =	rddreg [dreg:$0xa];
	s10 =	sadd.s32 $0x1, s10  }
0x1a5: {  	p0 =	sne.s32 s10, s25  }
.Ltmp4:
0x1a6: {  	_ = 	snop;
	(pc) =	sbr.rel @p0 .LBB2_1-.Ltmp4, $3  }
0x1a7: {  	_ =	sdelay $0x1  }
0x1a8: {  	[sflag:s18] =	ssyncset.done $0x0  }
0x1a9: {  	[sflag:s18] =	ssyncadd.s32 $0xFFFFD880  }
0x1aa: {  	_ =	sfence.sel $0x180000  }
0x1ab: {  	[bflag:$0x0] =	sbarrier.arrive $0xFFFF  }
0x1ac: {  	_ =	strace $0x9000004A  }
0x1ad: {  	s0 =	stileid.u32;
	[bflag:$0x2] =	sbarrier.arrive $0xFFFF  }
0x1ae: {  	p0 =	sne.s32 s0, $0x0;
	s0 =	rddreg [dreg:$0x3]  }
0x1af: {  	s0 =	sadd.s32 @!p0 $0x100000, s0  }
0x1b0: {  	[sflag:s0] =	ssyncadd.tile.s32 @!p0 $0x1;
	_ =	shalt  }
.Lfunc_end2:
_tile_overlayer_lowered:
.L_overlay_start_2:
0x1b1: {  	(tag) =	ssettag $0x2  }
0x1b2: {  	s0 =	rddreg [dreg:$0x0];
	s2 =	stileid.u32  }
0x1b3: {  	s1 =	rddreg [dreg:$0x1];
	p0 =	sne.s32 s2, $0x0  }
0x1b4: {  	s3 =	rddreg [dreg:$0x2];
	[bflag:$0x3] =	sbarrier.arrive $0xFFFF;
	s2 =	simm.s32 @!p0 $0x1C05  }
0x1b5: {  	[timem:s3], [sflag:s2] =	dma.local @!p0 [hbm:s0], s1  }
0x1b6: {  	s0 =	simm.s32 @!p0 $0x5  }
0x1b7: {  	_ =	swait.ge @!p0 [sflag:s0], s1  }
0x1b8: {  	s1 =	ssub.s32 @!p0 $0x0, s1;
	[sflag:s0] =	ssyncset.done @!p0 $0x0  }
0x1b9: {  	[sflag:s0] =	ssyncadd.s32 @!p0 s1  }
0x1ba: {  	[bflag:$0x3] =	sbarrier.arrive $0xFFFF  }
0x1bb: {  	_ =	shalt  }

</sc_bundles>
